<compile_context>
chip_gen: v7x
topology: tpu7x:2x2x1
jax: 0.10.2.dev20260603
libtpu: 0.0.44.dev20260713+nightly
codegen_flags: <defaults>
</compile_context>

<pallas_src>
import functools

import jax
import jax.numpy as jnp
from jax import lax
from jax.experimental import pallas as pl
from jax.experimental.pallas import tpu as pltpu
from jax.experimental.pallas import tpu_sc as plsc

_N, _E, _D, _G = 10000, 320000, 128, 64
_NC, _NS = 2, 16
_NW = _NC * _NS
_EPW = _E // _NW
_C = 40
_NCH = _EPW // _C
_RS0 = 624
_RST = _N - (_NS - 1) * _RS0 - _RS0
_BN = 1000
_NB = _N // _BN


def _qkvr(x, Wk, bk, Wq, bq, Wv, bv, Ws, bc):
    def body(x_ref, wk, bk_r, wq, bq_r, wv, bv_r, ws, bc_r,
             kqv_ref, r_ref):
        xb = x_ref[...]
        kqv_ref[0] = jnp.dot(xb, wk[...], preferred_element_type=jnp.float32) + bk_r[...]
        kqv_ref[1] = jnp.dot(xb, wq[...], preferred_element_type=jnp.float32) + bq_r[...]
        kqv_ref[2] = jnp.dot(xb, wv[...], preferred_element_type=jnp.float32) + bv_r[...]
        r_ref[...] = jnp.dot(xb, ws[...], preferred_element_type=jnp.float32) + bc_r[...]

    row = pl.BlockSpec((_BN, _D), lambda i: (i, 0))
    full = pl.BlockSpec((_D, _D), lambda i: (0, 0))
    vec = pl.BlockSpec((1, _D), lambda i: (0, 0))
    return pl.pallas_call(
        body,
        grid=(_NB,),
        in_specs=[row, full, vec, full, vec, full, vec, full, vec],
        out_specs=[pl.BlockSpec((3, _BN, _D), lambda i: (0, i, 0)), row],
        out_shape=[jax.ShapeDtypeStruct((3, _N, _D), jnp.float32),
                   jax.ShapeDtypeStruct((_N, _D), jnp.float32)],
    )(x, Wk, bk, Wq, bq, Wv, bv, Ws, bc)


def _edge_sc(kqv, gidx, zeros):
    mesh = plsc.VectorSubcoreMesh(core_axis_name="c", subcore_axis_name="s",
                                  num_cores=_NC, num_subcores=_NS)

    @functools.partial(
        pl.kernel,
        out_type=jax.ShapeDtypeStruct((_NC, _N, _D), jnp.float32),
        mesh=mesh,
        scratch_types=[
            pltpu.VMEM((4, 3 * _C), jnp.int32),
            pltpu.VMEM((4, _C), jnp.int32),
            pltpu.VMEM((2, 3 * _C, _D), jnp.float32),
            pltpu.VMEM_SHARED((_N, _D), jnp.float32),
            pltpu.SemaphoreType.DMA,
            pltpu.SemaphoreType.DMA,
            pltpu.SemaphoreType.DMA,
            pltpu.SemaphoreType.DMA,
            pltpu.SemaphoreType.DMA,
        ],
    )
    def body(kqv_hbm, gidx_hbm, z_hbm, out_hbm,
             gix, six, kqvb, agg, gs0, gs1, ss0, ss1, isem):
        gsem = (gs0, gs1)
        ssem = (ss0, ss1)
        c = lax.axis_index("c")
        s = lax.axis_index("s")
        wid = c * _NS + s
        row0 = pl.multiple_of(s * _RS0, 8)
        pltpu.sync_copy(z_hbm.at[pl.ds(row0, _RS0)], agg.at[pl.ds(row0, _RS0)])

        @pl.when(s == _NS - 1)
        def _tail_init():
            pltpu.sync_copy(z_hbm.at[pl.ds(_NS * _RS0, _RST)],
                            agg.at[pl.ds(_NS * _RS0, _RST)])

        plsc.subcore_barrier()

        def issue_idx(t, islot):
            pltpu.async_copy(gidx_hbm.at[wid, t], gix.at[islot], isem)
            pltpu.async_copy(gidx_hbm.at[wid, t, pl.ds(0, _C)],
                             six.at[islot], isem)

        def wait_idx(islot):
            pltpu.make_async_copy(gidx_hbm.at[0, 0], gix.at[islot],
                                  isem).wait()
            pltpu.make_async_copy(gidx_hbm.at[0, 0, pl.ds(0, _C)],
                                  six.at[islot], isem).wait()

        def issue_gather(t, islot, b):
            pltpu.async_copy(kqv_hbm.at[gix.at[islot]], kqvb.at[b], gsem[b])

        def drain_gather(b):
            pltpu.make_async_copy(kqv_hbm.at[pl.ds(0, 3 * _C)], kqvb.at[b],
                                  gsem[b]).wait()

        def drain_scatter(b):
            pltpu.make_async_copy(kqv_hbm.at[pl.ds(0, _C)],
                                  kqvb.at[b, pl.ds(2 * _C, _C)],
                                  ssem[b]).wait()

        def compute(islot, b):
            @plsc.parallel_loop(0, _C)
            def row(rr):
                for j in range(_D // 16):
                    sl = pl.ds(j * 16, 16)
                    z = kqvb[b, rr, sl] + kqvb[b, _C + rr, sl]
                    kqvb[b, 2 * _C + rr, sl] = (kqvb[b, 2 * _C + rr, sl]
                                                / (1.0 + jnp.exp(-z)))

            pltpu.async_copy(kqvb.at[b, pl.ds(2 * _C, _C)],
                             agg.at[six.at[islot]], ssem[b], add=True)

        pltpu.sync_copy(gidx_hbm.at[wid, 0], gix.at[0])
        pltpu.sync_copy(gidx_hbm.at[wid, 0, pl.ds(0, _C)], six.at[0])
        issue_gather(0, 0, 0)
        issue_idx(1, 1)

        def quad(t4, carry):
            for u in range(4):
                t = 4 * t4 + u
                b = u % 2
                nb = 1 - b
                if u == 0:
                    @pl.when(t4 > 0)
                    def _():
                        drain_scatter(nb)
                else:
                    drain_scatter(nb)
                wait_idx((u + 1) % 4)
                issue_gather(t + 1, (u + 1) % 4, nb)
                issue_idx(t + 2, (u + 2) % 4)
                drain_gather(b)
                compute(u % 4, b)
            return carry

        lax.fori_loop(0, (_NCH - 2) // 4, quad, 0)
        drain_scatter(1)
        wait_idx(1)
        issue_gather(_NCH - 1, 1, 1)
        drain_gather(0)
        compute(0, 0)
        drain_gather(1)
        compute(1, 1)
        drain_scatter(0)
        drain_scatter(1)
        plsc.subcore_barrier()
        pltpu.sync_copy(agg.at[pl.ds(row0, _RS0)],
                        out_hbm.at[c, pl.ds(row0, _RS0)])

        @pl.when(s == _NS - 1)
        def _tail_out():
            pltpu.sync_copy(agg.at[pl.ds(_NS * _RS0, _RST)],
                            out_hbm.at[c, pl.ds(_NS * _RS0, _RST)])

    return body(kqv, gidx, zeros)


def _finish(agg, r, batch3, gamma, beta, Wout, bout):
    def body(agg_ref, r_ref, b_ref, g_ref, be_ref, wo_ref, bo_ref, out_ref,
             sum_s, sq_s, seg_s, cnt_s):
        i = pl.program_id(0)

        @pl.when(i == 0)
        def _init():
            sum_s[...] = jnp.zeros_like(sum_s)
            sq_s[...] = jnp.zeros_like(sq_s)
            seg_s[...] = jnp.zeros_like(seg_s)
            cnt_s[...] = jnp.zeros_like(cnt_s)

        h = agg_ref[0] + agg_ref[1] + r_ref[...]
        h = jnp.maximum(h, 0.0)
        sum_s[...] += jnp.sum(h, axis=0, keepdims=True)
        sq_s[...] += jnp.sum(h * h, axis=0, keepdims=True)
        b = b_ref[0]
        gids = lax.broadcasted_iota(jnp.int32, (_G, _BN), 0)
        ohT = (gids == b).astype(jnp.float32)
        seg_s[...] += lax.dot_general(ohT, h, (((1,), (0,)), ((), ())),
                                      preferred_element_type=jnp.float32)
        cnt_s[...] += jnp.sum(ohT, axis=1, keepdims=True)

        @pl.when(i == _NB - 1)
        def _fin():
            mean = sum_s[...] / _N
            var = sq_s[...] / _N - mean * mean
            inv = lax.rsqrt(var + 1e-5)
            pooled = ((seg_s[...] - cnt_s[...] * mean) * (inv * g_ref[...])
                      + cnt_s[...] * be_ref[...])
            out_ref[...] = jnp.dot(pooled, wo_ref[...],
                                   preferred_element_type=jnp.float32) + bo_ref[...]

    return pl.pallas_call(
        body,
        grid=(_NB,),
        in_specs=[
            pl.BlockSpec((_NC, _BN, _D), lambda i: (0, i, 0)),
            pl.BlockSpec((_BN, _D), lambda i: (i, 0)),
            pl.BlockSpec((1, 1, _BN), lambda i: (i, 0, 0)),
            pl.BlockSpec((1, _D), lambda i: (0, 0)),
            pl.BlockSpec((1, _D), lambda i: (0, 0)),
            pl.BlockSpec((_D, 1), lambda i: (0, 0)),
            pl.BlockSpec((1, 1), lambda i: (0, 0)),
        ],
        out_specs=pl.BlockSpec((_G, 1), lambda i: (0, 0)),
        out_shape=jax.ShapeDtypeStruct((_G, 1), jnp.float32),
        scratch_shapes=[
            pltpu.VMEM((1, _D), jnp.float32),
            pltpu.VMEM((1, _D), jnp.float32),
            pltpu.VMEM((_G, _D), jnp.float32),
            pltpu.VMEM((_G, 1), jnp.float32),
        ],
    )(agg, r, batch3, gamma, beta, Wout, bout)


def kernel(x, edge_index, batch, Wk, bk, Wq, bq, Wv, bv, Ws, b_conv,
           bn_gamma, bn_beta, W_out, b_out):
    s3 = edge_index[0].reshape(_NW, _NCH, 1, _C)
    d3 = edge_index[1].reshape(_NW, _NCH, 1, _C)
    gidx = jnp.concatenate([d3, s3 + _N, s3 + 2 * _N],
                           axis=2).reshape(_NW, _NCH, 3 * _C)
    kqv, r = _qkvr(x, Wk, bk.reshape(1, _D), Wq, bq.reshape(1, _D),
                   Wv, bv.reshape(1, _D), Ws, b_conv.reshape(1, _D))
    zeros = jnp.zeros((_N, _D), jnp.float32)
    agg = _edge_sc(kqv.reshape(3 * _N, _D), gidx, zeros)
    batch3 = batch.reshape(_NB, 1, _BN)
    return _finish(agg, r, batch3, bn_gamma.reshape(1, _D),
                   bn_beta.reshape(1, _D), W_out, b_out.reshape(1, 1))

# --- scband reference (transcript-rebuilt; emitter-appended) ---
"""Pipeline reference for scband-head-model-816043786336 (READ-ONLY COPY).

The authoritative reference and input builder live on the scoring server;
editing this copy changes nothing except your own understanding.
"""

import jax, jax.numpy as jnp
import numpy as np

N = 10000
E = 320000
D = 128
G = 64


def setup_inputs(seed: int = 0) -> dict:
    key = jax.random.key(seed)
    ks = jax.random.split(key, 16)
    inp = {}
    inp["x"] = jax.random.normal(ks[0], (N, D), dtype=jnp.float32)
    inp["edge_index"] = jax.random.randint(ks[1], (2, E), 0, N, dtype=jnp.int32)
    inp["batch"] = jnp.sort(jax.random.randint(ks[2], (N,), 0, G, dtype=jnp.int32))
    s = 1.0 / np.sqrt(D)
    inp["Wk"] = jax.random.uniform(ks[3], (D, D), jnp.float32, -s, s)
    inp["bk"] = jax.random.uniform(ks[4], (D,), jnp.float32, -s, s)
    inp["Wq"] = jax.random.uniform(ks[5], (D, D), jnp.float32, -s, s)
    inp["bq"] = jax.random.uniform(ks[6], (D,), jnp.float32, -s, s)
    inp["Wv"] = jax.random.uniform(ks[7], (D, D), jnp.float32, -s, s)
    inp["bv"] = jax.random.uniform(ks[8], (D,), jnp.float32, -s, s)
    inp["Ws"] = jax.random.uniform(ks[9], (D, D), jnp.float32, -s, s)
    inp["b_conv"] = jax.random.uniform(ks[10], (D,), jnp.float32, -s, s)
    inp["bn_gamma"] = jnp.ones((D,), jnp.float32)
    inp["bn_beta"] = jnp.zeros((D,), jnp.float32)
    inp["W_out"] = jax.random.uniform(ks[11], (D, 1), jnp.float32, -s, s)
    inp["b_out"] = jax.random.uniform(ks[12], (1,), jnp.float32, -s, s)
    return inp


def reference(x, edge_index, batch, Wk, bk, Wq, bq, Wv, bv, Ws, b_conv, bn_gamma, bn_beta, W_out, b_out):
    # ResGatedGraphConv (PyG): msg(j->i) = sigmoid(K_i + Q_j) * V_j, sum-aggregated at i,
    # plus root skip W_s x_i and bias.
    src = edge_index[0]
    dst = edge_index[1]
    k = x @ Wk + bk
    q = x @ Wq + bq
    v = x @ Wv + bv
    msg = jax.nn.sigmoid(k[dst] + q[src]) * v[src]
    agg = jnp.zeros((x.shape[0], Wk.shape[1]), x.dtype).at[dst].add(msg)
    h = agg + x @ Ws + b_conv
    # ReLU
    h = jax.nn.relu(h)
    # BatchNorm1d (training mode: batch statistics, eps=1e-5)
    mean = jnp.mean(h, axis=0)
    var = jnp.var(h, axis=0)
    h = (h - mean) / jnp.sqrt(var + 1e-5) * bn_gamma + bn_beta
    # global_add_pool over graph ids
    pooled = jax.ops.segment_sum(h, batch, num_segments=G)
    # output linear -> [G, 1]
    return pooled @ W_out + b_out

if __name__ == "__main__":
    import jax
    _d = setup_inputs()
    print(jax.jit(kernel)(*tuple(_d.values())))

</pallas_src>

<mosaic_0001>
#map = affine_map<(d0, d1) -> (0, 0)>
#map1 = affine_map<(d0, d1) -> (0, 0, 0)>
module attributes {stable_mosaic.version = 14 : i64} {
  func.func @body(%arg0: i32, %arg1: i32, %arg2: memref<30000x128xf32, #tpu.memory_space<hbm>>, %arg3: memref<32x250x120xi32, #tpu.memory_space<hbm>>, %arg4: memref<10000x128xf32, #tpu.memory_space<hbm>>, %arg5: memref<2x10000x128xf32, #tpu.memory_space<hbm>>, %arg6: memref<4x120xi32, #tpu.memory_space<vmem>>, %arg7: memref<4x40xi32, #tpu.memory_space<vmem>>, %arg8: memref<2x120x128xf32, #tpu.memory_space<vmem>>, %arg9: memref<10000x128xf32, #tpu.memory_space<vmem_shared>>, %arg10: memref<!tpu.dma_semaphore, #tpu.memory_space<semaphore_mem>>, %arg11: memref<!tpu.dma_semaphore, #tpu.memory_space<semaphore_mem>>, %arg12: memref<!tpu.dma_semaphore, #tpu.memory_space<semaphore_mem>>, %arg13: memref<!tpu.dma_semaphore, #tpu.memory_space<semaphore_mem>>, %arg14: memref<!tpu.dma_semaphore, #tpu.memory_space<semaphore_mem>>) attributes {dimension_semantics = [#tpu.dimension_semantics<core_parallel>, #tpu.dimension_semantics<subcore_parallel>], iteration_bounds = array<i64: 2, 16>, scalar_prefetch = 0 : i64, scratch_operands = 9 : i64, tpu.core_type = #tpu.core_type<sc_vector_subcore>, window_params = [{transform_indices = #map}, {transform_indices = #map1}, {transform_indices = #map}, {transform_indices = #map1}]} {
    %mul3A = arith.constant 16 : i32
    %mul3A_0 = arith.muli %arg0, %mul3A : i32
    %add3A = arith.addi %mul3A_0, %arg1 : i32
    %mul3A_1 = arith.constant 624 : i32
    %mul3A_2 = arith.muli %arg1, %mul3A_1 : i32
    %multiple_of3A = tpu.assume_multiple %mul3A_2, 8 : i32
    "tpu.region"() ({
      %run_scoped3A_203 = tpu.sem_alloc : memref<!tpu.dma_semaphore, #tpu.memory_space<semaphore_mem>>
      %dma_start3A_204 = arith.constant 0 : i32
      %dma_start3A_205 = tpu.memref_slice %arg9[%multiple_of3A, %dma_start3A_204] : memref<10000x128xf32, #tpu.memory_space<vmem_shared>> -> memref<624x128xf32, #tpu.memory_space<vmem_shared>>
      %dma_start3A_206 = arith.constant 0 : i32
      %dma_start3A_207 = tpu.memref_slice %arg4[%multiple_of3A, %dma_start3A_206] : memref<10000x128xf32, #tpu.memory_space<hbm>> -> memref<624x128xf32, #tpu.memory_space<hbm>>
      tpu.enqueue_dma source(%dma_start3A_207 : memref<624x128xf32, #tpu.memory_space<hbm>>) target(%dma_start3A_205 : memref<624x128xf32, #tpu.memory_space<vmem_shared>>) target_semaphore(%run_scoped3A_203 : memref<!tpu.dma_semaphore, #tpu.memory_space<semaphore_mem>>)
      %dma_wait3A_208 = arith.constant 0 : i32
      %dma_wait3A_209 = tpu.memref_slice %arg9[%multiple_of3A, %dma_wait3A_208] : memref<10000x128xf32, #tpu.memory_space<vmem_shared>> -> memref<624x128xf32, #tpu.memory_space<vmem_shared>>
      %dma_wait3A_210 = arith.constant 0 : i32
      %dma_wait3A_211 = tpu.memref_slice %arg4[%multiple_of3A, %dma_wait3A_210] : memref<10000x128xf32, #tpu.memory_space<hbm>> -> memref<624x128xf32, #tpu.memory_space<hbm>>
      tpu.wait_dma2 semaphore(%run_scoped3A_203 : memref<!tpu.dma_semaphore, #tpu.memory_space<semaphore_mem>>) src(%dma_wait3A_211 : memref<624x128xf32, #tpu.memory_space<hbm>>) dst(%dma_wait3A_209 : memref<624x128xf32, #tpu.memory_space<vmem_shared>>)
      tpu.yield
    }) : () -> ()
    %eq3A = arith.constant 15 : i32
    %eq3A_3 = arith.cmpi eq, %arg1, %eq3A : i32
    %convert_element_type3A = arith.extui %eq3A_3 : i1 to i32
    %cond3A = arith.constant 0 : i32
    %cond3A_4 = arith.cmpi ne, %convert_element_type3A, %cond3A : i32
    scf.if %cond3A_4 {
      "tpu.region"() ({
        %run_scoped3A_203 = tpu.sem_alloc : memref<!tpu.dma_semaphore, #tpu.memory_space<semaphore_mem>>
        %dma_start3A_204 = arith.constant 9984 : i32
        %dma_start3A_205 = arith.constant 0 : i32
        %dma_start3A_206 = tpu.memref_slice %arg9[%dma_start3A_204, %dma_start3A_205] : memref<10000x128xf32, #tpu.memory_space<vmem_shared>> -> memref<16x128xf32, #tpu.memory_space<vmem_shared>>
        %dma_start3A_207 = arith.constant 9984 : i32
        %dma_start3A_208 = arith.constant 0 : i32
        %dma_start3A_209 = tpu.memref_slice %arg4[%dma_start3A_207, %dma_start3A_208] : memref<10000x128xf32, #tpu.memory_space<hbm>> -> memref<16x128xf32, #tpu.memory_space<hbm>>
        tpu.enqueue_dma source(%dma_start3A_209 : memref<16x128xf32, #tpu.memory_space<hbm>>) target(%dma_start3A_206 : memref<16x128xf32, #tpu.memory_space<vmem_shared>>) target_semaphore(%run_scoped3A_203 : memref<!tpu.dma_semaphore, #tpu.memory_space<semaphore_mem>>)
        %dma_wait3A_210 = arith.constant 9984 : i32
        %dma_wait3A_211 = arith.constant 0 : i32
        %dma_wait3A_212 = tpu.memref_slice %arg9[%dma_wait3A_210, %dma_wait3A_211] : memref<10000x128xf32, #tpu.memory_space<vmem_shared>> -> memref<16x128xf32, #tpu.memory_space<vmem_shared>>
        %dma_wait3A_213 = arith.constant 9984 : i32
        %dma_wait3A_214 = arith.constant 0 : i32
        %dma_wait3A_215 = tpu.memref_slice %arg4[%dma_wait3A_213, %dma_wait3A_214] : memref<10000x128xf32, #tpu.memory_space<hbm>> -> memref<16x128xf32, #tpu.memory_space<hbm>>
        tpu.wait_dma2 semaphore(%run_scoped3A_203 : memref<!tpu.dma_semaphore, #tpu.memory_space<semaphore_mem>>) src(%dma_wait3A_215 : memref<16x128xf32, #tpu.memory_space<hbm>>) dst(%dma_wait3A_212 : memref<16x128xf32, #tpu.memory_space<vmem_shared>>)
        tpu.yield
      }) : () -> ()
    } else {
    }
    %barrier3A = arith.constant 0 : index
    tpu.barrier barrier_id(%barrier3A)
    %run_scoped3A = arith.constant 0 : i32
    %run_scoped3A_5 = arith.constant 0 : i32
    "tpu.region"() ({
      %run_scoped3A_203 = tpu.sem_alloc : memref<!tpu.dma_semaphore, #tpu.memory_space<semaphore_mem>>
      %dma_start3A_204 = arith.constant 0 : i32
      %dma_start3A_205 = tpu.memref_slice %arg6[%run_scoped3A_5, %dma_start3A_204] : memref<4x120xi32, #tpu.memory_space<vmem>> -> memref<1x120xi32, #tpu.memory_space<vmem>>
      %dma_start3A_206 = tpu.memref_squeeze %dma_start3A_205 : memref<1x120xi32, #tpu.memory_space<vmem>> -> memref<120xi32, #tpu.memory_space<vmem>>
      %dma_start3A_207 = arith.constant 0 : i32
      %dma_start3A_208 = tpu.memref_slice %arg3[%add3A, %run_scoped3A, %dma_start3A_207] : memref<32x250x120xi32, #tpu.memory_space<hbm>> -> memref<1x1x120xi32, #tpu.memory_space<hbm>>
      %dma_start3A_209 = tpu.memref_squeeze %dma_start3A_208 : memref<1x1x120xi32, #tpu.memory_space<hbm>> -> memref<120xi32, #tpu.memory_space<hbm>>
      %dma_start3A_210 = arith.constant 0 : i32
      %dma_start3A_211 = tpu.memref_slice %arg6[%run_scoped3A_5, %dma_start3A_210] : memref<4x120xi32, #tpu.memory_space<vmem>> -> memref<1x120xi32, #tpu.memory_space<vmem>>
      %dma_start3A_212 = tpu.memref_squeeze %dma_start3A_211 : memref<1x120xi32, #tpu.memory_space<vmem>> -> memref<120xi32, #tpu.memory_space<vmem>>
      %dma_start3A_213 = arith.constant 0 : i32
      %dma_start3A_214 = tpu.memref_slice %arg3[%add3A, %run_scoped3A, %dma_start3A_213] : memref<32x250x120xi32, #tpu.memory_space<hbm>> -> memref<1x1x120xi32, #tpu.memory_space<hbm>>
      %dma_start3A_215 = tpu.memref_squeeze %dma_start3A_214 : memref<1x1x120xi32, #tpu.memory_space<hbm>> -> memref<120xi32, #tpu.memory_space<hbm>>
      tpu.enqueue_dma source(%dma_start3A_215 : memref<120xi32, #tpu.memory_space<hbm>>) target(%dma_start3A_212 : memref<120xi32, #tpu.memory_space<vmem>>) target_semaphore(%run_scoped3A_203 : memref<!tpu.dma_semaphore, #tpu.memory_space<semaphore_mem>>)
      %dma_wait3A_216 = arith.constant 0 : i32
      %dma_wait3A_217 = tpu.memref_slice %arg6[%run_scoped3A_5, %dma_wait3A_216] : memref<4x120xi32, #tpu.memory_space<vmem>> -> memref<1x120xi32, #tpu.memory_space<vmem>>
      %dma_wait3A_218 = tpu.memref_squeeze %dma_wait3A_217 : memref<1x120xi32, #tpu.memory_space<vmem>> -> memref<120xi32, #tpu.memory_space<vmem>>
      %dma_wait3A_219 = arith.constant 0 : i32
      %dma_wait3A_220 = tpu.memref_slice %arg3[%add3A, %run_scoped3A, %dma_wait3A_219] : memref<32x250x120xi32, #tpu.memory_space<hbm>> -> memref<1x1x120xi32, #tpu.memory_space<hbm>>
      %dma_wait3A_221 = tpu.memref_squeeze %dma_wait3A_220 : memref<1x1x120xi32, #tpu.memory_space<hbm>> -> memref<120xi32, #tpu.memory_space<hbm>>
      %dma_wait3A_222 = arith.constant 0 : i32
      %dma_wait3A_223 = tpu.memref_slice %arg6[%run_scoped3A_5, %dma_wait3A_222] : memref<4x120xi32, #tpu.memory_space<vmem>> -> memref<1x120xi32, #tpu.memory_space<vmem>>
      %dma_wait3A_224 = tpu.memref_squeeze %dma_wait3A_223 : memref<1x120xi32, #tpu.memory_space<vmem>> -> memref<120xi32, #tpu.memory_space<vmem>>
      %dma_wait3A_225 = arith.constant 0 : i32
      %dma_wait3A_226 = tpu.memref_slice %arg3[%add3A, %run_scoped3A, %dma_wait3A_225] : memref<32x250x120xi32, #tpu.memory_space<hbm>> -> memref<1x1x120xi32, #tpu.memory_space<hbm>>
      %dma_wait3A_227 = tpu.memref_squeeze %dma_wait3A_226 : memref<1x1x120xi32, #tpu.memory_space<hbm>> -> memref<120xi32, #tpu.memory_space<hbm>>
      tpu.wait_dma2 semaphore(%run_scoped3A_203 : memref<!tpu.dma_semaphore, #tpu.memory_space<semaphore_mem>>) src(%dma_wait3A_227 : memref<120xi32, #tpu.memory_space<hbm>>) dst(%dma_wait3A_224 : memref<120xi32, #tpu.memory_space<vmem>>)
      tpu.yield
    }) : () -> ()
    %run_scoped3A_6 = arith.constant 0 : i32
    %run_scoped3A_7 = arith.constant 0 : i32
    "tpu.region"() ({
      %run_scoped3A_203 = tpu.sem_alloc : memref<!tpu.dma_semaphore, #tpu.memory_space<semaphore_mem>>
      %dma_start3A_204 = arith.constant 0 : i32
      %dma_start3A_205 = tpu.memref_slice %arg7[%run_scoped3A_7, %dma_start3A_204] : memref<4x40xi32, #tpu.memory_space<vmem>> -> memref<1x40xi32, #tpu.memory_space<vmem>>
      %dma_start3A_206 = tpu.memref_squeeze %dma_start3A_205 : memref<1x40xi32, #tpu.memory_space<vmem>> -> memref<40xi32, #tpu.memory_space<vmem>>
      %dma_start3A_207 = arith.constant 0 : i32
      %dma_start3A_208 = tpu.memref_slice %arg3[%add3A, %run_scoped3A_6, %dma_start3A_207] : memref<32x250x120xi32, #tpu.memory_space<hbm>> -> memref<1x1x40xi32, #tpu.memory_space<hbm>>
      %dma_start3A_209 = tpu.memref_squeeze %dma_start3A_208 : memref<1x1x40xi32, #tpu.memory_space<hbm>> -> memref<40xi32, #tpu.memory_space<hbm>>
      %dma_start3A_210 = arith.constant 0 : i32
      %dma_start3A_211 = tpu.memref_slice %arg7[%run_scoped3A_7, %dma_start3A_210] : memref<4x40xi32, #tpu.memory_space<vmem>> -> memref<1x40xi32, #tpu.memory_space<vmem>>
      %dma_start3A_212 = tpu.memref_squeeze %dma_start3A_211 : memref<1x40xi32, #tpu.memory_space<vmem>> -> memref<40xi32, #tpu.memory_space<vmem>>
      %dma_start3A_213 = arith.constant 0 : i32
      %dma_start3A_214 = tpu.memref_slice %arg3[%add3A, %run_scoped3A_6, %dma_start3A_213] : memref<32x250x120xi32, #tpu.memory_space<hbm>> -> memref<1x1x40xi32, #tpu.memory_space<hbm>>
      %dma_start3A_215 = tpu.memref_squeeze %dma_start3A_214 : memref<1x1x40xi32, #tpu.memory_space<hbm>> -> memref<40xi32, #tpu.memory_space<hbm>>
      tpu.enqueue_dma source(%dma_start3A_215 : memref<40xi32, #tpu.memory_space<hbm>>) target(%dma_start3A_212 : memref<40xi32, #tpu.memory_space<vmem>>) target_semaphore(%run_scoped3A_203 : memref<!tpu.dma_semaphore, #tpu.memory_space<semaphore_mem>>)
      %dma_wait3A_216 = arith.constant 0 : i32
      %dma_wait3A_217 = tpu.memref_slice %arg7[%run_scoped3A_7, %dma_wait3A_216] : memref<4x40xi32, #tpu.memory_space<vmem>> -> memref<1x40xi32, #tpu.memory_space<vmem>>
      %dma_wait3A_218 = tpu.memref_squeeze %dma_wait3A_217 : memref<1x40xi32, #tpu.memory_space<vmem>> -> memref<40xi32, #tpu.memory_space<vmem>>
      %dma_wait3A_219 = arith.constant 0 : i32
      %dma_wait3A_220 = tpu.memref_slice %arg3[%add3A, %run_scoped3A_6, %dma_wait3A_219] : memref<32x250x120xi32, #tpu.memory_space<hbm>> -> memref<1x1x40xi32, #tpu.memory_space<hbm>>
      %dma_wait3A_221 = tpu.memref_squeeze %dma_wait3A_220 : memref<1x1x40xi32, #tpu.memory_space<hbm>> -> memref<40xi32, #tpu.memory_space<hbm>>
      %dma_wait3A_222 = arith.constant 0 : i32
      %dma_wait3A_223 = tpu.memref_slice %arg7[%run_scoped3A_7, %dma_wait3A_222] : memref<4x40xi32, #tpu.memory_space<vmem>> -> memref<1x40xi32, #tpu.memory_space<vmem>>
      %dma_wait3A_224 = tpu.memref_squeeze %dma_wait3A_223 : memref<1x40xi32, #tpu.memory_space<vmem>> -> memref<40xi32, #tpu.memory_space<vmem>>
      %dma_wait3A_225 = arith.constant 0 : i32
      %dma_wait3A_226 = tpu.memref_slice %arg3[%add3A, %run_scoped3A_6, %dma_wait3A_225] : memref<32x250x120xi32, #tpu.memory_space<hbm>> -> memref<1x1x40xi32, #tpu.memory_space<hbm>>
      %dma_wait3A_227 = tpu.memref_squeeze %dma_wait3A_226 : memref<1x1x40xi32, #tpu.memory_space<hbm>> -> memref<40xi32, #tpu.memory_space<hbm>>
      tpu.wait_dma2 semaphore(%run_scoped3A_203 : memref<!tpu.dma_semaphore, #tpu.memory_space<semaphore_mem>>) src(%dma_wait3A_227 : memref<40xi32, #tpu.memory_space<hbm>>) dst(%dma_wait3A_224 : memref<40xi32, #tpu.memory_space<vmem>>)
      tpu.yield
    }) : () -> ()
    %dma_start3A = arith.constant 0 : i32
    %dma_start3A_8 = arith.constant 0 : i32
    %dma_start3A_9 = arith.constant 0 : i32
    %dma_start3A_10 = arith.constant 0 : i32
    %dma_start3A_11 = tpu.memref_slice %arg8[%dma_start3A_8, %dma_start3A_9, %dma_start3A_10] : memref<2x120x128xf32, #tpu.memory_space<vmem>> -> memref<1x120x128xf32, #tpu.memory_space<vmem>>
    %dma_start3A_12 = tpu.memref_squeeze %dma_start3A_11 : memref<1x120x128xf32, #tpu.memory_space<vmem>> -> memref<120x128xf32, #tpu.memory_space<vmem>>
    %dma_start3A_13 = arith.constant 0 : i32
    %dma_start3A_14 = tpu.memref_slice %arg6[%dma_start3A, %dma_start3A_13] : memref<4x120xi32, #tpu.memory_space<vmem>> -> memref<1x120xi32, #tpu.memory_space<vmem>>
    %dma_start3A_15 = tpu.memref_squeeze %dma_start3A_14 : memref<1x120xi32, #tpu.memory_space<vmem>> -> memref<120xi32, #tpu.memory_space<vmem>>
    %dma_start3A_16 = arith.constant 0 : i32
    %dma_start3A_17 = arith.constant 0 : i32
    %dma_start3A_18 = tpu.memref_slice %arg2[%dma_start3A_16, %dma_start3A_17] : memref<30000x128xf32, #tpu.memory_space<hbm>> -> memref<30000x128xf32, #tpu.memory_space<hbm>>
    tpu.enqueue_indirect_dma source(%dma_start3A_18 : memref<30000x128xf32, #tpu.memory_space<hbm>>) target(%dma_start3A_12 : memref<120x128xf32, #tpu.memory_space<vmem>>) offsets(%dma_start3A_15 : memref<120xi32, #tpu.memory_space<vmem>>) semaphore(%arg10 : memref<!tpu.dma_semaphore, #tpu.memory_space<semaphore_mem>>)
    %dma_start3A_19 = arith.constant 1 : i32
    %dma_start3A_20 = arith.constant 1 : i32
    %dma_start3A_21 = arith.constant 0 : i32
    %dma_start3A_22 = tpu.memref_slice %arg6[%dma_start3A_20, %dma_start3A_21] : memref<4x120xi32, #tpu.memory_space<vmem>> -> memref<1x120xi32, #tpu.memory_space<vmem>>
    %dma_start3A_23 = tpu.memref_squeeze %dma_start3A_22 : memref<1x120xi32, #tpu.memory_space<vmem>> -> memref<120xi32, #tpu.memory_space<vmem>>
    %dma_start3A_24 = arith.constant 0 : i32
    %dma_start3A_25 = tpu.memref_slice %arg3[%add3A, %dma_start3A_19, %dma_start3A_24] : memref<32x250x120xi32, #tpu.memory_space<hbm>> -> memref<1x1x120xi32, #tpu.memory_space<hbm>>
    %dma_start3A_26 = tpu.memref_squeeze %dma_start3A_25 : memref<1x1x120xi32, #tpu.memory_space<hbm>> -> memref<120xi32, #tpu.memory_space<hbm>>
    %dma_start3A_27 = arith.constant 0 : i32
    %dma_start3A_28 = tpu.memref_slice %arg6[%dma_start3A_20, %dma_start3A_27] : memref<4x120xi32, #tpu.memory_space<vmem>> -> memref<1x120xi32, #tpu.memory_space<vmem>>
    %dma_start3A_29 = tpu.memref_squeeze %dma_start3A_28 : memref<1x120xi32, #tpu.memory_space<vmem>> -> memref<120xi32, #tpu.memory_space<vmem>>
    %dma_start3A_30 = arith.constant 0 : i32
    %dma_start3A_31 = tpu.memref_slice %arg3[%add3A, %dma_start3A_19, %dma_start3A_30] : memref<32x250x120xi32, #tpu.memory_space<hbm>> -> memref<1x1x120xi32, #tpu.memory_space<hbm>>
    %dma_start3A_32 = tpu.memref_squeeze %dma_start3A_31 : memref<1x1x120xi32, #tpu.memory_space<hbm>> -> memref<120xi32, #tpu.memory_space<hbm>>
    tpu.enqueue_dma source(%dma_start3A_32 : memref<120xi32, #tpu.memory_space<hbm>>) target(%dma_start3A_29 : memref<120xi32, #tpu.memory_space<vmem>>) target_semaphore(%arg14 : memref<!tpu.dma_semaphore, #tpu.memory_space<semaphore_mem>>)
    %dma_start3A_33 = arith.constant 1 : i32
    %dma_start3A_34 = arith.constant 1 : i32
    %dma_start3A_35 = arith.constant 0 : i32
    %dma_start3A_36 = tpu.memref_slice %arg7[%dma_start3A_34, %dma_start3A_35] : memref<4x40xi32, #tpu.memory_space<vmem>> -> memref<1x40xi32, #tpu.memory_space<vmem>>
    %dma_start3A_37 = tpu.memref_squeeze %dma_start3A_36 : memref<1x40xi32, #tpu.memory_space<vmem>> -> memref<40xi32, #tpu.memory_space<vmem>>
    %dma_start3A_38 = arith.constant 0 : i32
    %dma_start3A_39 = tpu.memref_slice %arg3[%add3A, %dma_start3A_33, %dma_start3A_38] : memref<32x250x120xi32, #tpu.memory_space<hbm>> -> memref<1x1x40xi32, #tpu.memory_space<hbm>>
    %dma_start3A_40 = tpu.memref_squeeze %dma_start3A_39 : memref<1x1x40xi32, #tpu.memory_space<hbm>> -> memref<40xi32, #tpu.memory_space<hbm>>
    %dma_start3A_41 = arith.constant 0 : i32
    %dma_start3A_42 = tpu.memref_slice %arg7[%dma_start3A_34, %dma_start3A_41] : memref<4x40xi32, #tpu.memory_space<vmem>> -> memref<1x40xi32, #tpu.memory_space<vmem>>
    %dma_start3A_43 = tpu.memref_squeeze %dma_start3A_42 : memref<1x40xi32, #tpu.memory_space<vmem>> -> memref<40xi32, #tpu.memory_space<vmem>>
    %dma_start3A_44 = arith.constant 0 : i32
    %dma_start3A_45 = tpu.memref_slice %arg3[%add3A, %dma_start3A_33, %dma_start3A_44] : memref<32x250x120xi32, #tpu.memory_space<hbm>> -> memref<1x1x40xi32, #tpu.memory_space<hbm>>
    %dma_start3A_46 = tpu.memref_squeeze %dma_start3A_45 : memref<1x1x40xi32, #tpu.memory_space<hbm>> -> memref<40xi32, #tpu.memory_space<hbm>>
    tpu.enqueue_dma source(%dma_start3A_46 : memref<40xi32, #tpu.memory_space<hbm>>) target(%dma_start3A_43 : memref<40xi32, #tpu.memory_space<vmem>>) target_semaphore(%arg14 : memref<!tpu.dma_semaphore, #tpu.memory_space<semaphore_mem>>)
    %scan3A = arith.constant 0 : i32
    %scan3A_47 = arith.constant 0 : i32
    %scan3A_48 = arith.constant 62 : i32
    %scan3A_49 = arith.addi %scan3A_47, %scan3A_48 : i32
    %scan3A_50 = arith.constant 1 : i32
    scf.for %scan3A_203 = %scan3A_47 to %scan3A_49 step %scan3A_50  : i32 {
      %mul3A_204 = arith.constant 4 : i32
      %mul3A_205 = arith.muli %mul3A_204, %scan3A_203 : i32
      %add3A_206 = arith.constant 0 : i32
      %add3A_207 = arith.addi %mul3A_205, %add3A_206 : i32
      %gt3A = arith.constant 0 : i32
      %gt3A_208 = arith.cmpi sgt, %scan3A_203, %gt3A : i32
      %convert_element_type3A_209 = arith.extui %gt3A_208 : i1 to i32
      %cond3A_210 = arith.constant 0 : i32
      %cond3A_211 = arith.cmpi ne, %convert_element_type3A_209, %cond3A_210 : i32
      scf.if %cond3A_211 {
        %dma_wait3A_677 = arith.constant 1 : i32
        %dma_wait3A_678 = arith.constant 80 : i32
        %dma_wait3A_679 = arith.constant 0 : i32
        %dma_wait3A_680 = tpu.memref_slice %arg8[%dma_wait3A_677, %dma_wait3A_678, %dma_wait3A_679] : memref<2x120x128xf32, #tpu.memory_space<vmem>> -> memref<1x40x128xf32, #tpu.memory_space<vmem>>
        %dma_wait3A_681 = tpu.memref_squeeze %dma_wait3A_680 : memref<1x40x128xf32, #tpu.memory_space<vmem>> -> memref<40x128xf32, #tpu.memory_space<vmem>>
        %dma_wait3A_682 = arith.constant 0 : i32
        %dma_wait3A_683 = arith.constant 0 : i32
        %dma_wait3A_684 = tpu.memref_slice %arg2[%dma_wait3A_682, %dma_wait3A_683] : memref<30000x128xf32, #tpu.memory_space<hbm>> -> memref<40x128xf32, #tpu.memory_space<hbm>>
        %dma_wait3A_685 = arith.constant 80 : i32
        %dma_wait3A_686 = arith.constant 0 : i32
        %dma_wait3A_687 = tpu.memref_slice %arg8[%dma_wait3A_677, %dma_wait3A_685, %dma_wait3A_686] : memref<2x120x128xf32, #tpu.memory_space<vmem>> -> memref<1x40x128xf32, #tpu.memory_space<vmem>>
        %dma_wait3A_688 = tpu.memref_squeeze %dma_wait3A_687 : memref<1x40x128xf32, #tpu.memory_space<vmem>> -> memref<40x128xf32, #tpu.memory_space<vmem>>
        %dma_wait3A_689 = arith.constant 0 : i32
        %dma_wait3A_690 = arith.constant 0 : i32
        %dma_wait3A_691 = tpu.memref_slice %arg2[%dma_wait3A_689, %dma_wait3A_690] : memref<30000x128xf32, #tpu.memory_space<hbm>> -> memref<40x128xf32, #tpu.memory_space<hbm>>
        tpu.wait_dma2 semaphore(%arg13 : memref<!tpu.dma_semaphore, #tpu.memory_space<semaphore_mem>>) src(%dma_wait3A_691 : memref<40x128xf32, #tpu.memory_space<hbm>>) dst(%dma_wait3A_688 : memref<40x128xf32, #tpu.memory_space<vmem>>)
      } else {
      }
      %dma_wait3A_212 = arith.constant 0 : i32
      %dma_wait3A_213 = arith.constant 0 : i32
      %dma_wait3A_214 = arith.constant 1 : i32
      %dma_wait3A_215 = arith.constant 0 : i32
      %dma_wait3A_216 = tpu.memref_slice %arg6[%dma_wait3A_214, %dma_wait3A_215] : memref<4x120xi32, #tpu.memory_space<vmem>> -> memref<1x120xi32, #tpu.memory_space<vmem>>
      %dma_wait3A_217 = tpu.memref_squeeze %dma_wait3A_216 : memref<1x120xi32, #tpu.memory_space<vmem>> -> memref<120xi32, #tpu.memory_space<vmem>>
      %dma_wait3A_218 = arith.constant 0 : i32
      %dma_wait3A_219 = tpu.memref_slice %arg3[%dma_wait3A_212, %dma_wait3A_213, %dma_wait3A_218] : memref<32x250x120xi32, #tpu.memory_space<hbm>> -> memref<1x1x120xi32, #tpu.memory_space<hbm>>
      %dma_wait3A_220 = tpu.memref_squeeze %dma_wait3A_219 : memref<1x1x120xi32, #tpu.memory_space<hbm>> -> memref<120xi32, #tpu.memory_space<hbm>>
      %dma_wait3A_221 = arith.constant 0 : i32
      %dma_wait3A_222 = tpu.memref_slice %arg6[%dma_wait3A_214, %dma_wait3A_221] : memref<4x120xi32, #tpu.memory_space<vmem>> -> memref<1x120xi32, #tpu.memory_space<vmem>>
      %dma_wait3A_223 = tpu.memref_squeeze %dma_wait3A_222 : memref<1x120xi32, #tpu.memory_space<vmem>> -> memref<120xi32, #tpu.memory_space<vmem>>
      %dma_wait3A_224 = arith.constant 0 : i32
      %dma_wait3A_225 = tpu.memref_slice %arg3[%dma_wait3A_212, %dma_wait3A_213, %dma_wait3A_224] : memref<32x250x120xi32, #tpu.memory_space<hbm>> -> memref<1x1x120xi32, #tpu.memory_space<hbm>>
      %dma_wait3A_226 = tpu.memref_squeeze %dma_wait3A_225 : memref<1x1x120xi32, #tpu.memory_space<hbm>> -> memref<120xi32, #tpu.memory_space<hbm>>
      tpu.wait_dma2 semaphore(%arg14 : memref<!tpu.dma_semaphore, #tpu.memory_space<semaphore_mem>>) src(%dma_wait3A_226 : memref<120xi32, #tpu.memory_space<hbm>>) dst(%dma_wait3A_223 : memref<120xi32, #tpu.memory_space<vmem>>)
      %dma_wait3A_227 = arith.constant 0 : i32
      %dma_wait3A_228 = arith.constant 0 : i32
      %dma_wait3A_229 = arith.constant 1 : i32
      %dma_wait3A_230 = arith.constant 0 : i32
      %dma_wait3A_231 = tpu.memref_slice %arg7[%dma_wait3A_229, %dma_wait3A_230] : memref<4x40xi32, #tpu.memory_space<vmem>> -> memref<1x40xi32, #tpu.memory_space<vmem>>
      %dma_wait3A_232 = tpu.memref_squeeze %dma_wait3A_231 : memref<1x40xi32, #tpu.memory_space<vmem>> -> memref<40xi32, #tpu.memory_space<vmem>>
      %dma_wait3A_233 = arith.constant 0 : i32
      %dma_wait3A_234 = tpu.memref_slice %arg3[%dma_wait3A_227, %dma_wait3A_228, %dma_wait3A_233] : memref<32x250x120xi32, #tpu.memory_space<hbm>> -> memref<1x1x40xi32, #tpu.memory_space<hbm>>
      %dma_wait3A_235 = tpu.memref_squeeze %dma_wait3A_234 : memref<1x1x40xi32, #tpu.memory_space<hbm>> -> memref<40xi32, #tpu.memory_space<hbm>>
      %dma_wait3A_236 = arith.constant 0 : i32
      %dma_wait3A_237 = tpu.memref_slice %arg7[%dma_wait3A_229, %dma_wait3A_236] : memref<4x40xi32, #tpu.memory_space<vmem>> -> memref<1x40xi32, #tpu.memory_space<vmem>>
      %dma_wait3A_238 = tpu.memref_squeeze %dma_wait3A_237 : memref<1x40xi32, #tpu.memory_space<vmem>> -> memref<40xi32, #tpu.memory_space<vmem>>
      %dma_wait3A_239 = arith.constant 0 : i32
      %dma_wait3A_240 = tpu.memref_slice %arg3[%dma_wait3A_227, %dma_wait3A_228, %dma_wait3A_239] : memref<32x250x120xi32, #tpu.memory_space<hbm>> -> memref<1x1x40xi32, #tpu.memory_space<hbm>>
      %dma_wait3A_241 = tpu.memref_squeeze %dma_wait3A_240 : memref<1x1x40xi32, #tpu.memory_space<hbm>> -> memref<40xi32, #tpu.memory_space<hbm>>
      tpu.wait_dma2 semaphore(%arg14 : memref<!tpu.dma_semaphore, #tpu.memory_space<semaphore_mem>>) src(%dma_wait3A_241 : memref<40xi32, #tpu.memory_space<hbm>>) dst(%dma_wait3A_238 : memref<40xi32, #tpu.memory_space<vmem>>)
      %add3A_242 = arith.constant 1 : i32
      %add3A_243 = arith.addi %add3A_207, %add3A_242 : i32
      %dma_start3A_244 = arith.constant 1 : i32
      %dma_start3A_245 = arith.constant 1 : i32
      %dma_start3A_246 = arith.constant 0 : i32
      %dma_start3A_247 = arith.constant 0 : i32
      %dma_start3A_248 = tpu.memref_slice %arg8[%dma_start3A_245, %dma_start3A_246, %dma_start3A_247] : memref<2x120x128xf32, #tpu.memory_space<vmem>> -> memref<1x120x128xf32, #tpu.memory_space<vmem>>
      %dma_start3A_249 = tpu.memref_squeeze %dma_start3A_248 : memref<1x120x128xf32, #tpu.memory_space<vmem>> -> memref<120x128xf32, #tpu.memory_space<vmem>>
      %dma_start3A_250 = arith.constant 0 : i32
      %dma_start3A_251 = tpu.memref_slice %arg6[%dma_start3A_244, %dma_start3A_250] : memref<4x120xi32, #tpu.memory_space<vmem>> -> memref<1x120xi32, #tpu.memory_space<vmem>>
      %dma_start3A_252 = tpu.memref_squeeze %dma_start3A_251 : memref<1x120xi32, #tpu.memory_space<vmem>> -> memref<120xi32, #tpu.memory_space<vmem>>
      %dma_start3A_253 = arith.constant 0 : i32
      %dma_start3A_254 = arith.constant 0 : i32
      %dma_start3A_255 = tpu.memref_slice %arg2[%dma_start3A_253, %dma_start3A_254] : memref<30000x128xf32, #tpu.memory_space<hbm>> -> memref<30000x128xf32, #tpu.memory_space<hbm>>
      tpu.enqueue_indirect_dma source(%dma_start3A_255 : memref<30000x128xf32, #tpu.memory_space<hbm>>) target(%dma_start3A_249 : memref<120x128xf32, #tpu.memory_space<vmem>>) offsets(%dma_start3A_252 : memref<120xi32, #tpu.memory_space<vmem>>) semaphore(%arg11 : memref<!tpu.dma_semaphore, #tpu.memory_space<semaphore_mem>>)
      %add3A_256 = arith.constant 2 : i32
      %add3A_257 = arith.addi %add3A_207, %add3A_256 : i32
      %dma_start3A_258 = arith.constant 2 : i32
      %dma_start3A_259 = arith.constant 0 : i32
      %dma_start3A_260 = tpu.memref_slice %arg6[%dma_start3A_258, %dma_start3A_259] : memref<4x120xi32, #tpu.memory_space<vmem>> -> memref<1x120xi32, #tpu.memory_space<vmem>>
      %dma_start3A_261 = tpu.memref_squeeze %dma_start3A_260 : memref<1x120xi32, #tpu.memory_space<vmem>> -> memref<120xi32, #tpu.memory_space<vmem>>
      %dma_start3A_262 = arith.constant 0 : i32
      %dma_start3A_263 = tpu.memref_slice %arg3[%add3A, %add3A_257, %dma_start3A_262] : memref<32x250x120xi32, #tpu.memory_space<hbm>> -> memref<1x1x120xi32, #tpu.memory_space<hbm>>
      %dma_start3A_264 = tpu.memref_squeeze %dma_start3A_263 : memref<1x1x120xi32, #tpu.memory_space<hbm>> -> memref<120xi32, #tpu.memory_space<hbm>>
      %dma_start3A_265 = arith.constant 0 : i32
      %dma_start3A_266 = tpu.memref_slice %arg6[%dma_start3A_258, %dma_start3A_265] : memref<4x120xi32, #tpu.memory_space<vmem>> -> memref<1x120xi32, #tpu.memory_space<vmem>>
      %dma_start3A_267 = tpu.memref_squeeze %dma_start3A_266 : memref<1x120xi32, #tpu.memory_space<vmem>> -> memref<120xi32, #tpu.memory_space<vmem>>
      %dma_start3A_268 = arith.constant 0 : i32
      %dma_start3A_269 = tpu.memref_slice %arg3[%add3A, %add3A_257, %dma_start3A_268] : memref<32x250x120xi32, #tpu.memory_space<hbm>> -> memref<1x1x120xi32, #tpu.memory_space<hbm>>
      %dma_start3A_270 = tpu.memref_squeeze %dma_start3A_269 : memref<1x1x120xi32, #tpu.memory_space<hbm>> -> memref<120xi32, #tpu.memory_space<hbm>>
      tpu.enqueue_dma source(%dma_start3A_270 : memref<120xi32, #tpu.memory_space<hbm>>) target(%dma_start3A_267 : memref<120xi32, #tpu.memory_space<vmem>>) target_semaphore(%arg14 : memref<!tpu.dma_semaphore, #tpu.memory_space<semaphore_mem>>)
      %dma_start3A_271 = arith.constant 2 : i32
      %dma_start3A_272 = arith.constant 0 : i32
      %dma_start3A_273 = tpu.memref_slice %arg7[%dma_start3A_271, %dma_start3A_272] : memref<4x40xi32, #tpu.memory_space<vmem>> -> memref<1x40xi32, #tpu.memory_space<vmem>>
      %dma_start3A_274 = tpu.memref_squeeze %dma_start3A_273 : memref<1x40xi32, #tpu.memory_space<vmem>> -> memref<40xi32, #tpu.memory_space<vmem>>
      %dma_start3A_275 = arith.constant 0 : i32
      %dma_start3A_276 = tpu.memref_slice %arg3[%add3A, %add3A_257, %dma_start3A_275] : memref<32x250x120xi32, #tpu.memory_space<hbm>> -> memref<1x1x40xi32, #tpu.memory_space<hbm>>
      %dma_start3A_277 = tpu.memref_squeeze %dma_start3A_276 : memref<1x1x40xi32, #tpu.memory_space<hbm>> -> memref<40xi32, #tpu.memory_space<hbm>>
      %dma_start3A_278 = arith.constant 0 : i32
      %dma_start3A_279 = tpu.memref_slice %arg7[%dma_start3A_271, %dma_start3A_278] : memref<4x40xi32, #tpu.memory_space<vmem>> -> memref<1x40xi32, #tpu.memory_space<vmem>>
      %dma_start3A_280 = tpu.memref_squeeze %dma_start3A_279 : memref<1x40xi32, #tpu.memory_space<vmem>> -> memref<40xi32, #tpu.memory_space<vmem>>
      %dma_start3A_281 = arith.constant 0 : i32
      %dma_start3A_282 = tpu.memref_slice %arg3[%add3A, %add3A_257, %dma_start3A_281] : memref<32x250x120xi32, #tpu.memory_space<hbm>> -> memref<1x1x40xi32, #tpu.memory_space<hbm>>
      %dma_start3A_283 = tpu.memref_squeeze %dma_start3A_282 : memref<1x1x40xi32, #tpu.memory_space<hbm>> -> memref<40xi32, #tpu.memory_space<hbm>>
      tpu.enqueue_dma source(%dma_start3A_283 : memref<40xi32, #tpu.memory_space<hbm>>) target(%dma_start3A_280 : memref<40xi32, #tpu.memory_space<vmem>>) target_semaphore(%arg14 : memref<!tpu.dma_semaphore, #tpu.memory_space<semaphore_mem>>)
      %dma_wait3A_284 = arith.constant 0 : i32
      %dma_wait3A_285 = arith.constant 0 : i32
      %dma_wait3A_286 = arith.constant 0 : i32
      %dma_wait3A_287 = tpu.memref_slice %arg8[%dma_wait3A_284, %dma_wait3A_285, %dma_wait3A_286] : memref<2x120x128xf32, #tpu.memory_space<vmem>> -> memref<1x120x128xf32, #tpu.memory_space<vmem>>
      %dma_wait3A_288 = tpu.memref_squeeze %dma_wait3A_287 : memref<1x120x128xf32, #tpu.memory_space<vmem>> -> memref<120x128xf32, #tpu.memory_space<vmem>>
      %dma_wait3A_289 = arith.constant 0 : i32
      %dma_wait3A_290 = arith.constant 0 : i32
      %dma_wait3A_291 = tpu.memref_slice %arg2[%dma_wait3A_289, %dma_wait3A_290] : memref<30000x128xf32, #tpu.memory_space<hbm>> -> memref<120x128xf32, #tpu.memory_space<hbm>>
      %dma_wait3A_292 = arith.constant 0 : i32
      %dma_wait3A_293 = arith.constant 0 : i32
      %dma_wait3A_294 = tpu.memref_slice %arg8[%dma_wait3A_284, %dma_wait3A_292, %dma_wait3A_293] : memref<2x120x128xf32, #tpu.memory_space<vmem>> -> memref<1x120x128xf32, #tpu.memory_space<vmem>>
      %dma_wait3A_295 = tpu.memref_squeeze %dma_wait3A_294 : memref<1x120x128xf32, #tpu.memory_space<vmem>> -> memref<120x128xf32, #tpu.memory_space<vmem>>
      %dma_wait3A_296 = arith.constant 0 : i32
      %dma_wait3A_297 = arith.constant 0 : i32
      %dma_wait3A_298 = tpu.memref_slice %arg2[%dma_wait3A_296, %dma_wait3A_297] : memref<30000x128xf32, #tpu.memory_space<hbm>> -> memref<120x128xf32, #tpu.memory_space<hbm>>
      tpu.wait_dma2 semaphore(%arg10 : memref<!tpu.dma_semaphore, #tpu.memory_space<semaphore_mem>>) src(%dma_wait3A_298 : memref<120x128xf32, #tpu.memory_space<hbm>>) dst(%dma_wait3A_295 : memref<120x128xf32, #tpu.memory_space<vmem>>)
      %parallel_loop3A_299 = arith.constant 0 : i32
      %parallel_loop3A_300 = arith.constant 40 : i32
      %parallel_loop3A_301 = arith.constant 1 : i32
      scf.for %parallel_loop3A_677 = %parallel_loop3A_299 to %parallel_loop3A_300 step %parallel_loop3A_301  : i32 {
        %parallel_loop3A_678 = arith.constant 0 : i32
        %parallel_loop3A_679 = arith.index_cast %parallel_loop3A_678 : i32 to index
        %parallel_loop3A_680 = arith.index_cast %parallel_loop3A_677 : i32 to index
        %parallel_loop3A_681 = arith.constant 0 : index
        %parallel_loop3A_682 = tpu.vector_load %arg8[%parallel_loop3A_679, %parallel_loop3A_680, %parallel_loop3A_681] {strides = array<i32>} : memref<2x120x128xf32, #tpu.memory_space<vmem>>, vector<1x1x16xf32>,
        %parallel_loop3A_683 = vector.shape_cast %parallel_loop3A_682 : vector<1x1x16xf32> to vector<16xf32>
        %parallel_loop3A_684 = arith.constant 40 : i32
        %parallel_loop3A_685 = arith.addi %parallel_loop3A_684, %parallel_loop3A_677 : i32
        %parallel_loop3A_686 = arith.constant 0 : i32
        %parallel_loop3A_687 = arith.index_cast %parallel_loop3A_686 : i32 to index
        %parallel_loop3A_688 = arith.index_cast %parallel_loop3A_685 : i32 to index
        %parallel_loop3A_689 = arith.constant 0 : index
        %parallel_loop3A_690 = tpu.vector_load %arg8[%parallel_loop3A_687, %parallel_loop3A_688, %parallel_loop3A_689] {strides = array<i32>} : memref<2x120x128xf32, #tpu.memory_space<vmem>>, vector<1x1x16xf32>,
        %parallel_loop3A_691 = vector.shape_cast %parallel_loop3A_690 : vector<1x1x16xf32> to vector<16xf32>
        %parallel_loop3A_692 = arith.addf %parallel_loop3A_683, %parallel_loop3A_691 : vector<16xf32>
        %parallel_loop3A_693 = arith.constant 80 : i32
        %parallel_loop3A_694 = arith.addi %parallel_loop3A_693, %parallel_loop3A_677 : i32
        %parallel_loop3A_695 = arith.constant 0 : i32
        %parallel_loop3A_696 = arith.index_cast %parallel_loop3A_695 : i32 to index
        %parallel_loop3A_697 = arith.index_cast %parallel_loop3A_694 : i32 to index
        %parallel_loop3A_698 = arith.constant 0 : index
        %parallel_loop3A_699 = tpu.vector_load %arg8[%parallel_loop3A_696, %parallel_loop3A_697, %parallel_loop3A_698] {strides = array<i32>} : memref<2x120x128xf32, #tpu.memory_space<vmem>>, vector<1x1x16xf32>,
        %parallel_loop3A_700 = vector.shape_cast %parallel_loop3A_699 : vector<1x1x16xf32> to vector<16xf32>
        %parallel_loop3A_701 = arith.constant 0.000000e+00 : f32
        %parallel_loop3A_702 = vector.broadcast %parallel_loop3A_701 : f32 to vector<16xf32>
        %parallel_loop3A_703 = arith.subf %parallel_loop3A_702, %parallel_loop3A_692 : vector<16xf32>
        %parallel_loop3A_704 = math.exp %parallel_loop3A_703 : vector<16xf32>
        %parallel_loop3A_705 = arith.constant 1.000000e+00 : f32
        %parallel_loop3A_706 = vector.broadcast %parallel_loop3A_705 : f32 to vector<16xf32>
        %parallel_loop3A_707 = arith.addf %parallel_loop3A_706, %parallel_loop3A_704 : vector<16xf32>
        %parallel_loop3A_708 = arith.divf %parallel_loop3A_700, %parallel_loop3A_707 : vector<16xf32>
        %parallel_loop3A_709 = arith.constant 80 : i32
        %parallel_loop3A_710 = arith.addi %parallel_loop3A_709, %parallel_loop3A_677 : i32
        %parallel_loop3A_711 = arith.constant 0 : i32
        %parallel_loop3A_712 = arith.index_cast %parallel_loop3A_711 : i32 to index
        %parallel_loop3A_713 = arith.index_cast %parallel_loop3A_710 : i32 to index
        %parallel_loop3A_714 = arith.constant 0 : index
        %parallel_loop3A_715 = tpu.vector_load %arg8[%parallel_loop3A_712, %parallel_loop3A_713, %parallel_loop3A_714] {strides = array<i32>} : memref<2x120x128xf32, #tpu.memory_space<vmem>>, vector<1x1x16xf32>,
        %parallel_loop3A_716 = vector.shape_cast %parallel_loop3A_715 : vector<1x1x16xf32> to vector<16xf32>
        %parallel_loop3A_717 = vector.shape_cast %parallel_loop3A_708 : vector<16xf32> to vector<1x1x16xf32>
        tpu.vector_store %arg8[%parallel_loop3A_712, %parallel_loop3A_713, %parallel_loop3A_714], %parallel_loop3A_717 {strides = array<i32>} : memref<2x120x128xf32, #tpu.memory_space<vmem>>, vector<1x1x16xf32>,
        %parallel_loop3A_718 = arith.constant 0 : i32
        %parallel_loop3A_719 = arith.index_cast %parallel_loop3A_718 : i32 to index
        %parallel_loop3A_720 = arith.index_cast %parallel_loop3A_677 : i32 to index
        %parallel_loop3A_721 = arith.constant 16 : index
        %parallel_loop3A_722 = tpu.vector_load %arg8[%parallel_loop3A_719, %parallel_loop3A_720, %parallel_loop3A_721] {strides = array<i32>} : memref<2x120x128xf32, #tpu.memory_space<vmem>>, vector<1x1x16xf32>,
        %parallel_loop3A_723 = vector.shape_cast %parallel_loop3A_722 : vector<1x1x16xf32> to vector<16xf32>
        %parallel_loop3A_724 = arith.constant 40 : i32
        %parallel_loop3A_725 = arith.addi %parallel_loop3A_724, %parallel_loop3A_677 : i32
        %parallel_loop3A_726 = arith.constant 0 : i32
        %parallel_loop3A_727 = arith.index_cast %parallel_loop3A_726 : i32 to index
        %parallel_loop3A_728 = arith.index_cast %parallel_loop3A_725 : i32 to index
        %parallel_loop3A_729 = arith.constant 16 : index
        %parallel_loop3A_730 = tpu.vector_load %arg8[%parallel_loop3A_727, %parallel_loop3A_728, %parallel_loop3A_729] {strides = array<i32>} : memref<2x120x128xf32, #tpu.memory_space<vmem>>, vector<1x1x16xf32>,
        %parallel_loop3A_731 = vector.shape_cast %parallel_loop3A_730 : vector<1x1x16xf32> to vector<16xf32>
        %parallel_loop3A_732 = arith.addf %parallel_loop3A_723, %parallel_loop3A_731 : vector<16xf32>
        %parallel_loop3A_733 = arith.constant 80 : i32
        %parallel_loop3A_734 = arith.addi %parallel_loop3A_733, %parallel_loop3A_677 : i32
        %parallel_loop3A_735 = arith.constant 0 : i32
        %parallel_loop3A_736 = arith.index_cast %parallel_loop3A_735 : i32 to index
        %parallel_loop3A_737 = arith.index_cast %parallel_loop3A_734 : i32 to index
        %parallel_loop3A_738 = arith.constant 16 : index
        %parallel_loop3A_739 = tpu.vector_load %arg8[%parallel_loop3A_736, %parallel_loop3A_737, %parallel_loop3A_738] {strides = array<i32>} : memref<2x120x128xf32, #tpu.memory_space<vmem>>, vector<1x1x16xf32>,
        %parallel_loop3A_740 = vector.shape_cast %parallel_loop3A_739 : vector<1x1x16xf32> to vector<16xf32>
        %parallel_loop3A_741 = arith.constant 0.000000e+00 : f32
        %parallel_loop3A_742 = vector.broadcast %parallel_loop3A_741 : f32 to vector<16xf32>
        %parallel_loop3A_743 = arith.subf %parallel_loop3A_742, %parallel_loop3A_732 : vector<16xf32>
        %parallel_loop3A_744 = math.exp %parallel_loop3A_743 : vector<16xf32>
        %parallel_loop3A_745 = arith.constant 1.000000e+00 : f32
        %parallel_loop3A_746 = vector.broadcast %parallel_loop3A_745 : f32 to vector<16xf32>
        %parallel_loop3A_747 = arith.addf %parallel_loop3A_746, %parallel_loop3A_744 : vector<16xf32>
        %parallel_loop3A_748 = arith.divf %parallel_loop3A_740, %parallel_loop3A_747 : vector<16xf32>
        %parallel_loop3A_749 = arith.constant 80 : i32
        %parallel_loop3A_750 = arith.addi %parallel_loop3A_749, %parallel_loop3A_677 : i32
        %parallel_loop3A_751 = arith.constant 0 : i32
        %parallel_loop3A_752 = arith.index_cast %parallel_loop3A_751 : i32 to index
        %parallel_loop3A_753 = arith.index_cast %parallel_loop3A_750 : i32 to index
        %parallel_loop3A_754 = arith.constant 16 : index
        %parallel_loop3A_755 = tpu.vector_load %arg8[%parallel_loop3A_752, %parallel_loop3A_753, %parallel_loop3A_754] {strides = array<i32>} : memref<2x120x128xf32, #tpu.memory_space<vmem>>, vector<1x1x16xf32>,
        %parallel_loop3A_756 = vector.shape_cast %parallel_loop3A_755 : vector<1x1x16xf32> to vector<16xf32>
        %parallel_loop3A_757 = vector.shape_cast %parallel_loop3A_748 : vector<16xf32> to vector<1x1x16xf32>
        tpu.vector_store %arg8[%parallel_loop3A_752, %parallel_loop3A_753, %parallel_loop3A_754], %parallel_loop3A_757 {strides = array<i32>} : memref<2x120x128xf32, #tpu.memory_space<vmem>>, vector<1x1x16xf32>,
        %parallel_loop3A_758 = arith.constant 0 : i32
        %parallel_loop3A_759 = arith.index_cast %parallel_loop3A_758 : i32 to index
        %parallel_loop3A_760 = arith.index_cast %parallel_loop3A_677 : i32 to index
        %parallel_loop3A_761 = arith.constant 32 : index
        %parallel_loop3A_762 = tpu.vector_load %arg8[%parallel_loop3A_759, %parallel_loop3A_760, %parallel_loop3A_761] {strides = array<i32>} : memref<2x120x128xf32, #tpu.memory_space<vmem>>, vector<1x1x16xf32>,
        %parallel_loop3A_763 = vector.shape_cast %parallel_loop3A_762 : vector<1x1x16xf32> to vector<16xf32>
        %parallel_loop3A_764 = arith.constant 40 : i32
        %parallel_loop3A_765 = arith.addi %parallel_loop3A_764, %parallel_loop3A_677 : i32
        %parallel_loop3A_766 = arith.constant 0 : i32
        %parallel_loop3A_767 = arith.index_cast %parallel_loop3A_766 : i32 to index
        %parallel_loop3A_768 = arith.index_cast %parallel_loop3A_765 : i32 to index
        %parallel_loop3A_769 = arith.constant 32 : index
        %parallel_loop3A_770 = tpu.vector_load %arg8[%parallel_loop3A_767, %parallel_loop3A_768, %parallel_loop3A_769] {strides = array<i32>} : memref<2x120x128xf32, #tpu.memory_space<vmem>>, vector<1x1x16xf32>,
        %parallel_loop3A_771 = vector.shape_cast %parallel_loop3A_770 : vector<1x1x16xf32> to vector<16xf32>
        %parallel_loop3A_772 = arith.addf %parallel_loop3A_763, %parallel_loop3A_771 : vector<16xf32>
        %parallel_loop3A_773 = arith.constant 80 : i32
        %parallel_loop3A_774 = arith.addi %parallel_loop3A_773, %parallel_loop3A_677 : i32
        %parallel_loop3A_775 = arith.constant 0 : i32
        %parallel_loop3A_776 = arith.index_cast %parallel_loop3A_775 : i32 to index
        %parallel_loop3A_777 = arith.index_cast %parallel_loop3A_774 : i32 to index
        %parallel_loop3A_778 = arith.constant 32 : index
        %parallel_loop3A_779 = tpu.vector_load %arg8[%parallel_loop3A_776, %parallel_loop3A_777, %parallel_loop3A_778] {strides = array<i32>} : memref<2x120x128xf32, #tpu.memory_space<vmem>>, vector<1x1x16xf32>,
        %parallel_loop3A_780 = vector.shape_cast %parallel_loop3A_779 : vector<1x1x16xf32> to vector<16xf32>
        %parallel_loop3A_781 = arith.constant 0.000000e+00 : f32
        %parallel_loop3A_782 = vector.broadcast %parallel_loop3A_781 : f32 to vector<16xf32>
        %parallel_loop3A_783 = arith.subf %parallel_loop3A_782, %parallel_loop3A_772 : vector<16xf32>
        %parallel_loop3A_784 = math.exp %parallel_loop3A_783 : vector<16xf32>
        %parallel_loop3A_785 = arith.constant 1.000000e+00 : f32
        %parallel_loop3A_786 = vector.broadcast %parallel_loop3A_785 : f32 to vector<16xf32>
        %parallel_loop3A_787 = arith.addf %parallel_loop3A_786, %parallel_loop3A_784 : vector<16xf32>
        %parallel_loop3A_788 = arith.divf %parallel_loop3A_780, %parallel_loop3A_787 : vector<16xf32>
        %parallel_loop3A_789 = arith.constant 80 : i32
        %parallel_loop3A_790 = arith.addi %parallel_loop3A_789, %parallel_loop3A_677 : i32
        %parallel_loop3A_791 = arith.constant 0 : i32
        %parallel_loop3A_792 = arith.index_cast %parallel_loop3A_791 : i32 to index
        %parallel_loop3A_793 = arith.index_cast %parallel_loop3A_790 : i32 to index
        %parallel_loop3A_794 = arith.constant 32 : index
        %parallel_loop3A_795 = tpu.vector_load %arg8[%parallel_loop3A_792, %parallel_loop3A_793, %parallel_loop3A_794] {strides = array<i32>} : memref<2x120x128xf32, #tpu.memory_space<vmem>>, vector<1x1x16xf32>,
        %parallel_loop3A_796 = vector.shape_cast %parallel_loop3A_795 : vector<1x1x16xf32> to vector<16xf32>
        %parallel_loop3A_797 = vector.shape_cast %parallel_loop3A_788 : vector<16xf32> to vector<1x1x16xf32>
        tpu.vector_store %arg8[%parallel_loop3A_792, %parallel_loop3A_793, %parallel_loop3A_794], %parallel_loop3A_797 {strides = array<i32>} : memref<2x120x128xf32, #tpu.memory_space<vmem>>, vector<1x1x16xf32>,
        %parallel_loop3A_798 = arith.constant 0 : i32
        %parallel_loop3A_799 = arith.index_cast %parallel_loop3A_798 : i32 to index
        %parallel_loop3A_800 = arith.index_cast %parallel_loop3A_677 : i32 to index
        %parallel_loop3A_801 = arith.constant 48 : index
        %parallel_loop3A_802 = tpu.vector_load %arg8[%parallel_loop3A_799, %parallel_loop3A_800, %parallel_loop3A_801] {strides = array<i32>} : memref<2x120x128xf32, #tpu.memory_space<vmem>>, vector<1x1x16xf32>,
        %parallel_loop3A_803 = vector.shape_cast %parallel_loop3A_802 : vector<1x1x16xf32> to vector<16xf32>
        %parallel_loop3A_804 = arith.constant 40 : i32
        %parallel_loop3A_805 = arith.addi %parallel_loop3A_804, %parallel_loop3A_677 : i32
        %parallel_loop3A_806 = arith.constant 0 : i32
        %parallel_loop3A_807 = arith.index_cast %parallel_loop3A_806 : i32 to index
        %parallel_loop3A_808 = arith.index_cast %parallel_loop3A_805 : i32 to index
        %parallel_loop3A_809 = arith.constant 48 : index
        %parallel_loop3A_810 = tpu.vector_load %arg8[%parallel_loop3A_807, %parallel_loop3A_808, %parallel_loop3A_809] {strides = array<i32>} : memref<2x120x128xf32, #tpu.memory_space<vmem>>, vector<1x1x16xf32>,
        %parallel_loop3A_811 = vector.shape_cast %parallel_loop3A_810 : vector<1x1x16xf32> to vector<16xf32>
        %parallel_loop3A_812 = arith.addf %parallel_loop3A_803, %parallel_loop3A_811 : vector<16xf32>
        %parallel_loop3A_813 = arith.constant 80 : i32
        %parallel_loop3A_814 = arith.addi %parallel_loop3A_813, %parallel_loop3A_677 : i32
        %parallel_loop3A_815 = arith.constant 0 : i32
        %parallel_loop3A_816 = arith.index_cast %parallel_loop3A_815 : i32 to index
        %parallel_loop3A_817 = arith.index_cast %parallel_loop3A_814 : i32 to index
        %parallel_loop3A_818 = arith.constant 48 : index
        %parallel_loop3A_819 = tpu.vector_load %arg8[%parallel_loop3A_816, %parallel_loop3A_817, %parallel_loop3A_818] {strides = array<i32>} : memref<2x120x128xf32, #tpu.memory_space<vmem>>, vector<1x1x16xf32>,
        %parallel_loop3A_820 = vector.shape_cast %parallel_loop3A_819 : vector<1x1x16xf32> to vector<16xf32>
        %parallel_loop3A_821 = arith.constant 0.000000e+00 : f32
        %parallel_loop3A_822 = vector.broadcast %parallel_loop3A_821 : f32 to vector<16xf32>
        %parallel_loop3A_823 = arith.subf %parallel_loop3A_822, %parallel_loop3A_812 : vector<16xf32>
        %parallel_loop3A_824 = math.exp %parallel_loop3A_823 : vector<16xf32>
        %parallel_loop3A_825 = arith.constant 1.000000e+00 : f32
        %parallel_loop3A_826 = vector.broadcast %parallel_loop3A_825 : f32 to vector<16xf32>
        %parallel_loop3A_827 = arith.addf %parallel_loop3A_826, %parallel_loop3A_824 : vector<16xf32>
        %parallel_loop3A_828 = arith.divf %parallel_loop3A_820, %parallel_loop3A_827 : vector<16xf32>
        %parallel_loop3A_829 = arith.constant 80 : i32
        %parallel_loop3A_830 = arith.addi %parallel_loop3A_829, %parallel_loop3A_677 : i32
        %parallel_loop3A_831 = arith.constant 0 : i32
        %parallel_loop3A_832 = arith.index_cast %parallel_loop3A_831 : i32 to index
        %parallel_loop3A_833 = arith.index_cast %parallel_loop3A_830 : i32 to index
        %parallel_loop3A_834 = arith.constant 48 : index
        %parallel_loop3A_835 = tpu.vector_load %arg8[%parallel_loop3A_832, %parallel_loop3A_833, %parallel_loop3A_834] {strides = array<i32>} : memref<2x120x128xf32, #tpu.memory_space<vmem>>, vector<1x1x16xf32>,
        %parallel_loop3A_836 = vector.shape_cast %parallel_loop3A_835 : vector<1x1x16xf32> to vector<16xf32>
        %parallel_loop3A_837 = vector.shape_cast %parallel_loop3A_828 : vector<16xf32> to vector<1x1x16xf32>
        tpu.vector_store %arg8[%parallel_loop3A_832, %parallel_loop3A_833, %parallel_loop3A_834], %parallel_loop3A_837 {strides = array<i32>} : memref<2x120x128xf32, #tpu.memory_space<vmem>>, vector<1x1x16xf32>,
        %parallel_loop3A_838 = arith.constant 0 : i32
        %parallel_loop3A_839 = arith.index_cast %parallel_loop3A_838 : i32 to index
        %parallel_loop3A_840 = arith.index_cast %parallel_loop3A_677 : i32 to index
        %parallel_loop3A_841 = arith.constant 64 : index
        %parallel_loop3A_842 = tpu.vector_load %arg8[%parallel_loop3A_839, %parallel_loop3A_840, %parallel_loop3A_841] {strides = array<i32>} : memref<2x120x128xf32, #tpu.memory_space<vmem>>, vector<1x1x16xf32>,
        %parallel_loop3A_843 = vector.shape_cast %parallel_loop3A_842 : vector<1x1x16xf32> to vector<16xf32>
        %parallel_loop3A_844 = arith.constant 40 : i32
        %parallel_loop3A_845 = arith.addi %parallel_loop3A_844, %parallel_loop3A_677 : i32
        %parallel_loop3A_846 = arith.constant 0 : i32
        %parallel_loop3A_847 = arith.index_cast %parallel_loop3A_846 : i32 to index
        %parallel_loop3A_848 = arith.index_cast %parallel_loop3A_845 : i32 to index
        %parallel_loop3A_849 = arith.constant 64 : index
        %parallel_loop3A_850 = tpu.vector_load %arg8[%parallel_loop3A_847, %parallel_loop3A_848, %parallel_loop3A_849] {strides = array<i32>} : memref<2x120x128xf32, #tpu.memory_space<vmem>>, vector<1x1x16xf32>,
        %parallel_loop3A_851 = vector.shape_cast %parallel_loop3A_850 : vector<1x1x16xf32> to vector<16xf32>
        %parallel_loop3A_852 = arith.addf %parallel_loop3A_843, %parallel_loop3A_851 : vector<16xf32>
        %parallel_loop3A_853 = arith.constant 80 : i32
        %parallel_loop3A_854 = arith.addi %parallel_loop3A_853, %parallel_loop3A_677 : i32
        %parallel_loop3A_855 = arith.constant 0 : i32
        %parallel_loop3A_856 = arith.index_cast %parallel_loop3A_855 : i32 to index
        %parallel_loop3A_857 = arith.index_cast %parallel_loop3A_854 : i32 to index
        %parallel_loop3A_858 = arith.constant 64 : index
        %parallel_loop3A_859 = tpu.vector_load %arg8[%parallel_loop3A_856, %parallel_loop3A_857, %parallel_loop3A_858] {strides = array<i32>} : memref<2x120x128xf32, #tpu.memory_space<vmem>>, vector<1x1x16xf32>,
        %parallel_loop3A_860 = vector.shape_cast %parallel_loop3A_859 : vector<1x1x16xf32> to vector<16xf32>
        %parallel_loop3A_861 = arith.constant 0.000000e+00 : f32
        %parallel_loop3A_862 = vector.broadcast %parallel_loop3A_861 : f32 to vector<16xf32>
        %parallel_loop3A_863 = arith.subf %parallel_loop3A_862, %parallel_loop3A_852 : vector<16xf32>
        %parallel_loop3A_864 = math.exp %parallel_loop3A_863 : vector<16xf32>
        %parallel_loop3A_865 = arith.constant 1.000000e+00 : f32
        %parallel_loop3A_866 = vector.broadcast %parallel_loop3A_865 : f32 to vector<16xf32>
        %parallel_loop3A_867 = arith.addf %parallel_loop3A_866, %parallel_loop3A_864 : vector<16xf32>
        %parallel_loop3A_868 = arith.divf %parallel_loop3A_860, %parallel_loop3A_867 : vector<16xf32>
        %parallel_loop3A_869 = arith.constant 80 : i32
        %parallel_loop3A_870 = arith.addi %parallel_loop3A_869, %parallel_loop3A_677 : i32
        %parallel_loop3A_871 = arith.constant 0 : i32
        %parallel_loop3A_872 = arith.index_cast %parallel_loop3A_871 : i32 to index
        %parallel_loop3A_873 = arith.index_cast %parallel_loop3A_870 : i32 to index
        %parallel_loop3A_874 = arith.constant 64 : index
        %parallel_loop3A_875 = tpu.vector_load %arg8[%parallel_loop3A_872, %parallel_loop3A_873, %parallel_loop3A_874] {strides = array<i32>} : memref<2x120x128xf32, #tpu.memory_space<vmem>>, vector<1x1x16xf32>,
        %parallel_loop3A_876 = vector.shape_cast %parallel_loop3A_875 : vector<1x1x16xf32> to vector<16xf32>
        %parallel_loop3A_877 = vector.shape_cast %parallel_loop3A_868 : vector<16xf32> to vector<1x1x16xf32>
        tpu.vector_store %arg8[%parallel_loop3A_872, %parallel_loop3A_873, %parallel_loop3A_874], %parallel_loop3A_877 {strides = array<i32>} : memref<2x120x128xf32, #tpu.memory_space<vmem>>, vector<1x1x16xf32>,
        %parallel_loop3A_878 = arith.constant 0 : i32
        %parallel_loop3A_879 = arith.index_cast %parallel_loop3A_878 : i32 to index
        %parallel_loop3A_880 = arith.index_cast %parallel_loop3A_677 : i32 to index
        %parallel_loop3A_881 = arith.constant 80 : index
        %parallel_loop3A_882 = tpu.vector_load %arg8[%parallel_loop3A_879, %parallel_loop3A_880, %parallel_loop3A_881] {strides = array<i32>} : memref<2x120x128xf32, #tpu.memory_space<vmem>>, vector<1x1x16xf32>,
        %parallel_loop3A_883 = vector.shape_cast %parallel_loop3A_882 : vector<1x1x16xf32> to vector<16xf32>
        %parallel_loop3A_884 = arith.constant 40 : i32
        %parallel_loop3A_885 = arith.addi %parallel_loop3A_884, %parallel_loop3A_677 : i32
        %parallel_loop3A_886 = arith.constant 0 : i32
        %parallel_loop3A_887 = arith.index_cast %parallel_loop3A_886 : i32 to index
        %parallel_loop3A_888 = arith.index_cast %parallel_loop3A_885 : i32 to index
        %parallel_loop3A_889 = arith.constant 80 : index
        %parallel_loop3A_890 = tpu.vector_load %arg8[%parallel_loop3A_887, %parallel_loop3A_888, %parallel_loop3A_889] {strides = array<i32>} : memref<2x120x128xf32, #tpu.memory_space<vmem>>, vector<1x1x16xf32>,
        %parallel_loop3A_891 = vector.shape_cast %parallel_loop3A_890 : vector<1x1x16xf32> to vector<16xf32>
        %parallel_loop3A_892 = arith.addf %parallel_loop3A_883, %parallel_loop3A_891 : vector<16xf32>
        %parallel_loop3A_893 = arith.constant 80 : i32
        %parallel_loop3A_894 = arith.addi %parallel_loop3A_893, %parallel_loop3A_677 : i32
        %parallel_loop3A_895 = arith.constant 0 : i32
        %parallel_loop3A_896 = arith.index_cast %parallel_loop3A_895 : i32 to index
        %parallel_loop3A_897 = arith.index_cast %parallel_loop3A_894 : i32 to index
        %parallel_loop3A_898 = arith.constant 80 : index
        %parallel_loop3A_899 = tpu.vector_load %arg8[%parallel_loop3A_896, %parallel_loop3A_897, %parallel_loop3A_898] {strides = array<i32>} : memref<2x120x128xf32, #tpu.memory_space<vmem>>, vector<1x1x16xf32>,
        %parallel_loop3A_900 = vector.shape_cast %parallel_loop3A_899 : vector<1x1x16xf32> to vector<16xf32>
        %parallel_loop3A_901 = arith.constant 0.000000e+00 : f32
        %parallel_loop3A_902 = vector.broadcast %parallel_loop3A_901 : f32 to vector<16xf32>
        %parallel_loop3A_903 = arith.subf %parallel_loop3A_902, %parallel_loop3A_892 : vector<16xf32>
        %parallel_loop3A_904 = math.exp %parallel_loop3A_903 : vector<16xf32>
        %parallel_loop3A_905 = arith.constant 1.000000e+00 : f32
        %parallel_loop3A_906 = vector.broadcast %parallel_loop3A_905 : f32 to vector<16xf32>
        %parallel_loop3A_907 = arith.addf %parallel_loop3A_906, %parallel_loop3A_904 : vector<16xf32>
        %parallel_loop3A_908 = arith.divf %parallel_loop3A_900, %parallel_loop3A_907 : vector<16xf32>
        %parallel_loop3A_909 = arith.constant 80 : i32
        %parallel_loop3A_910 = arith.addi %parallel_loop3A_909, %parallel_loop3A_677 : i32
        %parallel_loop3A_911 = arith.constant 0 : i32
        %parallel_loop3A_912 = arith.index_cast %parallel_loop3A_911 : i32 to index
        %parallel_loop3A_913 = arith.index_cast %parallel_loop3A_910 : i32 to index
        %parallel_loop3A_914 = arith.constant 80 : index
        %parallel_loop3A_915 = tpu.vector_load %arg8[%parallel_loop3A_912, %parallel_loop3A_913, %parallel_loop3A_914] {strides = array<i32>} : memref<2x120x128xf32, #tpu.memory_space<vmem>>, vector<1x1x16xf32>,
        %parallel_loop3A_916 = vector.shape_cast %parallel_loop3A_915 : vector<1x1x16xf32> to vector<16xf32>
        %parallel_loop3A_917 = vector.shape_cast %parallel_loop3A_908 : vector<16xf32> to vector<1x1x16xf32>
        tpu.vector_store %arg8[%parallel_loop3A_912, %parallel_loop3A_913, %parallel_loop3A_914], %parallel_loop3A_917 {strides = array<i32>} : memref<2x120x128xf32, #tpu.memory_space<vmem>>, vector<1x1x16xf32>,
        %parallel_loop3A_918 = arith.constant 0 : i32
        %parallel_loop3A_919 = arith.index_cast %parallel_loop3A_918 : i32 to index
        %parallel_loop3A_920 = arith.index_cast %parallel_loop3A_677 : i32 to index
        %parallel_loop3A_921 = arith.constant 96 : index
        %parallel_loop3A_922 = tpu.vector_load %arg8[%parallel_loop3A_919, %parallel_loop3A_920, %parallel_loop3A_921] {strides = array<i32>} : memref<2x120x128xf32, #tpu.memory_space<vmem>>, vector<1x1x16xf32>,
        %parallel_loop3A_923 = vector.shape_cast %parallel_loop3A_922 : vector<1x1x16xf32> to vector<16xf32>
        %parallel_loop3A_924 = arith.constant 40 : i32
        %parallel_loop3A_925 = arith.addi %parallel_loop3A_924, %parallel_loop3A_677 : i32
        %parallel_loop3A_926 = arith.constant 0 : i32
        %parallel_loop3A_927 = arith.index_cast %parallel_loop3A_926 : i32 to index
        %parallel_loop3A_928 = arith.index_cast %parallel_loop3A_925 : i32 to index
        %parallel_loop3A_929 = arith.constant 96 : index
        %parallel_loop3A_930 = tpu.vector_load %arg8[%parallel_loop3A_927, %parallel_loop3A_928, %parallel_loop3A_929] {strides = array<i32>} : memref<2x120x128xf32, #tpu.memory_space<vmem>>, vector<1x1x16xf32>,
        %parallel_loop3A_931 = vector.shape_cast %parallel_loop3A_930 : vector<1x1x16xf32> to vector<16xf32>
        %parallel_loop3A_932 = arith.addf %parallel_loop3A_923, %parallel_loop3A_931 : vector<16xf32>
        %parallel_loop3A_933 = arith.constant 80 : i32
        %parallel_loop3A_934 = arith.addi %parallel_loop3A_933, %parallel_loop3A_677 : i32
        %parallel_loop3A_935 = arith.constant 0 : i32
        %parallel_loop3A_936 = arith.index_cast %parallel_loop3A_935 : i32 to index
        %parallel_loop3A_937 = arith.index_cast %parallel_loop3A_934 : i32 to index
        %parallel_loop3A_938 = arith.constant 96 : index
        %parallel_loop3A_939 = tpu.vector_load %arg8[%parallel_loop3A_936, %parallel_loop3A_937, %parallel_loop3A_938] {strides = array<i32>} : memref<2x120x128xf32, #tpu.memory_space<vmem>>, vector<1x1x16xf32>,
        %parallel_loop3A_940 = vector.shape_cast %parallel_loop3A_939 : vector<1x1x16xf32> to vector<16xf32>
        %parallel_loop3A_941 = arith.constant 0.000000e+00 : f32
        %parallel_loop3A_942 = vector.broadcast %parallel_loop3A_941 : f32 to vector<16xf32>
        %parallel_loop3A_943 = arith.subf %parallel_loop3A_942, %parallel_loop3A_932 : vector<16xf32>
        %parallel_loop3A_944 = math.exp %parallel_loop3A_943 : vector<16xf32>
        %parallel_loop3A_945 = arith.constant 1.000000e+00 : f32
        %parallel_loop3A_946 = vector.broadcast %parallel_loop3A_945 : f32 to vector<16xf32>
        %parallel_loop3A_947 = arith.addf %parallel_loop3A_946, %parallel_loop3A_944 : vector<16xf32>
        %parallel_loop3A_948 = arith.divf %parallel_loop3A_940, %parallel_loop3A_947 : vector<16xf32>
        %parallel_loop3A_949 = arith.constant 80 : i32
        %parallel_loop3A_950 = arith.addi %parallel_loop3A_949, %parallel_loop3A_677 : i32
        %parallel_loop3A_951 = arith.constant 0 : i32
        %parallel_loop3A_952 = arith.index_cast %parallel_loop3A_951 : i32 to index
        %parallel_loop3A_953 = arith.index_cast %parallel_loop3A_950 : i32 to index
        %parallel_loop3A_954 = arith.constant 96 : index
        %parallel_loop3A_955 = tpu.vector_load %arg8[%parallel_loop3A_952, %parallel_loop3A_953, %parallel_loop3A_954] {strides = array<i32>} : memref<2x120x128xf32, #tpu.memory_space<vmem>>, vector<1x1x16xf32>,
        %parallel_loop3A_956 = vector.shape_cast %parallel_loop3A_955 : vector<1x1x16xf32> to vector<16xf32>
        %parallel_loop3A_957 = vector.shape_cast %parallel_loop3A_948 : vector<16xf32> to vector<1x1x16xf32>
        tpu.vector_store %arg8[%parallel_loop3A_952, %parallel_loop3A_953, %parallel_loop3A_954], %parallel_loop3A_957 {strides = array<i32>} : memref<2x120x128xf32, #tpu.memory_space<vmem>>, vector<1x1x16xf32>,
        %parallel_loop3A_958 = arith.constant 0 : i32
        %parallel_loop3A_959 = arith.index_cast %parallel_loop3A_958 : i32 to index
        %parallel_loop3A_960 = arith.index_cast %parallel_loop3A_677 : i32 to index
        %parallel_loop3A_961 = arith.constant 112 : index
        %parallel_loop3A_962 = tpu.vector_load %arg8[%parallel_loop3A_959, %parallel_loop3A_960, %parallel_loop3A_961] {strides = array<i32>} : memref<2x120x128xf32, #tpu.memory_space<vmem>>, vector<1x1x16xf32>,
        %parallel_loop3A_963 = vector.shape_cast %parallel_loop3A_962 : vector<1x1x16xf32> to vector<16xf32>
        %parallel_loop3A_964 = arith.constant 40 : i32
        %parallel_loop3A_965 = arith.addi %parallel_loop3A_964, %parallel_loop3A_677 : i32
        %parallel_loop3A_966 = arith.constant 0 : i32
        %parallel_loop3A_967 = arith.index_cast %parallel_loop3A_966 : i32 to index
        %parallel_loop3A_968 = arith.index_cast %parallel_loop3A_965 : i32 to index
        %parallel_loop3A_969 = arith.constant 112 : index
        %parallel_loop3A_970 = tpu.vector_load %arg8[%parallel_loop3A_967, %parallel_loop3A_968, %parallel_loop3A_969] {strides = array<i32>} : memref<2x120x128xf32, #tpu.memory_space<vmem>>, vector<1x1x16xf32>,
        %parallel_loop3A_971 = vector.shape_cast %parallel_loop3A_970 : vector<1x1x16xf32> to vector<16xf32>
        %parallel_loop3A_972 = arith.addf %parallel_loop3A_963, %parallel_loop3A_971 : vector<16xf32>
        %parallel_loop3A_973 = arith.constant 80 : i32
        %parallel_loop3A_974 = arith.addi %parallel_loop3A_973, %parallel_loop3A_677 : i32
        %parallel_loop3A_975 = arith.constant 0 : i32
        %parallel_loop3A_976 = arith.index_cast %parallel_loop3A_975 : i32 to index
        %parallel_loop3A_977 = arith.index_cast %parallel_loop3A_974 : i32 to index
        %parallel_loop3A_978 = arith.constant 112 : index
        %parallel_loop3A_979 = tpu.vector_load %arg8[%parallel_loop3A_976, %parallel_loop3A_977, %parallel_loop3A_978] {strides = array<i32>} : memref<2x120x128xf32, #tpu.memory_space<vmem>>, vector<1x1x16xf32>,
        %parallel_loop3A_980 = vector.shape_cast %parallel_loop3A_979 : vector<1x1x16xf32> to vector<16xf32>
        %parallel_loop3A_981 = arith.constant 0.000000e+00 : f32
        %parallel_loop3A_982 = vector.broadcast %parallel_loop3A_981 : f32 to vector<16xf32>
        %parallel_loop3A_983 = arith.subf %parallel_loop3A_982, %parallel_loop3A_972 : vector<16xf32>
        %parallel_loop3A_984 = math.exp %parallel_loop3A_983 : vector<16xf32>
        %parallel_loop3A_985 = arith.constant 1.000000e+00 : f32
        %parallel_loop3A_986 = vector.broadcast %parallel_loop3A_985 : f32 to vector<16xf32>
        %parallel_loop3A_987 = arith.addf %parallel_loop3A_986, %parallel_loop3A_984 : vector<16xf32>
        %parallel_loop3A_988 = arith.divf %parallel_loop3A_980, %parallel_loop3A_987 : vector<16xf32>
        %parallel_loop3A_989 = arith.constant 80 : i32
        %parallel_loop3A_990 = arith.addi %parallel_loop3A_989, %parallel_loop3A_677 : i32
        %parallel_loop3A_991 = arith.constant 0 : i32
        %parallel_loop3A_992 = arith.index_cast %parallel_loop3A_991 : i32 to index
        %parallel_loop3A_993 = arith.index_cast %parallel_loop3A_990 : i32 to index
        %parallel_loop3A_994 = arith.constant 112 : index
        %parallel_loop3A_995 = tpu.vector_load %arg8[%parallel_loop3A_992, %parallel_loop3A_993, %parallel_loop3A_994] {strides = array<i32>} : memref<2x120x128xf32, #tpu.memory_space<vmem>>, vector<1x1x16xf32>,
        %parallel_loop3A_996 = vector.shape_cast %parallel_loop3A_995 : vector<1x1x16xf32> to vector<16xf32>
        %parallel_loop3A_997 = vector.shape_cast %parallel_loop3A_988 : vector<16xf32> to vector<1x1x16xf32>
        tpu.vector_store %arg8[%parallel_loop3A_992, %parallel_loop3A_993, %parallel_loop3A_994], %parallel_loop3A_997 {strides = array<i32>} : memref<2x120x128xf32, #tpu.memory_space<vmem>>, vector<1x1x16xf32>,
      } {sc.loop_unroll_factor = 1 : i64, sc.parallel_access}
      %dma_start3A_302 = arith.constant 0 : i32
      %dma_start3A_303 = arith.constant 0 : i32
      %dma_start3A_304 = arith.constant 80 : i32
      %dma_start3A_305 = arith.constant 0 : i32
      %dma_start3A_306 = tpu.memref_slice %arg8[%dma_start3A_302, %dma_start3A_304, %dma_start3A_305] : memref<2x120x128xf32, #tpu.memory_space<vmem>> -> memref<1x40x128xf32, #tpu.memory_space<vmem>>
      %dma_start3A_307 = tpu.memref_squeeze %dma_start3A_306 : memref<1x40x128xf32, #tpu.memory_space<vmem>> -> memref<40x128xf32, #tpu.memory_space<vmem>>
      %dma_start3A_308 = arith.constant 0 : i32
      %dma_start3A_309 = tpu.memref_slice %arg7[%dma_start3A_303, %dma_start3A_308] : memref<4x40xi32, #tpu.memory_space<vmem>> -> memref<1x40xi32, #tpu.memory_space<vmem>>
      %dma_start3A_310 = tpu.memref_squeeze %dma_start3A_309 : memref<1x40xi32, #tpu.memory_space<vmem>> -> memref<40xi32, #tpu.memory_space<vmem>>
      %dma_start3A_311 = arith.constant 0 : i32
      %dma_start3A_312 = arith.constant 0 : i32
      %dma_start3A_313 = tpu.memref_slice %arg9[%dma_start3A_311, %dma_start3A_312] : memref<10000x128xf32, #tpu.memory_space<vmem_shared>> -> memref<10000x128xf32, #tpu.memory_space<vmem_shared>>
      tpu.enqueue_indirect_dma source(%dma_start3A_307 : memref<40x128xf32, #tpu.memory_space<vmem>>) target(%dma_start3A_313 : memref<10000x128xf32, #tpu.memory_space<vmem_shared>>) offsets(%dma_start3A_310 : memref<40xi32, #tpu.memory_space<vmem>>) semaphore(%arg12 : memref<!tpu.dma_semaphore, #tpu.memory_space<semaphore_mem>>) {add = true}
      %mul3A_314 = arith.constant 4 : i32
      %mul3A_315 = arith.muli %mul3A_314, %scan3A_203 : i32
      %add3A_316 = arith.constant 1 : i32
      %add3A_317 = arith.addi %mul3A_315, %add3A_316 : i32
      %dma_wait3A_318 = arith.constant 0 : i32
      %dma_wait3A_319 = arith.constant 80 : i32
      %dma_wait3A_320 = arith.constant 0 : i32
      %dma_wait3A_321 = tpu.memref_slice %arg8[%dma_wait3A_318, %dma_wait3A_319, %dma_wait3A_320] : memref<2x120x128xf32, #tpu.memory_space<vmem>> -> memref<1x40x128xf32, #tpu.memory_space<vmem>>
      %dma_wait3A_322 = tpu.memref_squeeze %dma_wait3A_321 : memref<1x40x128xf32, #tpu.memory_space<vmem>> -> memref<40x128xf32, #tpu.memory_space<vmem>>
      %dma_wait3A_323 = arith.constant 0 : i32
      %dma_wait3A_324 = arith.constant 0 : i32
      %dma_wait3A_325 = tpu.memref_slice %arg2[%dma_wait3A_323, %dma_wait3A_324] : memref<30000x128xf32, #tpu.memory_space<hbm>> -> memref<40x128xf32, #tpu.memory_space<hbm>>
      %dma_wait3A_326 = arith.constant 80 : i32
      %dma_wait3A_327 = arith.constant 0 : i32
      %dma_wait3A_328 = tpu.memref_slice %arg8[%dma_wait3A_318, %dma_wait3A_326, %dma_wait3A_327] : memref<2x120x128xf32, #tpu.memory_space<vmem>> -> memref<1x40x128xf32, #tpu.memory_space<vmem>>
      %dma_wait3A_329 = tpu.memref_squeeze %dma_wait3A_328 : memref<1x40x128xf32, #tpu.memory_space<vmem>> -> memref<40x128xf32, #tpu.memory_space<vmem>>
      %dma_wait3A_330 = arith.constant 0 : i32
      %dma_wait3A_331 = arith.constant 0 : i32
      %dma_wait3A_332 = tpu.memref_slice %arg2[%dma_wait3A_330, %dma_wait3A_331] : memref<30000x128xf32, #tpu.memory_space<hbm>> -> memref<40x128xf32, #tpu.memory_space<hbm>>
      tpu.wait_dma2 semaphore(%arg12 : memref<!tpu.dma_semaphore, #tpu.memory_space<semaphore_mem>>) src(%dma_wait3A_332 : memref<40x128xf32, #tpu.memory_space<hbm>>) dst(%dma_wait3A_329 : memref<40x128xf32, #tpu.memory_space<vmem>>)
      %dma_wait3A_333 = arith.constant 0 : i32
      %dma_wait3A_334 = arith.constant 0 : i32
      %dma_wait3A_335 = arith.constant 2 : i32
      %dma_wait3A_336 = arith.constant 0 : i32
      %dma_wait3A_337 = tpu.memref_slice %arg6[%dma_wait3A_335, %dma_wait3A_336] : memref<4x120xi32, #tpu.memory_space<vmem>> -> memref<1x120xi32, #tpu.memory_space<vmem>>
      %dma_wait3A_338 = tpu.memref_squeeze %dma_wait3A_337 : memref<1x120xi32, #tpu.memory_space<vmem>> -> memref<120xi32, #tpu.memory_space<vmem>>
      %dma_wait3A_339 = arith.constant 0 : i32
      %dma_wait3A_340 = tpu.memref_slice %arg3[%dma_wait3A_333, %dma_wait3A_334, %dma_wait3A_339] : memref<32x250x120xi32, #tpu.memory_space<hbm>> -> memref<1x1x120xi32, #tpu.memory_space<hbm>>
      %dma_wait3A_341 = tpu.memref_squeeze %dma_wait3A_340 : memref<1x1x120xi32, #tpu.memory_space<hbm>> -> memref<120xi32, #tpu.memory_space<hbm>>
      %dma_wait3A_342 = arith.constant 0 : i32
      %dma_wait3A_343 = tpu.memref_slice %arg6[%dma_wait3A_335, %dma_wait3A_342] : memref<4x120xi32, #tpu.memory_space<vmem>> -> memref<1x120xi32, #tpu.memory_space<vmem>>
      %dma_wait3A_344 = tpu.memref_squeeze %dma_wait3A_343 : memref<1x120xi32, #tpu.memory_space<vmem>> -> memref<120xi32, #tpu.memory_space<vmem>>
      %dma_wait3A_345 = arith.constant 0 : i32
      %dma_wait3A_346 = tpu.memref_slice %arg3[%dma_wait3A_333, %dma_wait3A_334, %dma_wait3A_345] : memref<32x250x120xi32, #tpu.memory_space<hbm>> -> memref<1x1x120xi32, #tpu.memory_space<hbm>>
      %dma_wait3A_347 = tpu.memref_squeeze %dma_wait3A_346 : memref<1x1x120xi32, #tpu.memory_space<hbm>> -> memref<120xi32, #tpu.memory_space<hbm>>
      tpu.wait_dma2 semaphore(%arg14 : memref<!tpu.dma_semaphore, #tpu.memory_space<semaphore_mem>>) src(%dma_wait3A_347 : memref<120xi32, #tpu.memory_space<hbm>>) dst(%dma_wait3A_344 : memref<120xi32, #tpu.memory_space<vmem>>)
      %dma_wait3A_348 = arith.constant 0 : i32
      %dma_wait3A_349 = arith.constant 0 : i32
      %dma_wait3A_350 = arith.constant 2 : i32
      %dma_wait3A_351 = arith.constant 0 : i32
      %dma_wait3A_352 = tpu.memref_slice %arg7[%dma_wait3A_350, %dma_wait3A_351] : memref<4x40xi32, #tpu.memory_space<vmem>> -> memref<1x40xi32, #tpu.memory_space<vmem>>
      %dma_wait3A_353 = tpu.memref_squeeze %dma_wait3A_352 : memref<1x40xi32, #tpu.memory_space<vmem>> -> memref<40xi32, #tpu.memory_space<vmem>>
      %dma_wait3A_354 = arith.constant 0 : i32
      %dma_wait3A_355 = tpu.memref_slice %arg3[%dma_wait3A_348, %dma_wait3A_349, %dma_wait3A_354] : memref<32x250x120xi32, #tpu.memory_space<hbm>> -> memref<1x1x40xi32, #tpu.memory_space<hbm>>
      %dma_wait3A_356 = tpu.memref_squeeze %dma_wait3A_355 : memref<1x1x40xi32, #tpu.memory_space<hbm>> -> memref<40xi32, #tpu.memory_space<hbm>>
      %dma_wait3A_357 = arith.constant 0 : i32
      %dma_wait3A_358 = tpu.memref_slice %arg7[%dma_wait3A_350, %dma_wait3A_357] : memref<4x40xi32, #tpu.memory_space<vmem>> -> memref<1x40xi32, #tpu.memory_space<vmem>>
      %dma_wait3A_359 = tpu.memref_squeeze %dma_wait3A_358 : memref<1x40xi32, #tpu.memory_space<vmem>> -> memref<40xi32, #tpu.memory_space<vmem>>
      %dma_wait3A_360 = arith.constant 0 : i32
      %dma_wait3A_361 = tpu.memref_slice %arg3[%dma_wait3A_348, %dma_wait3A_349, %dma_wait3A_360] : memref<32x250x120xi32, #tpu.memory_space<hbm>> -> memref<1x1x40xi32, #tpu.memory_space<hbm>>
      %dma_wait3A_362 = tpu.memref_squeeze %dma_wait3A_361 : memref<1x1x40xi32, #tpu.memory_space<hbm>> -> memref<40xi32, #tpu.memory_space<hbm>>
      tpu.wait_dma2 semaphore(%arg14 : memref<!tpu.dma_semaphore, #tpu.memory_space<semaphore_mem>>) src(%dma_wait3A_362 : memref<40xi32, #tpu.memory_space<hbm>>) dst(%dma_wait3A_359 : memref<40xi32, #tpu.memory_space<vmem>>)
      %add3A_363 = arith.constant 1 : i32
      %add3A_364 = arith.addi %add3A_317, %add3A_363 : i32
      %dma_start3A_365 = arith.constant 2 : i32
      %dma_start3A_366 = arith.constant 0 : i32
      %dma_start3A_367 = arith.constant 0 : i32
      %dma_start3A_368 = arith.constant 0 : i32
      %dma_start3A_369 = tpu.memref_slice %arg8[%dma_start3A_366, %dma_start3A_367, %dma_start3A_368] : memref<2x120x128xf32, #tpu.memory_space<vmem>> -> memref<1x120x128xf32, #tpu.memory_space<vmem>>
      %dma_start3A_370 = tpu.memref_squeeze %dma_start3A_369 : memref<1x120x128xf32, #tpu.memory_space<vmem>> -> memref<120x128xf32, #tpu.memory_space<vmem>>
      %dma_start3A_371 = arith.constant 0 : i32
      %dma_start3A_372 = tpu.memref_slice %arg6[%dma_start3A_365, %dma_start3A_371] : memref<4x120xi32, #tpu.memory_space<vmem>> -> memref<1x120xi32, #tpu.memory_space<vmem>>
      %dma_start3A_373 = tpu.memref_squeeze %dma_start3A_372 : memref<1x120xi32, #tpu.memory_space<vmem>> -> memref<120xi32, #tpu.memory_space<vmem>>
      %dma_start3A_374 = arith.constant 0 : i32
      %dma_start3A_375 = arith.constant 0 : i32
      %dma_start3A_376 = tpu.memref_slice %arg2[%dma_start3A_374, %dma_start3A_375] : memref<30000x128xf32, #tpu.memory_space<hbm>> -> memref<30000x128xf32, #tpu.memory_space<hbm>>
      tpu.enqueue_indirect_dma source(%dma_start3A_376 : memref<30000x128xf32, #tpu.memory_space<hbm>>) target(%dma_start3A_370 : memref<120x128xf32, #tpu.memory_space<vmem>>) offsets(%dma_start3A_373 : memref<120xi32, #tpu.memory_space<vmem>>) semaphore(%arg10 : memref<!tpu.dma_semaphore, #tpu.memory_space<semaphore_mem>>)
      %add3A_377 = arith.constant 2 : i32
      %add3A_378 = arith.addi %add3A_317, %add3A_377 : i32
      %dma_start3A_379 = arith.constant 3 : i32
      %dma_start3A_380 = arith.constant 0 : i32
      %dma_start3A_381 = tpu.memref_slice %arg6[%dma_start3A_379, %dma_start3A_380] : memref<4x120xi32, #tpu.memory_space<vmem>> -> memref<1x120xi32, #tpu.memory_space<vmem>>
      %dma_start3A_382 = tpu.memref_squeeze %dma_start3A_381 : memref<1x120xi32, #tpu.memory_space<vmem>> -> memref<120xi32, #tpu.memory_space<vmem>>
      %dma_start3A_383 = arith.constant 0 : i32
      %dma_start3A_384 = tpu.memref_slice %arg3[%add3A, %add3A_378, %dma_start3A_383] : memref<32x250x120xi32, #tpu.memory_space<hbm>> -> memref<1x1x120xi32, #tpu.memory_space<hbm>>
      %dma_start3A_385 = tpu.memref_squeeze %dma_start3A_384 : memref<1x1x120xi32, #tpu.memory_space<hbm>> -> memref<120xi32, #tpu.memory_space<hbm>>
      %dma_start3A_386 = arith.constant 0 : i32
      %dma_start3A_387 = tpu.memref_slice %arg6[%dma_start3A_379, %dma_start3A_386] : memref<4x120xi32, #tpu.memory_space<vmem>> -> memref<1x120xi32, #tpu.memory_space<vmem>>
      %dma_start3A_388 = tpu.memref_squeeze %dma_start3A_387 : memref<1x120xi32, #tpu.memory_space<vmem>> -> memref<120xi32, #tpu.memory_space<vmem>>
      %dma_start3A_389 = arith.constant 0 : i32
      %dma_start3A_390 = tpu.memref_slice %arg3[%add3A, %add3A_378, %dma_start3A_389] : memref<32x250x120xi32, #tpu.memory_space<hbm>> -> memref<1x1x120xi32, #tpu.memory_space<hbm>>
      %dma_start3A_391 = tpu.memref_squeeze %dma_start3A_390 : memref<1x1x120xi32, #tpu.memory_space<hbm>> -> memref<120xi32, #tpu.memory_space<hbm>>
      tpu.enqueue_dma source(%dma_start3A_391 : memref<120xi32, #tpu.memory_space<hbm>>) target(%dma_start3A_388 : memref<120xi32, #tpu.memory_space<vmem>>) target_semaphore(%arg14 : memref<!tpu.dma_semaphore, #tpu.memory_space<semaphore_mem>>)
      %dma_start3A_392 = arith.constant 3 : i32
      %dma_start3A_393 = arith.constant 0 : i32
      %dma_start3A_394 = tpu.memref_slice %arg7[%dma_start3A_392, %dma_start3A_393] : memref<4x40xi32, #tpu.memory_space<vmem>> -> memref<1x40xi32, #tpu.memory_space<vmem>>
      %dma_start3A_395 = tpu.memref_squeeze %dma_start3A_394 : memref<1x40xi32, #tpu.memory_space<vmem>> -> memref<40xi32, #tpu.memory_space<vmem>>
      %dma_start3A_396 = arith.constant 0 : i32
      %dma_start3A_397 = tpu.memref_slice %arg3[%add3A, %add3A_378, %dma_start3A_396] : memref<32x250x120xi32, #tpu.memory_space<hbm>> -> memref<1x1x40xi32, #tpu.memory_space<hbm>>
      %dma_start3A_398 = tpu.memref_squeeze %dma_start3A_397 : memref<1x1x40xi32, #tpu.memory_space<hbm>> -> memref<40xi32, #tpu.memory_space<hbm>>
      %dma_start3A_399 = arith.constant 0 : i32
      %dma_start3A_400 = tpu.memref_slice %arg7[%dma_start3A_392, %dma_start3A_399] : memref<4x40xi32, #tpu.memory_space<vmem>> -> memref<1x40xi32, #tpu.memory_space<vmem>>
      %dma_start3A_401 = tpu.memref_squeeze %dma_start3A_400 : memref<1x40xi32, #tpu.memory_space<vmem>> -> memref<40xi32, #tpu.memory_space<vmem>>
      %dma_start3A_402 = arith.constant 0 : i32
      %dma_start3A_403 = tpu.memref_slice %arg3[%add3A, %add3A_378, %dma_start3A_402] : memref<32x250x120xi32, #tpu.memory_space<hbm>> -> memref<1x1x40xi32, #tpu.memory_space<hbm>>
      %dma_start3A_404 = tpu.memref_squeeze %dma_start3A_403 : memref<1x1x40xi32, #tpu.memory_space<hbm>> -> memref<40xi32, #tpu.memory_space<hbm>>
      tpu.enqueue_dma source(%dma_start3A_404 : memref<40xi32, #tpu.memory_space<hbm>>) target(%dma_start3A_401 : memref<40xi32, #tpu.memory_space<vmem>>) target_semaphore(%arg14 : memref<!tpu.dma_semaphore, #tpu.memory_space<semaphore_mem>>)
      %dma_wait3A_405 = arith.constant 1 : i32
      %dma_wait3A_406 = arith.constant 0 : i32
      %dma_wait3A_407 = arith.constant 0 : i32
      %dma_wait3A_408 = tpu.memref_slice %arg8[%dma_wait3A_405, %dma_wait3A_406, %dma_wait3A_407] : memref<2x120x128xf32, #tpu.memory_space<vmem>> -> memref<1x120x128xf32, #tpu.memory_space<vmem>>
      %dma_wait3A_409 = tpu.memref_squeeze %dma_wait3A_408 : memref<1x120x128xf32, #tpu.memory_space<vmem>> -> memref<120x128xf32, #tpu.memory_space<vmem>>
      %dma_wait3A_410 = arith.constant 0 : i32
      %dma_wait3A_411 = arith.constant 0 : i32
      %dma_wait3A_412 = tpu.memref_slice %arg2[%dma_wait3A_410, %dma_wait3A_411] : memref<30000x128xf32, #tpu.memory_space<hbm>> -> memref<120x128xf32, #tpu.memory_space<hbm>>
      %dma_wait3A_413 = arith.constant 0 : i32
      %dma_wait3A_414 = arith.constant 0 : i32
      %dma_wait3A_415 = tpu.memref_slice %arg8[%dma_wait3A_405, %dma_wait3A_413, %dma_wait3A_414] : memref<2x120x128xf32, #tpu.memory_space<vmem>> -> memref<1x120x128xf32, #tpu.memory_space<vmem>>
      %dma_wait3A_416 = tpu.memref_squeeze %dma_wait3A_415 : memref<1x120x128xf32, #tpu.memory_space<vmem>> -> memref<120x128xf32, #tpu.memory_space<vmem>>
      %dma_wait3A_417 = arith.constant 0 : i32
      %dma_wait3A_418 = arith.constant 0 : i32
      %dma_wait3A_419 = tpu.memref_slice %arg2[%dma_wait3A_417, %dma_wait3A_418] : memref<30000x128xf32, #tpu.memory_space<hbm>> -> memref<120x128xf32, #tpu.memory_space<hbm>>
      tpu.wait_dma2 semaphore(%arg11 : memref<!tpu.dma_semaphore, #tpu.memory_space<semaphore_mem>>) src(%dma_wait3A_419 : memref<120x128xf32, #tpu.memory_space<hbm>>) dst(%dma_wait3A_416 : memref<120x128xf32, #tpu.memory_space<vmem>>)
      %parallel_loop3A_420 = arith.constant 0 : i32
      %parallel_loop3A_421 = arith.constant 40 : i32
      %parallel_loop3A_422 = arith.constant 1 : i32
      scf.for %parallel_loop3A_677 = %parallel_loop3A_420 to %parallel_loop3A_421 step %parallel_loop3A_422  : i32 {
        %parallel_loop3A_678 = arith.constant 1 : i32
        %parallel_loop3A_679 = arith.index_cast %parallel_loop3A_678 : i32 to index
        %parallel_loop3A_680 = arith.index_cast %parallel_loop3A_677 : i32 to index
        %parallel_loop3A_681 = arith.constant 0 : index
        %parallel_loop3A_682 = tpu.vector_load %arg8[%parallel_loop3A_679, %parallel_loop3A_680, %parallel_loop3A_681] {strides = array<i32>} : memref<2x120x128xf32, #tpu.memory_space<vmem>>, vector<1x1x16xf32>,
        %parallel_loop3A_683 = vector.shape_cast %parallel_loop3A_682 : vector<1x1x16xf32> to vector<16xf32>
        %parallel_loop3A_684 = arith.constant 40 : i32
        %parallel_loop3A_685 = arith.addi %parallel_loop3A_684, %parallel_loop3A_677 : i32
        %parallel_loop3A_686 = arith.constant 1 : i32
        %parallel_loop3A_687 = arith.index_cast %parallel_loop3A_686 : i32 to index
        %parallel_loop3A_688 = arith.index_cast %parallel_loop3A_685 : i32 to index
        %parallel_loop3A_689 = arith.constant 0 : index
        %parallel_loop3A_690 = tpu.vector_load %arg8[%parallel_loop3A_687, %parallel_loop3A_688, %parallel_loop3A_689] {strides = array<i32>} : memref<2x120x128xf32, #tpu.memory_space<vmem>>, vector<1x1x16xf32>,
        %parallel_loop3A_691 = vector.shape_cast %parallel_loop3A_690 : vector<1x1x16xf32> to vector<16xf32>
        %parallel_loop3A_692 = arith.addf %parallel_loop3A_683, %parallel_loop3A_691 : vector<16xf32>
        %parallel_loop3A_693 = arith.constant 80 : i32
        %parallel_loop3A_694 = arith.addi %parallel_loop3A_693, %parallel_loop3A_677 : i32
        %parallel_loop3A_695 = arith.constant 1 : i32
        %parallel_loop3A_696 = arith.index_cast %parallel_loop3A_695 : i32 to index
        %parallel_loop3A_697 = arith.index_cast %parallel_loop3A_694 : i32 to index
        %parallel_loop3A_698 = arith.constant 0 : index
        %parallel_loop3A_699 = tpu.vector_load %arg8[%parallel_loop3A_696, %parallel_loop3A_697, %parallel_loop3A_698] {strides = array<i32>} : memref<2x120x128xf32, #tpu.memory_space<vmem>>, vector<1x1x16xf32>,
        %parallel_loop3A_700 = vector.shape_cast %parallel_loop3A_699 : vector<1x1x16xf32> to vector<16xf32>
        %parallel_loop3A_701 = arith.constant 0.000000e+00 : f32
        %parallel_loop3A_702 = vector.broadcast %parallel_loop3A_701 : f32 to vector<16xf32>
        %parallel_loop3A_703 = arith.subf %parallel_loop3A_702, %parallel_loop3A_692 : vector<16xf32>
        %parallel_loop3A_704 = math.exp %parallel_loop3A_703 : vector<16xf32>
        %parallel_loop3A_705 = arith.constant 1.000000e+00 : f32
        %parallel_loop3A_706 = vector.broadcast %parallel_loop3A_705 : f32 to vector<16xf32>
        %parallel_loop3A_707 = arith.addf %parallel_loop3A_706, %parallel_loop3A_704 : vector<16xf32>
        %parallel_loop3A_708 = arith.divf %parallel_loop3A_700, %parallel_loop3A_707 : vector<16xf32>
        %parallel_loop3A_709 = arith.constant 80 : i32
        %parallel_loop3A_710 = arith.addi %parallel_loop3A_709, %parallel_loop3A_677 : i32
        %parallel_loop3A_711 = arith.constant 1 : i32
        %parallel_loop3A_712 = arith.index_cast %parallel_loop3A_711 : i32 to index
        %parallel_loop3A_713 = arith.index_cast %parallel_loop3A_710 : i32 to index
        %parallel_loop3A_714 = arith.constant 0 : index
        %parallel_loop3A_715 = tpu.vector_load %arg8[%parallel_loop3A_712, %parallel_loop3A_713, %parallel_loop3A_714] {strides = array<i32>} : memref<2x120x128xf32, #tpu.memory_space<vmem>>, vector<1x1x16xf32>,
        %parallel_loop3A_716 = vector.shape_cast %parallel_loop3A_715 : vector<1x1x16xf32> to vector<16xf32>
        %parallel_loop3A_717 = vector.shape_cast %parallel_loop3A_708 : vector<16xf32> to vector<1x1x16xf32>
        tpu.vector_store %arg8[%parallel_loop3A_712, %parallel_loop3A_713, %parallel_loop3A_714], %parallel_loop3A_717 {strides = array<i32>} : memref<2x120x128xf32, #tpu.memory_space<vmem>>, vector<1x1x16xf32>,
        %parallel_loop3A_718 = arith.constant 1 : i32
        %parallel_loop3A_719 = arith.index_cast %parallel_loop3A_718 : i32 to index
        %parallel_loop3A_720 = arith.index_cast %parallel_loop3A_677 : i32 to index
        %parallel_loop3A_721 = arith.constant 16 : index
        %parallel_loop3A_722 = tpu.vector_load %arg8[%parallel_loop3A_719, %parallel_loop3A_720, %parallel_loop3A_721] {strides = array<i32>} : memref<2x120x128xf32, #tpu.memory_space<vmem>>, vector<1x1x16xf32>,
        %parallel_loop3A_723 = vector.shape_cast %parallel_loop3A_722 : vector<1x1x16xf32> to vector<16xf32>
        %parallel_loop3A_724 = arith.constant 40 : i32
        %parallel_loop3A_725 = arith.addi %parallel_loop3A_724, %parallel_loop3A_677 : i32
        %parallel_loop3A_726 = arith.constant 1 : i32
        %parallel_loop3A_727 = arith.index_cast %parallel_loop3A_726 : i32 to index
        %parallel_loop3A_728 = arith.index_cast %parallel_loop3A_725 : i32 to index
        %parallel_loop3A_729 = arith.constant 16 : index
        %parallel_loop3A_730 = tpu.vector_load %arg8[%parallel_loop3A_727, %parallel_loop3A_728, %parallel_loop3A_729] {strides = array<i32>} : memref<2x120x128xf32, #tpu.memory_space<vmem>>, vector<1x1x16xf32>,
        %parallel_loop3A_731 = vector.shape_cast %parallel_loop3A_730 : vector<1x1x16xf32> to vector<16xf32>
        %parallel_loop3A_732 = arith.addf %parallel_loop3A_723, %parallel_loop3A_731 : vector<16xf32>
        %parallel_loop3A_733 = arith.constant 80 : i32
        %parallel_loop3A_734 = arith.addi %parallel_loop3A_733, %parallel_loop3A_677 : i32
        %parallel_loop3A_735 = arith.constant 1 : i32
        %parallel_loop3A_736 = arith.index_cast %parallel_loop3A_735 : i32 to index
        %parallel_loop3A_737 = arith.index_cast %parallel_loop3A_734 : i32 to index
        %parallel_loop3A_738 = arith.constant 16 : index
        %parallel_loop3A_739 = tpu.vector_load %arg8[%parallel_loop3A_736, %parallel_loop3A_737, %parallel_loop3A_738] {strides = array<i32>} : memref<2x120x128xf32, #tpu.memory_space<vmem>>, vector<1x1x16xf32>,
        %parallel_loop3A_740 = vector.shape_cast %parallel_loop3A_739 : vector<1x1x16xf32> to vector<16xf32>
        %parallel_loop3A_741 = arith.constant 0.000000e+00 : f32
        %parallel_loop3A_742 = vector.broadcast %parallel_loop3A_741 : f32 to vector<16xf32>
        %parallel_loop3A_743 = arith.subf %parallel_loop3A_742, %parallel_loop3A_732 : vector<16xf32>
        %parallel_loop3A_744 = math.exp %parallel_loop3A_743 : vector<16xf32>
        %parallel_loop3A_745 = arith.constant 1.000000e+00 : f32
        %parallel_loop3A_746 = vector.broadcast %parallel_loop3A_745 : f32 to vector<16xf32>
        %parallel_loop3A_747 = arith.addf %parallel_loop3A_746, %parallel_loop3A_744 : vector<16xf32>
        %parallel_loop3A_748 = arith.divf %parallel_loop3A_740, %parallel_loop3A_747 : vector<16xf32>
        %parallel_loop3A_749 = arith.constant 80 : i32
        %parallel_loop3A_750 = arith.addi %parallel_loop3A_749, %parallel_loop3A_677 : i32
        %parallel_loop3A_751 = arith.constant 1 : i32
        %parallel_loop3A_752 = arith.index_cast %parallel_loop3A_751 : i32 to index
        %parallel_loop3A_753 = arith.index_cast %parallel_loop3A_750 : i32 to index
        %parallel_loop3A_754 = arith.constant 16 : index
        %parallel_loop3A_755 = tpu.vector_load %arg8[%parallel_loop3A_752, %parallel_loop3A_753, %parallel_loop3A_754] {strides = array<i32>} : memref<2x120x128xf32, #tpu.memory_space<vmem>>, vector<1x1x16xf32>,
        %parallel_loop3A_756 = vector.shape_cast %parallel_loop3A_755 : vector<1x1x16xf32> to vector<16xf32>
        %parallel_loop3A_757 = vector.shape_cast %parallel_loop3A_748 : vector<16xf32> to vector<1x1x16xf32>
        tpu.vector_store %arg8[%parallel_loop3A_752, %parallel_loop3A_753, %parallel_loop3A_754], %parallel_loop3A_757 {strides = array<i32>} : memref<2x120x128xf32, #tpu.memory_space<vmem>>, vector<1x1x16xf32>,
        %parallel_loop3A_758 = arith.constant 1 : i32
        %parallel_loop3A_759 = arith.index_cast %parallel_loop3A_758 : i32 to index
        %parallel_loop3A_760 = arith.index_cast %parallel_loop3A_677 : i32 to index
        %parallel_loop3A_761 = arith.constant 32 : index
        %parallel_loop3A_762 = tpu.vector_load %arg8[%parallel_loop3A_759, %parallel_loop3A_760, %parallel_loop3A_761] {strides = array<i32>} : memref<2x120x128xf32, #tpu.memory_space<vmem>>, vector<1x1x16xf32>,
        %parallel_loop3A_763 = vector.shape_cast %parallel_loop3A_762 : vector<1x1x16xf32> to vector<16xf32>
        %parallel_loop3A_764 = arith.constant 40 : i32
        %parallel_loop3A_765 = arith.addi %parallel_loop3A_764, %parallel_loop3A_677 : i32
        %parallel_loop3A_766 = arith.constant 1 : i32
        %parallel_loop3A_767 = arith.index_cast %parallel_loop3A_766 : i32 to index
        %parallel_loop3A_768 = arith.index_cast %parallel_loop3A_765 : i32 to index
        %parallel_loop3A_769 = arith.constant 32 : index
        %parallel_loop3A_770 = tpu.vector_load %arg8[%parallel_loop3A_767, %parallel_loop3A_768, %parallel_loop3A_769] {strides = array<i32>} : memref<2x120x128xf32, #tpu.memory_space<vmem>>, vector<1x1x16xf32>,
        %parallel_loop3A_771 = vector.shape_cast %parallel_loop3A_770 : vector<1x1x16xf32> to vector<16xf32>
        %parallel_loop3A_772 = arith.addf %parallel_loop3A_763, %parallel_loop3A_771 : vector<16xf32>
        %parallel_loop3A_773 = arith.constant 80 : i32
        %parallel_loop3A_774 = arith.addi %parallel_loop3A_773, %parallel_loop3A_677 : i32
        %parallel_loop3A_775 = arith.constant 1 : i32
        %parallel_loop3A_776 = arith.index_cast %parallel_loop3A_775 : i32 to index
        %parallel_loop3A_777 = arith.index_cast %parallel_loop3A_774 : i32 to index
        %parallel_loop3A_778 = arith.constant 32 : index
        %parallel_loop3A_779 = tpu.vector_load %arg8[%parallel_loop3A_776, %parallel_loop3A_777, %parallel_loop3A_778] {strides = array<i32>} : memref<2x120x128xf32, #tpu.memory_space<vmem>>, vector<1x1x16xf32>,
        %parallel_loop3A_780 = vector.shape_cast %parallel_loop3A_779 : vector<1x1x16xf32> to vector<16xf32>
        %parallel_loop3A_781 = arith.constant 0.000000e+00 : f32
        %parallel_loop3A_782 = vector.broadcast %parallel_loop3A_781 : f32 to vector<16xf32>
        %parallel_loop3A_783 = arith.subf %parallel_loop3A_782, %parallel_loop3A_772 : vector<16xf32>
        %parallel_loop3A_784 = math.exp %parallel_loop3A_783 : vector<16xf32>
        %parallel_loop3A_785 = arith.constant 1.000000e+00 : f32
        %parallel_loop3A_786 = vector.broadcast %parallel_loop3A_785 : f32 to vector<16xf32>
        %parallel_loop3A_787 = arith.addf %parallel_loop3A_786, %parallel_loop3A_784 : vector<16xf32>
        %parallel_loop3A_788 = arith.divf %parallel_loop3A_780, %parallel_loop3A_787 : vector<16xf32>
        %parallel_loop3A_789 = arith.constant 80 : i32
        %parallel_loop3A_790 = arith.addi %parallel_loop3A_789, %parallel_loop3A_677 : i32
        %parallel_loop3A_791 = arith.constant 1 : i32
        %parallel_loop3A_792 = arith.index_cast %parallel_loop3A_791 : i32 to index
        %parallel_loop3A_793 = arith.index_cast %parallel_loop3A_790 : i32 to index
        %parallel_loop3A_794 = arith.constant 32 : index
        %parallel_loop3A_795 = tpu.vector_load %arg8[%parallel_loop3A_792, %parallel_loop3A_793, %parallel_loop3A_794] {strides = array<i32>} : memref<2x120x128xf32, #tpu.memory_space<vmem>>, vector<1x1x16xf32>,
        %parallel_loop3A_796 = vector.shape_cast %parallel_loop3A_795 : vector<1x1x16xf32> to vector<16xf32>
        %parallel_loop3A_797 = vector.shape_cast %parallel_loop3A_788 : vector<16xf32> to vector<1x1x16xf32>
        tpu.vector_store %arg8[%parallel_loop3A_792, %parallel_loop3A_793, %parallel_loop3A_794], %parallel_loop3A_797 {strides = array<i32>} : memref<2x120x128xf32, #tpu.memory_space<vmem>>, vector<1x1x16xf32>,
        %parallel_loop3A_798 = arith.constant 1 : i32
        %parallel_loop3A_799 = arith.index_cast %parallel_loop3A_798 : i32 to index
        %parallel_loop3A_800 = arith.index_cast %parallel_loop3A_677 : i32 to index
        %parallel_loop3A_801 = arith.constant 48 : index
        %parallel_loop3A_802 = tpu.vector_load %arg8[%parallel_loop3A_799, %parallel_loop3A_800, %parallel_loop3A_801] {strides = array<i32>} : memref<2x120x128xf32, #tpu.memory_space<vmem>>, vector<1x1x16xf32>,
        %parallel_loop3A_803 = vector.shape_cast %parallel_loop3A_802 : vector<1x1x16xf32> to vector<16xf32>
        %parallel_loop3A_804 = arith.constant 40 : i32
        %parallel_loop3A_805 = arith.addi %parallel_loop3A_804, %parallel_loop3A_677 : i32
        %parallel_loop3A_806 = arith.constant 1 : i32
        %parallel_loop3A_807 = arith.index_cast %parallel_loop3A_806 : i32 to index
        %parallel_loop3A_808 = arith.index_cast %parallel_loop3A_805 : i32 to index
        %parallel_loop3A_809 = arith.constant 48 : index
        %parallel_loop3A_810 = tpu.vector_load %arg8[%parallel_loop3A_807, %parallel_loop3A_808, %parallel_loop3A_809] {strides = array<i32>} : memref<2x120x128xf32, #tpu.memory_space<vmem>>, vector<1x1x16xf32>,
        %parallel_loop3A_811 = vector.shape_cast %parallel_loop3A_810 : vector<1x1x16xf32> to vector<16xf32>
        %parallel_loop3A_812 = arith.addf %parallel_loop3A_803, %parallel_loop3A_811 : vector<16xf32>
        %parallel_loop3A_813 = arith.constant 80 : i32
        %parallel_loop3A_814 = arith.addi %parallel_loop3A_813, %parallel_loop3A_677 : i32
        %parallel_loop3A_815 = arith.constant 1 : i32
        %parallel_loop3A_816 = arith.index_cast %parallel_loop3A_815 : i32 to index
        %parallel_loop3A_817 = arith.index_cast %parallel_loop3A_814 : i32 to index
        %parallel_loop3A_818 = arith.constant 48 : index
        %parallel_loop3A_819 = tpu.vector_load %arg8[%parallel_loop3A_816, %parallel_loop3A_817, %parallel_loop3A_818] {strides = array<i32>} : memref<2x120x128xf32, #tpu.memory_space<vmem>>, vector<1x1x16xf32>,
        %parallel_loop3A_820 = vector.shape_cast %parallel_loop3A_819 : vector<1x1x16xf32> to vector<16xf32>
        %parallel_loop3A_821 = arith.constant 0.000000e+00 : f32
        %parallel_loop3A_822 = vector.broadcast %parallel_loop3A_821 : f32 to vector<16xf32>
        %parallel_loop3A_823 = arith.subf %parallel_loop3A_822, %parallel_loop3A_812 : vector<16xf32>
        %parallel_loop3A_824 = math.exp %parallel_loop3A_823 : vector<16xf32>
        %parallel_loop3A_825 = arith.constant 1.000000e+00 : f32
        %parallel_loop3A_826 = vector.broadcast %parallel_loop3A_825 : f32 to vector<16xf32>
        %parallel_loop3A_827 = arith.addf %parallel_loop3A_826, %parallel_loop3A_824 : vector<16xf32>
        %parallel_loop3A_828 = arith.divf %parallel_loop3A_820, %parallel_loop3A_827 : vector<16xf32>
        %parallel_loop3A_829 = arith.constant 80 : i32
        %parallel_loop3A_830 = arith.addi %parallel_loop3A_829, %parallel_loop3A_677 : i32
        %parallel_loop3A_831 = arith.constant 1 : i32
        %parallel_loop3A_832 = arith.index_cast %parallel_loop3A_831 : i32 to index
        %parallel_loop3A_833 = arith.index_cast %parallel_loop3A_830 : i32 to index
        %parallel_loop3A_834 = arith.constant 48 : index
        %parallel_loop3A_835 = tpu.vector_load %arg8[%parallel_loop3A_832, %parallel_loop3A_833, %parallel_loop3A_834] {strides = array<i32>} : memref<2x120x128xf32, #tpu.memory_space<vmem>>, vector<1x1x16xf32>,
        %parallel_loop3A_836 = vector.shape_cast %parallel_loop3A_835 : vector<1x1x16xf32> to vector<16xf32>
        %parallel_loop3A_837 = vector.shape_cast %parallel_loop3A_828 : vector<16xf32> to vector<1x1x16xf32>
        tpu.vector_store %arg8[%parallel_loop3A_832, %parallel_loop3A_833, %parallel_loop3A_834], %parallel_loop3A_837 {strides = array<i32>} : memref<2x120x128xf32, #tpu.memory_space<vmem>>, vector<1x1x16xf32>,
        %parallel_loop3A_838 = arith.constant 1 : i32
        %parallel_loop3A_839 = arith.index_cast %parallel_loop3A_838 : i32 to index
        %parallel_loop3A_840 = arith.index_cast %parallel_loop3A_677 : i32 to index
        %parallel_loop3A_841 = arith.constant 64 : index
        %parallel_loop3A_842 = tpu.vector_load %arg8[%parallel_loop3A_839, %parallel_loop3A_840, %parallel_loop3A_841] {strides = array<i32>} : memref<2x120x128xf32, #tpu.memory_space<vmem>>, vector<1x1x16xf32>,
        %parallel_loop3A_843 = vector.shape_cast %parallel_loop3A_842 : vector<1x1x16xf32> to vector<16xf32>
        %parallel_loop3A_844 = arith.constant 40 : i32
        %parallel_loop3A_845 = arith.addi %parallel_loop3A_844, %parallel_loop3A_677 : i32
        %parallel_loop3A_846 = arith.constant 1 : i32
        %parallel_loop3A_847 = arith.index_cast %parallel_loop3A_846 : i32 to index
        %parallel_loop3A_848 = arith.index_cast %parallel_loop3A_845 : i32 to index
        %parallel_loop3A_849 = arith.constant 64 : index
        %parallel_loop3A_850 = tpu.vector_load %arg8[%parallel_loop3A_847, %parallel_loop3A_848, %parallel_loop3A_849] {strides = array<i32>} : memref<2x120x128xf32, #tpu.memory_space<vmem>>, vector<1x1x16xf32>,
        %parallel_loop3A_851 = vector.shape_cast %parallel_loop3A_850 : vector<1x1x16xf32> to vector<16xf32>
        %parallel_loop3A_852 = arith.addf %parallel_loop3A_843, %parallel_loop3A_851 : vector<16xf32>
        %parallel_loop3A_853 = arith.constant 80 : i32
        %parallel_loop3A_854 = arith.addi %parallel_loop3A_853, %parallel_loop3A_677 : i32
        %parallel_loop3A_855 = arith.constant 1 : i32
        %parallel_loop3A_856 = arith.index_cast %parallel_loop3A_855 : i32 to index
        %parallel_loop3A_857 = arith.index_cast %parallel_loop3A_854 : i32 to index
        %parallel_loop3A_858 = arith.constant 64 : index
        %parallel_loop3A_859 = tpu.vector_load %arg8[%parallel_loop3A_856, %parallel_loop3A_857, %parallel_loop3A_858] {strides = array<i32>} : memref<2x120x128xf32, #tpu.memory_space<vmem>>, vector<1x1x16xf32>,
        %parallel_loop3A_860 = vector.shape_cast %parallel_loop3A_859 : vector<1x1x16xf32> to vector<16xf32>
        %parallel_loop3A_861 = arith.constant 0.000000e+00 : f32
        %parallel_loop3A_862 = vector.broadcast %parallel_loop3A_861 : f32 to vector<16xf32>
        %parallel_loop3A_863 = arith.subf %parallel_loop3A_862, %parallel_loop3A_852 : vector<16xf32>
        %parallel_loop3A_864 = math.exp %parallel_loop3A_863 : vector<16xf32>
        %parallel_loop3A_865 = arith.constant 1.000000e+00 : f32
        %parallel_loop3A_866 = vector.broadcast %parallel_loop3A_865 : f32 to vector<16xf32>
        %parallel_loop3A_867 = arith.addf %parallel_loop3A_866, %parallel_loop3A_864 : vector<16xf32>
        %parallel_loop3A_868 = arith.divf %parallel_loop3A_860, %parallel_loop3A_867 : vector<16xf32>
        %parallel_loop3A_869 = arith.constant 80 : i32
        %parallel_loop3A_870 = arith.addi %parallel_loop3A_869, %parallel_loop3A_677 : i32
        %parallel_loop3A_871 = arith.constant 1 : i32
        %parallel_loop3A_872 = arith.index_cast %parallel_loop3A_871 : i32 to index
        %parallel_loop3A_873 = arith.index_cast %parallel_loop3A_870 : i32 to index
        %parallel_loop3A_874 = arith.constant 64 : index
        %parallel_loop3A_875 = tpu.vector_load %arg8[%parallel_loop3A_872, %parallel_loop3A_873, %parallel_loop3A_874] {strides = array<i32>} : memref<2x120x128xf32, #tpu.memory_space<vmem>>, vector<1x1x16xf32>,
        %parallel_loop3A_876 = vector.shape_cast %parallel_loop3A_875 : vector<1x1x16xf32> to vector<16xf32>
        %parallel_loop3A_877 = vector.shape_cast %parallel_loop3A_868 : vector<16xf32> to vector<1x1x16xf32>
        tpu.vector_store %arg8[%parallel_loop3A_872, %parallel_loop3A_873, %parallel_loop3A_874], %parallel_loop3A_877 {strides = array<i32>} : memref<2x120x128xf32, #tpu.memory_space<vmem>>, vector<1x1x16xf32>,
        %parallel_loop3A_878 = arith.constant 1 : i32
        %parallel_loop3A_879 = arith.index_cast %parallel_loop3A_878 : i32 to index
        %parallel_loop3A_880 = arith.index_cast %parallel_loop3A_677 : i32 to index
        %parallel_loop3A_881 = arith.constant 80 : index
        %parallel_loop3A_882 = tpu.vector_load %arg8[%parallel_loop3A_879, %parallel_loop3A_880, %parallel_loop3A_881] {strides = array<i32>} : memref<2x120x128xf32, #tpu.memory_space<vmem>>, vector<1x1x16xf32>,
        %parallel_loop3A_883 = vector.shape_cast %parallel_loop3A_882 : vector<1x1x16xf32> to vector<16xf32>
        %parallel_loop3A_884 = arith.constant 40 : i32
        %parallel_loop3A_885 = arith.addi %parallel_loop3A_884, %parallel_loop3A_677 : i32
        %parallel_loop3A_886 = arith.constant 1 : i32
        %parallel_loop3A_887 = arith.index_cast %parallel_loop3A_886 : i32 to index
        %parallel_loop3A_888 = arith.index_cast %parallel_loop3A_885 : i32 to index
        %parallel_loop3A_889 = arith.constant 80 : index
        %parallel_loop3A_890 = tpu.vector_load %arg8[%parallel_loop3A_887, %parallel_loop3A_888, %parallel_loop3A_889] {strides = array<i32>} : memref<2x120x128xf32, #tpu.memory_space<vmem>>, vector<1x1x16xf32>,
        %parallel_loop3A_891 = vector.shape_cast %parallel_loop3A_890 : vector<1x1x16xf32> to vector<16xf32>
        %parallel_loop3A_892 = arith.addf %parallel_loop3A_883, %parallel_loop3A_891 : vector<16xf32>
        %parallel_loop3A_893 = arith.constant 80 : i32
        %parallel_loop3A_894 = arith.addi %parallel_loop3A_893, %parallel_loop3A_677 : i32
        %parallel_loop3A_895 = arith.constant 1 : i32
        %parallel_loop3A_896 = arith.index_cast %parallel_loop3A_895 : i32 to index
        %parallel_loop3A_897 = arith.index_cast %parallel_loop3A_894 : i32 to index
        %parallel_loop3A_898 = arith.constant 80 : index
        %parallel_loop3A_899 = tpu.vector_load %arg8[%parallel_loop3A_896, %parallel_loop3A_897, %parallel_loop3A_898] {strides = array<i32>} : memref<2x120x128xf32, #tpu.memory_space<vmem>>, vector<1x1x16xf32>,
        %parallel_loop3A_900 = vector.shape_cast %parallel_loop3A_899 : vector<1x1x16xf32> to vector<16xf32>
        %parallel_loop3A_901 = arith.constant 0.000000e+00 : f32
        %parallel_loop3A_902 = vector.broadcast %parallel_loop3A_901 : f32 to vector<16xf32>
        %parallel_loop3A_903 = arith.subf %parallel_loop3A_902, %parallel_loop3A_892 : vector<16xf32>
        %parallel_loop3A_904 = math.exp %parallel_loop3A_903 : vector<16xf32>
        %parallel_loop3A_905 = arith.constant 1.000000e+00 : f32
        %parallel_loop3A_906 = vector.broadcast %parallel_loop3A_905 : f32 to vector<16xf32>
        %parallel_loop3A_907 = arith.addf %parallel_loop3A_906, %parallel_loop3A_904 : vector<16xf32>
        %parallel_loop3A_908 = arith.divf %parallel_loop3A_900, %parallel_loop3A_907 : vector<16xf32>
        %parallel_loop3A_909 = arith.constant 80 : i32
        %parallel_loop3A_910 = arith.addi %parallel_loop3A_909, %parallel_loop3A_677 : i32
        %parallel_loop3A_911 = arith.constant 1 : i32
        %parallel_loop3A_912 = arith.index_cast %parallel_loop3A_911 : i32 to index
        %parallel_loop3A_913 = arith.index_cast %parallel_loop3A_910 : i32 to index
        %parallel_loop3A_914 = arith.constant 80 : index
        %parallel_loop3A_915 = tpu.vector_load %arg8[%parallel_loop3A_912, %parallel_loop3A_913, %parallel_loop3A_914] {strides = array<i32>} : memref<2x120x128xf32, #tpu.memory_space<vmem>>, vector<1x1x16xf32>,
        %parallel_loop3A_916 = vector.shape_cast %parallel_loop3A_915 : vector<1x1x16xf32> to vector<16xf32>
        %parallel_loop3A_917 = vector.shape_cast %parallel_loop3A_908 : vector<16xf32> to vector<1x1x16xf32>
        tpu.vector_store %arg8[%parallel_loop3A_912, %parallel_loop3A_913, %parallel_loop3A_914], %parallel_loop3A_917 {strides = array<i32>} : memref<2x120x128xf32, #tpu.memory_space<vmem>>, vector<1x1x16xf32>,
        %parallel_loop3A_918 = arith.constant 1 : i32
        %parallel_loop3A_919 = arith.index_cast %parallel_loop3A_918 : i32 to index
        %parallel_loop3A_920 = arith.index_cast %parallel_loop3A_677 : i32 to index
        %parallel_loop3A_921 = arith.constant 96 : index
        %parallel_loop3A_922 = tpu.vector_load %arg8[%parallel_loop3A_919, %parallel_loop3A_920, %parallel_loop3A_921] {strides = array<i32>} : memref<2x120x128xf32, #tpu.memory_space<vmem>>, vector<1x1x16xf32>,
        %parallel_loop3A_923 = vector.shape_cast %parallel_loop3A_922 : vector<1x1x16xf32> to vector<16xf32>
        %parallel_loop3A_924 = arith.constant 40 : i32
        %parallel_loop3A_925 = arith.addi %parallel_loop3A_924, %parallel_loop3A_677 : i32
        %parallel_loop3A_926 = arith.constant 1 : i32
        %parallel_loop3A_927 = arith.index_cast %parallel_loop3A_926 : i32 to index
        %parallel_loop3A_928 = arith.index_cast %parallel_loop3A_925 : i32 to index
        %parallel_loop3A_929 = arith.constant 96 : index
        %parallel_loop3A_930 = tpu.vector_load %arg8[%parallel_loop3A_927, %parallel_loop3A_928, %parallel_loop3A_929] {strides = array<i32>} : memref<2x120x128xf32, #tpu.memory_space<vmem>>, vector<1x1x16xf32>,
        %parallel_loop3A_931 = vector.shape_cast %parallel_loop3A_930 : vector<1x1x16xf32> to vector<16xf32>
        %parallel_loop3A_932 = arith.addf %parallel_loop3A_923, %parallel_loop3A_931 : vector<16xf32>
        %parallel_loop3A_933 = arith.constant 80 : i32
        %parallel_loop3A_934 = arith.addi %parallel_loop3A_933, %parallel_loop3A_677 : i32
        %parallel_loop3A_935 = arith.constant 1 : i32
        %parallel_loop3A_936 = arith.index_cast %parallel_loop3A_935 : i32 to index
        %parallel_loop3A_937 = arith.index_cast %parallel_loop3A_934 : i32 to index
        %parallel_loop3A_938 = arith.constant 96 : index
        %parallel_loop3A_939 = tpu.vector_load %arg8[%parallel_loop3A_936, %parallel_loop3A_937, %parallel_loop3A_938] {strides = array<i32>} : memref<2x120x128xf32, #tpu.memory_space<vmem>>, vector<1x1x16xf32>,
        %parallel_loop3A_940 = vector.shape_cast %parallel_loop3A_939 : vector<1x1x16xf32> to vector<16xf32>
        %parallel_loop3A_941 = arith.constant 0.000000e+00 : f32
        %parallel_loop3A_942 = vector.broadcast %parallel_loop3A_941 : f32 to vector<16xf32>
        %parallel_loop3A_943 = arith.subf %parallel_loop3A_942, %parallel_loop3A_932 : vector<16xf32>
        %parallel_loop3A_944 = math.exp %parallel_loop3A_943 : vector<16xf32>
        %parallel_loop3A_945 = arith.constant 1.000000e+00 : f32
        %parallel_loop3A_946 = vector.broadcast %parallel_loop3A_945 : f32 to vector<16xf32>
        %parallel_loop3A_947 = arith.addf %parallel_loop3A_946, %parallel_loop3A_944 : vector<16xf32>
        %parallel_loop3A_948 = arith.divf %parallel_loop3A_940, %parallel_loop3A_947 : vector<16xf32>
        %parallel_loop3A_949 = arith.constant 80 : i32
        %parallel_loop3A_950 = arith.addi %parallel_loop3A_949, %parallel_loop3A_677 : i32
        %parallel_loop3A_951 = arith.constant 1 : i32
        %parallel_loop3A_952 = arith.index_cast %parallel_loop3A_951 : i32 to index
        %parallel_loop3A_953 = arith.index_cast %parallel_loop3A_950 : i32 to index
        %parallel_loop3A_954 = arith.constant 96 : index
        %parallel_loop3A_955 = tpu.vector_load %arg8[%parallel_loop3A_952, %parallel_loop3A_953, %parallel_loop3A_954] {strides = array<i32>} : memref<2x120x128xf32, #tpu.memory_space<vmem>>, vector<1x1x16xf32>,
        %parallel_loop3A_956 = vector.shape_cast %parallel_loop3A_955 : vector<1x1x16xf32> to vector<16xf32>
        %parallel_loop3A_957 = vector.shape_cast %parallel_loop3A_948 : vector<16xf32> to vector<1x1x16xf32>
        tpu.vector_store %arg8[%parallel_loop3A_952, %parallel_loop3A_953, %parallel_loop3A_954], %parallel_loop3A_957 {strides = array<i32>} : memref<2x120x128xf32, #tpu.memory_space<vmem>>, vector<1x1x16xf32>,
        %parallel_loop3A_958 = arith.constant 1 : i32
        %parallel_loop3A_959 = arith.index_cast %parallel_loop3A_958 : i32 to index
        %parallel_loop3A_960 = arith.index_cast %parallel_loop3A_677 : i32 to index
        %parallel_loop3A_961 = arith.constant 112 : index
        %parallel_loop3A_962 = tpu.vector_load %arg8[%parallel_loop3A_959, %parallel_loop3A_960, %parallel_loop3A_961] {strides = array<i32>} : memref<2x120x128xf32, #tpu.memory_space<vmem>>, vector<1x1x16xf32>,
        %parallel_loop3A_963 = vector.shape_cast %parallel_loop3A_962 : vector<1x1x16xf32> to vector<16xf32>
        %parallel_loop3A_964 = arith.constant 40 : i32
        %parallel_loop3A_965 = arith.addi %parallel_loop3A_964, %parallel_loop3A_677 : i32
        %parallel_loop3A_966 = arith.constant 1 : i32
        %parallel_loop3A_967 = arith.index_cast %parallel_loop3A_966 : i32 to index
        %parallel_loop3A_968 = arith.index_cast %parallel_loop3A_965 : i32 to index
        %parallel_loop3A_969 = arith.constant 112 : index
        %parallel_loop3A_970 = tpu.vector_load %arg8[%parallel_loop3A_967, %parallel_loop3A_968, %parallel_loop3A_969] {strides = array<i32>} : memref<2x120x128xf32, #tpu.memory_space<vmem>>, vector<1x1x16xf32>,
        %parallel_loop3A_971 = vector.shape_cast %parallel_loop3A_970 : vector<1x1x16xf32> to vector<16xf32>
        %parallel_loop3A_972 = arith.addf %parallel_loop3A_963, %parallel_loop3A_971 : vector<16xf32>
        %parallel_loop3A_973 = arith.constant 80 : i32
        %parallel_loop3A_974 = arith.addi %parallel_loop3A_973, %parallel_loop3A_677 : i32
        %parallel_loop3A_975 = arith.constant 1 : i32
        %parallel_loop3A_976 = arith.index_cast %parallel_loop3A_975 : i32 to index
        %parallel_loop3A_977 = arith.index_cast %parallel_loop3A_974 : i32 to index
        %parallel_loop3A_978 = arith.constant 112 : index
        %parallel_loop3A_979 = tpu.vector_load %arg8[%parallel_loop3A_976, %parallel_loop3A_977, %parallel_loop3A_978] {strides = array<i32>} : memref<2x120x128xf32, #tpu.memory_space<vmem>>, vector<1x1x16xf32>,
        %parallel_loop3A_980 = vector.shape_cast %parallel_loop3A_979 : vector<1x1x16xf32> to vector<16xf32>
        %parallel_loop3A_981 = arith.constant 0.000000e+00 : f32
        %parallel_loop3A_982 = vector.broadcast %parallel_loop3A_981 : f32 to vector<16xf32>
        %parallel_loop3A_983 = arith.subf %parallel_loop3A_982, %parallel_loop3A_972 : vector<16xf32>
        %parallel_loop3A_984 = math.exp %parallel_loop3A_983 : vector<16xf32>
        %parallel_loop3A_985 = arith.constant 1.000000e+00 : f32
        %parallel_loop3A_986 = vector.broadcast %parallel_loop3A_985 : f32 to vector<16xf32>
        %parallel_loop3A_987 = arith.addf %parallel_loop3A_986, %parallel_loop3A_984 : vector<16xf32>
        %parallel_loop3A_988 = arith.divf %parallel_loop3A_980, %parallel_loop3A_987 : vector<16xf32>
        %parallel_loop3A_989 = arith.constant 80 : i32
        %parallel_loop3A_990 = arith.addi %parallel_loop3A_989, %parallel_loop3A_677 : i32
        %parallel_loop3A_991 = arith.constant 1 : i32
        %parallel_loop3A_992 = arith.index_cast %parallel_loop3A_991 : i32 to index
        %parallel_loop3A_993 = arith.index_cast %parallel_loop3A_990 : i32 to index
        %parallel_loop3A_994 = arith.constant 112 : index
        %parallel_loop3A_995 = tpu.vector_load %arg8[%parallel_loop3A_992, %parallel_loop3A_993, %parallel_loop3A_994] {strides = array<i32>} : memref<2x120x128xf32, #tpu.memory_space<vmem>>, vector<1x1x16xf32>,
        %parallel_loop3A_996 = vector.shape_cast %parallel_loop3A_995 : vector<1x1x16xf32> to vector<16xf32>
        %parallel_loop3A_997 = vector.shape_cast %parallel_loop3A_988 : vector<16xf32> to vector<1x1x16xf32>
        tpu.vector_store %arg8[%parallel_loop3A_992, %parallel_loop3A_993, %parallel_loop3A_994], %parallel_loop3A_997 {strides = array<i32>} : memref<2x120x128xf32, #tpu.memory_space<vmem>>, vector<1x1x16xf32>,
      } {sc.loop_unroll_factor = 1 : i64, sc.parallel_access}
      %dma_start3A_423 = arith.constant 1 : i32
      %dma_start3A_424 = arith.constant 1 : i32
      %dma_start3A_425 = arith.constant 80 : i32
      %dma_start3A_426 = arith.constant 0 : i32
      %dma_start3A_427 = tpu.memref_slice %arg8[%dma_start3A_423, %dma_start3A_425, %dma_start3A_426] : memref<2x120x128xf32, #tpu.memory_space<vmem>> -> memref<1x40x128xf32, #tpu.memory_space<vmem>>
      %dma_start3A_428 = tpu.memref_squeeze %dma_start3A_427 : memref<1x40x128xf32, #tpu.memory_space<vmem>> -> memref<40x128xf32, #tpu.memory_space<vmem>>
      %dma_start3A_429 = arith.constant 0 : i32
      %dma_start3A_430 = tpu.memref_slice %arg7[%dma_start3A_424, %dma_start3A_429] : memref<4x40xi32, #tpu.memory_space<vmem>> -> memref<1x40xi32, #tpu.memory_space<vmem>>
      %dma_start3A_431 = tpu.memref_squeeze %dma_start3A_430 : memref<1x40xi32, #tpu.memory_space<vmem>> -> memref<40xi32, #tpu.memory_space<vmem>>
      %dma_start3A_432 = arith.constant 0 : i32
      %dma_start3A_433 = arith.constant 0 : i32
      %dma_start3A_434 = tpu.memref_slice %arg9[%dma_start3A_432, %dma_start3A_433] : memref<10000x128xf32, #tpu.memory_space<vmem_shared>> -> memref<10000x128xf32, #tpu.memory_space<vmem_shared>>
      tpu.enqueue_indirect_dma source(%dma_start3A_428 : memref<40x128xf32, #tpu.memory_space<vmem>>) target(%dma_start3A_434 : memref<10000x128xf32, #tpu.memory_space<vmem_shared>>) offsets(%dma_start3A_431 : memref<40xi32, #tpu.memory_space<vmem>>) semaphore(%arg13 : memref<!tpu.dma_semaphore, #tpu.memory_space<semaphore_mem>>) {add = true}
      %mul3A_435 = arith.constant 4 : i32
      %mul3A_436 = arith.muli %mul3A_435, %scan3A_203 : i32
      %add3A_437 = arith.constant 2 : i32
      %add3A_438 = arith.addi %mul3A_436, %add3A_437 : i32
      %dma_wait3A_439 = arith.constant 1 : i32
      %dma_wait3A_440 = arith.constant 80 : i32
      %dma_wait3A_441 = arith.constant 0 : i32
      %dma_wait3A_442 = tpu.memref_slice %arg8[%dma_wait3A_439, %dma_wait3A_440, %dma_wait3A_441] : memref<2x120x128xf32, #tpu.memory_space<vmem>> -> memref<1x40x128xf32, #tpu.memory_space<vmem>>
      %dma_wait3A_443 = tpu.memref_squeeze %dma_wait3A_442 : memref<1x40x128xf32, #tpu.memory_space<vmem>> -> memref<40x128xf32, #tpu.memory_space<vmem>>
      %dma_wait3A_444 = arith.constant 0 : i32
      %dma_wait3A_445 = arith.constant 0 : i32
      %dma_wait3A_446 = tpu.memref_slice %arg2[%dma_wait3A_444, %dma_wait3A_445] : memref<30000x128xf32, #tpu.memory_space<hbm>> -> memref<40x128xf32, #tpu.memory_space<hbm>>
      %dma_wait3A_447 = arith.constant 80 : i32
      %dma_wait3A_448 = arith.constant 0 : i32
      %dma_wait3A_449 = tpu.memref_slice %arg8[%dma_wait3A_439, %dma_wait3A_447, %dma_wait3A_448] : memref<2x120x128xf32, #tpu.memory_space<vmem>> -> memref<1x40x128xf32, #tpu.memory_space<vmem>>
      %dma_wait3A_450 = tpu.memref_squeeze %dma_wait3A_449 : memref<1x40x128xf32, #tpu.memory_space<vmem>> -> memref<40x128xf32, #tpu.memory_space<vmem>>
      %dma_wait3A_451 = arith.constant 0 : i32
      %dma_wait3A_452 = arith.constant 0 : i32
      %dma_wait3A_453 = tpu.memref_slice %arg2[%dma_wait3A_451, %dma_wait3A_452] : memref<30000x128xf32, #tpu.memory_space<hbm>> -> memref<40x128xf32, #tpu.memory_space<hbm>>
      tpu.wait_dma2 semaphore(%arg13 : memref<!tpu.dma_semaphore, #tpu.memory_space<semaphore_mem>>) src(%dma_wait3A_453 : memref<40x128xf32, #tpu.memory_space<hbm>>) dst(%dma_wait3A_450 : memref<40x128xf32, #tpu.memory_space<vmem>>)
      %dma_wait3A_454 = arith.constant 0 : i32
      %dma_wait3A_455 = arith.constant 0 : i32
      %dma_wait3A_456 = arith.constant 3 : i32
      %dma_wait3A_457 = arith.constant 0 : i32
      %dma_wait3A_458 = tpu.memref_slice %arg6[%dma_wait3A_456, %dma_wait3A_457] : memref<4x120xi32, #tpu.memory_space<vmem>> -> memref<1x120xi32, #tpu.memory_space<vmem>>
      %dma_wait3A_459 = tpu.memref_squeeze %dma_wait3A_458 : memref<1x120xi32, #tpu.memory_space<vmem>> -> memref<120xi32, #tpu.memory_space<vmem>>
      %dma_wait3A_460 = arith.constant 0 : i32
      %dma_wait3A_461 = tpu.memref_slice %arg3[%dma_wait3A_454, %dma_wait3A_455, %dma_wait3A_460] : memref<32x250x120xi32, #tpu.memory_space<hbm>> -> memref<1x1x120xi32, #tpu.memory_space<hbm>>
      %dma_wait3A_462 = tpu.memref_squeeze %dma_wait3A_461 : memref<1x1x120xi32, #tpu.memory_space<hbm>> -> memref<120xi32, #tpu.memory_space<hbm>>
      %dma_wait3A_463 = arith.constant 0 : i32
      %dma_wait3A_464 = tpu.memref_slice %arg6[%dma_wait3A_456, %dma_wait3A_463] : memref<4x120xi32, #tpu.memory_space<vmem>> -> memref<1x120xi32, #tpu.memory_space<vmem>>
      %dma_wait3A_465 = tpu.memref_squeeze %dma_wait3A_464 : memref<1x120xi32, #tpu.memory_space<vmem>> -> memref<120xi32, #tpu.memory_space<vmem>>
      %dma_wait3A_466 = arith.constant 0 : i32
      %dma_wait3A_467 = tpu.memref_slice %arg3[%dma_wait3A_454, %dma_wait3A_455, %dma_wait3A_466] : memref<32x250x120xi32, #tpu.memory_space<hbm>> -> memref<1x1x120xi32, #tpu.memory_space<hbm>>
      %dma_wait3A_468 = tpu.memref_squeeze %dma_wait3A_467 : memref<1x1x120xi32, #tpu.memory_space<hbm>> -> memref<120xi32, #tpu.memory_space<hbm>>
      tpu.wait_dma2 semaphore(%arg14 : memref<!tpu.dma_semaphore, #tpu.memory_space<semaphore_mem>>) src(%dma_wait3A_468 : memref<120xi32, #tpu.memory_space<hbm>>) dst(%dma_wait3A_465 : memref<120xi32, #tpu.memory_space<vmem>>)
      %dma_wait3A_469 = arith.constant 0 : i32
      %dma_wait3A_470 = arith.constant 0 : i32
      %dma_wait3A_471 = arith.constant 3 : i32
      %dma_wait3A_472 = arith.constant 0 : i32
      %dma_wait3A_473 = tpu.memref_slice %arg7[%dma_wait3A_471, %dma_wait3A_472] : memref<4x40xi32, #tpu.memory_space<vmem>> -> memref<1x40xi32, #tpu.memory_space<vmem>>
      %dma_wait3A_474 = tpu.memref_squeeze %dma_wait3A_473 : memref<1x40xi32, #tpu.memory_space<vmem>> -> memref<40xi32, #tpu.memory_space<vmem>>
      %dma_wait3A_475 = arith.constant 0 : i32
      %dma_wait3A_476 = tpu.memref_slice %arg3[%dma_wait3A_469, %dma_wait3A_470, %dma_wait3A_475] : memref<32x250x120xi32, #tpu.memory_space<hbm>> -> memref<1x1x40xi32, #tpu.memory_space<hbm>>
      %dma_wait3A_477 = tpu.memref_squeeze %dma_wait3A_476 : memref<1x1x40xi32, #tpu.memory_space<hbm>> -> memref<40xi32, #tpu.memory_space<hbm>>
      %dma_wait3A_478 = arith.constant 0 : i32
      %dma_wait3A_479 = tpu.memref_slice %arg7[%dma_wait3A_471, %dma_wait3A_478] : memref<4x40xi32, #tpu.memory_space<vmem>> -> memref<1x40xi32, #tpu.memory_space<vmem>>
      %dma_wait3A_480 = tpu.memref_squeeze %dma_wait3A_479 : memref<1x40xi32, #tpu.memory_space<vmem>> -> memref<40xi32, #tpu.memory_space<vmem>>
      %dma_wait3A_481 = arith.constant 0 : i32
      %dma_wait3A_482 = tpu.memref_slice %arg3[%dma_wait3A_469, %dma_wait3A_470, %dma_wait3A_481] : memref<32x250x120xi32, #tpu.memory_space<hbm>> -> memref<1x1x40xi32, #tpu.memory_space<hbm>>
      %dma_wait3A_483 = tpu.memref_squeeze %dma_wait3A_482 : memref<1x1x40xi32, #tpu.memory_space<hbm>> -> memref<40xi32, #tpu.memory_space<hbm>>
      tpu.wait_dma2 semaphore(%arg14 : memref<!tpu.dma_semaphore, #tpu.memory_space<semaphore_mem>>) src(%dma_wait3A_483 : memref<40xi32, #tpu.memory_space<hbm>>) dst(%dma_wait3A_480 : memref<40xi32, #tpu.memory_space<vmem>>)
      %add3A_484 = arith.constant 1 : i32
      %add3A_485 = arith.addi %add3A_438, %add3A_484 : i32
      %dma_start3A_486 = arith.constant 3 : i32
      %dma_start3A_487 = arith.constant 1 : i32
      %dma_start3A_488 = arith.constant 0 : i32
      %dma_start3A_489 = arith.constant 0 : i32
      %dma_start3A_490 = tpu.memref_slice %arg8[%dma_start3A_487, %dma_start3A_488, %dma_start3A_489] : memref<2x120x128xf32, #tpu.memory_space<vmem>> -> memref<1x120x128xf32, #tpu.memory_space<vmem>>
      %dma_start3A_491 = tpu.memref_squeeze %dma_start3A_490 : memref<1x120x128xf32, #tpu.memory_space<vmem>> -> memref<120x128xf32, #tpu.memory_space<vmem>>
      %dma_start3A_492 = arith.constant 0 : i32
      %dma_start3A_493 = tpu.memref_slice %arg6[%dma_start3A_486, %dma_start3A_492] : memref<4x120xi32, #tpu.memory_space<vmem>> -> memref<1x120xi32, #tpu.memory_space<vmem>>
      %dma_start3A_494 = tpu.memref_squeeze %dma_start3A_493 : memref<1x120xi32, #tpu.memory_space<vmem>> -> memref<120xi32, #tpu.memory_space<vmem>>
      %dma_start3A_495 = arith.constant 0 : i32
      %dma_start3A_496 = arith.constant 0 : i32
      %dma_start3A_497 = tpu.memref_slice %arg2[%dma_start3A_495, %dma_start3A_496] : memref<30000x128xf32, #tpu.memory_space<hbm>> -> memref<30000x128xf32, #tpu.memory_space<hbm>>
      tpu.enqueue_indirect_dma source(%dma_start3A_497 : memref<30000x128xf32, #tpu.memory_space<hbm>>) target(%dma_start3A_491 : memref<120x128xf32, #tpu.memory_space<vmem>>) offsets(%dma_start3A_494 : memref<120xi32, #tpu.memory_space<vmem>>) semaphore(%arg11 : memref<!tpu.dma_semaphore, #tpu.memory_space<semaphore_mem>>)
      %add3A_498 = arith.constant 2 : i32
      %add3A_499 = arith.addi %add3A_438, %add3A_498 : i32
      %dma_start3A_500 = arith.constant 0 : i32
      %dma_start3A_501 = arith.constant 0 : i32
      %dma_start3A_502 = tpu.memref_slice %arg6[%dma_start3A_500, %dma_start3A_501] : memref<4x120xi32, #tpu.memory_space<vmem>> -> memref<1x120xi32, #tpu.memory_space<vmem>>
      %dma_start3A_503 = tpu.memref_squeeze %dma_start3A_502 : memref<1x120xi32, #tpu.memory_space<vmem>> -> memref<120xi32, #tpu.memory_space<vmem>>
      %dma_start3A_504 = arith.constant 0 : i32
      %dma_start3A_505 = tpu.memref_slice %arg3[%add3A, %add3A_499, %dma_start3A_504] : memref<32x250x120xi32, #tpu.memory_space<hbm>> -> memref<1x1x120xi32, #tpu.memory_space<hbm>>
      %dma_start3A_506 = tpu.memref_squeeze %dma_start3A_505 : memref<1x1x120xi32, #tpu.memory_space<hbm>> -> memref<120xi32, #tpu.memory_space<hbm>>
      %dma_start3A_507 = arith.constant 0 : i32
      %dma_start3A_508 = tpu.memref_slice %arg6[%dma_start3A_500, %dma_start3A_507] : memref<4x120xi32, #tpu.memory_space<vmem>> -> memref<1x120xi32, #tpu.memory_space<vmem>>
      %dma_start3A_509 = tpu.memref_squeeze %dma_start3A_508 : memref<1x120xi32, #tpu.memory_space<vmem>> -> memref<120xi32, #tpu.memory_space<vmem>>
      %dma_start3A_510 = arith.constant 0 : i32
      %dma_start3A_511 = tpu.memref_slice %arg3[%add3A, %add3A_499, %dma_start3A_510] : memref<32x250x120xi32, #tpu.memory_space<hbm>> -> memref<1x1x120xi32, #tpu.memory_space<hbm>>
      %dma_start3A_512 = tpu.memref_squeeze %dma_start3A_511 : memref<1x1x120xi32, #tpu.memory_space<hbm>> -> memref<120xi32, #tpu.memory_space<hbm>>
      tpu.enqueue_dma source(%dma_start3A_512 : memref<120xi32, #tpu.memory_space<hbm>>) target(%dma_start3A_509 : memref<120xi32, #tpu.memory_space<vmem>>) target_semaphore(%arg14 : memref<!tpu.dma_semaphore, #tpu.memory_space<semaphore_mem>>)
      %dma_start3A_513 = arith.constant 0 : i32
      %dma_start3A_514 = arith.constant 0 : i32
      %dma_start3A_515 = tpu.memref_slice %arg7[%dma_start3A_513, %dma_start3A_514] : memref<4x40xi32, #tpu.memory_space<vmem>> -> memref<1x40xi32, #tpu.memory_space<vmem>>
      %dma_start3A_516 = tpu.memref_squeeze %dma_start3A_515 : memref<1x40xi32, #tpu.memory_space<vmem>> -> memref<40xi32, #tpu.memory_space<vmem>>
      %dma_start3A_517 = arith.constant 0 : i32
      %dma_start3A_518 = tpu.memref_slice %arg3[%add3A, %add3A_499, %dma_start3A_517] : memref<32x250x120xi32, #tpu.memory_space<hbm>> -> memref<1x1x40xi32, #tpu.memory_space<hbm>>
      %dma_start3A_519 = tpu.memref_squeeze %dma_start3A_518 : memref<1x1x40xi32, #tpu.memory_space<hbm>> -> memref<40xi32, #tpu.memory_space<hbm>>
      %dma_start3A_520 = arith.constant 0 : i32
      %dma_start3A_521 = tpu.memref_slice %arg7[%dma_start3A_513, %dma_start3A_520] : memref<4x40xi32, #tpu.memory_space<vmem>> -> memref<1x40xi32, #tpu.memory_space<vmem>>
      %dma_start3A_522 = tpu.memref_squeeze %dma_start3A_521 : memref<1x40xi32, #tpu.memory_space<vmem>> -> memref<40xi32, #tpu.memory_space<vmem>>
      %dma_start3A_523 = arith.constant 0 : i32
      %dma_start3A_524 = tpu.memref_slice %arg3[%add3A, %add3A_499, %dma_start3A_523] : memref<32x250x120xi32, #tpu.memory_space<hbm>> -> memref<1x1x40xi32, #tpu.memory_space<hbm>>
      %dma_start3A_525 = tpu.memref_squeeze %dma_start3A_524 : memref<1x1x40xi32, #tpu.memory_space<hbm>> -> memref<40xi32, #tpu.memory_space<hbm>>
      tpu.enqueue_dma source(%dma_start3A_525 : memref<40xi32, #tpu.memory_space<hbm>>) target(%dma_start3A_522 : memref<40xi32, #tpu.memory_space<vmem>>) target_semaphore(%arg14 : memref<!tpu.dma_semaphore, #tpu.memory_space<semaphore_mem>>)
      %dma_wait3A_526 = arith.constant 0 : i32
      %dma_wait3A_527 = arith.constant 0 : i32
      %dma_wait3A_528 = arith.constant 0 : i32
      %dma_wait3A_529 = tpu.memref_slice %arg8[%dma_wait3A_526, %dma_wait3A_527, %dma_wait3A_528] : memref<2x120x128xf32, #tpu.memory_space<vmem>> -> memref<1x120x128xf32, #tpu.memory_space<vmem>>
      %dma_wait3A_530 = tpu.memref_squeeze %dma_wait3A_529 : memref<1x120x128xf32, #tpu.memory_space<vmem>> -> memref<120x128xf32, #tpu.memory_space<vmem>>
      %dma_wait3A_531 = arith.constant 0 : i32
      %dma_wait3A_532 = arith.constant 0 : i32
      %dma_wait3A_533 = tpu.memref_slice %arg2[%dma_wait3A_531, %dma_wait3A_532] : memref<30000x128xf32, #tpu.memory_space<hbm>> -> memref<120x128xf32, #tpu.memory_space<hbm>>
      %dma_wait3A_534 = arith.constant 0 : i32
      %dma_wait3A_535 = arith.constant 0 : i32
      %dma_wait3A_536 = tpu.memref_slice %arg8[%dma_wait3A_526, %dma_wait3A_534, %dma_wait3A_535] : memref<2x120x128xf32, #tpu.memory_space<vmem>> -> memref<1x120x128xf32, #tpu.memory_space<vmem>>
      %dma_wait3A_537 = tpu.memref_squeeze %dma_wait3A_536 : memref<1x120x128xf32, #tpu.memory_space<vmem>> -> memref<120x128xf32, #tpu.memory_space<vmem>>
      %dma_wait3A_538 = arith.constant 0 : i32
      %dma_wait3A_539 = arith.constant 0 : i32
      %dma_wait3A_540 = tpu.memref_slice %arg2[%dma_wait3A_538, %dma_wait3A_539] : memref<30000x128xf32, #tpu.memory_space<hbm>> -> memref<120x128xf32, #tpu.memory_space<hbm>>
      tpu.wait_dma2 semaphore(%arg10 : memref<!tpu.dma_semaphore, #tpu.memory_space<semaphore_mem>>) src(%dma_wait3A_540 : memref<120x128xf32, #tpu.memory_space<hbm>>) dst(%dma_wait3A_537 : memref<120x128xf32, #tpu.memory_space<vmem>>)
      %parallel_loop3A_541 = arith.constant 0 : i32
      %parallel_loop3A_542 = arith.constant 40 : i32
      %parallel_loop3A_543 = arith.constant 1 : i32
      scf.for %parallel_loop3A_677 = %parallel_loop3A_541 to %parallel_loop3A_542 step %parallel_loop3A_543  : i32 {
        %parallel_loop3A_678 = arith.constant 0 : i32
        %parallel_loop3A_679 = arith.index_cast %parallel_loop3A_678 : i32 to index
        %parallel_loop3A_680 = arith.index_cast %parallel_loop3A_677 : i32 to index
        %parallel_loop3A_681 = arith.constant 0 : index
        %parallel_loop3A_682 = tpu.vector_load %arg8[%parallel_loop3A_679, %parallel_loop3A_680, %parallel_loop3A_681] {strides = array<i32>} : memref<2x120x128xf32, #tpu.memory_space<vmem>>, vector<1x1x16xf32>,
        %parallel_loop3A_683 = vector.shape_cast %parallel_loop3A_682 : vector<1x1x16xf32> to vector<16xf32>
        %parallel_loop3A_684 = arith.constant 40 : i32
        %parallel_loop3A_685 = arith.addi %parallel_loop3A_684, %parallel_loop3A_677 : i32
        %parallel_loop3A_686 = arith.constant 0 : i32
        %parallel_loop3A_687 = arith.index_cast %parallel_loop3A_686 : i32 to index
        %parallel_loop3A_688 = arith.index_cast %parallel_loop3A_685 : i32 to index
        %parallel_loop3A_689 = arith.constant 0 : index
        %parallel_loop3A_690 = tpu.vector_load %arg8[%parallel_loop3A_687, %parallel_loop3A_688, %parallel_loop3A_689] {strides = array<i32>} : memref<2x120x128xf32, #tpu.memory_space<vmem>>, vector<1x1x16xf32>,
        %parallel_loop3A_691 = vector.shape_cast %parallel_loop3A_690 : vector<1x1x16xf32> to vector<16xf32>
        %parallel_loop3A_692 = arith.addf %parallel_loop3A_683, %parallel_loop3A_691 : vector<16xf32>
        %parallel_loop3A_693 = arith.constant 80 : i32
        %parallel_loop3A_694 = arith.addi %parallel_loop3A_693, %parallel_loop3A_677 : i32
        %parallel_loop3A_695 = arith.constant 0 : i32
        %parallel_loop3A_696 = arith.index_cast %parallel_loop3A_695 : i32 to index
        %parallel_loop3A_697 = arith.index_cast %parallel_loop3A_694 : i32 to index
        %parallel_loop3A_698 = arith.constant 0 : index
        %parallel_loop3A_699 = tpu.vector_load %arg8[%parallel_loop3A_696, %parallel_loop3A_697, %parallel_loop3A_698] {strides = array<i32>} : memref<2x120x128xf32, #tpu.memory_space<vmem>>, vector<1x1x16xf32>,
        %parallel_loop3A_700 = vector.shape_cast %parallel_loop3A_699 : vector<1x1x16xf32> to vector<16xf32>
        %parallel_loop3A_701 = arith.constant 0.000000e+00 : f32
        %parallel_loop3A_702 = vector.broadcast %parallel_loop3A_701 : f32 to vector<16xf32>
        %parallel_loop3A_703 = arith.subf %parallel_loop3A_702, %parallel_loop3A_692 : vector<16xf32>
        %parallel_loop3A_704 = math.exp %parallel_loop3A_703 : vector<16xf32>
        %parallel_loop3A_705 = arith.constant 1.000000e+00 : f32
        %parallel_loop3A_706 = vector.broadcast %parallel_loop3A_705 : f32 to vector<16xf32>
        %parallel_loop3A_707 = arith.addf %parallel_loop3A_706, %parallel_loop3A_704 : vector<16xf32>
        %parallel_loop3A_708 = arith.divf %parallel_loop3A_700, %parallel_loop3A_707 : vector<16xf32>
        %parallel_loop3A_709 = arith.constant 80 : i32
        %parallel_loop3A_710 = arith.addi %parallel_loop3A_709, %parallel_loop3A_677 : i32
        %parallel_loop3A_711 = arith.constant 0 : i32
        %parallel_loop3A_712 = arith.index_cast %parallel_loop3A_711 : i32 to index
        %parallel_loop3A_713 = arith.index_cast %parallel_loop3A_710 : i32 to index
        %parallel_loop3A_714 = arith.constant 0 : index
        %parallel_loop3A_715 = tpu.vector_load %arg8[%parallel_loop3A_712, %parallel_loop3A_713, %parallel_loop3A_714] {strides = array<i32>} : memref<2x120x128xf32, #tpu.memory_space<vmem>>, vector<1x1x16xf32>,
        %parallel_loop3A_716 = vector.shape_cast %parallel_loop3A_715 : vector<1x1x16xf32> to vector<16xf32>
        %parallel_loop3A_717 = vector.shape_cast %parallel_loop3A_708 : vector<16xf32> to vector<1x1x16xf32>
        tpu.vector_store %arg8[%parallel_loop3A_712, %parallel_loop3A_713, %parallel_loop3A_714], %parallel_loop3A_717 {strides = array<i32>} : memref<2x120x128xf32, #tpu.memory_space<vmem>>, vector<1x1x16xf32>,
        %parallel_loop3A_718 = arith.constant 0 : i32
        %parallel_loop3A_719 = arith.index_cast %parallel_loop3A_718 : i32 to index
        %parallel_loop3A_720 = arith.index_cast %parallel_loop3A_677 : i32 to index
        %parallel_loop3A_721 = arith.constant 16 : index
        %parallel_loop3A_722 = tpu.vector_load %arg8[%parallel_loop3A_719, %parallel_loop3A_720, %parallel_loop3A_721] {strides = array<i32>} : memref<2x120x128xf32, #tpu.memory_space<vmem>>, vector<1x1x16xf32>,
        %parallel_loop3A_723 = vector.shape_cast %parallel_loop3A_722 : vector<1x1x16xf32> to vector<16xf32>
        %parallel_loop3A_724 = arith.constant 40 : i32
        %parallel_loop3A_725 = arith.addi %parallel_loop3A_724, %parallel_loop3A_677 : i32
        %parallel_loop3A_726 = arith.constant 0 : i32
        %parallel_loop3A_727 = arith.index_cast %parallel_loop3A_726 : i32 to index
        %parallel_loop3A_728 = arith.index_cast %parallel_loop3A_725 : i32 to index
        %parallel_loop3A_729 = arith.constant 16 : index
        %parallel_loop3A_730 = tpu.vector_load %arg8[%parallel_loop3A_727, %parallel_loop3A_728, %parallel_loop3A_729] {strides = array<i32>} : memref<2x120x128xf32, #tpu.memory_space<vmem>>, vector<1x1x16xf32>,
        %parallel_loop3A_731 = vector.shape_cast %parallel_loop3A_730 : vector<1x1x16xf32> to vector<16xf32>
        %parallel_loop3A_732 = arith.addf %parallel_loop3A_723, %parallel_loop3A_731 : vector<16xf32>
        %parallel_loop3A_733 = arith.constant 80 : i32
        %parallel_loop3A_734 = arith.addi %parallel_loop3A_733, %parallel_loop3A_677 : i32
        %parallel_loop3A_735 = arith.constant 0 : i32
        %parallel_loop3A_736 = arith.index_cast %parallel_loop3A_735 : i32 to index
        %parallel_loop3A_737 = arith.index_cast %parallel_loop3A_734 : i32 to index
        %parallel_loop3A_738 = arith.constant 16 : index
        %parallel_loop3A_739 = tpu.vector_load %arg8[%parallel_loop3A_736, %parallel_loop3A_737, %parallel_loop3A_738] {strides = array<i32>} : memref<2x120x128xf32, #tpu.memory_space<vmem>>, vector<1x1x16xf32>,
        %parallel_loop3A_740 = vector.shape_cast %parallel_loop3A_739 : vector<1x1x16xf32> to vector<16xf32>
        %parallel_loop3A_741 = arith.constant 0.000000e+00 : f32
        %parallel_loop3A_742 = vector.broadcast %parallel_loop3A_741 : f32 to vector<16xf32>
        %parallel_loop3A_743 = arith.subf %parallel_loop3A_742, %parallel_loop3A_732 : vector<16xf32>
        %parallel_loop3A_744 = math.exp %parallel_loop3A_743 : vector<16xf32>
        %parallel_loop3A_745 = arith.constant 1.000000e+00 : f32
        %parallel_loop3A_746 = vector.broadcast %parallel_loop3A_745 : f32 to vector<16xf32>
        %parallel_loop3A_747 = arith.addf %parallel_loop3A_746, %parallel_loop3A_744 : vector<16xf32>
        %parallel_loop3A_748 = arith.divf %parallel_loop3A_740, %parallel_loop3A_747 : vector<16xf32>
        %parallel_loop3A_749 = arith.constant 80 : i32
        %parallel_loop3A_750 = arith.addi %parallel_loop3A_749, %parallel_loop3A_677 : i32
        %parallel_loop3A_751 = arith.constant 0 : i32
        %parallel_loop3A_752 = arith.index_cast %parallel_loop3A_751 : i32 to index
        %parallel_loop3A_753 = arith.index_cast %parallel_loop3A_750 : i32 to index
        %parallel_loop3A_754 = arith.constant 16 : index
        %parallel_loop3A_755 = tpu.vector_load %arg8[%parallel_loop3A_752, %parallel_loop3A_753, %parallel_loop3A_754] {strides = array<i32>} : memref<2x120x128xf32, #tpu.memory_space<vmem>>, vector<1x1x16xf32>,
        %parallel_loop3A_756 = vector.shape_cast %parallel_loop3A_755 : vector<1x1x16xf32> to vector<16xf32>
        %parallel_loop3A_757 = vector.shape_cast %parallel_loop3A_748 : vector<16xf32> to vector<1x1x16xf32>
        tpu.vector_store %arg8[%parallel_loop3A_752, %parallel_loop3A_753, %parallel_loop3A_754], %parallel_loop3A_757 {strides = array<i32>} : memref<2x120x128xf32, #tpu.memory_space<vmem>>, vector<1x1x16xf32>,
        %parallel_loop3A_758 = arith.constant 0 : i32
        %parallel_loop3A_759 = arith.index_cast %parallel_loop3A_758 : i32 to index
        %parallel_loop3A_760 = arith.index_cast %parallel_loop3A_677 : i32 to index
        %parallel_loop3A_761 = arith.constant 32 : index
        %parallel_loop3A_762 = tpu.vector_load %arg8[%parallel_loop3A_759, %parallel_loop3A_760, %parallel_loop3A_761] {strides = array<i32>} : memref<2x120x128xf32, #tpu.memory_space<vmem>>, vector<1x1x16xf32>,
        %parallel_loop3A_763 = vector.shape_cast %parallel_loop3A_762 : vector<1x1x16xf32> to vector<16xf32>
        %parallel_loop3A_764 = arith.constant 40 : i32
        %parallel_loop3A_765 = arith.addi %parallel_loop3A_764, %parallel_loop3A_677 : i32
        %parallel_loop3A_766 = arith.constant 0 : i32
        %parallel_loop3A_767 = arith.index_cast %parallel_loop3A_766 : i32 to index
        %parallel_loop3A_768 = arith.index_cast %parallel_loop3A_765 : i32 to index
        %parallel_loop3A_769 = arith.constant 32 : index
        %parallel_loop3A_770 = tpu.vector_load %arg8[%parallel_loop3A_767, %parallel_loop3A_768, %parallel_loop3A_769] {strides = array<i32>} : memref<2x120x128xf32, #tpu.memory_space<vmem>>, vector<1x1x16xf32>,
        %parallel_loop3A_771 = vector.shape_cast %parallel_loop3A_770 : vector<1x1x16xf32> to vector<16xf32>
        %parallel_loop3A_772 = arith.addf %parallel_loop3A_763, %parallel_loop3A_771 : vector<16xf32>
        %parallel_loop3A_773 = arith.constant 80 : i32
        %parallel_loop3A_774 = arith.addi %parallel_loop3A_773, %parallel_loop3A_677 : i32
        %parallel_loop3A_775 = arith.constant 0 : i32
        %parallel_loop3A_776 = arith.index_cast %parallel_loop3A_775 : i32 to index
        %parallel_loop3A_777 = arith.index_cast %parallel_loop3A_774 : i32 to index
        %parallel_loop3A_778 = arith.constant 32 : index
        %parallel_loop3A_779 = tpu.vector_load %arg8[%parallel_loop3A_776, %parallel_loop3A_777, %parallel_loop3A_778] {strides = array<i32>} : memref<2x120x128xf32, #tpu.memory_space<vmem>>, vector<1x1x16xf32>,
        %parallel_loop3A_780 = vector.shape_cast %parallel_loop3A_779 : vector<1x1x16xf32> to vector<16xf32>
        %parallel_loop3A_781 = arith.constant 0.000000e+00 : f32
        %parallel_loop3A_782 = vector.broadcast %parallel_loop3A_781 : f32 to vector<16xf32>
        %parallel_loop3A_783 = arith.subf %parallel_loop3A_782, %parallel_loop3A_772 : vector<16xf32>
        %parallel_loop3A_784 = math.exp %parallel_loop3A_783 : vector<16xf32>
        %parallel_loop3A_785 = arith.constant 1.000000e+00 : f32
        %parallel_loop3A_786 = vector.broadcast %parallel_loop3A_785 : f32 to vector<16xf32>
        %parallel_loop3A_787 = arith.addf %parallel_loop3A_786, %parallel_loop3A_784 : vector<16xf32>
        %parallel_loop3A_788 = arith.divf %parallel_loop3A_780, %parallel_loop3A_787 : vector<16xf32>
        %parallel_loop3A_789 = arith.constant 80 : i32
        %parallel_loop3A_790 = arith.addi %parallel_loop3A_789, %parallel_loop3A_677 : i32
        %parallel_loop3A_791 = arith.constant 0 : i32
        %parallel_loop3A_792 = arith.index_cast %parallel_loop3A_791 : i32 to index
        %parallel_loop3A_793 = arith.index_cast %parallel_loop3A_790 : i32 to index
        %parallel_loop3A_794 = arith.constant 32 : index
        %parallel_loop3A_795 = tpu.vector_load %arg8[%parallel_loop3A_792, %parallel_loop3A_793, %parallel_loop3A_794] {strides = array<i32>} : memref<2x120x128xf32, #tpu.memory_space<vmem>>, vector<1x1x16xf32>,
        %parallel_loop3A_796 = vector.shape_cast %parallel_loop3A_795 : vector<1x1x16xf32> to vector<16xf32>
        %parallel_loop3A_797 = vector.shape_cast %parallel_loop3A_788 : vector<16xf32> to vector<1x1x16xf32>
        tpu.vector_store %arg8[%parallel_loop3A_792, %parallel_loop3A_793, %parallel_loop3A_794], %parallel_loop3A_797 {strides = array<i32>} : memref<2x120x128xf32, #tpu.memory_space<vmem>>, vector<1x1x16xf32>,
        %parallel_loop3A_798 = arith.constant 0 : i32
        %parallel_loop3A_799 = arith.index_cast %parallel_loop3A_798 : i32 to index
        %parallel_loop3A_800 = arith.index_cast %parallel_loop3A_677 : i32 to index
        %parallel_loop3A_801 = arith.constant 48 : index
        %parallel_loop3A_802 = tpu.vector_load %arg8[%parallel_loop3A_799, %parallel_loop3A_800, %parallel_loop3A_801] {strides = array<i32>} : memref<2x120x128xf32, #tpu.memory_space<vmem>>, vector<1x1x16xf32>,
        %parallel_loop3A_803 = vector.shape_cast %parallel_loop3A_802 : vector<1x1x16xf32> to vector<16xf32>
        %parallel_loop3A_804 = arith.constant 40 : i32
        %parallel_loop3A_805 = arith.addi %parallel_loop3A_804, %parallel_loop3A_677 : i32
        %parallel_loop3A_806 = arith.constant 0 : i32
        %parallel_loop3A_807 = arith.index_cast %parallel_loop3A_806 : i32 to index
        %parallel_loop3A_808 = arith.index_cast %parallel_loop3A_805 : i32 to index
        %parallel_loop3A_809 = arith.constant 48 : index
        %parallel_loop3A_810 = tpu.vector_load %arg8[%parallel_loop3A_807, %parallel_loop3A_808, %parallel_loop3A_809] {strides = array<i32>} : memref<2x120x128xf32, #tpu.memory_space<vmem>>, vector<1x1x16xf32>,
        %parallel_loop3A_811 = vector.shape_cast %parallel_loop3A_810 : vector<1x1x16xf32> to vector<16xf32>
        %parallel_loop3A_812 = arith.addf %parallel_loop3A_803, %parallel_loop3A_811 : vector<16xf32>
        %parallel_loop3A_813 = arith.constant 80 : i32
        %parallel_loop3A_814 = arith.addi %parallel_loop3A_813, %parallel_loop3A_677 : i32
        %parallel_loop3A_815 = arith.constant 0 : i32
        %parallel_loop3A_816 = arith.index_cast %parallel_loop3A_815 : i32 to index
        %parallel_loop3A_817 = arith.index_cast %parallel_loop3A_814 : i32 to index
        %parallel_loop3A_818 = arith.constant 48 : index
        %parallel_loop3A_819 = tpu.vector_load %arg8[%parallel_loop3A_816, %parallel_loop3A_817, %parallel_loop3A_818] {strides = array<i32>} : memref<2x120x128xf32, #tpu.memory_space<vmem>>, vector<1x1x16xf32>,
        %parallel_loop3A_820 = vector.shape_cast %parallel_loop3A_819 : vector<1x1x16xf32> to vector<16xf32>
        %parallel_loop3A_821 = arith.constant 0.000000e+00 : f32
        %parallel_loop3A_822 = vector.broadcast %parallel_loop3A_821 : f32 to vector<16xf32>
        %parallel_loop3A_823 = arith.subf %parallel_loop3A_822, %parallel_loop3A_812 : vector<16xf32>
        %parallel_loop3A_824 = math.exp %parallel_loop3A_823 : vector<16xf32>
        %parallel_loop3A_825 = arith.constant 1.000000e+00 : f32
        %parallel_loop3A_826 = vector.broadcast %parallel_loop3A_825 : f32 to vector<16xf32>
        %parallel_loop3A_827 = arith.addf %parallel_loop3A_826, %parallel_loop3A_824 : vector<16xf32>
        %parallel_loop3A_828 = arith.divf %parallel_loop3A_820, %parallel_loop3A_827 : vector<16xf32>
        %parallel_loop3A_829 = arith.constant 80 : i32
        %parallel_loop3A_830 = arith.addi %parallel_loop3A_829, %parallel_loop3A_677 : i32
        %parallel_loop3A_831 = arith.constant 0 : i32
        %parallel_loop3A_832 = arith.index_cast %parallel_loop3A_831 : i32 to index
        %parallel_loop3A_833 = arith.index_cast %parallel_loop3A_830 : i32 to index
        %parallel_loop3A_834 = arith.constant 48 : index
        %parallel_loop3A_835 = tpu.vector_load %arg8[%parallel_loop3A_832, %parallel_loop3A_833, %parallel_loop3A_834] {strides = array<i32>} : memref<2x120x128xf32, #tpu.memory_space<vmem>>, vector<1x1x16xf32>,
        %parallel_loop3A_836 = vector.shape_cast %parallel_loop3A_835 : vector<1x1x16xf32> to vector<16xf32>
        %parallel_loop3A_837 = vector.shape_cast %parallel_loop3A_828 : vector<16xf32> to vector<1x1x16xf32>
        tpu.vector_store %arg8[%parallel_loop3A_832, %parallel_loop3A_833, %parallel_loop3A_834], %parallel_loop3A_837 {strides = array<i32>} : memref<2x120x128xf32, #tpu.memory_space<vmem>>, vector<1x1x16xf32>,
        %parallel_loop3A_838 = arith.constant 0 : i32
        %parallel_loop3A_839 = arith.index_cast %parallel_loop3A_838 : i32 to index
        %parallel_loop3A_840 = arith.index_cast %parallel_loop3A_677 : i32 to index
        %parallel_loop3A_841 = arith.constant 64 : index
        %parallel_loop3A_842 = tpu.vector_load %arg8[%parallel_loop3A_839, %parallel_loop3A_840, %parallel_loop3A_841] {strides = array<i32>} : memref<2x120x128xf32, #tpu.memory_space<vmem>>, vector<1x1x16xf32>,
        %parallel_loop3A_843 = vector.shape_cast %parallel_loop3A_842 : vector<1x1x16xf32> to vector<16xf32>
        %parallel_loop3A_844 = arith.constant 40 : i32
        %parallel_loop3A_845 = arith.addi %parallel_loop3A_844, %parallel_loop3A_677 : i32
        %parallel_loop3A_846 = arith.constant 0 : i32
        %parallel_loop3A_847 = arith.index_cast %parallel_loop3A_846 : i32 to index
        %parallel_loop3A_848 = arith.index_cast %parallel_loop3A_845 : i32 to index
        %parallel_loop3A_849 = arith.constant 64 : index
        %parallel_loop3A_850 = tpu.vector_load %arg8[%parallel_loop3A_847, %parallel_loop3A_848, %parallel_loop3A_849] {strides = array<i32>} : memref<2x120x128xf32, #tpu.memory_space<vmem>>, vector<1x1x16xf32>,
        %parallel_loop3A_851 = vector.shape_cast %parallel_loop3A_850 : vector<1x1x16xf32> to vector<16xf32>
        %parallel_loop3A_852 = arith.addf %parallel_loop3A_843, %parallel_loop3A_851 : vector<16xf32>
        %parallel_loop3A_853 = arith.constant 80 : i32
        %parallel_loop3A_854 = arith.addi %parallel_loop3A_853, %parallel_loop3A_677 : i32
        %parallel_loop3A_855 = arith.constant 0 : i32
        %parallel_loop3A_856 = arith.index_cast %parallel_loop3A_855 : i32 to index
        %parallel_loop3A_857 = arith.index_cast %parallel_loop3A_854 : i32 to index
        %parallel_loop3A_858 = arith.constant 64 : index
        %parallel_loop3A_859 = tpu.vector_load %arg8[%parallel_loop3A_856, %parallel_loop3A_857, %parallel_loop3A_858] {strides = array<i32>} : memref<2x120x128xf32, #tpu.memory_space<vmem>>, vector<1x1x16xf32>,
        %parallel_loop3A_860 = vector.shape_cast %parallel_loop3A_859 : vector<1x1x16xf32> to vector<16xf32>
        %parallel_loop3A_861 = arith.constant 0.000000e+00 : f32
        %parallel_loop3A_862 = vector.broadcast %parallel_loop3A_861 : f32 to vector<16xf32>
        %parallel_loop3A_863 = arith.subf %parallel_loop3A_862, %parallel_loop3A_852 : vector<16xf32>
        %parallel_loop3A_864 = math.exp %parallel_loop3A_863 : vector<16xf32>
        %parallel_loop3A_865 = arith.constant 1.000000e+00 : f32
        %parallel_loop3A_866 = vector.broadcast %parallel_loop3A_865 : f32 to vector<16xf32>
        %parallel_loop3A_867 = arith.addf %parallel_loop3A_866, %parallel_loop3A_864 : vector<16xf32>
        %parallel_loop3A_868 = arith.divf %parallel_loop3A_860, %parallel_loop3A_867 : vector<16xf32>
        %parallel_loop3A_869 = arith.constant 80 : i32
        %parallel_loop3A_870 = arith.addi %parallel_loop3A_869, %parallel_loop3A_677 : i32
        %parallel_loop3A_871 = arith.constant 0 : i32
        %parallel_loop3A_872 = arith.index_cast %parallel_loop3A_871 : i32 to index
        %parallel_loop3A_873 = arith.index_cast %parallel_loop3A_870 : i32 to index
        %parallel_loop3A_874 = arith.constant 64 : index
        %parallel_loop3A_875 = tpu.vector_load %arg8[%parallel_loop3A_872, %parallel_loop3A_873, %parallel_loop3A_874] {strides = array<i32>} : memref<2x120x128xf32, #tpu.memory_space<vmem>>, vector<1x1x16xf32>,
        %parallel_loop3A_876 = vector.shape_cast %parallel_loop3A_875 : vector<1x1x16xf32> to vector<16xf32>
        %parallel_loop3A_877 = vector.shape_cast %parallel_loop3A_868 : vector<16xf32> to vector<1x1x16xf32>
        tpu.vector_store %arg8[%parallel_loop3A_872, %parallel_loop3A_873, %parallel_loop3A_874], %parallel_loop3A_877 {strides = array<i32>} : memref<2x120x128xf32, #tpu.memory_space<vmem>>, vector<1x1x16xf32>,
        %parallel_loop3A_878 = arith.constant 0 : i32
        %parallel_loop3A_879 = arith.index_cast %parallel_loop3A_878 : i32 to index
        %parallel_loop3A_880 = arith.index_cast %parallel_loop3A_677 : i32 to index
        %parallel_loop3A_881 = arith.constant 80 : index
        %parallel_loop3A_882 = tpu.vector_load %arg8[%parallel_loop3A_879, %parallel_loop3A_880, %parallel_loop3A_881] {strides = array<i32>} : memref<2x120x128xf32, #tpu.memory_space<vmem>>, vector<1x1x16xf32>,
        %parallel_loop3A_883 = vector.shape_cast %parallel_loop3A_882 : vector<1x1x16xf32> to vector<16xf32>
        %parallel_loop3A_884 = arith.constant 40 : i32
        %parallel_loop3A_885 = arith.addi %parallel_loop3A_884, %parallel_loop3A_677 : i32
        %parallel_loop3A_886 = arith.constant 0 : i32
        %parallel_loop3A_887 = arith.index_cast %parallel_loop3A_886 : i32 to index
        %parallel_loop3A_888 = arith.index_cast %parallel_loop3A_885 : i32 to index
        %parallel_loop3A_889 = arith.constant 80 : index
        %parallel_loop3A_890 = tpu.vector_load %arg8[%parallel_loop3A_887, %parallel_loop3A_888, %parallel_loop3A_889] {strides = array<i32>} : memref<2x120x128xf32, #tpu.memory_space<vmem>>, vector<1x1x16xf32>,
        %parallel_loop3A_891 = vector.shape_cast %parallel_loop3A_890 : vector<1x1x16xf32> to vector<16xf32>
        %parallel_loop3A_892 = arith.addf %parallel_loop3A_883, %parallel_loop3A_891 : vector<16xf32>
        %parallel_loop3A_893 = arith.constant 80 : i32
        %parallel_loop3A_894 = arith.addi %parallel_loop3A_893, %parallel_loop3A_677 : i32
        %parallel_loop3A_895 = arith.constant 0 : i32
        %parallel_loop3A_896 = arith.index_cast %parallel_loop3A_895 : i32 to index
        %parallel_loop3A_897 = arith.index_cast %parallel_loop3A_894 : i32 to index
        %parallel_loop3A_898 = arith.constant 80 : index
        %parallel_loop3A_899 = tpu.vector_load %arg8[%parallel_loop3A_896, %parallel_loop3A_897, %parallel_loop3A_898] {strides = array<i32>} : memref<2x120x128xf32, #tpu.memory_space<vmem>>, vector<1x1x16xf32>,
        %parallel_loop3A_900 = vector.shape_cast %parallel_loop3A_899 : vector<1x1x16xf32> to vector<16xf32>
        %parallel_loop3A_901 = arith.constant 0.000000e+00 : f32
        %parallel_loop3A_902 = vector.broadcast %parallel_loop3A_901 : f32 to vector<16xf32>
        %parallel_loop3A_903 = arith.subf %parallel_loop3A_902, %parallel_loop3A_892 : vector<16xf32>
        %parallel_loop3A_904 = math.exp %parallel_loop3A_903 : vector<16xf32>
        %parallel_loop3A_905 = arith.constant 1.000000e+00 : f32
        %parallel_loop3A_906 = vector.broadcast %parallel_loop3A_905 : f32 to vector<16xf32>
        %parallel_loop3A_907 = arith.addf %parallel_loop3A_906, %parallel_loop3A_904 : vector<16xf32>
        %parallel_loop3A_908 = arith.divf %parallel_loop3A_900, %parallel_loop3A_907 : vector<16xf32>
        %parallel_loop3A_909 = arith.constant 80 : i32
        %parallel_loop3A_910 = arith.addi %parallel_loop3A_909, %parallel_loop3A_677 : i32
        %parallel_loop3A_911 = arith.constant 0 : i32
        %parallel_loop3A_912 = arith.index_cast %parallel_loop3A_911 : i32 to index
        %parallel_loop3A_913 = arith.index_cast %parallel_loop3A_910 : i32 to index
        %parallel_loop3A_914 = arith.constant 80 : index
        %parallel_loop3A_915 = tpu.vector_load %arg8[%parallel_loop3A_912, %parallel_loop3A_913, %parallel_loop3A_914] {strides = array<i32>} : memref<2x120x128xf32, #tpu.memory_space<vmem>>, vector<1x1x16xf32>,
        %parallel_loop3A_916 = vector.shape_cast %parallel_loop3A_915 : vector<1x1x16xf32> to vector<16xf32>
        %parallel_loop3A_917 = vector.shape_cast %parallel_loop3A_908 : vector<16xf32> to vector<1x1x16xf32>
        tpu.vector_store %arg8[%parallel_loop3A_912, %parallel_loop3A_913, %parallel_loop3A_914], %parallel_loop3A_917 {strides = array<i32>} : memref<2x120x128xf32, #tpu.memory_space<vmem>>, vector<1x1x16xf32>,
        %parallel_loop3A_918 = arith.constant 0 : i32
        %parallel_loop3A_919 = arith.index_cast %parallel_loop3A_918 : i32 to index
        %parallel_loop3A_920 = arith.index_cast %parallel_loop3A_677 : i32 to index
        %parallel_loop3A_921 = arith.constant 96 : index
        %parallel_loop3A_922 = tpu.vector_load %arg8[%parallel_loop3A_919, %parallel_loop3A_920, %parallel_loop3A_921] {strides = array<i32>} : memref<2x120x128xf32, #tpu.memory_space<vmem>>, vector<1x1x16xf32>,
        %parallel_loop3A_923 = vector.shape_cast %parallel_loop3A_922 : vector<1x1x16xf32> to vector<16xf32>
        %parallel_loop3A_924 = arith.constant 40 : i32
        %parallel_loop3A_925 = arith.addi %parallel_loop3A_924, %parallel_loop3A_677 : i32
        %parallel_loop3A_926 = arith.constant 0 : i32
        %parallel_loop3A_927 = arith.index_cast %parallel_loop3A_926 : i32 to index
        %parallel_loop3A_928 = arith.index_cast %parallel_loop3A_925 : i32 to index
        %parallel_loop3A_929 = arith.constant 96 : index
        %parallel_loop3A_930 = tpu.vector_load %arg8[%parallel_loop3A_927, %parallel_loop3A_928, %parallel_loop3A_929] {strides = array<i32>} : memref<2x120x128xf32, #tpu.memory_space<vmem>>, vector<1x1x16xf32>,
        %parallel_loop3A_931 = vector.shape_cast %parallel_loop3A_930 : vector<1x1x16xf32> to vector<16xf32>
        %parallel_loop3A_932 = arith.addf %parallel_loop3A_923, %parallel_loop3A_931 : vector<16xf32>
        %parallel_loop3A_933 = arith.constant 80 : i32
        %parallel_loop3A_934 = arith.addi %parallel_loop3A_933, %parallel_loop3A_677 : i32
        %parallel_loop3A_935 = arith.constant 0 : i32
        %parallel_loop3A_936 = arith.index_cast %parallel_loop3A_935 : i32 to index
        %parallel_loop3A_937 = arith.index_cast %parallel_loop3A_934 : i32 to index
        %parallel_loop3A_938 = arith.constant 96 : index
        %parallel_loop3A_939 = tpu.vector_load %arg8[%parallel_loop3A_936, %parallel_loop3A_937, %parallel_loop3A_938] {strides = array<i32>} : memref<2x120x128xf32, #tpu.memory_space<vmem>>, vector<1x1x16xf32>,
        %parallel_loop3A_940 = vector.shape_cast %parallel_loop3A_939 : vector<1x1x16xf32> to vector<16xf32>
        %parallel_loop3A_941 = arith.constant 0.000000e+00 : f32
        %parallel_loop3A_942 = vector.broadcast %parallel_loop3A_941 : f32 to vector<16xf32>
        %parallel_loop3A_943 = arith.subf %parallel_loop3A_942, %parallel_loop3A_932 : vector<16xf32>
        %parallel_loop3A_944 = math.exp %parallel_loop3A_943 : vector<16xf32>
        %parallel_loop3A_945 = arith.constant 1.000000e+00 : f32
        %parallel_loop3A_946 = vector.broadcast %parallel_loop3A_945 : f32 to vector<16xf32>
        %parallel_loop3A_947 = arith.addf %parallel_loop3A_946, %parallel_loop3A_944 : vector<16xf32>
        %parallel_loop3A_948 = arith.divf %parallel_loop3A_940, %parallel_loop3A_947 : vector<16xf32>
        %parallel_loop3A_949 = arith.constant 80 : i32
        %parallel_loop3A_950 = arith.addi %parallel_loop3A_949, %parallel_loop3A_677 : i32
        %parallel_loop3A_951 = arith.constant 0 : i32
        %parallel_loop3A_952 = arith.index_cast %parallel_loop3A_951 : i32 to index
        %parallel_loop3A_953 = arith.index_cast %parallel_loop3A_950 : i32 to index
        %parallel_loop3A_954 = arith.constant 96 : index
        %parallel_loop3A_955 = tpu.vector_load %arg8[%parallel_loop3A_952, %parallel_loop3A_953, %parallel_loop3A_954] {strides = array<i32>} : memref<2x120x128xf32, #tpu.memory_space<vmem>>, vector<1x1x16xf32>,
        %parallel_loop3A_956 = vector.shape_cast %parallel_loop3A_955 : vector<1x1x16xf32> to vector<16xf32>
        %parallel_loop3A_957 = vector.shape_cast %parallel_loop3A_948 : vector<16xf32> to vector<1x1x16xf32>
        tpu.vector_store %arg8[%parallel_loop3A_952, %parallel_loop3A_953, %parallel_loop3A_954], %parallel_loop3A_957 {strides = array<i32>} : memref<2x120x128xf32, #tpu.memory_space<vmem>>, vector<1x1x16xf32>,
        %parallel_loop3A_958 = arith.constant 0 : i32
        %parallel_loop3A_959 = arith.index_cast %parallel_loop3A_958 : i32 to index
        %parallel_loop3A_960 = arith.index_cast %parallel_loop3A_677 : i32 to index
        %parallel_loop3A_961 = arith.constant 112 : index
        %parallel_loop3A_962 = tpu.vector_load %arg8[%parallel_loop3A_959, %parallel_loop3A_960, %parallel_loop3A_961] {strides = array<i32>} : memref<2x120x128xf32, #tpu.memory_space<vmem>>, vector<1x1x16xf32>,
        %parallel_loop3A_963 = vector.shape_cast %parallel_loop3A_962 : vector<1x1x16xf32> to vector<16xf32>
        %parallel_loop3A_964 = arith.constant 40 : i32
        %parallel_loop3A_965 = arith.addi %parallel_loop3A_964, %parallel_loop3A_677 : i32
        %parallel_loop3A_966 = arith.constant 0 : i32
        %parallel_loop3A_967 = arith.index_cast %parallel_loop3A_966 : i32 to index
        %parallel_loop3A_968 = arith.index_cast %parallel_loop3A_965 : i32 to index
        %parallel_loop3A_969 = arith.constant 112 : index
        %parallel_loop3A_970 = tpu.vector_load %arg8[%parallel_loop3A_967, %parallel_loop3A_968, %parallel_loop3A_969] {strides = array<i32>} : memref<2x120x128xf32, #tpu.memory_space<vmem>>, vector<1x1x16xf32>,
        %parallel_loop3A_971 = vector.shape_cast %parallel_loop3A_970 : vector<1x1x16xf32> to vector<16xf32>
        %parallel_loop3A_972 = arith.addf %parallel_loop3A_963, %parallel_loop3A_971 : vector<16xf32>
        %parallel_loop3A_973 = arith.constant 80 : i32
        %parallel_loop3A_974 = arith.addi %parallel_loop3A_973, %parallel_loop3A_677 : i32
        %parallel_loop3A_975 = arith.constant 0 : i32
        %parallel_loop3A_976 = arith.index_cast %parallel_loop3A_975 : i32 to index
        %parallel_loop3A_977 = arith.index_cast %parallel_loop3A_974 : i32 to index
        %parallel_loop3A_978 = arith.constant 112 : index
        %parallel_loop3A_979 = tpu.vector_load %arg8[%parallel_loop3A_976, %parallel_loop3A_977, %parallel_loop3A_978] {strides = array<i32>} : memref<2x120x128xf32, #tpu.memory_space<vmem>>, vector<1x1x16xf32>,
        %parallel_loop3A_980 = vector.shape_cast %parallel_loop3A_979 : vector<1x1x16xf32> to vector<16xf32>
        %parallel_loop3A_981 = arith.constant 0.000000e+00 : f32
        %parallel_loop3A_982 = vector.broadcast %parallel_loop3A_981 : f32 to vector<16xf32>
        %parallel_loop3A_983 = arith.subf %parallel_loop3A_982, %parallel_loop3A_972 : vector<16xf32>
        %parallel_loop3A_984 = math.exp %parallel_loop3A_983 : vector<16xf32>
        %parallel_loop3A_985 = arith.constant 1.000000e+00 : f32
        %parallel_loop3A_986 = vector.broadcast %parallel_loop3A_985 : f32 to vector<16xf32>
        %parallel_loop3A_987 = arith.addf %parallel_loop3A_986, %parallel_loop3A_984 : vector<16xf32>
        %parallel_loop3A_988 = arith.divf %parallel_loop3A_980, %parallel_loop3A_987 : vector<16xf32>
        %parallel_loop3A_989 = arith.constant 80 : i32
        %parallel_loop3A_990 = arith.addi %parallel_loop3A_989, %parallel_loop3A_677 : i32
        %parallel_loop3A_991 = arith.constant 0 : i32
        %parallel_loop3A_992 = arith.index_cast %parallel_loop3A_991 : i32 to index
        %parallel_loop3A_993 = arith.index_cast %parallel_loop3A_990 : i32 to index
        %parallel_loop3A_994 = arith.constant 112 : index
        %parallel_loop3A_995 = tpu.vector_load %arg8[%parallel_loop3A_992, %parallel_loop3A_993, %parallel_loop3A_994] {strides = array<i32>} : memref<2x120x128xf32, #tpu.memory_space<vmem>>, vector<1x1x16xf32>,
        %parallel_loop3A_996 = vector.shape_cast %parallel_loop3A_995 : vector<1x1x16xf32> to vector<16xf32>
        %parallel_loop3A_997 = vector.shape_cast %parallel_loop3A_988 : vector<16xf32> to vector<1x1x16xf32>
        tpu.vector_store %arg8[%parallel_loop3A_992, %parallel_loop3A_993, %parallel_loop3A_994], %parallel_loop3A_997 {strides = array<i32>} : memref<2x120x128xf32, #tpu.memory_space<vmem>>, vector<1x1x16xf32>,
      } {sc.loop_unroll_factor = 1 : i64, sc.parallel_access}
      %dma_start3A_544 = arith.constant 0 : i32
      %dma_start3A_545 = arith.constant 2 : i32
      %dma_start3A_546 = arith.constant 80 : i32
      %dma_start3A_547 = arith.constant 0 : i32
      %dma_start3A_548 = tpu.memref_slice %arg8[%dma_start3A_544, %dma_start3A_546, %dma_start3A_547] : memref<2x120x128xf32, #tpu.memory_space<vmem>> -> memref<1x40x128xf32, #tpu.memory_space<vmem>>
      %dma_start3A_549 = tpu.memref_squeeze %dma_start3A_548 : memref<1x40x128xf32, #tpu.memory_space<vmem>> -> memref<40x128xf32, #tpu.memory_space<vmem>>
      %dma_start3A_550 = arith.constant 0 : i32
      %dma_start3A_551 = tpu.memref_slice %arg7[%dma_start3A_545, %dma_start3A_550] : memref<4x40xi32, #tpu.memory_space<vmem>> -> memref<1x40xi32, #tpu.memory_space<vmem>>
      %dma_start3A_552 = tpu.memref_squeeze %dma_start3A_551 : memref<1x40xi32, #tpu.memory_space<vmem>> -> memref<40xi32, #tpu.memory_space<vmem>>
      %dma_start3A_553 = arith.constant 0 : i32
      %dma_start3A_554 = arith.constant 0 : i32
      %dma_start3A_555 = tpu.memref_slice %arg9[%dma_start3A_553, %dma_start3A_554] : memref<10000x128xf32, #tpu.memory_space<vmem_shared>> -> memref<10000x128xf32, #tpu.memory_space<vmem_shared>>
      tpu.enqueue_indirect_dma source(%dma_start3A_549 : memref<40x128xf32, #tpu.memory_space<vmem>>) target(%dma_start3A_555 : memref<10000x128xf32, #tpu.memory_space<vmem_shared>>) offsets(%dma_start3A_552 : memref<40xi32, #tpu.memory_space<vmem>>) semaphore(%arg12 : memref<!tpu.dma_semaphore, #tpu.memory_space<semaphore_mem>>) {add = true}
      %mul3A_556 = arith.constant 4 : i32
      %mul3A_557 = arith.muli %mul3A_556, %scan3A_203 : i32
      %add3A_558 = arith.constant 3 : i32
      %add3A_559 = arith.addi %mul3A_557, %add3A_558 : i32
      %dma_wait3A_560 = arith.constant 0 : i32
      %dma_wait3A_561 = arith.constant 80 : i32
      %dma_wait3A_562 = arith.constant 0 : i32
      %dma_wait3A_563 = tpu.memref_slice %arg8[%dma_wait3A_560, %dma_wait3A_561, %dma_wait3A_562] : memref<2x120x128xf32, #tpu.memory_space<vmem>> -> memref<1x40x128xf32, #tpu.memory_space<vmem>>
      %dma_wait3A_564 = tpu.memref_squeeze %dma_wait3A_563 : memref<1x40x128xf32, #tpu.memory_space<vmem>> -> memref<40x128xf32, #tpu.memory_space<vmem>>
      %dma_wait3A_565 = arith.constant 0 : i32
      %dma_wait3A_566 = arith.constant 0 : i32
      %dma_wait3A_567 = tpu.memref_slice %arg2[%dma_wait3A_565, %dma_wait3A_566] : memref<30000x128xf32, #tpu.memory_space<hbm>> -> memref<40x128xf32, #tpu.memory_space<hbm>>
      %dma_wait3A_568 = arith.constant 80 : i32
      %dma_wait3A_569 = arith.constant 0 : i32
      %dma_wait3A_570 = tpu.memref_slice %arg8[%dma_wait3A_560, %dma_wait3A_568, %dma_wait3A_569] : memref<2x120x128xf32, #tpu.memory_space<vmem>> -> memref<1x40x128xf32, #tpu.memory_space<vmem>>
      %dma_wait3A_571 = tpu.memref_squeeze %dma_wait3A_570 : memref<1x40x128xf32, #tpu.memory_space<vmem>> -> memref<40x128xf32, #tpu.memory_space<vmem>>
      %dma_wait3A_572 = arith.constant 0 : i32
      %dma_wait3A_573 = arith.constant 0 : i32
      %dma_wait3A_574 = tpu.memref_slice %arg2[%dma_wait3A_572, %dma_wait3A_573] : memref<30000x128xf32, #tpu.memory_space<hbm>> -> memref<40x128xf32, #tpu.memory_space<hbm>>
      tpu.wait_dma2 semaphore(%arg12 : memref<!tpu.dma_semaphore, #tpu.memory_space<semaphore_mem>>) src(%dma_wait3A_574 : memref<40x128xf32, #tpu.memory_space<hbm>>) dst(%dma_wait3A_571 : memref<40x128xf32, #tpu.memory_space<vmem>>)
      %dma_wait3A_575 = arith.constant 0 : i32
      %dma_wait3A_576 = arith.constant 0 : i32
      %dma_wait3A_577 = arith.constant 0 : i32
      %dma_wait3A_578 = arith.constant 0 : i32
      %dma_wait3A_579 = tpu.memref_slice %arg6[%dma_wait3A_577, %dma_wait3A_578] : memref<4x120xi32, #tpu.memory_space<vmem>> -> memref<1x120xi32, #tpu.memory_space<vmem>>
      %dma_wait3A_580 = tpu.memref_squeeze %dma_wait3A_579 : memref<1x120xi32, #tpu.memory_space<vmem>> -> memref<120xi32, #tpu.memory_space<vmem>>
      %dma_wait3A_581 = arith.constant 0 : i32
      %dma_wait3A_582 = tpu.memref_slice %arg3[%dma_wait3A_575, %dma_wait3A_576, %dma_wait3A_581] : memref<32x250x120xi32, #tpu.memory_space<hbm>> -> memref<1x1x120xi32, #tpu.memory_space<hbm>>
      %dma_wait3A_583 = tpu.memref_squeeze %dma_wait3A_582 : memref<1x1x120xi32, #tpu.memory_space<hbm>> -> memref<120xi32, #tpu.memory_space<hbm>>
      %dma_wait3A_584 = arith.constant 0 : i32
      %dma_wait3A_585 = tpu.memref_slice %arg6[%dma_wait3A_577, %dma_wait3A_584] : memref<4x120xi32, #tpu.memory_space<vmem>> -> memref<1x120xi32, #tpu.memory_space<vmem>>
      %dma_wait3A_586 = tpu.memref_squeeze %dma_wait3A_585 : memref<1x120xi32, #tpu.memory_space<vmem>> -> memref<120xi32, #tpu.memory_space<vmem>>
      %dma_wait3A_587 = arith.constant 0 : i32
      %dma_wait3A_588 = tpu.memref_slice %arg3[%dma_wait3A_575, %dma_wait3A_576, %dma_wait3A_587] : memref<32x250x120xi32, #tpu.memory_space<hbm>> -> memref<1x1x120xi32, #tpu.memory_space<hbm>>
      %dma_wait3A_589 = tpu.memref_squeeze %dma_wait3A_588 : memref<1x1x120xi32, #tpu.memory_space<hbm>> -> memref<120xi32, #tpu.memory_space<hbm>>
      tpu.wait_dma2 semaphore(%arg14 : memref<!tpu.dma_semaphore, #tpu.memory_space<semaphore_mem>>) src(%dma_wait3A_589 : memref<120xi32, #tpu.memory_space<hbm>>) dst(%dma_wait3A_586 : memref<120xi32, #tpu.memory_space<vmem>>)
      %dma_wait3A_590 = arith.constant 0 : i32
      %dma_wait3A_591 = arith.constant 0 : i32
      %dma_wait3A_592 = arith.constant 0 : i32
      %dma_wait3A_593 = arith.constant 0 : i32
      %dma_wait3A_594 = tpu.memref_slice %arg7[%dma_wait3A_592, %dma_wait3A_593] : memref<4x40xi32, #tpu.memory_space<vmem>> -> memref<1x40xi32, #tpu.memory_space<vmem>>
      %dma_wait3A_595 = tpu.memref_squeeze %dma_wait3A_594 : memref<1x40xi32, #tpu.memory_space<vmem>> -> memref<40xi32, #tpu.memory_space<vmem>>
      %dma_wait3A_596 = arith.constant 0 : i32
      %dma_wait3A_597 = tpu.memref_slice %arg3[%dma_wait3A_590, %dma_wait3A_591, %dma_wait3A_596] : memref<32x250x120xi32, #tpu.memory_space<hbm>> -> memref<1x1x40xi32, #tpu.memory_space<hbm>>
      %dma_wait3A_598 = tpu.memref_squeeze %dma_wait3A_597 : memref<1x1x40xi32, #tpu.memory_space<hbm>> -> memref<40xi32, #tpu.memory_space<hbm>>
      %dma_wait3A_599 = arith.constant 0 : i32
      %dma_wait3A_600 = tpu.memref_slice %arg7[%dma_wait3A_592, %dma_wait3A_599] : memref<4x40xi32, #tpu.memory_space<vmem>> -> memref<1x40xi32, #tpu.memory_space<vmem>>
      %dma_wait3A_601 = tpu.memref_squeeze %dma_wait3A_600 : memref<1x40xi32, #tpu.memory_space<vmem>> -> memref<40xi32, #tpu.memory_space<vmem>>
      %dma_wait3A_602 = arith.constant 0 : i32
      %dma_wait3A_603 = tpu.memref_slice %arg3[%dma_wait3A_590, %dma_wait3A_591, %dma_wait3A_602] : memref<32x250x120xi32, #tpu.memory_space<hbm>> -> memref<1x1x40xi32, #tpu.memory_space<hbm>>
      %dma_wait3A_604 = tpu.memref_squeeze %dma_wait3A_603 : memref<1x1x40xi32, #tpu.memory_space<hbm>> -> memref<40xi32, #tpu.memory_space<hbm>>
      tpu.wait_dma2 semaphore(%arg14 : memref<!tpu.dma_semaphore, #tpu.memory_space<semaphore_mem>>) src(%dma_wait3A_604 : memref<40xi32, #tpu.memory_space<hbm>>) dst(%dma_wait3A_601 : memref<40xi32, #tpu.memory_space<vmem>>)
      %add3A_605 = arith.constant 1 : i32
      %add3A_606 = arith.addi %add3A_559, %add3A_605 : i32
      %dma_start3A_607 = arith.constant 0 : i32
      %dma_start3A_608 = arith.constant 0 : i32
      %dma_start3A_609 = arith.constant 0 : i32
      %dma_start3A_610 = arith.constant 0 : i32
      %dma_start3A_611 = tpu.memref_slice %arg8[%dma_start3A_608, %dma_start3A_609, %dma_start3A_610] : memref<2x120x128xf32, #tpu.memory_space<vmem>> -> memref<1x120x128xf32, #tpu.memory_space<vmem>>
      %dma_start3A_612 = tpu.memref_squeeze %dma_start3A_611 : memref<1x120x128xf32, #tpu.memory_space<vmem>> -> memref<120x128xf32, #tpu.memory_space<vmem>>
      %dma_start3A_613 = arith.constant 0 : i32
      %dma_start3A_614 = tpu.memref_slice %arg6[%dma_start3A_607, %dma_start3A_613] : memref<4x120xi32, #tpu.memory_space<vmem>> -> memref<1x120xi32, #tpu.memory_space<vmem>>
      %dma_start3A_615 = tpu.memref_squeeze %dma_start3A_614 : memref<1x120xi32, #tpu.memory_space<vmem>> -> memref<120xi32, #tpu.memory_space<vmem>>
      %dma_start3A_616 = arith.constant 0 : i32
      %dma_start3A_617 = arith.constant 0 : i32
      %dma_start3A_618 = tpu.memref_slice %arg2[%dma_start3A_616, %dma_start3A_617] : memref<30000x128xf32, #tpu.memory_space<hbm>> -> memref<30000x128xf32, #tpu.memory_space<hbm>>
      tpu.enqueue_indirect_dma source(%dma_start3A_618 : memref<30000x128xf32, #tpu.memory_space<hbm>>) target(%dma_start3A_612 : memref<120x128xf32, #tpu.memory_space<vmem>>) offsets(%dma_start3A_615 : memref<120xi32, #tpu.memory_space<vmem>>) semaphore(%arg10 : memref<!tpu.dma_semaphore, #tpu.memory_space<semaphore_mem>>)
      %add3A_619 = arith.constant 2 : i32
      %add3A_620 = arith.addi %add3A_559, %add3A_619 : i32
      %dma_start3A_621 = arith.constant 1 : i32
      %dma_start3A_622 = arith.constant 0 : i32
      %dma_start3A_623 = tpu.memref_slice %arg6[%dma_start3A_621, %dma_start3A_622] : memref<4x120xi32, #tpu.memory_space<vmem>> -> memref<1x120xi32, #tpu.memory_space<vmem>>
      %dma_start3A_624 = tpu.memref_squeeze %dma_start3A_623 : memref<1x120xi32, #tpu.memory_space<vmem>> -> memref<120xi32, #tpu.memory_space<vmem>>
      %dma_start3A_625 = arith.constant 0 : i32
      %dma_start3A_626 = tpu.memref_slice %arg3[%add3A, %add3A_620, %dma_start3A_625] : memref<32x250x120xi32, #tpu.memory_space<hbm>> -> memref<1x1x120xi32, #tpu.memory_space<hbm>>
      %dma_start3A_627 = tpu.memref_squeeze %dma_start3A_626 : memref<1x1x120xi32, #tpu.memory_space<hbm>> -> memref<120xi32, #tpu.memory_space<hbm>>
      %dma_start3A_628 = arith.constant 0 : i32
      %dma_start3A_629 = tpu.memref_slice %arg6[%dma_start3A_621, %dma_start3A_628] : memref<4x120xi32, #tpu.memory_space<vmem>> -> memref<1x120xi32, #tpu.memory_space<vmem>>
      %dma_start3A_630 = tpu.memref_squeeze %dma_start3A_629 : memref<1x120xi32, #tpu.memory_space<vmem>> -> memref<120xi32, #tpu.memory_space<vmem>>
      %dma_start3A_631 = arith.constant 0 : i32
      %dma_start3A_632 = tpu.memref_slice %arg3[%add3A, %add3A_620, %dma_start3A_631] : memref<32x250x120xi32, #tpu.memory_space<hbm>> -> memref<1x1x120xi32, #tpu.memory_space<hbm>>
      %dma_start3A_633 = tpu.memref_squeeze %dma_start3A_632 : memref<1x1x120xi32, #tpu.memory_space<hbm>> -> memref<120xi32, #tpu.memory_space<hbm>>
      tpu.enqueue_dma source(%dma_start3A_633 : memref<120xi32, #tpu.memory_space<hbm>>) target(%dma_start3A_630 : memref<120xi32, #tpu.memory_space<vmem>>) target_semaphore(%arg14 : memref<!tpu.dma_semaphore, #tpu.memory_space<semaphore_mem>>)
      %dma_start3A_634 = arith.constant 1 : i32
      %dma_start3A_635 = arith.constant 0 : i32
      %dma_start3A_636 = tpu.memref_slice %arg7[%dma_start3A_634, %dma_start3A_635] : memref<4x40xi32, #tpu.memory_space<vmem>> -> memref<1x40xi32, #tpu.memory_space<vmem>>
      %dma_start3A_637 = tpu.memref_squeeze %dma_start3A_636 : memref<1x40xi32, #tpu.memory_space<vmem>> -> memref<40xi32, #tpu.memory_space<vmem>>
      %dma_start3A_638 = arith.constant 0 : i32
      %dma_start3A_639 = tpu.memref_slice %arg3[%add3A, %add3A_620, %dma_start3A_638] : memref<32x250x120xi32, #tpu.memory_space<hbm>> -> memref<1x1x40xi32, #tpu.memory_space<hbm>>
      %dma_start3A_640 = tpu.memref_squeeze %dma_start3A_639 : memref<1x1x40xi32, #tpu.memory_space<hbm>> -> memref<40xi32, #tpu.memory_space<hbm>>
      %dma_start3A_641 = arith.constant 0 : i32
      %dma_start3A_642 = tpu.memref_slice %arg7[%dma_start3A_634, %dma_start3A_641] : memref<4x40xi32, #tpu.memory_space<vmem>> -> memref<1x40xi32, #tpu.memory_space<vmem>>
      %dma_start3A_643 = tpu.memref_squeeze %dma_start3A_642 : memref<1x40xi32, #tpu.memory_space<vmem>> -> memref<40xi32, #tpu.memory_space<vmem>>
      %dma_start3A_644 = arith.constant 0 : i32
      %dma_start3A_645 = tpu.memref_slice %arg3[%add3A, %add3A_620, %dma_start3A_644] : memref<32x250x120xi32, #tpu.memory_space<hbm>> -> memref<1x1x40xi32, #tpu.memory_space<hbm>>
      %dma_start3A_646 = tpu.memref_squeeze %dma_start3A_645 : memref<1x1x40xi32, #tpu.memory_space<hbm>> -> memref<40xi32, #tpu.memory_space<hbm>>
      tpu.enqueue_dma source(%dma_start3A_646 : memref<40xi32, #tpu.memory_space<hbm>>) target(%dma_start3A_643 : memref<40xi32, #tpu.memory_space<vmem>>) target_semaphore(%arg14 : memref<!tpu.dma_semaphore, #tpu.memory_space<semaphore_mem>>)
      %dma_wait3A_647 = arith.constant 1 : i32
      %dma_wait3A_648 = arith.constant 0 : i32
      %dma_wait3A_649 = arith.constant 0 : i32
      %dma_wait3A_650 = tpu.memref_slice %arg8[%dma_wait3A_647, %dma_wait3A_648, %dma_wait3A_649] : memref<2x120x128xf32, #tpu.memory_space<vmem>> -> memref<1x120x128xf32, #tpu.memory_space<vmem>>
      %dma_wait3A_651 = tpu.memref_squeeze %dma_wait3A_650 : memref<1x120x128xf32, #tpu.memory_space<vmem>> -> memref<120x128xf32, #tpu.memory_space<vmem>>
      %dma_wait3A_652 = arith.constant 0 : i32
      %dma_wait3A_653 = arith.constant 0 : i32
      %dma_wait3A_654 = tpu.memref_slice %arg2[%dma_wait3A_652, %dma_wait3A_653] : memref<30000x128xf32, #tpu.memory_space<hbm>> -> memref<120x128xf32, #tpu.memory_space<hbm>>
      %dma_wait3A_655 = arith.constant 0 : i32
      %dma_wait3A_656 = arith.constant 0 : i32
      %dma_wait3A_657 = tpu.memref_slice %arg8[%dma_wait3A_647, %dma_wait3A_655, %dma_wait3A_656] : memref<2x120x128xf32, #tpu.memory_space<vmem>> -> memref<1x120x128xf32, #tpu.memory_space<vmem>>
      %dma_wait3A_658 = tpu.memref_squeeze %dma_wait3A_657 : memref<1x120x128xf32, #tpu.memory_space<vmem>> -> memref<120x128xf32, #tpu.memory_space<vmem>>
      %dma_wait3A_659 = arith.constant 0 : i32
      %dma_wait3A_660 = arith.constant 0 : i32
      %dma_wait3A_661 = tpu.memref_slice %arg2[%dma_wait3A_659, %dma_wait3A_660] : memref<30000x128xf32, #tpu.memory_space<hbm>> -> memref<120x128xf32, #tpu.memory_space<hbm>>
      tpu.wait_dma2 semaphore(%arg11 : memref<!tpu.dma_semaphore, #tpu.memory_space<semaphore_mem>>) src(%dma_wait3A_661 : memref<120x128xf32, #tpu.memory_space<hbm>>) dst(%dma_wait3A_658 : memref<120x128xf32, #tpu.memory_space<vmem>>)
      %parallel_loop3A_662 = arith.constant 0 : i32
      %parallel_loop3A_663 = arith.constant 40 : i32
      %parallel_loop3A_664 = arith.constant 1 : i32
      scf.for %parallel_loop3A_677 = %parallel_loop3A_662 to %parallel_loop3A_663 step %parallel_loop3A_664  : i32 {
        %parallel_loop3A_678 = arith.constant 1 : i32
        %parallel_loop3A_679 = arith.index_cast %parallel_loop3A_678 : i32 to index
        %parallel_loop3A_680 = arith.index_cast %parallel_loop3A_677 : i32 to index
        %parallel_loop3A_681 = arith.constant 0 : index
        %parallel_loop3A_682 = tpu.vector_load %arg8[%parallel_loop3A_679, %parallel_loop3A_680, %parallel_loop3A_681] {strides = array<i32>} : memref<2x120x128xf32, #tpu.memory_space<vmem>>, vector<1x1x16xf32>,
        %parallel_loop3A_683 = vector.shape_cast %parallel_loop3A_682 : vector<1x1x16xf32> to vector<16xf32>
        %parallel_loop3A_684 = arith.constant 40 : i32
        %parallel_loop3A_685 = arith.addi %parallel_loop3A_684, %parallel_loop3A_677 : i32
        %parallel_loop3A_686 = arith.constant 1 : i32
        %parallel_loop3A_687 = arith.index_cast %parallel_loop3A_686 : i32 to index
        %parallel_loop3A_688 = arith.index_cast %parallel_loop3A_685 : i32 to index
        %parallel_loop3A_689 = arith.constant 0 : index
        %parallel_loop3A_690 = tpu.vector_load %arg8[%parallel_loop3A_687, %parallel_loop3A_688, %parallel_loop3A_689] {strides = array<i32>} : memref<2x120x128xf32, #tpu.memory_space<vmem>>, vector<1x1x16xf32>,
        %parallel_loop3A_691 = vector.shape_cast %parallel_loop3A_690 : vector<1x1x16xf32> to vector<16xf32>
        %parallel_loop3A_692 = arith.addf %parallel_loop3A_683, %parallel_loop3A_691 : vector<16xf32>
        %parallel_loop3A_693 = arith.constant 80 : i32
        %parallel_loop3A_694 = arith.addi %parallel_loop3A_693, %parallel_loop3A_677 : i32
        %parallel_loop3A_695 = arith.constant 1 : i32
        %parallel_loop3A_696 = arith.index_cast %parallel_loop3A_695 : i32 to index
        %parallel_loop3A_697 = arith.index_cast %parallel_loop3A_694 : i32 to index
        %parallel_loop3A_698 = arith.constant 0 : index
        %parallel_loop3A_699 = tpu.vector_load %arg8[%parallel_loop3A_696, %parallel_loop3A_697, %parallel_loop3A_698] {strides = array<i32>} : memref<2x120x128xf32, #tpu.memory_space<vmem>>, vector<1x1x16xf32>,
        %parallel_loop3A_700 = vector.shape_cast %parallel_loop3A_699 : vector<1x1x16xf32> to vector<16xf32>
        %parallel_loop3A_701 = arith.constant 0.000000e+00 : f32
        %parallel_loop3A_702 = vector.broadcast %parallel_loop3A_701 : f32 to vector<16xf32>
        %parallel_loop3A_703 = arith.subf %parallel_loop3A_702, %parallel_loop3A_692 : vector<16xf32>
        %parallel_loop3A_704 = math.exp %parallel_loop3A_703 : vector<16xf32>
        %parallel_loop3A_705 = arith.constant 1.000000e+00 : f32
        %parallel_loop3A_706 = vector.broadcast %parallel_loop3A_705 : f32 to vector<16xf32>
        %parallel_loop3A_707 = arith.addf %parallel_loop3A_706, %parallel_loop3A_704 : vector<16xf32>
        %parallel_loop3A_708 = arith.divf %parallel_loop3A_700, %parallel_loop3A_707 : vector<16xf32>
        %parallel_loop3A_709 = arith.constant 80 : i32
        %parallel_loop3A_710 = arith.addi %parallel_loop3A_709, %parallel_loop3A_677 : i32
        %parallel_loop3A_711 = arith.constant 1 : i32
        %parallel_loop3A_712 = arith.index_cast %parallel_loop3A_711 : i32 to index
        %parallel_loop3A_713 = arith.index_cast %parallel_loop3A_710 : i32 to index
        %parallel_loop3A_714 = arith.constant 0 : index
        %parallel_loop3A_715 = tpu.vector_load %arg8[%parallel_loop3A_712, %parallel_loop3A_713, %parallel_loop3A_714] {strides = array<i32>} : memref<2x120x128xf32, #tpu.memory_space<vmem>>, vector<1x1x16xf32>,
        %parallel_loop3A_716 = vector.shape_cast %parallel_loop3A_715 : vector<1x1x16xf32> to vector<16xf32>
        %parallel_loop3A_717 = vector.shape_cast %parallel_loop3A_708 : vector<16xf32> to vector<1x1x16xf32>
        tpu.vector_store %arg8[%parallel_loop3A_712, %parallel_loop3A_713, %parallel_loop3A_714], %parallel_loop3A_717 {strides = array<i32>} : memref<2x120x128xf32, #tpu.memory_space<vmem>>, vector<1x1x16xf32>,
        %parallel_loop3A_718 = arith.constant 1 : i32
        %parallel_loop3A_719 = arith.index_cast %parallel_loop3A_718 : i32 to index
        %parallel_loop3A_720 = arith.index_cast %parallel_loop3A_677 : i32 to index
        %parallel_loop3A_721 = arith.constant 16 : index
        %parallel_loop3A_722 = tpu.vector_load %arg8[%parallel_loop3A_719, %parallel_loop3A_720, %parallel_loop3A_721] {strides = array<i32>} : memref<2x120x128xf32, #tpu.memory_space<vmem>>, vector<1x1x16xf32>,
        %parallel_loop3A_723 = vector.shape_cast %parallel_loop3A_722 : vector<1x1x16xf32> to vector<16xf32>
        %parallel_loop3A_724 = arith.constant 40 : i32
        %parallel_loop3A_725 = arith.addi %parallel_loop3A_724, %parallel_loop3A_677 : i32
        %parallel_loop3A_726 = arith.constant 1 : i32
        %parallel_loop3A_727 = arith.index_cast %parallel_loop3A_726 : i32 to index
        %parallel_loop3A_728 = arith.index_cast %parallel_loop3A_725 : i32 to index
        %parallel_loop3A_729 = arith.constant 16 : index
        %parallel_loop3A_730 = tpu.vector_load %arg8[%parallel_loop3A_727, %parallel_loop3A_728, %parallel_loop3A_729] {strides = array<i32>} : memref<2x120x128xf32, #tpu.memory_space<vmem>>, vector<1x1x16xf32>,
        %parallel_loop3A_731 = vector.shape_cast %parallel_loop3A_730 : vector<1x1x16xf32> to vector<16xf32>
        %parallel_loop3A_732 = arith.addf %parallel_loop3A_723, %parallel_loop3A_731 : vector<16xf32>
        %parallel_loop3A_733 = arith.constant 80 : i32
        %parallel_loop3A_734 = arith.addi %parallel_loop3A_733, %parallel_loop3A_677 : i32
        %parallel_loop3A_735 = arith.constant 1 : i32
        %parallel_loop3A_736 = arith.index_cast %parallel_loop3A_735 : i32 to index
        %parallel_loop3A_737 = arith.index_cast %parallel_loop3A_734 : i32 to index
        %parallel_loop3A_738 = arith.constant 16 : index
        %parallel_loop3A_739 = tpu.vector_load %arg8[%parallel_loop3A_736, %parallel_loop3A_737, %parallel_loop3A_738] {strides = array<i32>} : memref<2x120x128xf32, #tpu.memory_space<vmem>>, vector<1x1x16xf32>,
        %parallel_loop3A_740 = vector.shape_cast %parallel_loop3A_739 : vector<1x1x16xf32> to vector<16xf32>
        %parallel_loop3A_741 = arith.constant 0.000000e+00 : f32
        %parallel_loop3A_742 = vector.broadcast %parallel_loop3A_741 : f32 to vector<16xf32>
        %parallel_loop3A_743 = arith.subf %parallel_loop3A_742, %parallel_loop3A_732 : vector<16xf32>
        %parallel_loop3A_744 = math.exp %parallel_loop3A_743 : vector<16xf32>
        %parallel_loop3A_745 = arith.constant 1.000000e+00 : f32
        %parallel_loop3A_746 = vector.broadcast %parallel_loop3A_745 : f32 to vector<16xf32>
        %parallel_loop3A_747 = arith.addf %parallel_loop3A_746, %parallel_loop3A_744 : vector<16xf32>
        %parallel_loop3A_748 = arith.divf %parallel_loop3A_740, %parallel_loop3A_747 : vector<16xf32>
        %parallel_loop3A_749 = arith.constant 80 : i32
        %parallel_loop3A_750 = arith.addi %parallel_loop3A_749, %parallel_loop3A_677 : i32
        %parallel_loop3A_751 = arith.constant 1 : i32
        %parallel_loop3A_752 = arith.index_cast %parallel_loop3A_751 : i32 to index
        %parallel_loop3A_753 = arith.index_cast %parallel_loop3A_750 : i32 to index
        %parallel_loop3A_754 = arith.constant 16 : index
        %parallel_loop3A_755 = tpu.vector_load %arg8[%parallel_loop3A_752, %parallel_loop3A_753, %parallel_loop3A_754] {strides = array<i32>} : memref<2x120x128xf32, #tpu.memory_space<vmem>>, vector<1x1x16xf32>,
        %parallel_loop3A_756 = vector.shape_cast %parallel_loop3A_755 : vector<1x1x16xf32> to vector<16xf32>
        %parallel_loop3A_757 = vector.shape_cast %parallel_loop3A_748 : vector<16xf32> to vector<1x1x16xf32>
        tpu.vector_store %arg8[%parallel_loop3A_752, %parallel_loop3A_753, %parallel_loop3A_754], %parallel_loop3A_757 {strides = array<i32>} : memref<2x120x128xf32, #tpu.memory_space<vmem>>, vector<1x1x16xf32>,
        %parallel_loop3A_758 = arith.constant 1 : i32
        %parallel_loop3A_759 = arith.index_cast %parallel_loop3A_758 : i32 to index
        %parallel_loop3A_760 = arith.index_cast %parallel_loop3A_677 : i32 to index
        %parallel_loop3A_761 = arith.constant 32 : index
        %parallel_loop3A_762 = tpu.vector_load %arg8[%parallel_loop3A_759, %parallel_loop3A_760, %parallel_loop3A_761] {strides = array<i32>} : memref<2x120x128xf32, #tpu.memory_space<vmem>>, vector<1x1x16xf32>,
        %parallel_loop3A_763 = vector.shape_cast %parallel_loop3A_762 : vector<1x1x16xf32> to vector<16xf32>
        %parallel_loop3A_764 = arith.constant 40 : i32
        %parallel_loop3A_765 = arith.addi %parallel_loop3A_764, %parallel_loop3A_677 : i32
        %parallel_loop3A_766 = arith.constant 1 : i32
        %parallel_loop3A_767 = arith.index_cast %parallel_loop3A_766 : i32 to index
        %parallel_loop3A_768 = arith.index_cast %parallel_loop3A_765 : i32 to index
        %parallel_loop3A_769 = arith.constant 32 : index
        %parallel_loop3A_770 = tpu.vector_load %arg8[%parallel_loop3A_767, %parallel_loop3A_768, %parallel_loop3A_769] {strides = array<i32>} : memref<2x120x128xf32, #tpu.memory_space<vmem>>, vector<1x1x16xf32>,
        %parallel_loop3A_771 = vector.shape_cast %parallel_loop3A_770 : vector<1x1x16xf32> to vector<16xf32>
        %parallel_loop3A_772 = arith.addf %parallel_loop3A_763, %parallel_loop3A_771 : vector<16xf32>
        %parallel_loop3A_773 = arith.constant 80 : i32
        %parallel_loop3A_774 = arith.addi %parallel_loop3A_773, %parallel_loop3A_677 : i32
        %parallel_loop3A_775 = arith.constant 1 : i32
        %parallel_loop3A_776 = arith.index_cast %parallel_loop3A_775 : i32 to index
        %parallel_loop3A_777 = arith.index_cast %parallel_loop3A_774 : i32 to index
        %parallel_loop3A_778 = arith.constant 32 : index
        %parallel_loop3A_779 = tpu.vector_load %arg8[%parallel_loop3A_776, %parallel_loop3A_777, %parallel_loop3A_778] {strides = array<i32>} : memref<2x120x128xf32, #tpu.memory_space<vmem>>, vector<1x1x16xf32>,
        %parallel_loop3A_780 = vector.shape_cast %parallel_loop3A_779 : vector<1x1x16xf32> to vector<16xf32>
        %parallel_loop3A_781 = arith.constant 0.000000e+00 : f32
        %parallel_loop3A_782 = vector.broadcast %parallel_loop3A_781 : f32 to vector<16xf32>
        %parallel_loop3A_783 = arith.subf %parallel_loop3A_782, %parallel_loop3A_772 : vector<16xf32>
        %parallel_loop3A_784 = math.exp %parallel_loop3A_783 : vector<16xf32>
        %parallel_loop3A_785 = arith.constant 1.000000e+00 : f32
        %parallel_loop3A_786 = vector.broadcast %parallel_loop3A_785 : f32 to vector<16xf32>
        %parallel_loop3A_787 = arith.addf %parallel_loop3A_786, %parallel_loop3A_784 : vector<16xf32>
        %parallel_loop3A_788 = arith.divf %parallel_loop3A_780, %parallel_loop3A_787 : vector<16xf32>
        %parallel_loop3A_789 = arith.constant 80 : i32
        %parallel_loop3A_790 = arith.addi %parallel_loop3A_789, %parallel_loop3A_677 : i32
        %parallel_loop3A_791 = arith.constant 1 : i32
        %parallel_loop3A_792 = arith.index_cast %parallel_loop3A_791 : i32 to index
        %parallel_loop3A_793 = arith.index_cast %parallel_loop3A_790 : i32 to index
        %parallel_loop3A_794 = arith.constant 32 : index
        %parallel_loop3A_795 = tpu.vector_load %arg8[%parallel_loop3A_792, %parallel_loop3A_793, %parallel_loop3A_794] {strides = array<i32>} : memref<2x120x128xf32, #tpu.memory_space<vmem>>, vector<1x1x16xf32>,
        %parallel_loop3A_796 = vector.shape_cast %parallel_loop3A_795 : vector<1x1x16xf32> to vector<16xf32>
        %parallel_loop3A_797 = vector.shape_cast %parallel_loop3A_788 : vector<16xf32> to vector<1x1x16xf32>
        tpu.vector_store %arg8[%parallel_loop3A_792, %parallel_loop3A_793, %parallel_loop3A_794], %parallel_loop3A_797 {strides = array<i32>} : memref<2x120x128xf32, #tpu.memory_space<vmem>>, vector<1x1x16xf32>,
        %parallel_loop3A_798 = arith.constant 1 : i32
        %parallel_loop3A_799 = arith.index_cast %parallel_loop3A_798 : i32 to index
        %parallel_loop3A_800 = arith.index_cast %parallel_loop3A_677 : i32 to index
        %parallel_loop3A_801 = arith.constant 48 : index
        %parallel_loop3A_802 = tpu.vector_load %arg8[%parallel_loop3A_799, %parallel_loop3A_800, %parallel_loop3A_801] {strides = array<i32>} : memref<2x120x128xf32, #tpu.memory_space<vmem>>, vector<1x1x16xf32>,
        %parallel_loop3A_803 = vector.shape_cast %parallel_loop3A_802 : vector<1x1x16xf32> to vector<16xf32>
        %parallel_loop3A_804 = arith.constant 40 : i32
        %parallel_loop3A_805 = arith.addi %parallel_loop3A_804, %parallel_loop3A_677 : i32
        %parallel_loop3A_806 = arith.constant 1 : i32
        %parallel_loop3A_807 = arith.index_cast %parallel_loop3A_806 : i32 to index
        %parallel_loop3A_808 = arith.index_cast %parallel_loop3A_805 : i32 to index
        %parallel_loop3A_809 = arith.constant 48 : index
        %parallel_loop3A_810 = tpu.vector_load %arg8[%parallel_loop3A_807, %parallel_loop3A_808, %parallel_loop3A_809] {strides = array<i32>} : memref<2x120x128xf32, #tpu.memory_space<vmem>>, vector<1x1x16xf32>,
        %parallel_loop3A_811 = vector.shape_cast %parallel_loop3A_810 : vector<1x1x16xf32> to vector<16xf32>
        %parallel_loop3A_812 = arith.addf %parallel_loop3A_803, %parallel_loop3A_811 : vector<16xf32>
        %parallel_loop3A_813 = arith.constant 80 : i32
        %parallel_loop3A_814 = arith.addi %parallel_loop3A_813, %parallel_loop3A_677 : i32
        %parallel_loop3A_815 = arith.constant 1 : i32
        %parallel_loop3A_816 = arith.index_cast %parallel_loop3A_815 : i32 to index
        %parallel_loop3A_817 = arith.index_cast %parallel_loop3A_814 : i32 to index
        %parallel_loop3A_818 = arith.constant 48 : index
        %parallel_loop3A_819 = tpu.vector_load %arg8[%parallel_loop3A_816, %parallel_loop3A_817, %parallel_loop3A_818] {strides = array<i32>} : memref<2x120x128xf32, #tpu.memory_space<vmem>>, vector<1x1x16xf32>,
        %parallel_loop3A_820 = vector.shape_cast %parallel_loop3A_819 : vector<1x1x16xf32> to vector<16xf32>
        %parallel_loop3A_821 = arith.constant 0.000000e+00 : f32
        %parallel_loop3A_822 = vector.broadcast %parallel_loop3A_821 : f32 to vector<16xf32>
        %parallel_loop3A_823 = arith.subf %parallel_loop3A_822, %parallel_loop3A_812 : vector<16xf32>
        %parallel_loop3A_824 = math.exp %parallel_loop3A_823 : vector<16xf32>
        %parallel_loop3A_825 = arith.constant 1.000000e+00 : f32
        %parallel_loop3A_826 = vector.broadcast %parallel_loop3A_825 : f32 to vector<16xf32>
        %parallel_loop3A_827 = arith.addf %parallel_loop3A_826, %parallel_loop3A_824 : vector<16xf32>
        %parallel_loop3A_828 = arith.divf %parallel_loop3A_820, %parallel_loop3A_827 : vector<16xf32>
        %parallel_loop3A_829 = arith.constant 80 : i32
        %parallel_loop3A_830 = arith.addi %parallel_loop3A_829, %parallel_loop3A_677 : i32
        %parallel_loop3A_831 = arith.constant 1 : i32
        %parallel_loop3A_832 = arith.index_cast %parallel_loop3A_831 : i32 to index
        %parallel_loop3A_833 = arith.index_cast %parallel_loop3A_830 : i32 to index
        %parallel_loop3A_834 = arith.constant 48 : index
        %parallel_loop3A_835 = tpu.vector_load %arg8[%parallel_loop3A_832, %parallel_loop3A_833, %parallel_loop3A_834] {strides = array<i32>} : memref<2x120x128xf32, #tpu.memory_space<vmem>>, vector<1x1x16xf32>,
        %parallel_loop3A_836 = vector.shape_cast %parallel_loop3A_835 : vector<1x1x16xf32> to vector<16xf32>
        %parallel_loop3A_837 = vector.shape_cast %parallel_loop3A_828 : vector<16xf32> to vector<1x1x16xf32>
        tpu.vector_store %arg8[%parallel_loop3A_832, %parallel_loop3A_833, %parallel_loop3A_834], %parallel_loop3A_837 {strides = array<i32>} : memref<2x120x128xf32, #tpu.memory_space<vmem>>, vector<1x1x16xf32>,
        %parallel_loop3A_838 = arith.constant 1 : i32
        %parallel_loop3A_839 = arith.index_cast %parallel_loop3A_838 : i32 to index
        %parallel_loop3A_840 = arith.index_cast %parallel_loop3A_677 : i32 to index
        %parallel_loop3A_841 = arith.constant 64 : index
        %parallel_loop3A_842 = tpu.vector_load %arg8[%parallel_loop3A_839, %parallel_loop3A_840, %parallel_loop3A_841] {strides = array<i32>} : memref<2x120x128xf32, #tpu.memory_space<vmem>>, vector<1x1x16xf32>,
        %parallel_loop3A_843 = vector.shape_cast %parallel_loop3A_842 : vector<1x1x16xf32> to vector<16xf32>
        %parallel_loop3A_844 = arith.constant 40 : i32
        %parallel_loop3A_845 = arith.addi %parallel_loop3A_844, %parallel_loop3A_677 : i32
        %parallel_loop3A_846 = arith.constant 1 : i32
        %parallel_loop3A_847 = arith.index_cast %parallel_loop3A_846 : i32 to index
        %parallel_loop3A_848 = arith.index_cast %parallel_loop3A_845 : i32 to index
        %parallel_loop3A_849 = arith.constant 64 : index
        %parallel_loop3A_850 = tpu.vector_load %arg8[%parallel_loop3A_847, %parallel_loop3A_848, %parallel_loop3A_849] {strides = array<i32>} : memref<2x120x128xf32, #tpu.memory_space<vmem>>, vector<1x1x16xf32>,
        %parallel_loop3A_851 = vector.shape_cast %parallel_loop3A_850 : vector<1x1x16xf32> to vector<16xf32>
        %parallel_loop3A_852 = arith.addf %parallel_loop3A_843, %parallel_loop3A_851 : vector<16xf32>
        %parallel_loop3A_853 = arith.constant 80 : i32
        %parallel_loop3A_854 = arith.addi %parallel_loop3A_853, %parallel_loop3A_677 : i32
        %parallel_loop3A_855 = arith.constant 1 : i32
        %parallel_loop3A_856 = arith.index_cast %parallel_loop3A_855 : i32 to index
        %parallel_loop3A_857 = arith.index_cast %parallel_loop3A_854 : i32 to index
        %parallel_loop3A_858 = arith.constant 64 : index
        %parallel_loop3A_859 = tpu.vector_load %arg8[%parallel_loop3A_856, %parallel_loop3A_857, %parallel_loop3A_858] {strides = array<i32>} : memref<2x120x128xf32, #tpu.memory_space<vmem>>, vector<1x1x16xf32>,
        %parallel_loop3A_860 = vector.shape_cast %parallel_loop3A_859 : vector<1x1x16xf32> to vector<16xf32>
        %parallel_loop3A_861 = arith.constant 0.000000e+00 : f32
        %parallel_loop3A_862 = vector.broadcast %parallel_loop3A_861 : f32 to vector<16xf32>
        %parallel_loop3A_863 = arith.subf %parallel_loop3A_862, %parallel_loop3A_852 : vector<16xf32>
        %parallel_loop3A_864 = math.exp %parallel_loop3A_863 : vector<16xf32>
        %parallel_loop3A_865 = arith.constant 1.000000e+00 : f32
        %parallel_loop3A_866 = vector.broadcast %parallel_loop3A_865 : f32 to vector<16xf32>
        %parallel_loop3A_867 = arith.addf %parallel_loop3A_866, %parallel_loop3A_864 : vector<16xf32>
        %parallel_loop3A_868 = arith.divf %parallel_loop3A_860, %parallel_loop3A_867 : vector<16xf32>
        %parallel_loop3A_869 = arith.constant 80 : i32
        %parallel_loop3A_870 = arith.addi %parallel_loop3A_869, %parallel_loop3A_677 : i32
        %parallel_loop3A_871 = arith.constant 1 : i32
        %parallel_loop3A_872 = arith.index_cast %parallel_loop3A_871 : i32 to index
        %parallel_loop3A_873 = arith.index_cast %parallel_loop3A_870 : i32 to index
        %parallel_loop3A_874 = arith.constant 64 : index
        %parallel_loop3A_875 = tpu.vector_load %arg8[%parallel_loop3A_872, %parallel_loop3A_873, %parallel_loop3A_874] {strides = array<i32>} : memref<2x120x128xf32, #tpu.memory_space<vmem>>, vector<1x1x16xf32>,
        %parallel_loop3A_876 = vector.shape_cast %parallel_loop3A_875 : vector<1x1x16xf32> to vector<16xf32>
        %parallel_loop3A_877 = vector.shape_cast %parallel_loop3A_868 : vector<16xf32> to vector<1x1x16xf32>
        tpu.vector_store %arg8[%parallel_loop3A_872, %parallel_loop3A_873, %parallel_loop3A_874], %parallel_loop3A_877 {strides = array<i32>} : memref<2x120x128xf32, #tpu.memory_space<vmem>>, vector<1x1x16xf32>,
        %parallel_loop3A_878 = arith.constant 1 : i32
        %parallel_loop3A_879 = arith.index_cast %parallel_loop3A_878 : i32 to index
        %parallel_loop3A_880 = arith.index_cast %parallel_loop3A_677 : i32 to index
        %parallel_loop3A_881 = arith.constant 80 : index
        %parallel_loop3A_882 = tpu.vector_load %arg8[%parallel_loop3A_879, %parallel_loop3A_880, %parallel_loop3A_881] {strides = array<i32>} : memref<2x120x128xf32, #tpu.memory_space<vmem>>, vector<1x1x16xf32>,
        %parallel_loop3A_883 = vector.shape_cast %parallel_loop3A_882 : vector<1x1x16xf32> to vector<16xf32>
        %parallel_loop3A_884 = arith.constant 40 : i32
        %parallel_loop3A_885 = arith.addi %parallel_loop3A_884, %parallel_loop3A_677 : i32
        %parallel_loop3A_886 = arith.constant 1 : i32
        %parallel_loop3A_887 = arith.index_cast %parallel_loop3A_886 : i32 to index
        %parallel_loop3A_888 = arith.index_cast %parallel_loop3A_885 : i32 to index
        %parallel_loop3A_889 = arith.constant 80 : index
        %parallel_loop3A_890 = tpu.vector_load %arg8[%parallel_loop3A_887, %parallel_loop3A_888, %parallel_loop3A_889] {strides = array<i32>} : memref<2x120x128xf32, #tpu.memory_space<vmem>>, vector<1x1x16xf32>,
        %parallel_loop3A_891 = vector.shape_cast %parallel_loop3A_890 : vector<1x1x16xf32> to vector<16xf32>
        %parallel_loop3A_892 = arith.addf %parallel_loop3A_883, %parallel_loop3A_891 : vector<16xf32>
        %parallel_loop3A_893 = arith.constant 80 : i32
        %parallel_loop3A_894 = arith.addi %parallel_loop3A_893, %parallel_loop3A_677 : i32
        %parallel_loop3A_895 = arith.constant 1 : i32
        %parallel_loop3A_896 = arith.index_cast %parallel_loop3A_895 : i32 to index
        %parallel_loop3A_897 = arith.index_cast %parallel_loop3A_894 : i32 to index
        %parallel_loop3A_898 = arith.constant 80 : index
        %parallel_loop3A_899 = tpu.vector_load %arg8[%parallel_loop3A_896, %parallel_loop3A_897, %parallel_loop3A_898] {strides = array<i32>} : memref<2x120x128xf32, #tpu.memory_space<vmem>>, vector<1x1x16xf32>,
        %parallel_loop3A_900 = vector.shape_cast %parallel_loop3A_899 : vector<1x1x16xf32> to vector<16xf32>
        %parallel_loop3A_901 = arith.constant 0.000000e+00 : f32
        %parallel_loop3A_902 = vector.broadcast %parallel_loop3A_901 : f32 to vector<16xf32>
        %parallel_loop3A_903 = arith.subf %parallel_loop3A_902, %parallel_loop3A_892 : vector<16xf32>
        %parallel_loop3A_904 = math.exp %parallel_loop3A_903 : vector<16xf32>
        %parallel_loop3A_905 = arith.constant 1.000000e+00 : f32
        %parallel_loop3A_906 = vector.broadcast %parallel_loop3A_905 : f32 to vector<16xf32>
        %parallel_loop3A_907 = arith.addf %parallel_loop3A_906, %parallel_loop3A_904 : vector<16xf32>
        %parallel_loop3A_908 = arith.divf %parallel_loop3A_900, %parallel_loop3A_907 : vector<16xf32>
        %parallel_loop3A_909 = arith.constant 80 : i32
        %parallel_loop3A_910 = arith.addi %parallel_loop3A_909, %parallel_loop3A_677 : i32
        %parallel_loop3A_911 = arith.constant 1 : i32
        %parallel_loop3A_912 = arith.index_cast %parallel_loop3A_911 : i32 to index
        %parallel_loop3A_913 = arith.index_cast %parallel_loop3A_910 : i32 to index
        %parallel_loop3A_914 = arith.constant 80 : index
        %parallel_loop3A_915 = tpu.vector_load %arg8[%parallel_loop3A_912, %parallel_loop3A_913, %parallel_loop3A_914] {strides = array<i32>} : memref<2x120x128xf32, #tpu.memory_space<vmem>>, vector<1x1x16xf32>,
        %parallel_loop3A_916 = vector.shape_cast %parallel_loop3A_915 : vector<1x1x16xf32> to vector<16xf32>
        %parallel_loop3A_917 = vector.shape_cast %parallel_loop3A_908 : vector<16xf32> to vector<1x1x16xf32>
        tpu.vector_store %arg8[%parallel_loop3A_912, %parallel_loop3A_913, %parallel_loop3A_914], %parallel_loop3A_917 {strides = array<i32>} : memref<2x120x128xf32, #tpu.memory_space<vmem>>, vector<1x1x16xf32>,
        %parallel_loop3A_918 = arith.constant 1 : i32
        %parallel_loop3A_919 = arith.index_cast %parallel_loop3A_918 : i32 to index
        %parallel_loop3A_920 = arith.index_cast %parallel_loop3A_677 : i32 to index
        %parallel_loop3A_921 = arith.constant 96 : index
        %parallel_loop3A_922 = tpu.vector_load %arg8[%parallel_loop3A_919, %parallel_loop3A_920, %parallel_loop3A_921] {strides = array<i32>} : memref<2x120x128xf32, #tpu.memory_space<vmem>>, vector<1x1x16xf32>,
        %parallel_loop3A_923 = vector.shape_cast %parallel_loop3A_922 : vector<1x1x16xf32> to vector<16xf32>
        %parallel_loop3A_924 = arith.constant 40 : i32
        %parallel_loop3A_925 = arith.addi %parallel_loop3A_924, %parallel_loop3A_677 : i32
        %parallel_loop3A_926 = arith.constant 1 : i32
        %parallel_loop3A_927 = arith.index_cast %parallel_loop3A_926 : i32 to index
        %parallel_loop3A_928 = arith.index_cast %parallel_loop3A_925 : i32 to index
        %parallel_loop3A_929 = arith.constant 96 : index
        %parallel_loop3A_930 = tpu.vector_load %arg8[%parallel_loop3A_927, %parallel_loop3A_928, %parallel_loop3A_929] {strides = array<i32>} : memref<2x120x128xf32, #tpu.memory_space<vmem>>, vector<1x1x16xf32>,
        %parallel_loop3A_931 = vector.shape_cast %parallel_loop3A_930 : vector<1x1x16xf32> to vector<16xf32>
        %parallel_loop3A_932 = arith.addf %parallel_loop3A_923, %parallel_loop3A_931 : vector<16xf32>
        %parallel_loop3A_933 = arith.constant 80 : i32
        %parallel_loop3A_934 = arith.addi %parallel_loop3A_933, %parallel_loop3A_677 : i32
        %parallel_loop3A_935 = arith.constant 1 : i32
        %parallel_loop3A_936 = arith.index_cast %parallel_loop3A_935 : i32 to index
        %parallel_loop3A_937 = arith.index_cast %parallel_loop3A_934 : i32 to index
        %parallel_loop3A_938 = arith.constant 96 : index
        %parallel_loop3A_939 = tpu.vector_load %arg8[%parallel_loop3A_936, %parallel_loop3A_937, %parallel_loop3A_938] {strides = array<i32>} : memref<2x120x128xf32, #tpu.memory_space<vmem>>, vector<1x1x16xf32>,
        %parallel_loop3A_940 = vector.shape_cast %parallel_loop3A_939 : vector<1x1x16xf32> to vector<16xf32>
        %parallel_loop3A_941 = arith.constant 0.000000e+00 : f32
        %parallel_loop3A_942 = vector.broadcast %parallel_loop3A_941 : f32 to vector<16xf32>
        %parallel_loop3A_943 = arith.subf %parallel_loop3A_942, %parallel_loop3A_932 : vector<16xf32>
        %parallel_loop3A_944 = math.exp %parallel_loop3A_943 : vector<16xf32>
        %parallel_loop3A_945 = arith.constant 1.000000e+00 : f32
        %parallel_loop3A_946 = vector.broadcast %parallel_loop3A_945 : f32 to vector<16xf32>
        %parallel_loop3A_947 = arith.addf %parallel_loop3A_946, %parallel_loop3A_944 : vector<16xf32>
        %parallel_loop3A_948 = arith.divf %parallel_loop3A_940, %parallel_loop3A_947 : vector<16xf32>
        %parallel_loop3A_949 = arith.constant 80 : i32
        %parallel_loop3A_950 = arith.addi %parallel_loop3A_949, %parallel_loop3A_677 : i32
        %parallel_loop3A_951 = arith.constant 1 : i32
        %parallel_loop3A_952 = arith.index_cast %parallel_loop3A_951 : i32 to index
        %parallel_loop3A_953 = arith.index_cast %parallel_loop3A_950 : i32 to index
        %parallel_loop3A_954 = arith.constant 96 : index
        %parallel_loop3A_955 = tpu.vector_load %arg8[%parallel_loop3A_952, %parallel_loop3A_953, %parallel_loop3A_954] {strides = array<i32>} : memref<2x120x128xf32, #tpu.memory_space<vmem>>, vector<1x1x16xf32>,
        %parallel_loop3A_956 = vector.shape_cast %parallel_loop3A_955 : vector<1x1x16xf32> to vector<16xf32>
        %parallel_loop3A_957 = vector.shape_cast %parallel_loop3A_948 : vector<16xf32> to vector<1x1x16xf32>
        tpu.vector_store %arg8[%parallel_loop3A_952, %parallel_loop3A_953, %parallel_loop3A_954], %parallel_loop3A_957 {strides = array<i32>} : memref<2x120x128xf32, #tpu.memory_space<vmem>>, vector<1x1x16xf32>,
        %parallel_loop3A_958 = arith.constant 1 : i32
        %parallel_loop3A_959 = arith.index_cast %parallel_loop3A_958 : i32 to index
        %parallel_loop3A_960 = arith.index_cast %parallel_loop3A_677 : i32 to index
        %parallel_loop3A_961 = arith.constant 112 : index
        %parallel_loop3A_962 = tpu.vector_load %arg8[%parallel_loop3A_959, %parallel_loop3A_960, %parallel_loop3A_961] {strides = array<i32>} : memref<2x120x128xf32, #tpu.memory_space<vmem>>, vector<1x1x16xf32>,
        %parallel_loop3A_963 = vector.shape_cast %parallel_loop3A_962 : vector<1x1x16xf32> to vector<16xf32>
        %parallel_loop3A_964 = arith.constant 40 : i32
        %parallel_loop3A_965 = arith.addi %parallel_loop3A_964, %parallel_loop3A_677 : i32
        %parallel_loop3A_966 = arith.constant 1 : i32
        %parallel_loop3A_967 = arith.index_cast %parallel_loop3A_966 : i32 to index
        %parallel_loop3A_968 = arith.index_cast %parallel_loop3A_965 : i32 to index
        %parallel_loop3A_969 = arith.constant 112 : index
        %parallel_loop3A_970 = tpu.vector_load %arg8[%parallel_loop3A_967, %parallel_loop3A_968, %parallel_loop3A_969] {strides = array<i32>} : memref<2x120x128xf32, #tpu.memory_space<vmem>>, vector<1x1x16xf32>,
        %parallel_loop3A_971 = vector.shape_cast %parallel_loop3A_970 : vector<1x1x16xf32> to vector<16xf32>
        %parallel_loop3A_972 = arith.addf %parallel_loop3A_963, %parallel_loop3A_971 : vector<16xf32>
        %parallel_loop3A_973 = arith.constant 80 : i32
        %parallel_loop3A_974 = arith.addi %parallel_loop3A_973, %parallel_loop3A_677 : i32
        %parallel_loop3A_975 = arith.constant 1 : i32
        %parallel_loop3A_976 = arith.index_cast %parallel_loop3A_975 : i32 to index
        %parallel_loop3A_977 = arith.index_cast %parallel_loop3A_974 : i32 to index
        %parallel_loop3A_978 = arith.constant 112 : index
        %parallel_loop3A_979 = tpu.vector_load %arg8[%parallel_loop3A_976, %parallel_loop3A_977, %parallel_loop3A_978] {strides = array<i32>} : memref<2x120x128xf32, #tpu.memory_space<vmem>>, vector<1x1x16xf32>,
        %parallel_loop3A_980 = vector.shape_cast %parallel_loop3A_979 : vector<1x1x16xf32> to vector<16xf32>
        %parallel_loop3A_981 = arith.constant 0.000000e+00 : f32
        %parallel_loop3A_982 = vector.broadcast %parallel_loop3A_981 : f32 to vector<16xf32>
        %parallel_loop3A_983 = arith.subf %parallel_loop3A_982, %parallel_loop3A_972 : vector<16xf32>
        %parallel_loop3A_984 = math.exp %parallel_loop3A_983 : vector<16xf32>
        %parallel_loop3A_985 = arith.constant 1.000000e+00 : f32
        %parallel_loop3A_986 = vector.broadcast %parallel_loop3A_985 : f32 to vector<16xf32>
        %parallel_loop3A_987 = arith.addf %parallel_loop3A_986, %parallel_loop3A_984 : vector<16xf32>
        %parallel_loop3A_988 = arith.divf %parallel_loop3A_980, %parallel_loop3A_987 : vector<16xf32>
        %parallel_loop3A_989 = arith.constant 80 : i32
        %parallel_loop3A_990 = arith.addi %parallel_loop3A_989, %parallel_loop3A_677 : i32
        %parallel_loop3A_991 = arith.constant 1 : i32
        %parallel_loop3A_992 = arith.index_cast %parallel_loop3A_991 : i32 to index
        %parallel_loop3A_993 = arith.index_cast %parallel_loop3A_990 : i32 to index
        %parallel_loop3A_994 = arith.constant 112 : index
        %parallel_loop3A_995 = tpu.vector_load %arg8[%parallel_loop3A_992, %parallel_loop3A_993, %parallel_loop3A_994] {strides = array<i32>} : memref<2x120x128xf32, #tpu.memory_space<vmem>>, vector<1x1x16xf32>,
        %parallel_loop3A_996 = vector.shape_cast %parallel_loop3A_995 : vector<1x1x16xf32> to vector<16xf32>
        %parallel_loop3A_997 = vector.shape_cast %parallel_loop3A_988 : vector<16xf32> to vector<1x1x16xf32>
        tpu.vector_store %arg8[%parallel_loop3A_992, %parallel_loop3A_993, %parallel_loop3A_994], %parallel_loop3A_997 {strides = array<i32>} : memref<2x120x128xf32, #tpu.memory_space<vmem>>, vector<1x1x16xf32>,
      } {sc.loop_unroll_factor = 1 : i64, sc.parallel_access}
      %dma_start3A_665 = arith.constant 1 : i32
      %dma_start3A_666 = arith.constant 3 : i32
      %dma_start3A_667 = arith.constant 80 : i32
      %dma_start3A_668 = arith.constant 0 : i32
      %dma_start3A_669 = tpu.memref_slice %arg8[%dma_start3A_665, %dma_start3A_667, %dma_start3A_668] : memref<2x120x128xf32, #tpu.memory_space<vmem>> -> memref<1x40x128xf32, #tpu.memory_space<vmem>>
      %dma_start3A_670 = tpu.memref_squeeze %dma_start3A_669 : memref<1x40x128xf32, #tpu.memory_space<vmem>> -> memref<40x128xf32, #tpu.memory_space<vmem>>
      %dma_start3A_671 = arith.constant 0 : i32
      %dma_start3A_672 = tpu.memref_slice %arg7[%dma_start3A_666, %dma_start3A_671] : memref<4x40xi32, #tpu.memory_space<vmem>> -> memref<1x40xi32, #tpu.memory_space<vmem>>
      %dma_start3A_673 = tpu.memref_squeeze %dma_start3A_672 : memref<1x40xi32, #tpu.memory_space<vmem>> -> memref<40xi32, #tpu.memory_space<vmem>>
      %dma_start3A_674 = arith.constant 0 : i32
      %dma_start3A_675 = arith.constant 0 : i32
      %dma_start3A_676 = tpu.memref_slice %arg9[%dma_start3A_674, %dma_start3A_675] : memref<10000x128xf32, #tpu.memory_space<vmem_shared>> -> memref<10000x128xf32, #tpu.memory_space<vmem_shared>>
      tpu.enqueue_indirect_dma source(%dma_start3A_670 : memref<40x128xf32, #tpu.memory_space<vmem>>) target(%dma_start3A_676 : memref<10000x128xf32, #tpu.memory_space<vmem_shared>>) offsets(%dma_start3A_673 : memref<40xi32, #tpu.memory_space<vmem>>) semaphore(%arg13 : memref<!tpu.dma_semaphore, #tpu.memory_space<semaphore_mem>>) {add = true}
    }
    %scan3A_51 = arith.constant 62 : i32
    %dma_wait3A = arith.constant 1 : i32
    %dma_wait3A_52 = arith.constant 80 : i32
    %dma_wait3A_53 = arith.constant 0 : i32
    %dma_wait3A_54 = tpu.memref_slice %arg8[%dma_wait3A, %dma_wait3A_52, %dma_wait3A_53] : memref<2x120x128xf32, #tpu.memory_space<vmem>> -> memref<1x40x128xf32, #tpu.memory_space<vmem>>
    %dma_wait3A_55 = tpu.memref_squeeze %dma_wait3A_54 : memref<1x40x128xf32, #tpu.memory_space<vmem>> -> memref<40x128xf32, #tpu.memory_space<vmem>>
    %dma_wait3A_56 = arith.constant 0 : i32
    %dma_wait3A_57 = arith.constant 0 : i32
    %dma_wait3A_58 = tpu.memref_slice %arg2[%dma_wait3A_56, %dma_wait3A_57] : memref<30000x128xf32, #tpu.memory_space<hbm>> -> memref<40x128xf32, #tpu.memory_space<hbm>>
    %dma_wait3A_59 = arith.constant 80 : i32
    %dma_wait3A_60 = arith.constant 0 : i32
    %dma_wait3A_61 = tpu.memref_slice %arg8[%dma_wait3A, %dma_wait3A_59, %dma_wait3A_60] : memref<2x120x128xf32, #tpu.memory_space<vmem>> -> memref<1x40x128xf32, #tpu.memory_space<vmem>>
    %dma_wait3A_62 = tpu.memref_squeeze %dma_wait3A_61 : memref<1x40x128xf32, #tpu.memory_space<vmem>> -> memref<40x128xf32, #tpu.memory_space<vmem>>
    %dma_wait3A_63 = arith.constant 0 : i32
    %dma_wait3A_64 = arith.constant 0 : i32
    %dma_wait3A_65 = tpu.memref_slice %arg2[%dma_wait3A_63, %dma_wait3A_64] : memref<30000x128xf32, #tpu.memory_space<hbm>> -> memref<40x128xf32, #tpu.memory_space<hbm>>
    tpu.wait_dma2 semaphore(%arg13 : memref<!tpu.dma_semaphore, #tpu.memory_space<semaphore_mem>>) src(%dma_wait3A_65 : memref<40x128xf32, #tpu.memory_space<hbm>>) dst(%dma_wait3A_62 : memref<40x128xf32, #tpu.memory_space<vmem>>)
    %dma_wait3A_66 = arith.constant 0 : i32
    %dma_wait3A_67 = arith.constant 0 : i32
    %dma_wait3A_68 = arith.constant 1 : i32
    %dma_wait3A_69 = arith.constant 0 : i32
    %dma_wait3A_70 = tpu.memref_slice %arg6[%dma_wait3A_68, %dma_wait3A_69] : memref<4x120xi32, #tpu.memory_space<vmem>> -> memref<1x120xi32, #tpu.memory_space<vmem>>
    %dma_wait3A_71 = tpu.memref_squeeze %dma_wait3A_70 : memref<1x120xi32, #tpu.memory_space<vmem>> -> memref<120xi32, #tpu.memory_space<vmem>>
    %dma_wait3A_72 = arith.constant 0 : i32
    %dma_wait3A_73 = tpu.memref_slice %arg3[%dma_wait3A_66, %dma_wait3A_67, %dma_wait3A_72] : memref<32x250x120xi32, #tpu.memory_space<hbm>> -> memref<1x1x120xi32, #tpu.memory_space<hbm>>
    %dma_wait3A_74 = tpu.memref_squeeze %dma_wait3A_73 : memref<1x1x120xi32, #tpu.memory_space<hbm>> -> memref<120xi32, #tpu.memory_space<hbm>>
    %dma_wait3A_75 = arith.constant 0 : i32
    %dma_wait3A_76 = tpu.memref_slice %arg6[%dma_wait3A_68, %dma_wait3A_75] : memref<4x120xi32, #tpu.memory_space<vmem>> -> memref<1x120xi32, #tpu.memory_space<vmem>>
    %dma_wait3A_77 = tpu.memref_squeeze %dma_wait3A_76 : memref<1x120xi32, #tpu.memory_space<vmem>> -> memref<120xi32, #tpu.memory_space<vmem>>
    %dma_wait3A_78 = arith.constant 0 : i32
    %dma_wait3A_79 = tpu.memref_slice %arg3[%dma_wait3A_66, %dma_wait3A_67, %dma_wait3A_78] : memref<32x250x120xi32, #tpu.memory_space<hbm>> -> memref<1x1x120xi32, #tpu.memory_space<hbm>>
    %dma_wait3A_80 = tpu.memref_squeeze %dma_wait3A_79 : memref<1x1x120xi32, #tpu.memory_space<hbm>> -> memref<120xi32, #tpu.memory_space<hbm>>
    tpu.wait_dma2 semaphore(%arg14 : memref<!tpu.dma_semaphore, #tpu.memory_space<semaphore_mem>>) src(%dma_wait3A_80 : memref<120xi32, #tpu.memory_space<hbm>>) dst(%dma_wait3A_77 : memref<120xi32, #tpu.memory_space<vmem>>)
    %dma_wait3A_81 = arith.constant 0 : i32
    %dma_wait3A_82 = arith.constant 0 : i32
    %dma_wait3A_83 = arith.constant 1 : i32
    %dma_wait3A_84 = arith.constant 0 : i32
    %dma_wait3A_85 = tpu.memref_slice %arg7[%dma_wait3A_83, %dma_wait3A_84] : memref<4x40xi32, #tpu.memory_space<vmem>> -> memref<1x40xi32, #tpu.memory_space<vmem>>
    %dma_wait3A_86 = tpu.memref_squeeze %dma_wait3A_85 : memref<1x40xi32, #tpu.memory_space<vmem>> -> memref<40xi32, #tpu.memory_space<vmem>>
    %dma_wait3A_87 = arith.constant 0 : i32
    %dma_wait3A_88 = tpu.memref_slice %arg3[%dma_wait3A_81, %dma_wait3A_82, %dma_wait3A_87] : memref<32x250x120xi32, #tpu.memory_space<hbm>> -> memref<1x1x40xi32, #tpu.memory_space<hbm>>
    %dma_wait3A_89 = tpu.memref_squeeze %dma_wait3A_88 : memref<1x1x40xi32, #tpu.memory_space<hbm>> -> memref<40xi32, #tpu.memory_space<hbm>>
    %dma_wait3A_90 = arith.constant 0 : i32
    %dma_wait3A_91 = tpu.memref_slice %arg7[%dma_wait3A_83, %dma_wait3A_90] : memref<4x40xi32, #tpu.memory_space<vmem>> -> memref<1x40xi32, #tpu.memory_space<vmem>>
    %dma_wait3A_92 = tpu.memref_squeeze %dma_wait3A_91 : memref<1x40xi32, #tpu.memory_space<vmem>> -> memref<40xi32, #tpu.memory_space<vmem>>
    %dma_wait3A_93 = arith.constant 0 : i32
    %dma_wait3A_94 = tpu.memref_slice %arg3[%dma_wait3A_81, %dma_wait3A_82, %dma_wait3A_93] : memref<32x250x120xi32, #tpu.memory_space<hbm>> -> memref<1x1x40xi32, #tpu.memory_space<hbm>>
    %dma_wait3A_95 = tpu.memref_squeeze %dma_wait3A_94 : memref<1x1x40xi32, #tpu.memory_space<hbm>> -> memref<40xi32, #tpu.memory_space<hbm>>
    tpu.wait_dma2 semaphore(%arg14 : memref<!tpu.dma_semaphore, #tpu.memory_space<semaphore_mem>>) src(%dma_wait3A_95 : memref<40xi32, #tpu.memory_space<hbm>>) dst(%dma_wait3A_92 : memref<40xi32, #tpu.memory_space<vmem>>)
    %dma_start3A_96 = arith.constant 1 : i32
    %dma_start3A_97 = arith.constant 1 : i32
    %dma_start3A_98 = arith.constant 0 : i32
    %dma_start3A_99 = arith.constant 0 : i32
    %dma_start3A_100 = tpu.memref_slice %arg8[%dma_start3A_97, %dma_start3A_98, %dma_start3A_99] : memref<2x120x128xf32, #tpu.memory_space<vmem>> -> memref<1x120x128xf32, #tpu.memory_space<vmem>>
    %dma_start3A_101 = tpu.memref_squeeze %dma_start3A_100 : memref<1x120x128xf32, #tpu.memory_space<vmem>> -> memref<120x128xf32, #tpu.memory_space<vmem>>
    %dma_start3A_102 = arith.constant 0 : i32
    %dma_start3A_103 = tpu.memref_slice %arg6[%dma_start3A_96, %dma_start3A_102] : memref<4x120xi32, #tpu.memory_space<vmem>> -> memref<1x120xi32, #tpu.memory_space<vmem>>
    %dma_start3A_104 = tpu.memref_squeeze %dma_start3A_103 : memref<1x120xi32, #tpu.memory_space<vmem>> -> memref<120xi32, #tpu.memory_space<vmem>>
    %dma_start3A_105 = arith.constant 0 : i32
    %dma_start3A_106 = arith.constant 0 : i32
    %dma_start3A_107 = tpu.memref_slice %arg2[%dma_start3A_105, %dma_start3A_106] : memref<30000x128xf32, #tpu.memory_space<hbm>> -> memref<30000x128xf32, #tpu.memory_space<hbm>>
    tpu.enqueue_indirect_dma source(%dma_start3A_107 : memref<30000x128xf32, #tpu.memory_space<hbm>>) target(%dma_start3A_101 : memref<120x128xf32, #tpu.memory_space<vmem>>) offsets(%dma_start3A_104 : memref<120xi32, #tpu.memory_space<vmem>>) semaphore(%arg11 : memref<!tpu.dma_semaphore, #tpu.memory_space<semaphore_mem>>)
    %dma_wait3A_108 = arith.constant 0 : i32
    %dma_wait3A_109 = arith.constant 0 : i32
    %dma_wait3A_110 = arith.constant 0 : i32
    %dma_wait3A_111 = tpu.memref_slice %arg8[%dma_wait3A_108, %dma_wait3A_109, %dma_wait3A_110] : memref<2x120x128xf32, #tpu.memory_space<vmem>> -> memref<1x120x128xf32, #tpu.memory_space<vmem>>
    %dma_wait3A_112 = tpu.memref_squeeze %dma_wait3A_111 : memref<1x120x128xf32, #tpu.memory_space<vmem>> -> memref<120x128xf32, #tpu.memory_space<vmem>>
    %dma_wait3A_113 = arith.constant 0 : i32
    %dma_wait3A_114 = arith.constant 0 : i32
    %dma_wait3A_115 = tpu.memref_slice %arg2[%dma_wait3A_113, %dma_wait3A_114] : memref<30000x128xf32, #tpu.memory_space<hbm>> -> memref<120x128xf32, #tpu.memory_space<hbm>>
    %dma_wait3A_116 = arith.constant 0 : i32
    %dma_wait3A_117 = arith.constant 0 : i32
    %dma_wait3A_118 = tpu.memref_slice %arg8[%dma_wait3A_108, %dma_wait3A_116, %dma_wait3A_117] : memref<2x120x128xf32, #tpu.memory_space<vmem>> -> memref<1x120x128xf32, #tpu.memory_space<vmem>>
    %dma_wait3A_119 = tpu.memref_squeeze %dma_wait3A_118 : memref<1x120x128xf32, #tpu.memory_space<vmem>> -> memref<120x128xf32, #tpu.memory_space<vmem>>
    %dma_wait3A_120 = arith.constant 0 : i32
    %dma_wait3A_121 = arith.constant 0 : i32
    %dma_wait3A_122 = tpu.memref_slice %arg2[%dma_wait3A_120, %dma_wait3A_121] : memref<30000x128xf32, #tpu.memory_space<hbm>> -> memref<120x128xf32, #tpu.memory_space<hbm>>
    tpu.wait_dma2 semaphore(%arg10 : memref<!tpu.dma_semaphore, #tpu.memory_space<semaphore_mem>>) src(%dma_wait3A_122 : memref<120x128xf32, #tpu.memory_space<hbm>>) dst(%dma_wait3A_119 : memref<120x128xf32, #tpu.memory_space<vmem>>)
    %parallel_loop3A = arith.constant 0 : i32
    %parallel_loop3A_123 = arith.constant 40 : i32
    %parallel_loop3A_124 = arith.constant 1 : i32
    scf.for %parallel_loop3A_203 = %parallel_loop3A to %parallel_loop3A_123 step %parallel_loop3A_124  : i32 {
      %parallel_loop3A_204 = arith.constant 0 : i32
      %parallel_loop3A_205 = arith.index_cast %parallel_loop3A_204 : i32 to index
      %parallel_loop3A_206 = arith.index_cast %parallel_loop3A_203 : i32 to index
      %parallel_loop3A_207 = arith.constant 0 : index
      %parallel_loop3A_208 = tpu.vector_load %arg8[%parallel_loop3A_205, %parallel_loop3A_206, %parallel_loop3A_207] {strides = array<i32>} : memref<2x120x128xf32, #tpu.memory_space<vmem>>, vector<1x1x16xf32>,
      %parallel_loop3A_209 = vector.shape_cast %parallel_loop3A_208 : vector<1x1x16xf32> to vector<16xf32>
      %parallel_loop3A_210 = arith.constant 40 : i32
      %parallel_loop3A_211 = arith.addi %parallel_loop3A_210, %parallel_loop3A_203 : i32
      %parallel_loop3A_212 = arith.constant 0 : i32
      %parallel_loop3A_213 = arith.index_cast %parallel_loop3A_212 : i32 to index
      %parallel_loop3A_214 = arith.index_cast %parallel_loop3A_211 : i32 to index
      %parallel_loop3A_215 = arith.constant 0 : index
      %parallel_loop3A_216 = tpu.vector_load %arg8[%parallel_loop3A_213, %parallel_loop3A_214, %parallel_loop3A_215] {strides = array<i32>} : memref<2x120x128xf32, #tpu.memory_space<vmem>>, vector<1x1x16xf32>,
      %parallel_loop3A_217 = vector.shape_cast %parallel_loop3A_216 : vector<1x1x16xf32> to vector<16xf32>
      %parallel_loop3A_218 = arith.addf %parallel_loop3A_209, %parallel_loop3A_217 : vector<16xf32>
      %parallel_loop3A_219 = arith.constant 80 : i32
      %parallel_loop3A_220 = arith.addi %parallel_loop3A_219, %parallel_loop3A_203 : i32
      %parallel_loop3A_221 = arith.constant 0 : i32
      %parallel_loop3A_222 = arith.index_cast %parallel_loop3A_221 : i32 to index
      %parallel_loop3A_223 = arith.index_cast %parallel_loop3A_220 : i32 to index
      %parallel_loop3A_224 = arith.constant 0 : index
      %parallel_loop3A_225 = tpu.vector_load %arg8[%parallel_loop3A_222, %parallel_loop3A_223, %parallel_loop3A_224] {strides = array<i32>} : memref<2x120x128xf32, #tpu.memory_space<vmem>>, vector<1x1x16xf32>,
      %parallel_loop3A_226 = vector.shape_cast %parallel_loop3A_225 : vector<1x1x16xf32> to vector<16xf32>
      %parallel_loop3A_227 = arith.constant 0.000000e+00 : f32
      %parallel_loop3A_228 = vector.broadcast %parallel_loop3A_227 : f32 to vector<16xf32>
      %parallel_loop3A_229 = arith.subf %parallel_loop3A_228, %parallel_loop3A_218 : vector<16xf32>
      %parallel_loop3A_230 = math.exp %parallel_loop3A_229 : vector<16xf32>
      %parallel_loop3A_231 = arith.constant 1.000000e+00 : f32
      %parallel_loop3A_232 = vector.broadcast %parallel_loop3A_231 : f32 to vector<16xf32>
      %parallel_loop3A_233 = arith.addf %parallel_loop3A_232, %parallel_loop3A_230 : vector<16xf32>
      %parallel_loop3A_234 = arith.divf %parallel_loop3A_226, %parallel_loop3A_233 : vector<16xf32>
      %parallel_loop3A_235 = arith.constant 80 : i32
      %parallel_loop3A_236 = arith.addi %parallel_loop3A_235, %parallel_loop3A_203 : i32
      %parallel_loop3A_237 = arith.constant 0 : i32
      %parallel_loop3A_238 = arith.index_cast %parallel_loop3A_237 : i32 to index
      %parallel_loop3A_239 = arith.index_cast %parallel_loop3A_236 : i32 to index
      %parallel_loop3A_240 = arith.constant 0 : index
      %parallel_loop3A_241 = tpu.vector_load %arg8[%parallel_loop3A_238, %parallel_loop3A_239, %parallel_loop3A_240] {strides = array<i32>} : memref<2x120x128xf32, #tpu.memory_space<vmem>>, vector<1x1x16xf32>,
      %parallel_loop3A_242 = vector.shape_cast %parallel_loop3A_241 : vector<1x1x16xf32> to vector<16xf32>
      %parallel_loop3A_243 = vector.shape_cast %parallel_loop3A_234 : vector<16xf32> to vector<1x1x16xf32>
      tpu.vector_store %arg8[%parallel_loop3A_238, %parallel_loop3A_239, %parallel_loop3A_240], %parallel_loop3A_243 {strides = array<i32>} : memref<2x120x128xf32, #tpu.memory_space<vmem>>, vector<1x1x16xf32>,
      %parallel_loop3A_244 = arith.constant 0 : i32
      %parallel_loop3A_245 = arith.index_cast %parallel_loop3A_244 : i32 to index
      %parallel_loop3A_246 = arith.index_cast %parallel_loop3A_203 : i32 to index
      %parallel_loop3A_247 = arith.constant 16 : index
      %parallel_loop3A_248 = tpu.vector_load %arg8[%parallel_loop3A_245, %parallel_loop3A_246, %parallel_loop3A_247] {strides = array<i32>} : memref<2x120x128xf32, #tpu.memory_space<vmem>>, vector<1x1x16xf32>,
      %parallel_loop3A_249 = vector.shape_cast %parallel_loop3A_248 : vector<1x1x16xf32> to vector<16xf32>
      %parallel_loop3A_250 = arith.constant 40 : i32
      %parallel_loop3A_251 = arith.addi %parallel_loop3A_250, %parallel_loop3A_203 : i32
      %parallel_loop3A_252 = arith.constant 0 : i32
      %parallel_loop3A_253 = arith.index_cast %parallel_loop3A_252 : i32 to index
      %parallel_loop3A_254 = arith.index_cast %parallel_loop3A_251 : i32 to index
      %parallel_loop3A_255 = arith.constant 16 : index
      %parallel_loop3A_256 = tpu.vector_load %arg8[%parallel_loop3A_253, %parallel_loop3A_254, %parallel_loop3A_255] {strides = array<i32>} : memref<2x120x128xf32, #tpu.memory_space<vmem>>, vector<1x1x16xf32>,
      %parallel_loop3A_257 = vector.shape_cast %parallel_loop3A_256 : vector<1x1x16xf32> to vector<16xf32>
      %parallel_loop3A_258 = arith.addf %parallel_loop3A_249, %parallel_loop3A_257 : vector<16xf32>
      %parallel_loop3A_259 = arith.constant 80 : i32
      %parallel_loop3A_260 = arith.addi %parallel_loop3A_259, %parallel_loop3A_203 : i32
      %parallel_loop3A_261 = arith.constant 0 : i32
      %parallel_loop3A_262 = arith.index_cast %parallel_loop3A_261 : i32 to index
      %parallel_loop3A_263 = arith.index_cast %parallel_loop3A_260 : i32 to index
      %parallel_loop3A_264 = arith.constant 16 : index
      %parallel_loop3A_265 = tpu.vector_load %arg8[%parallel_loop3A_262, %parallel_loop3A_263, %parallel_loop3A_264] {strides = array<i32>} : memref<2x120x128xf32, #tpu.memory_space<vmem>>, vector<1x1x16xf32>,
      %parallel_loop3A_266 = vector.shape_cast %parallel_loop3A_265 : vector<1x1x16xf32> to vector<16xf32>
      %parallel_loop3A_267 = arith.constant 0.000000e+00 : f32
      %parallel_loop3A_268 = vector.broadcast %parallel_loop3A_267 : f32 to vector<16xf32>
      %parallel_loop3A_269 = arith.subf %parallel_loop3A_268, %parallel_loop3A_258 : vector<16xf32>
      %parallel_loop3A_270 = math.exp %parallel_loop3A_269 : vector<16xf32>
      %parallel_loop3A_271 = arith.constant 1.000000e+00 : f32
      %parallel_loop3A_272 = vector.broadcast %parallel_loop3A_271 : f32 to vector<16xf32>
      %parallel_loop3A_273 = arith.addf %parallel_loop3A_272, %parallel_loop3A_270 : vector<16xf32>
      %parallel_loop3A_274 = arith.divf %parallel_loop3A_266, %parallel_loop3A_273 : vector<16xf32>
      %parallel_loop3A_275 = arith.constant 80 : i32
      %parallel_loop3A_276 = arith.addi %parallel_loop3A_275, %parallel_loop3A_203 : i32
      %parallel_loop3A_277 = arith.constant 0 : i32
      %parallel_loop3A_278 = arith.index_cast %parallel_loop3A_277 : i32 to index
      %parallel_loop3A_279 = arith.index_cast %parallel_loop3A_276 : i32 to index
      %parallel_loop3A_280 = arith.constant 16 : index
      %parallel_loop3A_281 = tpu.vector_load %arg8[%parallel_loop3A_278, %parallel_loop3A_279, %parallel_loop3A_280] {strides = array<i32>} : memref<2x120x128xf32, #tpu.memory_space<vmem>>, vector<1x1x16xf32>,
      %parallel_loop3A_282 = vector.shape_cast %parallel_loop3A_281 : vector<1x1x16xf32> to vector<16xf32>
      %parallel_loop3A_283 = vector.shape_cast %parallel_loop3A_274 : vector<16xf32> to vector<1x1x16xf32>
      tpu.vector_store %arg8[%parallel_loop3A_278, %parallel_loop3A_279, %parallel_loop3A_280], %parallel_loop3A_283 {strides = array<i32>} : memref<2x120x128xf32, #tpu.memory_space<vmem>>, vector<1x1x16xf32>,
      %parallel_loop3A_284 = arith.constant 0 : i32
      %parallel_loop3A_285 = arith.index_cast %parallel_loop3A_284 : i32 to index
      %parallel_loop3A_286 = arith.index_cast %parallel_loop3A_203 : i32 to index
      %parallel_loop3A_287 = arith.constant 32 : index
      %parallel_loop3A_288 = tpu.vector_load %arg8[%parallel_loop3A_285, %parallel_loop3A_286, %parallel_loop3A_287] {strides = array<i32>} : memref<2x120x128xf32, #tpu.memory_space<vmem>>, vector<1x1x16xf32>,
      %parallel_loop3A_289 = vector.shape_cast %parallel_loop3A_288 : vector<1x1x16xf32> to vector<16xf32>
      %parallel_loop3A_290 = arith.constant 40 : i32
      %parallel_loop3A_291 = arith.addi %parallel_loop3A_290, %parallel_loop3A_203 : i32
      %parallel_loop3A_292 = arith.constant 0 : i32
      %parallel_loop3A_293 = arith.index_cast %parallel_loop3A_292 : i32 to index
      %parallel_loop3A_294 = arith.index_cast %parallel_loop3A_291 : i32 to index
      %parallel_loop3A_295 = arith.constant 32 : index
      %parallel_loop3A_296 = tpu.vector_load %arg8[%parallel_loop3A_293, %parallel_loop3A_294, %parallel_loop3A_295] {strides = array<i32>} : memref<2x120x128xf32, #tpu.memory_space<vmem>>, vector<1x1x16xf32>,
      %parallel_loop3A_297 = vector.shape_cast %parallel_loop3A_296 : vector<1x1x16xf32> to vector<16xf32>
      %parallel_loop3A_298 = arith.addf %parallel_loop3A_289, %parallel_loop3A_297 : vector<16xf32>
      %parallel_loop3A_299 = arith.constant 80 : i32
      %parallel_loop3A_300 = arith.addi %parallel_loop3A_299, %parallel_loop3A_203 : i32
      %parallel_loop3A_301 = arith.constant 0 : i32
      %parallel_loop3A_302 = arith.index_cast %parallel_loop3A_301 : i32 to index
      %parallel_loop3A_303 = arith.index_cast %parallel_loop3A_300 : i32 to index
      %parallel_loop3A_304 = arith.constant 32 : index
      %parallel_loop3A_305 = tpu.vector_load %arg8[%parallel_loop3A_302, %parallel_loop3A_303, %parallel_loop3A_304] {strides = array<i32>} : memref<2x120x128xf32, #tpu.memory_space<vmem>>, vector<1x1x16xf32>,
      %parallel_loop3A_306 = vector.shape_cast %parallel_loop3A_305 : vector<1x1x16xf32> to vector<16xf32>
      %parallel_loop3A_307 = arith.constant 0.000000e+00 : f32
      %parallel_loop3A_308 = vector.broadcast %parallel_loop3A_307 : f32 to vector<16xf32>
      %parallel_loop3A_309 = arith.subf %parallel_loop3A_308, %parallel_loop3A_298 : vector<16xf32>
      %parallel_loop3A_310 = math.exp %parallel_loop3A_309 : vector<16xf32>
      %parallel_loop3A_311 = arith.constant 1.000000e+00 : f32
      %parallel_loop3A_312 = vector.broadcast %parallel_loop3A_311 : f32 to vector<16xf32>
      %parallel_loop3A_313 = arith.addf %parallel_loop3A_312, %parallel_loop3A_310 : vector<16xf32>
      %parallel_loop3A_314 = arith.divf %parallel_loop3A_306, %parallel_loop3A_313 : vector<16xf32>
      %parallel_loop3A_315 = arith.constant 80 : i32
      %parallel_loop3A_316 = arith.addi %parallel_loop3A_315, %parallel_loop3A_203 : i32
      %parallel_loop3A_317 = arith.constant 0 : i32
      %parallel_loop3A_318 = arith.index_cast %parallel_loop3A_317 : i32 to index
      %parallel_loop3A_319 = arith.index_cast %parallel_loop3A_316 : i32 to index
      %parallel_loop3A_320 = arith.constant 32 : index
      %parallel_loop3A_321 = tpu.vector_load %arg8[%parallel_loop3A_318, %parallel_loop3A_319, %parallel_loop3A_320] {strides = array<i32>} : memref<2x120x128xf32, #tpu.memory_space<vmem>>, vector<1x1x16xf32>,
      %parallel_loop3A_322 = vector.shape_cast %parallel_loop3A_321 : vector<1x1x16xf32> to vector<16xf32>
      %parallel_loop3A_323 = vector.shape_cast %parallel_loop3A_314 : vector<16xf32> to vector<1x1x16xf32>
      tpu.vector_store %arg8[%parallel_loop3A_318, %parallel_loop3A_319, %parallel_loop3A_320], %parallel_loop3A_323 {strides = array<i32>} : memref<2x120x128xf32, #tpu.memory_space<vmem>>, vector<1x1x16xf32>,
      %parallel_loop3A_324 = arith.constant 0 : i32
      %parallel_loop3A_325 = arith.index_cast %parallel_loop3A_324 : i32 to index
      %parallel_loop3A_326 = arith.index_cast %parallel_loop3A_203 : i32 to index
      %parallel_loop3A_327 = arith.constant 48 : index
      %parallel_loop3A_328 = tpu.vector_load %arg8[%parallel_loop3A_325, %parallel_loop3A_326, %parallel_loop3A_327] {strides = array<i32>} : memref<2x120x128xf32, #tpu.memory_space<vmem>>, vector<1x1x16xf32>,
      %parallel_loop3A_329 = vector.shape_cast %parallel_loop3A_328 : vector<1x1x16xf32> to vector<16xf32>
      %parallel_loop3A_330 = arith.constant 40 : i32
      %parallel_loop3A_331 = arith.addi %parallel_loop3A_330, %parallel_loop3A_203 : i32
      %parallel_loop3A_332 = arith.constant 0 : i32
      %parallel_loop3A_333 = arith.index_cast %parallel_loop3A_332 : i32 to index
      %parallel_loop3A_334 = arith.index_cast %parallel_loop3A_331 : i32 to index
      %parallel_loop3A_335 = arith.constant 48 : index
      %parallel_loop3A_336 = tpu.vector_load %arg8[%parallel_loop3A_333, %parallel_loop3A_334, %parallel_loop3A_335] {strides = array<i32>} : memref<2x120x128xf32, #tpu.memory_space<vmem>>, vector<1x1x16xf32>,
      %parallel_loop3A_337 = vector.shape_cast %parallel_loop3A_336 : vector<1x1x16xf32> to vector<16xf32>
      %parallel_loop3A_338 = arith.addf %parallel_loop3A_329, %parallel_loop3A_337 : vector<16xf32>
      %parallel_loop3A_339 = arith.constant 80 : i32
      %parallel_loop3A_340 = arith.addi %parallel_loop3A_339, %parallel_loop3A_203 : i32
      %parallel_loop3A_341 = arith.constant 0 : i32
      %parallel_loop3A_342 = arith.index_cast %parallel_loop3A_341 : i32 to index
      %parallel_loop3A_343 = arith.index_cast %parallel_loop3A_340 : i32 to index
      %parallel_loop3A_344 = arith.constant 48 : index
      %parallel_loop3A_345 = tpu.vector_load %arg8[%parallel_loop3A_342, %parallel_loop3A_343, %parallel_loop3A_344] {strides = array<i32>} : memref<2x120x128xf32, #tpu.memory_space<vmem>>, vector<1x1x16xf32>,
      %parallel_loop3A_346 = vector.shape_cast %parallel_loop3A_345 : vector<1x1x16xf32> to vector<16xf32>
      %parallel_loop3A_347 = arith.constant 0.000000e+00 : f32
      %parallel_loop3A_348 = vector.broadcast %parallel_loop3A_347 : f32 to vector<16xf32>
      %parallel_loop3A_349 = arith.subf %parallel_loop3A_348, %parallel_loop3A_338 : vector<16xf32>
      %parallel_loop3A_350 = math.exp %parallel_loop3A_349 : vector<16xf32>
      %parallel_loop3A_351 = arith.constant 1.000000e+00 : f32
      %parallel_loop3A_352 = vector.broadcast %parallel_loop3A_351 : f32 to vector<16xf32>
      %parallel_loop3A_353 = arith.addf %parallel_loop3A_352, %parallel_loop3A_350 : vector<16xf32>
      %parallel_loop3A_354 = arith.divf %parallel_loop3A_346, %parallel_loop3A_353 : vector<16xf32>
      %parallel_loop3A_355 = arith.constant 80 : i32
      %parallel_loop3A_356 = arith.addi %parallel_loop3A_355, %parallel_loop3A_203 : i32
      %parallel_loop3A_357 = arith.constant 0 : i32
      %parallel_loop3A_358 = arith.index_cast %parallel_loop3A_357 : i32 to index
      %parallel_loop3A_359 = arith.index_cast %parallel_loop3A_356 : i32 to index
      %parallel_loop3A_360 = arith.constant 48 : index
      %parallel_loop3A_361 = tpu.vector_load %arg8[%parallel_loop3A_358, %parallel_loop3A_359, %parallel_loop3A_360] {strides = array<i32>} : memref<2x120x128xf32, #tpu.memory_space<vmem>>, vector<1x1x16xf32>,
      %parallel_loop3A_362 = vector.shape_cast %parallel_loop3A_361 : vector<1x1x16xf32> to vector<16xf32>
      %parallel_loop3A_363 = vector.shape_cast %parallel_loop3A_354 : vector<16xf32> to vector<1x1x16xf32>
      tpu.vector_store %arg8[%parallel_loop3A_358, %parallel_loop3A_359, %parallel_loop3A_360], %parallel_loop3A_363 {strides = array<i32>} : memref<2x120x128xf32, #tpu.memory_space<vmem>>, vector<1x1x16xf32>,
      %parallel_loop3A_364 = arith.constant 0 : i32
      %parallel_loop3A_365 = arith.index_cast %parallel_loop3A_364 : i32 to index
      %parallel_loop3A_366 = arith.index_cast %parallel_loop3A_203 : i32 to index
      %parallel_loop3A_367 = arith.constant 64 : index
      %parallel_loop3A_368 = tpu.vector_load %arg8[%parallel_loop3A_365, %parallel_loop3A_366, %parallel_loop3A_367] {strides = array<i32>} : memref<2x120x128xf32, #tpu.memory_space<vmem>>, vector<1x1x16xf32>,
      %parallel_loop3A_369 = vector.shape_cast %parallel_loop3A_368 : vector<1x1x16xf32> to vector<16xf32>
      %parallel_loop3A_370 = arith.constant 40 : i32
      %parallel_loop3A_371 = arith.addi %parallel_loop3A_370, %parallel_loop3A_203 : i32
      %parallel_loop3A_372 = arith.constant 0 : i32
      %parallel_loop3A_373 = arith.index_cast %parallel_loop3A_372 : i32 to index
      %parallel_loop3A_374 = arith.index_cast %parallel_loop3A_371 : i32 to index
      %parallel_loop3A_375 = arith.constant 64 : index
      %parallel_loop3A_376 = tpu.vector_load %arg8[%parallel_loop3A_373, %parallel_loop3A_374, %parallel_loop3A_375] {strides = array<i32>} : memref<2x120x128xf32, #tpu.memory_space<vmem>>, vector<1x1x16xf32>,
      %parallel_loop3A_377 = vector.shape_cast %parallel_loop3A_376 : vector<1x1x16xf32> to vector<16xf32>
      %parallel_loop3A_378 = arith.addf %parallel_loop3A_369, %parallel_loop3A_377 : vector<16xf32>
      %parallel_loop3A_379 = arith.constant 80 : i32
      %parallel_loop3A_380 = arith.addi %parallel_loop3A_379, %parallel_loop3A_203 : i32
      %parallel_loop3A_381 = arith.constant 0 : i32
      %parallel_loop3A_382 = arith.index_cast %parallel_loop3A_381 : i32 to index
      %parallel_loop3A_383 = arith.index_cast %parallel_loop3A_380 : i32 to index
      %parallel_loop3A_384 = arith.constant 64 : index
      %parallel_loop3A_385 = tpu.vector_load %arg8[%parallel_loop3A_382, %parallel_loop3A_383, %parallel_loop3A_384] {strides = array<i32>} : memref<2x120x128xf32, #tpu.memory_space<vmem>>, vector<1x1x16xf32>,
      %parallel_loop3A_386 = vector.shape_cast %parallel_loop3A_385 : vector<1x1x16xf32> to vector<16xf32>
      %parallel_loop3A_387 = arith.constant 0.000000e+00 : f32
      %parallel_loop3A_388 = vector.broadcast %parallel_loop3A_387 : f32 to vector<16xf32>
      %parallel_loop3A_389 = arith.subf %parallel_loop3A_388, %parallel_loop3A_378 : vector<16xf32>
      %parallel_loop3A_390 = math.exp %parallel_loop3A_389 : vector<16xf32>
      %parallel_loop3A_391 = arith.constant 1.000000e+00 : f32
      %parallel_loop3A_392 = vector.broadcast %parallel_loop3A_391 : f32 to vector<16xf32>
      %parallel_loop3A_393 = arith.addf %parallel_loop3A_392, %parallel_loop3A_390 : vector<16xf32>
      %parallel_loop3A_394 = arith.divf %parallel_loop3A_386, %parallel_loop3A_393 : vector<16xf32>
      %parallel_loop3A_395 = arith.constant 80 : i32
      %parallel_loop3A_396 = arith.addi %parallel_loop3A_395, %parallel_loop3A_203 : i32
      %parallel_loop3A_397 = arith.constant 0 : i32
      %parallel_loop3A_398 = arith.index_cast %parallel_loop3A_397 : i32 to index
      %parallel_loop3A_399 = arith.index_cast %parallel_loop3A_396 : i32 to index
      %parallel_loop3A_400 = arith.constant 64 : index
      %parallel_loop3A_401 = tpu.vector_load %arg8[%parallel_loop3A_398, %parallel_loop3A_399, %parallel_loop3A_400] {strides = array<i32>} : memref<2x120x128xf32, #tpu.memory_space<vmem>>, vector<1x1x16xf32>,
      %parallel_loop3A_402 = vector.shape_cast %parallel_loop3A_401 : vector<1x1x16xf32> to vector<16xf32>
      %parallel_loop3A_403 = vector.shape_cast %parallel_loop3A_394 : vector<16xf32> to vector<1x1x16xf32>
      tpu.vector_store %arg8[%parallel_loop3A_398, %parallel_loop3A_399, %parallel_loop3A_400], %parallel_loop3A_403 {strides = array<i32>} : memref<2x120x128xf32, #tpu.memory_space<vmem>>, vector<1x1x16xf32>,
      %parallel_loop3A_404 = arith.constant 0 : i32
      %parallel_loop3A_405 = arith.index_cast %parallel_loop3A_404 : i32 to index
      %parallel_loop3A_406 = arith.index_cast %parallel_loop3A_203 : i32 to index
      %parallel_loop3A_407 = arith.constant 80 : index
      %parallel_loop3A_408 = tpu.vector_load %arg8[%parallel_loop3A_405, %parallel_loop3A_406, %parallel_loop3A_407] {strides = array<i32>} : memref<2x120x128xf32, #tpu.memory_space<vmem>>, vector<1x1x16xf32>,
      %parallel_loop3A_409 = vector.shape_cast %parallel_loop3A_408 : vector<1x1x16xf32> to vector<16xf32>
      %parallel_loop3A_410 = arith.constant 40 : i32
      %parallel_loop3A_411 = arith.addi %parallel_loop3A_410, %parallel_loop3A_203 : i32
      %parallel_loop3A_412 = arith.constant 0 : i32
      %parallel_loop3A_413 = arith.index_cast %parallel_loop3A_412 : i32 to index
      %parallel_loop3A_414 = arith.index_cast %parallel_loop3A_411 : i32 to index
      %parallel_loop3A_415 = arith.constant 80 : index
      %parallel_loop3A_416 = tpu.vector_load %arg8[%parallel_loop3A_413, %parallel_loop3A_414, %parallel_loop3A_415] {strides = array<i32>} : memref<2x120x128xf32, #tpu.memory_space<vmem>>, vector<1x1x16xf32>,
      %parallel_loop3A_417 = vector.shape_cast %parallel_loop3A_416 : vector<1x1x16xf32> to vector<16xf32>
      %parallel_loop3A_418 = arith.addf %parallel_loop3A_409, %parallel_loop3A_417 : vector<16xf32>
      %parallel_loop3A_419 = arith.constant 80 : i32
      %parallel_loop3A_420 = arith.addi %parallel_loop3A_419, %parallel_loop3A_203 : i32
      %parallel_loop3A_421 = arith.constant 0 : i32
      %parallel_loop3A_422 = arith.index_cast %parallel_loop3A_421 : i32 to index
      %parallel_loop3A_423 = arith.index_cast %parallel_loop3A_420 : i32 to index
      %parallel_loop3A_424 = arith.constant 80 : index
      %parallel_loop3A_425 = tpu.vector_load %arg8[%parallel_loop3A_422, %parallel_loop3A_423, %parallel_loop3A_424] {strides = array<i32>} : memref<2x120x128xf32, #tpu.memory_space<vmem>>, vector<1x1x16xf32>,
      %parallel_loop3A_426 = vector.shape_cast %parallel_loop3A_425 : vector<1x1x16xf32> to vector<16xf32>
      %parallel_loop3A_427 = arith.constant 0.000000e+00 : f32
      %parallel_loop3A_428 = vector.broadcast %parallel_loop3A_427 : f32 to vector<16xf32>
      %parallel_loop3A_429 = arith.subf %parallel_loop3A_428, %parallel_loop3A_418 : vector<16xf32>
      %parallel_loop3A_430 = math.exp %parallel_loop3A_429 : vector<16xf32>
      %parallel_loop3A_431 = arith.constant 1.000000e+00 : f32
      %parallel_loop3A_432 = vector.broadcast %parallel_loop3A_431 : f32 to vector<16xf32>
      %parallel_loop3A_433 = arith.addf %parallel_loop3A_432, %parallel_loop3A_430 : vector<16xf32>
      %parallel_loop3A_434 = arith.divf %parallel_loop3A_426, %parallel_loop3A_433 : vector<16xf32>
      %parallel_loop3A_435 = arith.constant 80 : i32
      %parallel_loop3A_436 = arith.addi %parallel_loop3A_435, %parallel_loop3A_203 : i32
      %parallel_loop3A_437 = arith.constant 0 : i32
      %parallel_loop3A_438 = arith.index_cast %parallel_loop3A_437 : i32 to index
      %parallel_loop3A_439 = arith.index_cast %parallel_loop3A_436 : i32 to index
      %parallel_loop3A_440 = arith.constant 80 : index
      %parallel_loop3A_441 = tpu.vector_load %arg8[%parallel_loop3A_438, %parallel_loop3A_439, %parallel_loop3A_440] {strides = array<i32>} : memref<2x120x128xf32, #tpu.memory_space<vmem>>, vector<1x1x16xf32>,
      %parallel_loop3A_442 = vector.shape_cast %parallel_loop3A_441 : vector<1x1x16xf32> to vector<16xf32>
      %parallel_loop3A_443 = vector.shape_cast %parallel_loop3A_434 : vector<16xf32> to vector<1x1x16xf32>
      tpu.vector_store %arg8[%parallel_loop3A_438, %parallel_loop3A_439, %parallel_loop3A_440], %parallel_loop3A_443 {strides = array<i32>} : memref<2x120x128xf32, #tpu.memory_space<vmem>>, vector<1x1x16xf32>,
      %parallel_loop3A_444 = arith.constant 0 : i32
      %parallel_loop3A_445 = arith.index_cast %parallel_loop3A_444 : i32 to index
      %parallel_loop3A_446 = arith.index_cast %parallel_loop3A_203 : i32 to index
      %parallel_loop3A_447 = arith.constant 96 : index
      %parallel_loop3A_448 = tpu.vector_load %arg8[%parallel_loop3A_445, %parallel_loop3A_446, %parallel_loop3A_447] {strides = array<i32>} : memref<2x120x128xf32, #tpu.memory_space<vmem>>, vector<1x1x16xf32>,
      %parallel_loop3A_449 = vector.shape_cast %parallel_loop3A_448 : vector<1x1x16xf32> to vector<16xf32>
      %parallel_loop3A_450 = arith.constant 40 : i32
      %parallel_loop3A_451 = arith.addi %parallel_loop3A_450, %parallel_loop3A_203 : i32
      %parallel_loop3A_452 = arith.constant 0 : i32
      %parallel_loop3A_453 = arith.index_cast %parallel_loop3A_452 : i32 to index
      %parallel_loop3A_454 = arith.index_cast %parallel_loop3A_451 : i32 to index
      %parallel_loop3A_455 = arith.constant 96 : index
      %parallel_loop3A_456 = tpu.vector_load %arg8[%parallel_loop3A_453, %parallel_loop3A_454, %parallel_loop3A_455] {strides = array<i32>} : memref<2x120x128xf32, #tpu.memory_space<vmem>>, vector<1x1x16xf32>,
      %parallel_loop3A_457 = vector.shape_cast %parallel_loop3A_456 : vector<1x1x16xf32> to vector<16xf32>
      %parallel_loop3A_458 = arith.addf %parallel_loop3A_449, %parallel_loop3A_457 : vector<16xf32>
      %parallel_loop3A_459 = arith.constant 80 : i32
      %parallel_loop3A_460 = arith.addi %parallel_loop3A_459, %parallel_loop3A_203 : i32
      %parallel_loop3A_461 = arith.constant 0 : i32
      %parallel_loop3A_462 = arith.index_cast %parallel_loop3A_461 : i32 to index
      %parallel_loop3A_463 = arith.index_cast %parallel_loop3A_460 : i32 to index
      %parallel_loop3A_464 = arith.constant 96 : index
      %parallel_loop3A_465 = tpu.vector_load %arg8[%parallel_loop3A_462, %parallel_loop3A_463, %parallel_loop3A_464] {strides = array<i32>} : memref<2x120x128xf32, #tpu.memory_space<vmem>>, vector<1x1x16xf32>,
      %parallel_loop3A_466 = vector.shape_cast %parallel_loop3A_465 : vector<1x1x16xf32> to vector<16xf32>
      %parallel_loop3A_467 = arith.constant 0.000000e+00 : f32
      %parallel_loop3A_468 = vector.broadcast %parallel_loop3A_467 : f32 to vector<16xf32>
      %parallel_loop3A_469 = arith.subf %parallel_loop3A_468, %parallel_loop3A_458 : vector<16xf32>
      %parallel_loop3A_470 = math.exp %parallel_loop3A_469 : vector<16xf32>
      %parallel_loop3A_471 = arith.constant 1.000000e+00 : f32
      %parallel_loop3A_472 = vector.broadcast %parallel_loop3A_471 : f32 to vector<16xf32>
      %parallel_loop3A_473 = arith.addf %parallel_loop3A_472, %parallel_loop3A_470 : vector<16xf32>
      %parallel_loop3A_474 = arith.divf %parallel_loop3A_466, %parallel_loop3A_473 : vector<16xf32>
      %parallel_loop3A_475 = arith.constant 80 : i32
      %parallel_loop3A_476 = arith.addi %parallel_loop3A_475, %parallel_loop3A_203 : i32
      %parallel_loop3A_477 = arith.constant 0 : i32
      %parallel_loop3A_478 = arith.index_cast %parallel_loop3A_477 : i32 to index
      %parallel_loop3A_479 = arith.index_cast %parallel_loop3A_476 : i32 to index
      %parallel_loop3A_480 = arith.constant 96 : index
      %parallel_loop3A_481 = tpu.vector_load %arg8[%parallel_loop3A_478, %parallel_loop3A_479, %parallel_loop3A_480] {strides = array<i32>} : memref<2x120x128xf32, #tpu.memory_space<vmem>>, vector<1x1x16xf32>,
      %parallel_loop3A_482 = vector.shape_cast %parallel_loop3A_481 : vector<1x1x16xf32> to vector<16xf32>
      %parallel_loop3A_483 = vector.shape_cast %parallel_loop3A_474 : vector<16xf32> to vector<1x1x16xf32>
      tpu.vector_store %arg8[%parallel_loop3A_478, %parallel_loop3A_479, %parallel_loop3A_480], %parallel_loop3A_483 {strides = array<i32>} : memref<2x120x128xf32, #tpu.memory_space<vmem>>, vector<1x1x16xf32>,
      %parallel_loop3A_484 = arith.constant 0 : i32
      %parallel_loop3A_485 = arith.index_cast %parallel_loop3A_484 : i32 to index
      %parallel_loop3A_486 = arith.index_cast %parallel_loop3A_203 : i32 to index
      %parallel_loop3A_487 = arith.constant 112 : index
      %parallel_loop3A_488 = tpu.vector_load %arg8[%parallel_loop3A_485, %parallel_loop3A_486, %parallel_loop3A_487] {strides = array<i32>} : memref<2x120x128xf32, #tpu.memory_space<vmem>>, vector<1x1x16xf32>,
      %parallel_loop3A_489 = vector.shape_cast %parallel_loop3A_488 : vector<1x1x16xf32> to vector<16xf32>
      %parallel_loop3A_490 = arith.constant 40 : i32
      %parallel_loop3A_491 = arith.addi %parallel_loop3A_490, %parallel_loop3A_203 : i32
      %parallel_loop3A_492 = arith.constant 0 : i32
      %parallel_loop3A_493 = arith.index_cast %parallel_loop3A_492 : i32 to index
      %parallel_loop3A_494 = arith.index_cast %parallel_loop3A_491 : i32 to index
      %parallel_loop3A_495 = arith.constant 112 : index
      %parallel_loop3A_496 = tpu.vector_load %arg8[%parallel_loop3A_493, %parallel_loop3A_494, %parallel_loop3A_495] {strides = array<i32>} : memref<2x120x128xf32, #tpu.memory_space<vmem>>, vector<1x1x16xf32>,
      %parallel_loop3A_497 = vector.shape_cast %parallel_loop3A_496 : vector<1x1x16xf32> to vector<16xf32>
      %parallel_loop3A_498 = arith.addf %parallel_loop3A_489, %parallel_loop3A_497 : vector<16xf32>
      %parallel_loop3A_499 = arith.constant 80 : i32
      %parallel_loop3A_500 = arith.addi %parallel_loop3A_499, %parallel_loop3A_203 : i32
      %parallel_loop3A_501 = arith.constant 0 : i32
      %parallel_loop3A_502 = arith.index_cast %parallel_loop3A_501 : i32 to index
      %parallel_loop3A_503 = arith.index_cast %parallel_loop3A_500 : i32 to index
      %parallel_loop3A_504 = arith.constant 112 : index
      %parallel_loop3A_505 = tpu.vector_load %arg8[%parallel_loop3A_502, %parallel_loop3A_503, %parallel_loop3A_504] {strides = array<i32>} : memref<2x120x128xf32, #tpu.memory_space<vmem>>, vector<1x1x16xf32>,
      %parallel_loop3A_506 = vector.shape_cast %parallel_loop3A_505 : vector<1x1x16xf32> to vector<16xf32>
      %parallel_loop3A_507 = arith.constant 0.000000e+00 : f32
      %parallel_loop3A_508 = vector.broadcast %parallel_loop3A_507 : f32 to vector<16xf32>
      %parallel_loop3A_509 = arith.subf %parallel_loop3A_508, %parallel_loop3A_498 : vector<16xf32>
      %parallel_loop3A_510 = math.exp %parallel_loop3A_509 : vector<16xf32>
      %parallel_loop3A_511 = arith.constant 1.000000e+00 : f32
      %parallel_loop3A_512 = vector.broadcast %parallel_loop3A_511 : f32 to vector<16xf32>
      %parallel_loop3A_513 = arith.addf %parallel_loop3A_512, %parallel_loop3A_510 : vector<16xf32>
      %parallel_loop3A_514 = arith.divf %parallel_loop3A_506, %parallel_loop3A_513 : vector<16xf32>
      %parallel_loop3A_515 = arith.constant 80 : i32
      %parallel_loop3A_516 = arith.addi %parallel_loop3A_515, %parallel_loop3A_203 : i32
      %parallel_loop3A_517 = arith.constant 0 : i32
      %parallel_loop3A_518 = arith.index_cast %parallel_loop3A_517 : i32 to index
      %parallel_loop3A_519 = arith.index_cast %parallel_loop3A_516 : i32 to index
      %parallel_loop3A_520 = arith.constant 112 : index
      %parallel_loop3A_521 = tpu.vector_load %arg8[%parallel_loop3A_518, %parallel_loop3A_519, %parallel_loop3A_520] {strides = array<i32>} : memref<2x120x128xf32, #tpu.memory_space<vmem>>, vector<1x1x16xf32>,
      %parallel_loop3A_522 = vector.shape_cast %parallel_loop3A_521 : vector<1x1x16xf32> to vector<16xf32>
      %parallel_loop3A_523 = vector.shape_cast %parallel_loop3A_514 : vector<16xf32> to vector<1x1x16xf32>
      tpu.vector_store %arg8[%parallel_loop3A_518, %parallel_loop3A_519, %parallel_loop3A_520], %parallel_loop3A_523 {strides = array<i32>} : memref<2x120x128xf32, #tpu.memory_space<vmem>>, vector<1x1x16xf32>,
    } {sc.loop_unroll_factor = 1 : i64, sc.parallel_access}
    %dma_start3A_125 = arith.constant 0 : i32
    %dma_start3A_126 = arith.constant 0 : i32
    %dma_start3A_127 = arith.constant 80 : i32
    %dma_start3A_128 = arith.constant 0 : i32
    %dma_start3A_129 = tpu.memref_slice %arg8[%dma_start3A_125, %dma_start3A_127, %dma_start3A_128] : memref<2x120x128xf32, #tpu.memory_space<vmem>> -> memref<1x40x128xf32, #tpu.memory_space<vmem>>
    %dma_start3A_130 = tpu.memref_squeeze %dma_start3A_129 : memref<1x40x128xf32, #tpu.memory_space<vmem>> -> memref<40x128xf32, #tpu.memory_space<vmem>>
    %dma_start3A_131 = arith.constant 0 : i32
    %dma_start3A_132 = tpu.memref_slice %arg7[%dma_start3A_126, %dma_start3A_131] : memref<4x40xi32, #tpu.memory_space<vmem>> -> memref<1x40xi32, #tpu.memory_space<vmem>>
    %dma_start3A_133 = tpu.memref_squeeze %dma_start3A_132 : memref<1x40xi32, #tpu.memory_space<vmem>> -> memref<40xi32, #tpu.memory_space<vmem>>
    %dma_start3A_134 = arith.constant 0 : i32
    %dma_start3A_135 = arith.constant 0 : i32
    %dma_start3A_136 = tpu.memref_slice %arg9[%dma_start3A_134, %dma_start3A_135] : memref<10000x128xf32, #tpu.memory_space<vmem_shared>> -> memref<10000x128xf32, #tpu.memory_space<vmem_shared>>
    tpu.enqueue_indirect_dma source(%dma_start3A_130 : memref<40x128xf32, #tpu.memory_space<vmem>>) target(%dma_start3A_136 : memref<10000x128xf32, #tpu.memory_space<vmem_shared>>) offsets(%dma_start3A_133 : memref<40xi32, #tpu.memory_space<vmem>>) semaphore(%arg12 : memref<!tpu.dma_semaphore, #tpu.memory_space<semaphore_mem>>) {add = true}
    %dma_wait3A_137 = arith.constant 1 : i32
    %dma_wait3A_138 = arith.constant 0 : i32
    %dma_wait3A_139 = arith.constant 0 : i32
    %dma_wait3A_140 = tpu.memref_slice %arg8[%dma_wait3A_137, %dma_wait3A_138, %dma_wait3A_139] : memref<2x120x128xf32, #tpu.memory_space<vmem>> -> memref<1x120x128xf32, #tpu.memory_space<vmem>>
    %dma_wait3A_141 = tpu.memref_squeeze %dma_wait3A_140 : memref<1x120x128xf32, #tpu.memory_space<vmem>> -> memref<120x128xf32, #tpu.memory_space<vmem>>
    %dma_wait3A_142 = arith.constant 0 : i32
    %dma_wait3A_143 = arith.constant 0 : i32
    %dma_wait3A_144 = tpu.memref_slice %arg2[%dma_wait3A_142, %dma_wait3A_143] : memref<30000x128xf32, #tpu.memory_space<hbm>> -> memref<120x128xf32, #tpu.memory_space<hbm>>
    %dma_wait3A_145 = arith.constant 0 : i32
    %dma_wait3A_146 = arith.constant 0 : i32
    %dma_wait3A_147 = tpu.memref_slice %arg8[%dma_wait3A_137, %dma_wait3A_145, %dma_wait3A_146] : memref<2x120x128xf32, #tpu.memory_space<vmem>> -> memref<1x120x128xf32, #tpu.memory_space<vmem>>
    %dma_wait3A_148 = tpu.memref_squeeze %dma_wait3A_147 : memref<1x120x128xf32, #tpu.memory_space<vmem>> -> memref<120x128xf32, #tpu.memory_space<vmem>>
    %dma_wait3A_149 = arith.constant 0 : i32
    %dma_wait3A_150 = arith.constant 0 : i32
    %dma_wait3A_151 = tpu.memref_slice %arg2[%dma_wait3A_149, %dma_wait3A_150] : memref<30000x128xf32, #tpu.memory_space<hbm>> -> memref<120x128xf32, #tpu.memory_space<hbm>>
    tpu.wait_dma2 semaphore(%arg11 : memref<!tpu.dma_semaphore, #tpu.memory_space<semaphore_mem>>) src(%dma_wait3A_151 : memref<120x128xf32, #tpu.memory_space<hbm>>) dst(%dma_wait3A_148 : memref<120x128xf32, #tpu.memory_space<vmem>>)
    %parallel_loop3A_152 = arith.constant 0 : i32
    %parallel_loop3A_153 = arith.constant 40 : i32
    %parallel_loop3A_154 = arith.constant 1 : i32
    scf.for %parallel_loop3A_203 = %parallel_loop3A_152 to %parallel_loop3A_153 step %parallel_loop3A_154  : i32 {
      %parallel_loop3A_204 = arith.constant 1 : i32
      %parallel_loop3A_205 = arith.index_cast %parallel_loop3A_204 : i32 to index
      %parallel_loop3A_206 = arith.index_cast %parallel_loop3A_203 : i32 to index
      %parallel_loop3A_207 = arith.constant 0 : index
      %parallel_loop3A_208 = tpu.vector_load %arg8[%parallel_loop3A_205, %parallel_loop3A_206, %parallel_loop3A_207] {strides = array<i32>} : memref<2x120x128xf32, #tpu.memory_space<vmem>>, vector<1x1x16xf32>,
      %parallel_loop3A_209 = vector.shape_cast %parallel_loop3A_208 : vector<1x1x16xf32> to vector<16xf32>
      %parallel_loop3A_210 = arith.constant 40 : i32
      %parallel_loop3A_211 = arith.addi %parallel_loop3A_210, %parallel_loop3A_203 : i32
      %parallel_loop3A_212 = arith.constant 1 : i32
      %parallel_loop3A_213 = arith.index_cast %parallel_loop3A_212 : i32 to index
      %parallel_loop3A_214 = arith.index_cast %parallel_loop3A_211 : i32 to index
      %parallel_loop3A_215 = arith.constant 0 : index
      %parallel_loop3A_216 = tpu.vector_load %arg8[%parallel_loop3A_213, %parallel_loop3A_214, %parallel_loop3A_215] {strides = array<i32>} : memref<2x120x128xf32, #tpu.memory_space<vmem>>, vector<1x1x16xf32>,
      %parallel_loop3A_217 = vector.shape_cast %parallel_loop3A_216 : vector<1x1x16xf32> to vector<16xf32>
      %parallel_loop3A_218 = arith.addf %parallel_loop3A_209, %parallel_loop3A_217 : vector<16xf32>
      %parallel_loop3A_219 = arith.constant 80 : i32
      %parallel_loop3A_220 = arith.addi %parallel_loop3A_219, %parallel_loop3A_203 : i32
      %parallel_loop3A_221 = arith.constant 1 : i32
      %parallel_loop3A_222 = arith.index_cast %parallel_loop3A_221 : i32 to index
      %parallel_loop3A_223 = arith.index_cast %parallel_loop3A_220 : i32 to index
      %parallel_loop3A_224 = arith.constant 0 : index
      %parallel_loop3A_225 = tpu.vector_load %arg8[%parallel_loop3A_222, %parallel_loop3A_223, %parallel_loop3A_224] {strides = array<i32>} : memref<2x120x128xf32, #tpu.memory_space<vmem>>, vector<1x1x16xf32>,
      %parallel_loop3A_226 = vector.shape_cast %parallel_loop3A_225 : vector<1x1x16xf32> to vector<16xf32>
      %parallel_loop3A_227 = arith.constant 0.000000e+00 : f32
      %parallel_loop3A_228 = vector.broadcast %parallel_loop3A_227 : f32 to vector<16xf32>
      %parallel_loop3A_229 = arith.subf %parallel_loop3A_228, %parallel_loop3A_218 : vector<16xf32>
      %parallel_loop3A_230 = math.exp %parallel_loop3A_229 : vector<16xf32>
      %parallel_loop3A_231 = arith.constant 1.000000e+00 : f32
      %parallel_loop3A_232 = vector.broadcast %parallel_loop3A_231 : f32 to vector<16xf32>
      %parallel_loop3A_233 = arith.addf %parallel_loop3A_232, %parallel_loop3A_230 : vector<16xf32>
      %parallel_loop3A_234 = arith.divf %parallel_loop3A_226, %parallel_loop3A_233 : vector<16xf32>
      %parallel_loop3A_235 = arith.constant 80 : i32
      %parallel_loop3A_236 = arith.addi %parallel_loop3A_235, %parallel_loop3A_203 : i32
      %parallel_loop3A_237 = arith.constant 1 : i32
      %parallel_loop3A_238 = arith.index_cast %parallel_loop3A_237 : i32 to index
      %parallel_loop3A_239 = arith.index_cast %parallel_loop3A_236 : i32 to index
      %parallel_loop3A_240 = arith.constant 0 : index
      %parallel_loop3A_241 = tpu.vector_load %arg8[%parallel_loop3A_238, %parallel_loop3A_239, %parallel_loop3A_240] {strides = array<i32>} : memref<2x120x128xf32, #tpu.memory_space<vmem>>, vector<1x1x16xf32>,
      %parallel_loop3A_242 = vector.shape_cast %parallel_loop3A_241 : vector<1x1x16xf32> to vector<16xf32>
      %parallel_loop3A_243 = vector.shape_cast %parallel_loop3A_234 : vector<16xf32> to vector<1x1x16xf32>
      tpu.vector_store %arg8[%parallel_loop3A_238, %parallel_loop3A_239, %parallel_loop3A_240], %parallel_loop3A_243 {strides = array<i32>} : memref<2x120x128xf32, #tpu.memory_space<vmem>>, vector<1x1x16xf32>,
      %parallel_loop3A_244 = arith.constant 1 : i32
      %parallel_loop3A_245 = arith.index_cast %parallel_loop3A_244 : i32 to index
      %parallel_loop3A_246 = arith.index_cast %parallel_loop3A_203 : i32 to index
      %parallel_loop3A_247 = arith.constant 16 : index
      %parallel_loop3A_248 = tpu.vector_load %arg8[%parallel_loop3A_245, %parallel_loop3A_246, %parallel_loop3A_247] {strides = array<i32>} : memref<2x120x128xf32, #tpu.memory_space<vmem>>, vector<1x1x16xf32>,
      %parallel_loop3A_249 = vector.shape_cast %parallel_loop3A_248 : vector<1x1x16xf32> to vector<16xf32>
      %parallel_loop3A_250 = arith.constant 40 : i32
      %parallel_loop3A_251 = arith.addi %parallel_loop3A_250, %parallel_loop3A_203 : i32
      %parallel_loop3A_252 = arith.constant 1 : i32
      %parallel_loop3A_253 = arith.index_cast %parallel_loop3A_252 : i32 to index
      %parallel_loop3A_254 = arith.index_cast %parallel_loop3A_251 : i32 to index
      %parallel_loop3A_255 = arith.constant 16 : index
      %parallel_loop3A_256 = tpu.vector_load %arg8[%parallel_loop3A_253, %parallel_loop3A_254, %parallel_loop3A_255] {strides = array<i32>} : memref<2x120x128xf32, #tpu.memory_space<vmem>>, vector<1x1x16xf32>,
      %parallel_loop3A_257 = vector.shape_cast %parallel_loop3A_256 : vector<1x1x16xf32> to vector<16xf32>
      %parallel_loop3A_258 = arith.addf %parallel_loop3A_249, %parallel_loop3A_257 : vector<16xf32>
      %parallel_loop3A_259 = arith.constant 80 : i32
      %parallel_loop3A_260 = arith.addi %parallel_loop3A_259, %parallel_loop3A_203 : i32
      %parallel_loop3A_261 = arith.constant 1 : i32
      %parallel_loop3A_262 = arith.index_cast %parallel_loop3A_261 : i32 to index
      %parallel_loop3A_263 = arith.index_cast %parallel_loop3A_260 : i32 to index
      %parallel_loop3A_264 = arith.constant 16 : index
      %parallel_loop3A_265 = tpu.vector_load %arg8[%parallel_loop3A_262, %parallel_loop3A_263, %parallel_loop3A_264] {strides = array<i32>} : memref<2x120x128xf32, #tpu.memory_space<vmem>>, vector<1x1x16xf32>,
      %parallel_loop3A_266 = vector.shape_cast %parallel_loop3A_265 : vector<1x1x16xf32> to vector<16xf32>
      %parallel_loop3A_267 = arith.constant 0.000000e+00 : f32
      %parallel_loop3A_268 = vector.broadcast %parallel_loop3A_267 : f32 to vector<16xf32>
      %parallel_loop3A_269 = arith.subf %parallel_loop3A_268, %parallel_loop3A_258 : vector<16xf32>
      %parallel_loop3A_270 = math.exp %parallel_loop3A_269 : vector<16xf32>
      %parallel_loop3A_271 = arith.constant 1.000000e+00 : f32
      %parallel_loop3A_272 = vector.broadcast %parallel_loop3A_271 : f32 to vector<16xf32>
      %parallel_loop3A_273 = arith.addf %parallel_loop3A_272, %parallel_loop3A_270 : vector<16xf32>
      %parallel_loop3A_274 = arith.divf %parallel_loop3A_266, %parallel_loop3A_273 : vector<16xf32>
      %parallel_loop3A_275 = arith.constant 80 : i32
      %parallel_loop3A_276 = arith.addi %parallel_loop3A_275, %parallel_loop3A_203 : i32
      %parallel_loop3A_277 = arith.constant 1 : i32
      %parallel_loop3A_278 = arith.index_cast %parallel_loop3A_277 : i32 to index
      %parallel_loop3A_279 = arith.index_cast %parallel_loop3A_276 : i32 to index
      %parallel_loop3A_280 = arith.constant 16 : index
      %parallel_loop3A_281 = tpu.vector_load %arg8[%parallel_loop3A_278, %parallel_loop3A_279, %parallel_loop3A_280] {strides = array<i32>} : memref<2x120x128xf32, #tpu.memory_space<vmem>>, vector<1x1x16xf32>,
      %parallel_loop3A_282 = vector.shape_cast %parallel_loop3A_281 : vector<1x1x16xf32> to vector<16xf32>
      %parallel_loop3A_283 = vector.shape_cast %parallel_loop3A_274 : vector<16xf32> to vector<1x1x16xf32>
      tpu.vector_store %arg8[%parallel_loop3A_278, %parallel_loop3A_279, %parallel_loop3A_280], %parallel_loop3A_283 {strides = array<i32>} : memref<2x120x128xf32, #tpu.memory_space<vmem>>, vector<1x1x16xf32>,
      %parallel_loop3A_284 = arith.constant 1 : i32
      %parallel_loop3A_285 = arith.index_cast %parallel_loop3A_284 : i32 to index
      %parallel_loop3A_286 = arith.index_cast %parallel_loop3A_203 : i32 to index
      %parallel_loop3A_287 = arith.constant 32 : index
      %parallel_loop3A_288 = tpu.vector_load %arg8[%parallel_loop3A_285, %parallel_loop3A_286, %parallel_loop3A_287] {strides = array<i32>} : memref<2x120x128xf32, #tpu.memory_space<vmem>>, vector<1x1x16xf32>,
      %parallel_loop3A_289 = vector.shape_cast %parallel_loop3A_288 : vector<1x1x16xf32> to vector<16xf32>
      %parallel_loop3A_290 = arith.constant 40 : i32
      %parallel_loop3A_291 = arith.addi %parallel_loop3A_290, %parallel_loop3A_203 : i32
      %parallel_loop3A_292 = arith.constant 1 : i32
      %parallel_loop3A_293 = arith.index_cast %parallel_loop3A_292 : i32 to index
      %parallel_loop3A_294 = arith.index_cast %parallel_loop3A_291 : i32 to index
      %parallel_loop3A_295 = arith.constant 32 : index
      %parallel_loop3A_296 = tpu.vector_load %arg8[%parallel_loop3A_293, %parallel_loop3A_294, %parallel_loop3A_295] {strides = array<i32>} : memref<2x120x128xf32, #tpu.memory_space<vmem>>, vector<1x1x16xf32>,
      %parallel_loop3A_297 = vector.shape_cast %parallel_loop3A_296 : vector<1x1x16xf32> to vector<16xf32>
      %parallel_loop3A_298 = arith.addf %parallel_loop3A_289, %parallel_loop3A_297 : vector<16xf32>
      %parallel_loop3A_299 = arith.constant 80 : i32
      %parallel_loop3A_300 = arith.addi %parallel_loop3A_299, %parallel_loop3A_203 : i32
      %parallel_loop3A_301 = arith.constant 1 : i32
      %parallel_loop3A_302 = arith.index_cast %parallel_loop3A_301 : i32 to index
      %parallel_loop3A_303 = arith.index_cast %parallel_loop3A_300 : i32 to index
      %parallel_loop3A_304 = arith.constant 32 : index
      %parallel_loop3A_305 = tpu.vector_load %arg8[%parallel_loop3A_302, %parallel_loop3A_303, %parallel_loop3A_304] {strides = array<i32>} : memref<2x120x128xf32, #tpu.memory_space<vmem>>, vector<1x1x16xf32>,
      %parallel_loop3A_306 = vector.shape_cast %parallel_loop3A_305 : vector<1x1x16xf32> to vector<16xf32>
      %parallel_loop3A_307 = arith.constant 0.000000e+00 : f32
      %parallel_loop3A_308 = vector.broadcast %parallel_loop3A_307 : f32 to vector<16xf32>
      %parallel_loop3A_309 = arith.subf %parallel_loop3A_308, %parallel_loop3A_298 : vector<16xf32>
      %parallel_loop3A_310 = math.exp %parallel_loop3A_309 : vector<16xf32>
      %parallel_loop3A_311 = arith.constant 1.000000e+00 : f32
      %parallel_loop3A_312 = vector.broadcast %parallel_loop3A_311 : f32 to vector<16xf32>
      %parallel_loop3A_313 = arith.addf %parallel_loop3A_312, %parallel_loop3A_310 : vector<16xf32>
      %parallel_loop3A_314 = arith.divf %parallel_loop3A_306, %parallel_loop3A_313 : vector<16xf32>
      %parallel_loop3A_315 = arith.constant 80 : i32
      %parallel_loop3A_316 = arith.addi %parallel_loop3A_315, %parallel_loop3A_203 : i32
      %parallel_loop3A_317 = arith.constant 1 : i32
      %parallel_loop3A_318 = arith.index_cast %parallel_loop3A_317 : i32 to index
      %parallel_loop3A_319 = arith.index_cast %parallel_loop3A_316 : i32 to index
      %parallel_loop3A_320 = arith.constant 32 : index
      %parallel_loop3A_321 = tpu.vector_load %arg8[%parallel_loop3A_318, %parallel_loop3A_319, %parallel_loop3A_320] {strides = array<i32>} : memref<2x120x128xf32, #tpu.memory_space<vmem>>, vector<1x1x16xf32>,
      %parallel_loop3A_322 = vector.shape_cast %parallel_loop3A_321 : vector<1x1x16xf32> to vector<16xf32>
      %parallel_loop3A_323 = vector.shape_cast %parallel_loop3A_314 : vector<16xf32> to vector<1x1x16xf32>
      tpu.vector_store %arg8[%parallel_loop3A_318, %parallel_loop3A_319, %parallel_loop3A_320], %parallel_loop3A_323 {strides = array<i32>} : memref<2x120x128xf32, #tpu.memory_space<vmem>>, vector<1x1x16xf32>,
      %parallel_loop3A_324 = arith.constant 1 : i32
      %parallel_loop3A_325 = arith.index_cast %parallel_loop3A_324 : i32 to index
      %parallel_loop3A_326 = arith.index_cast %parallel_loop3A_203 : i32 to index
      %parallel_loop3A_327 = arith.constant 48 : index
      %parallel_loop3A_328 = tpu.vector_load %arg8[%parallel_loop3A_325, %parallel_loop3A_326, %parallel_loop3A_327] {strides = array<i32>} : memref<2x120x128xf32, #tpu.memory_space<vmem>>, vector<1x1x16xf32>,
      %parallel_loop3A_329 = vector.shape_cast %parallel_loop3A_328 : vector<1x1x16xf32> to vector<16xf32>
      %parallel_loop3A_330 = arith.constant 40 : i32
      %parallel_loop3A_331 = arith.addi %parallel_loop3A_330, %parallel_loop3A_203 : i32
      %parallel_loop3A_332 = arith.constant 1 : i32
      %parallel_loop3A_333 = arith.index_cast %parallel_loop3A_332 : i32 to index
      %parallel_loop3A_334 = arith.index_cast %parallel_loop3A_331 : i32 to index
      %parallel_loop3A_335 = arith.constant 48 : index
      %parallel_loop3A_336 = tpu.vector_load %arg8[%parallel_loop3A_333, %parallel_loop3A_334, %parallel_loop3A_335] {strides = array<i32>} : memref<2x120x128xf32, #tpu.memory_space<vmem>>, vector<1x1x16xf32>,
      %parallel_loop3A_337 = vector.shape_cast %parallel_loop3A_336 : vector<1x1x16xf32> to vector<16xf32>
      %parallel_loop3A_338 = arith.addf %parallel_loop3A_329, %parallel_loop3A_337 : vector<16xf32>
      %parallel_loop3A_339 = arith.constant 80 : i32
      %parallel_loop3A_340 = arith.addi %parallel_loop3A_339, %parallel_loop3A_203 : i32
      %parallel_loop3A_341 = arith.constant 1 : i32
      %parallel_loop3A_342 = arith.index_cast %parallel_loop3A_341 : i32 to index
      %parallel_loop3A_343 = arith.index_cast %parallel_loop3A_340 : i32 to index
      %parallel_loop3A_344 = arith.constant 48 : index
      %parallel_loop3A_345 = tpu.vector_load %arg8[%parallel_loop3A_342, %parallel_loop3A_343, %parallel_loop3A_344] {strides = array<i32>} : memref<2x120x128xf32, #tpu.memory_space<vmem>>, vector<1x1x16xf32>,
      %parallel_loop3A_346 = vector.shape_cast %parallel_loop3A_345 : vector<1x1x16xf32> to vector<16xf32>
      %parallel_loop3A_347 = arith.constant 0.000000e+00 : f32
      %parallel_loop3A_348 = vector.broadcast %parallel_loop3A_347 : f32 to vector<16xf32>
      %parallel_loop3A_349 = arith.subf %parallel_loop3A_348, %parallel_loop3A_338 : vector<16xf32>
      %parallel_loop3A_350 = math.exp %parallel_loop3A_349 : vector<16xf32>
      %parallel_loop3A_351 = arith.constant 1.000000e+00 : f32
      %parallel_loop3A_352 = vector.broadcast %parallel_loop3A_351 : f32 to vector<16xf32>
      %parallel_loop3A_353 = arith.addf %parallel_loop3A_352, %parallel_loop3A_350 : vector<16xf32>
      %parallel_loop3A_354 = arith.divf %parallel_loop3A_346, %parallel_loop3A_353 : vector<16xf32>
      %parallel_loop3A_355 = arith.constant 80 : i32
      %parallel_loop3A_356 = arith.addi %parallel_loop3A_355, %parallel_loop3A_203 : i32
      %parallel_loop3A_357 = arith.constant 1 : i32
      %parallel_loop3A_358 = arith.index_cast %parallel_loop3A_357 : i32 to index
      %parallel_loop3A_359 = arith.index_cast %parallel_loop3A_356 : i32 to index
      %parallel_loop3A_360 = arith.constant 48 : index
      %parallel_loop3A_361 = tpu.vector_load %arg8[%parallel_loop3A_358, %parallel_loop3A_359, %parallel_loop3A_360] {strides = array<i32>} : memref<2x120x128xf32, #tpu.memory_space<vmem>>, vector<1x1x16xf32>,
      %parallel_loop3A_362 = vector.shape_cast %parallel_loop3A_361 : vector<1x1x16xf32> to vector<16xf32>
      %parallel_loop3A_363 = vector.shape_cast %parallel_loop3A_354 : vector<16xf32> to vector<1x1x16xf32>
      tpu.vector_store %arg8[%parallel_loop3A_358, %parallel_loop3A_359, %parallel_loop3A_360], %parallel_loop3A_363 {strides = array<i32>} : memref<2x120x128xf32, #tpu.memory_space<vmem>>, vector<1x1x16xf32>,
      %parallel_loop3A_364 = arith.constant 1 : i32
      %parallel_loop3A_365 = arith.index_cast %parallel_loop3A_364 : i32 to index
      %parallel_loop3A_366 = arith.index_cast %parallel_loop3A_203 : i32 to index
      %parallel_loop3A_367 = arith.constant 64 : index
      %parallel_loop3A_368 = tpu.vector_load %arg8[%parallel_loop3A_365, %parallel_loop3A_366, %parallel_loop3A_367] {strides = array<i32>} : memref<2x120x128xf32, #tpu.memory_space<vmem>>, vector<1x1x16xf32>,
      %parallel_loop3A_369 = vector.shape_cast %parallel_loop3A_368 : vector<1x1x16xf32> to vector<16xf32>
      %parallel_loop3A_370 = arith.constant 40 : i32
      %parallel_loop3A_371 = arith.addi %parallel_loop3A_370, %parallel_loop3A_203 : i32
      %parallel_loop3A_372 = arith.constant 1 : i32
      %parallel_loop3A_373 = arith.index_cast %parallel_loop3A_372 : i32 to index
      %parallel_loop3A_374 = arith.index_cast %parallel_loop3A_371 : i32 to index
      %parallel_loop3A_375 = arith.constant 64 : index
      %parallel_loop3A_376 = tpu.vector_load %arg8[%parallel_loop3A_373, %parallel_loop3A_374, %parallel_loop3A_375] {strides = array<i32>} : memref<2x120x128xf32, #tpu.memory_space<vmem>>, vector<1x1x16xf32>,
      %parallel_loop3A_377 = vector.shape_cast %parallel_loop3A_376 : vector<1x1x16xf32> to vector<16xf32>
      %parallel_loop3A_378 = arith.addf %parallel_loop3A_369, %parallel_loop3A_377 : vector<16xf32>
      %parallel_loop3A_379 = arith.constant 80 : i32
      %parallel_loop3A_380 = arith.addi %parallel_loop3A_379, %parallel_loop3A_203 : i32
      %parallel_loop3A_381 = arith.constant 1 : i32
      %parallel_loop3A_382 = arith.index_cast %parallel_loop3A_381 : i32 to index
      %parallel_loop3A_383 = arith.index_cast %parallel_loop3A_380 : i32 to index
      %parallel_loop3A_384 = arith.constant 64 : index
      %parallel_loop3A_385 = tpu.vector_load %arg8[%parallel_loop3A_382, %parallel_loop3A_383, %parallel_loop3A_384] {strides = array<i32>} : memref<2x120x128xf32, #tpu.memory_space<vmem>>, vector<1x1x16xf32>,
      %parallel_loop3A_386 = vector.shape_cast %parallel_loop3A_385 : vector<1x1x16xf32> to vector<16xf32>
      %parallel_loop3A_387 = arith.constant 0.000000e+00 : f32
      %parallel_loop3A_388 = vector.broadcast %parallel_loop3A_387 : f32 to vector<16xf32>
      %parallel_loop3A_389 = arith.subf %parallel_loop3A_388, %parallel_loop3A_378 : vector<16xf32>
      %parallel_loop3A_390 = math.exp %parallel_loop3A_389 : vector<16xf32>
      %parallel_loop3A_391 = arith.constant 1.000000e+00 : f32
      %parallel_loop3A_392 = vector.broadcast %parallel_loop3A_391 : f32 to vector<16xf32>
      %parallel_loop3A_393 = arith.addf %parallel_loop3A_392, %parallel_loop3A_390 : vector<16xf32>
      %parallel_loop3A_394 = arith.divf %parallel_loop3A_386, %parallel_loop3A_393 : vector<16xf32>
      %parallel_loop3A_395 = arith.constant 80 : i32
      %parallel_loop3A_396 = arith.addi %parallel_loop3A_395, %parallel_loop3A_203 : i32
      %parallel_loop3A_397 = arith.constant 1 : i32
      %parallel_loop3A_398 = arith.index_cast %parallel_loop3A_397 : i32 to index
      %parallel_loop3A_399 = arith.index_cast %parallel_loop3A_396 : i32 to index
      %parallel_loop3A_400 = arith.constant 64 : index
      %parallel_loop3A_401 = tpu.vector_load %arg8[%parallel_loop3A_398, %parallel_loop3A_399, %parallel_loop3A_400] {strides = array<i32>} : memref<2x120x128xf32, #tpu.memory_space<vmem>>, vector<1x1x16xf32>,
      %parallel_loop3A_402 = vector.shape_cast %parallel_loop3A_401 : vector<1x1x16xf32> to vector<16xf32>
      %parallel_loop3A_403 = vector.shape_cast %parallel_loop3A_394 : vector<16xf32> to vector<1x1x16xf32>
      tpu.vector_store %arg8[%parallel_loop3A_398, %parallel_loop3A_399, %parallel_loop3A_400], %parallel_loop3A_403 {strides = array<i32>} : memref<2x120x128xf32, #tpu.memory_space<vmem>>, vector<1x1x16xf32>,
      %parallel_loop3A_404 = arith.constant 1 : i32
      %parallel_loop3A_405 = arith.index_cast %parallel_loop3A_404 : i32 to index
      %parallel_loop3A_406 = arith.index_cast %parallel_loop3A_203 : i32 to index
      %parallel_loop3A_407 = arith.constant 80 : index
      %parallel_loop3A_408 = tpu.vector_load %arg8[%parallel_loop3A_405, %parallel_loop3A_406, %parallel_loop3A_407] {strides = array<i32>} : memref<2x120x128xf32, #tpu.memory_space<vmem>>, vector<1x1x16xf32>,
      %parallel_loop3A_409 = vector.shape_cast %parallel_loop3A_408 : vector<1x1x16xf32> to vector<16xf32>
      %parallel_loop3A_410 = arith.constant 40 : i32
      %parallel_loop3A_411 = arith.addi %parallel_loop3A_410, %parallel_loop3A_203 : i32
      %parallel_loop3A_412 = arith.constant 1 : i32
      %parallel_loop3A_413 = arith.index_cast %parallel_loop3A_412 : i32 to index
      %parallel_loop3A_414 = arith.index_cast %parallel_loop3A_411 : i32 to index
      %parallel_loop3A_415 = arith.constant 80 : index
      %parallel_loop3A_416 = tpu.vector_load %arg8[%parallel_loop3A_413, %parallel_loop3A_414, %parallel_loop3A_415] {strides = array<i32>} : memref<2x120x128xf32, #tpu.memory_space<vmem>>, vector<1x1x16xf32>,
      %parallel_loop3A_417 = vector.shape_cast %parallel_loop3A_416 : vector<1x1x16xf32> to vector<16xf32>
      %parallel_loop3A_418 = arith.addf %parallel_loop3A_409, %parallel_loop3A_417 : vector<16xf32>
      %parallel_loop3A_419 = arith.constant 80 : i32
      %parallel_loop3A_420 = arith.addi %parallel_loop3A_419, %parallel_loop3A_203 : i32
      %parallel_loop3A_421 = arith.constant 1 : i32
      %parallel_loop3A_422 = arith.index_cast %parallel_loop3A_421 : i32 to index
      %parallel_loop3A_423 = arith.index_cast %parallel_loop3A_420 : i32 to index
      %parallel_loop3A_424 = arith.constant 80 : index
      %parallel_loop3A_425 = tpu.vector_load %arg8[%parallel_loop3A_422, %parallel_loop3A_423, %parallel_loop3A_424] {strides = array<i32>} : memref<2x120x128xf32, #tpu.memory_space<vmem>>, vector<1x1x16xf32>,
      %parallel_loop3A_426 = vector.shape_cast %parallel_loop3A_425 : vector<1x1x16xf32> to vector<16xf32>
      %parallel_loop3A_427 = arith.constant 0.000000e+00 : f32
      %parallel_loop3A_428 = vector.broadcast %parallel_loop3A_427 : f32 to vector<16xf32>
      %parallel_loop3A_429 = arith.subf %parallel_loop3A_428, %parallel_loop3A_418 : vector<16xf32>
      %parallel_loop3A_430 = math.exp %parallel_loop3A_429 : vector<16xf32>
      %parallel_loop3A_431 = arith.constant 1.000000e+00 : f32
      %parallel_loop3A_432 = vector.broadcast %parallel_loop3A_431 : f32 to vector<16xf32>
      %parallel_loop3A_433 = arith.addf %parallel_loop3A_432, %parallel_loop3A_430 : vector<16xf32>
      %parallel_loop3A_434 = arith.divf %parallel_loop3A_426, %parallel_loop3A_433 : vector<16xf32>
      %parallel_loop3A_435 = arith.constant 80 : i32
      %parallel_loop3A_436 = arith.addi %parallel_loop3A_435, %parallel_loop3A_203 : i32
      %parallel_loop3A_437 = arith.constant 1 : i32
      %parallel_loop3A_438 = arith.index_cast %parallel_loop3A_437 : i32 to index
      %parallel_loop3A_439 = arith.index_cast %parallel_loop3A_436 : i32 to index
      %parallel_loop3A_440 = arith.constant 80 : index
      %parallel_loop3A_441 = tpu.vector_load %arg8[%parallel_loop3A_438, %parallel_loop3A_439, %parallel_loop3A_440] {strides = array<i32>} : memref<2x120x128xf32, #tpu.memory_space<vmem>>, vector<1x1x16xf32>,
      %parallel_loop3A_442 = vector.shape_cast %parallel_loop3A_441 : vector<1x1x16xf32> to vector<16xf32>
      %parallel_loop3A_443 = vector.shape_cast %parallel_loop3A_434 : vector<16xf32> to vector<1x1x16xf32>
      tpu.vector_store %arg8[%parallel_loop3A_438, %parallel_loop3A_439, %parallel_loop3A_440], %parallel_loop3A_443 {strides = array<i32>} : memref<2x120x128xf32, #tpu.memory_space<vmem>>, vector<1x1x16xf32>,
      %parallel_loop3A_444 = arith.constant 1 : i32
      %parallel_loop3A_445 = arith.index_cast %parallel_loop3A_444 : i32 to index
      %parallel_loop3A_446 = arith.index_cast %parallel_loop3A_203 : i32 to index
      %parallel_loop3A_447 = arith.constant 96 : index
      %parallel_loop3A_448 = tpu.vector_load %arg8[%parallel_loop3A_445, %parallel_loop3A_446, %parallel_loop3A_447] {strides = array<i32>} : memref<2x120x128xf32, #tpu.memory_space<vmem>>, vector<1x1x16xf32>,
      %parallel_loop3A_449 = vector.shape_cast %parallel_loop3A_448 : vector<1x1x16xf32> to vector<16xf32>
      %parallel_loop3A_450 = arith.constant 40 : i32
      %parallel_loop3A_451 = arith.addi %parallel_loop3A_450, %parallel_loop3A_203 : i32
      %parallel_loop3A_452 = arith.constant 1 : i32
      %parallel_loop3A_453 = arith.index_cast %parallel_loop3A_452 : i32 to index
      %parallel_loop3A_454 = arith.index_cast %parallel_loop3A_451 : i32 to index
      %parallel_loop3A_455 = arith.constant 96 : index
      %parallel_loop3A_456 = tpu.vector_load %arg8[%parallel_loop3A_453, %parallel_loop3A_454, %parallel_loop3A_455] {strides = array<i32>} : memref<2x120x128xf32, #tpu.memory_space<vmem>>, vector<1x1x16xf32>,
      %parallel_loop3A_457 = vector.shape_cast %parallel_loop3A_456 : vector<1x1x16xf32> to vector<16xf32>
      %parallel_loop3A_458 = arith.addf %parallel_loop3A_449, %parallel_loop3A_457 : vector<16xf32>
      %parallel_loop3A_459 = arith.constant 80 : i32
      %parallel_loop3A_460 = arith.addi %parallel_loop3A_459, %parallel_loop3A_203 : i32
      %parallel_loop3A_461 = arith.constant 1 : i32
      %parallel_loop3A_462 = arith.index_cast %parallel_loop3A_461 : i32 to index
      %parallel_loop3A_463 = arith.index_cast %parallel_loop3A_460 : i32 to index
      %parallel_loop3A_464 = arith.constant 96 : index
      %parallel_loop3A_465 = tpu.vector_load %arg8[%parallel_loop3A_462, %parallel_loop3A_463, %parallel_loop3A_464] {strides = array<i32>} : memref<2x120x128xf32, #tpu.memory_space<vmem>>, vector<1x1x16xf32>,
      %parallel_loop3A_466 = vector.shape_cast %parallel_loop3A_465 : vector<1x1x16xf32> to vector<16xf32>
      %parallel_loop3A_467 = arith.constant 0.000000e+00 : f32
      %parallel_loop3A_468 = vector.broadcast %parallel_loop3A_467 : f32 to vector<16xf32>
      %parallel_loop3A_469 = arith.subf %parallel_loop3A_468, %parallel_loop3A_458 : vector<16xf32>
      %parallel_loop3A_470 = math.exp %parallel_loop3A_469 : vector<16xf32>
      %parallel_loop3A_471 = arith.constant 1.000000e+00 : f32
      %parallel_loop3A_472 = vector.broadcast %parallel_loop3A_471 : f32 to vector<16xf32>
      %parallel_loop3A_473 = arith.addf %parallel_loop3A_472, %parallel_loop3A_470 : vector<16xf32>
      %parallel_loop3A_474 = arith.divf %parallel_loop3A_466, %parallel_loop3A_473 : vector<16xf32>
      %parallel_loop3A_475 = arith.constant 80 : i32
      %parallel_loop3A_476 = arith.addi %parallel_loop3A_475, %parallel_loop3A_203 : i32
      %parallel_loop3A_477 = arith.constant 1 : i32
      %parallel_loop3A_478 = arith.index_cast %parallel_loop3A_477 : i32 to index
      %parallel_loop3A_479 = arith.index_cast %parallel_loop3A_476 : i32 to index
      %parallel_loop3A_480 = arith.constant 96 : index
      %parallel_loop3A_481 = tpu.vector_load %arg8[%parallel_loop3A_478, %parallel_loop3A_479, %parallel_loop3A_480] {strides = array<i32>} : memref<2x120x128xf32, #tpu.memory_space<vmem>>, vector<1x1x16xf32>,
      %parallel_loop3A_482 = vector.shape_cast %parallel_loop3A_481 : vector<1x1x16xf32> to vector<16xf32>
      %parallel_loop3A_483 = vector.shape_cast %parallel_loop3A_474 : vector<16xf32> to vector<1x1x16xf32>
      tpu.vector_store %arg8[%parallel_loop3A_478, %parallel_loop3A_479, %parallel_loop3A_480], %parallel_loop3A_483 {strides = array<i32>} : memref<2x120x128xf32, #tpu.memory_space<vmem>>, vector<1x1x16xf32>,
      %parallel_loop3A_484 = arith.constant 1 : i32
      %parallel_loop3A_485 = arith.index_cast %parallel_loop3A_484 : i32 to index
      %parallel_loop3A_486 = arith.index_cast %parallel_loop3A_203 : i32 to index
      %parallel_loop3A_487 = arith.constant 112 : index
      %parallel_loop3A_488 = tpu.vector_load %arg8[%parallel_loop3A_485, %parallel_loop3A_486, %parallel_loop3A_487] {strides = array<i32>} : memref<2x120x128xf32, #tpu.memory_space<vmem>>, vector<1x1x16xf32>,
      %parallel_loop3A_489 = vector.shape_cast %parallel_loop3A_488 : vector<1x1x16xf32> to vector<16xf32>
      %parallel_loop3A_490 = arith.constant 40 : i32
      %parallel_loop3A_491 = arith.addi %parallel_loop3A_490, %parallel_loop3A_203 : i32
      %parallel_loop3A_492 = arith.constant 1 : i32
      %parallel_loop3A_493 = arith.index_cast %parallel_loop3A_492 : i32 to index
      %parallel_loop3A_494 = arith.index_cast %parallel_loop3A_491 : i32 to index
      %parallel_loop3A_495 = arith.constant 112 : index
      %parallel_loop3A_496 = tpu.vector_load %arg8[%parallel_loop3A_493, %parallel_loop3A_494, %parallel_loop3A_495] {strides = array<i32>} : memref<2x120x128xf32, #tpu.memory_space<vmem>>, vector<1x1x16xf32>,
      %parallel_loop3A_497 = vector.shape_cast %parallel_loop3A_496 : vector<1x1x16xf32> to vector<16xf32>
      %parallel_loop3A_498 = arith.addf %parallel_loop3A_489, %parallel_loop3A_497 : vector<16xf32>
      %parallel_loop3A_499 = arith.constant 80 : i32
      %parallel_loop3A_500 = arith.addi %parallel_loop3A_499, %parallel_loop3A_203 : i32
      %parallel_loop3A_501 = arith.constant 1 : i32
      %parallel_loop3A_502 = arith.index_cast %parallel_loop3A_501 : i32 to index
      %parallel_loop3A_503 = arith.index_cast %parallel_loop3A_500 : i32 to index
      %parallel_loop3A_504 = arith.constant 112 : index
      %parallel_loop3A_505 = tpu.vector_load %arg8[%parallel_loop3A_502, %parallel_loop3A_503, %parallel_loop3A_504] {strides = array<i32>} : memref<2x120x128xf32, #tpu.memory_space<vmem>>, vector<1x1x16xf32>,
      %parallel_loop3A_506 = vector.shape_cast %parallel_loop3A_505 : vector<1x1x16xf32> to vector<16xf32>
      %parallel_loop3A_507 = arith.constant 0.000000e+00 : f32
      %parallel_loop3A_508 = vector.broadcast %parallel_loop3A_507 : f32 to vector<16xf32>
      %parallel_loop3A_509 = arith.subf %parallel_loop3A_508, %parallel_loop3A_498 : vector<16xf32>
      %parallel_loop3A_510 = math.exp %parallel_loop3A_509 : vector<16xf32>
      %parallel_loop3A_511 = arith.constant 1.000000e+00 : f32
      %parallel_loop3A_512 = vector.broadcast %parallel_loop3A_511 : f32 to vector<16xf32>
      %parallel_loop3A_513 = arith.addf %parallel_loop3A_512, %parallel_loop3A_510 : vector<16xf32>
      %parallel_loop3A_514 = arith.divf %parallel_loop3A_506, %parallel_loop3A_513 : vector<16xf32>
      %parallel_loop3A_515 = arith.constant 80 : i32
      %parallel_loop3A_516 = arith.addi %parallel_loop3A_515, %parallel_loop3A_203 : i32
      %parallel_loop3A_517 = arith.constant 1 : i32
      %parallel_loop3A_518 = arith.index_cast %parallel_loop3A_517 : i32 to index
      %parallel_loop3A_519 = arith.index_cast %parallel_loop3A_516 : i32 to index
      %parallel_loop3A_520 = arith.constant 112 : index
      %parallel_loop3A_521 = tpu.vector_load %arg8[%parallel_loop3A_518, %parallel_loop3A_519, %parallel_loop3A_520] {strides = array<i32>} : memref<2x120x128xf32, #tpu.memory_space<vmem>>, vector<1x1x16xf32>,
      %parallel_loop3A_522 = vector.shape_cast %parallel_loop3A_521 : vector<1x1x16xf32> to vector<16xf32>
      %parallel_loop3A_523 = vector.shape_cast %parallel_loop3A_514 : vector<16xf32> to vector<1x1x16xf32>
      tpu.vector_store %arg8[%parallel_loop3A_518, %parallel_loop3A_519, %parallel_loop3A_520], %parallel_loop3A_523 {strides = array<i32>} : memref<2x120x128xf32, #tpu.memory_space<vmem>>, vector<1x1x16xf32>,
    } {sc.loop_unroll_factor = 1 : i64, sc.parallel_access}
    %dma_start3A_155 = arith.constant 1 : i32
    %dma_start3A_156 = arith.constant 1 : i32
    %dma_start3A_157 = arith.constant 80 : i32
    %dma_start3A_158 = arith.constant 0 : i32
    %dma_start3A_159 = tpu.memref_slice %arg8[%dma_start3A_155, %dma_start3A_157, %dma_start3A_158] : memref<2x120x128xf32, #tpu.memory_space<vmem>> -> memref<1x40x128xf32, #tpu.memory_space<vmem>>
    %dma_start3A_160 = tpu.memref_squeeze %dma_start3A_159 : memref<1x40x128xf32, #tpu.memory_space<vmem>> -> memref<40x128xf32, #tpu.memory_space<vmem>>
    %dma_start3A_161 = arith.constant 0 : i32
    %dma_start3A_162 = tpu.memref_slice %arg7[%dma_start3A_156, %dma_start3A_161] : memref<4x40xi32, #tpu.memory_space<vmem>> -> memref<1x40xi32, #tpu.memory_space<vmem>>
    %dma_start3A_163 = tpu.memref_squeeze %dma_start3A_162 : memref<1x40xi32, #tpu.memory_space<vmem>> -> memref<40xi32, #tpu.memory_space<vmem>>
    %dma_start3A_164 = arith.constant 0 : i32
    %dma_start3A_165 = arith.constant 0 : i32
    %dma_start3A_166 = tpu.memref_slice %arg9[%dma_start3A_164, %dma_start3A_165] : memref<10000x128xf32, #tpu.memory_space<vmem_shared>> -> memref<10000x128xf32, #tpu.memory_space<vmem_shared>>
    tpu.enqueue_indirect_dma source(%dma_start3A_160 : memref<40x128xf32, #tpu.memory_space<vmem>>) target(%dma_start3A_166 : memref<10000x128xf32, #tpu.memory_space<vmem_shared>>) offsets(%dma_start3A_163 : memref<40xi32, #tpu.memory_space<vmem>>) semaphore(%arg13 : memref<!tpu.dma_semaphore, #tpu.memory_space<semaphore_mem>>) {add = true}
    %dma_wait3A_167 = arith.constant 0 : i32
    %dma_wait3A_168 = arith.constant 80 : i32
    %dma_wait3A_169 = arith.constant 0 : i32
    %dma_wait3A_170 = tpu.memref_slice %arg8[%dma_wait3A_167, %dma_wait3A_168, %dma_wait3A_169] : memref<2x120x128xf32, #tpu.memory_space<vmem>> -> memref<1x40x128xf32, #tpu.memory_space<vmem>>
    %dma_wait3A_171 = tpu.memref_squeeze %dma_wait3A_170 : memref<1x40x128xf32, #tpu.memory_space<vmem>> -> memref<40x128xf32, #tpu.memory_space<vmem>>
    %dma_wait3A_172 = arith.constant 0 : i32
    %dma_wait3A_173 = arith.constant 0 : i32
    %dma_wait3A_174 = tpu.memref_slice %arg2[%dma_wait3A_172, %dma_wait3A_173] : memref<30000x128xf32, #tpu.memory_space<hbm>> -> memref<40x128xf32, #tpu.memory_space<hbm>>
    %dma_wait3A_175 = arith.constant 80 : i32
    %dma_wait3A_176 = arith.constant 0 : i32
    %dma_wait3A_177 = tpu.memref_slice %arg8[%dma_wait3A_167, %dma_wait3A_175, %dma_wait3A_176] : memref<2x120x128xf32, #tpu.memory_space<vmem>> -> memref<1x40x128xf32, #tpu.memory_space<vmem>>
    %dma_wait3A_178 = tpu.memref_squeeze %dma_wait3A_177 : memref<1x40x128xf32, #tpu.memory_space<vmem>> -> memref<40x128xf32, #tpu.memory_space<vmem>>
    %dma_wait3A_179 = arith.constant 0 : i32
    %dma_wait3A_180 = arith.constant 0 : i32
    %dma_wait3A_181 = tpu.memref_slice %arg2[%dma_wait3A_179, %dma_wait3A_180] : memref<30000x128xf32, #tpu.memory_space<hbm>> -> memref<40x128xf32, #tpu.memory_space<hbm>>
    tpu.wait_dma2 semaphore(%arg12 : memref<!tpu.dma_semaphore, #tpu.memory_space<semaphore_mem>>) src(%dma_wait3A_181 : memref<40x128xf32, #tpu.memory_space<hbm>>) dst(%dma_wait3A_178 : memref<40x128xf32, #tpu.memory_space<vmem>>)
    %dma_wait3A_182 = arith.constant 1 : i32
    %dma_wait3A_183 = arith.constant 80 : i32
    %dma_wait3A_184 = arith.constant 0 : i32
    %dma_wait3A_185 = tpu.memref_slice %arg8[%dma_wait3A_182, %dma_wait3A_183, %dma_wait3A_184] : memref<2x120x128xf32, #tpu.memory_space<vmem>> -> memref<1x40x128xf32, #tpu.memory_space<vmem>>
    %dma_wait3A_186 = tpu.memref_squeeze %dma_wait3A_185 : memref<1x40x128xf32, #tpu.memory_space<vmem>> -> memref<40x128xf32, #tpu.memory_space<vmem>>
    %dma_wait3A_187 = arith.constant 0 : i32
    %dma_wait3A_188 = arith.constant 0 : i32
    %dma_wait3A_189 = tpu.memref_slice %arg2[%dma_wait3A_187, %dma_wait3A_188] : memref<30000x128xf32, #tpu.memory_space<hbm>> -> memref<40x128xf32, #tpu.memory_space<hbm>>
    %dma_wait3A_190 = arith.constant 80 : i32
    %dma_wait3A_191 = arith.constant 0 : i32
    %dma_wait3A_192 = tpu.memref_slice %arg8[%dma_wait3A_182, %dma_wait3A_190, %dma_wait3A_191] : memref<2x120x128xf32, #tpu.memory_space<vmem>> -> memref<1x40x128xf32, #tpu.memory_space<vmem>>
    %dma_wait3A_193 = tpu.memref_squeeze %dma_wait3A_192 : memref<1x40x128xf32, #tpu.memory_space<vmem>> -> memref<40x128xf32, #tpu.memory_space<vmem>>
    %dma_wait3A_194 = arith.constant 0 : i32
    %dma_wait3A_195 = arith.constant 0 : i32
    %dma_wait3A_196 = tpu.memref_slice %arg2[%dma_wait3A_194, %dma_wait3A_195] : memref<30000x128xf32, #tpu.memory_space<hbm>> -> memref<40x128xf32, #tpu.memory_space<hbm>>
    tpu.wait_dma2 semaphore(%arg13 : memref<!tpu.dma_semaphore, #tpu.memory_space<semaphore_mem>>) src(%dma_wait3A_196 : memref<40x128xf32, #tpu.memory_space<hbm>>) dst(%dma_wait3A_193 : memref<40x128xf32, #tpu.memory_space<vmem>>)
    %barrier3A_197 = arith.constant 0 : index
    tpu.barrier barrier_id(%barrier3A_197)
    "tpu.region"() ({
      %run_scoped3A_203 = tpu.sem_alloc : memref<!tpu.dma_semaphore, #tpu.memory_space<semaphore_mem>>
      %dma_start3A_204 = arith.constant 0 : i32
      %dma_start3A_205 = tpu.memref_slice %arg5[%arg0, %multiple_of3A, %dma_start3A_204] : memref<2x10000x128xf32, #tpu.memory_space<hbm>> -> memref<1x624x128xf32, #tpu.memory_space<hbm>>
      %dma_start3A_206 = tpu.memref_squeeze %dma_start3A_205 : memref<1x624x128xf32, #tpu.memory_space<hbm>> -> memref<624x128xf32, #tpu.memory_space<hbm>>
      %dma_start3A_207 = arith.constant 0 : i32
      %dma_start3A_208 = tpu.memref_slice %arg9[%multiple_of3A, %dma_start3A_207] : memref<10000x128xf32, #tpu.memory_space<vmem_shared>> -> memref<624x128xf32, #tpu.memory_space<vmem_shared>>
      tpu.enqueue_dma source(%dma_start3A_208 : memref<624x128xf32, #tpu.memory_space<vmem_shared>>) target(%dma_start3A_206 : memref<624x128xf32, #tpu.memory_space<hbm>>) target_semaphore(%run_scoped3A_203 : memref<!tpu.dma_semaphore, #tpu.memory_space<semaphore_mem>>)
      %dma_wait3A_209 = arith.constant 0 : i32
      %dma_wait3A_210 = tpu.memref_slice %arg5[%arg0, %multiple_of3A, %dma_wait3A_209] : memref<2x10000x128xf32, #tpu.memory_space<hbm>> -> memref<1x624x128xf32, #tpu.memory_space<hbm>>
      %dma_wait3A_211 = tpu.memref_squeeze %dma_wait3A_210 : memref<1x624x128xf32, #tpu.memory_space<hbm>> -> memref<624x128xf32, #tpu.memory_space<hbm>>
      %dma_wait3A_212 = arith.constant 0 : i32
      %dma_wait3A_213 = tpu.memref_slice %arg9[%multiple_of3A, %dma_wait3A_212] : memref<10000x128xf32, #tpu.memory_space<vmem_shared>> -> memref<624x128xf32, #tpu.memory_space<vmem_shared>>
      tpu.wait_dma2 semaphore(%run_scoped3A_203 : memref<!tpu.dma_semaphore, #tpu.memory_space<semaphore_mem>>) src(%dma_wait3A_213 : memref<624x128xf32, #tpu.memory_space<vmem_shared>>) dst(%dma_wait3A_211 : memref<624x128xf32, #tpu.memory_space<hbm>>)
      tpu.yield
    }) : () -> ()
    %eq3A_198 = arith.constant 15 : i32
    %eq3A_199 = arith.cmpi eq, %arg1, %eq3A_198 : i32
    %convert_element_type3A_200 = arith.extui %eq3A_199 : i1 to i32
    %cond3A_201 = arith.constant 0 : i32
    %cond3A_202 = arith.cmpi ne, %convert_element_type3A_200, %cond3A_201 : i32
    scf.if %cond3A_202 {
      "tpu.region"() ({
        %run_scoped3A_203 = tpu.sem_alloc : memref<!tpu.dma_semaphore, #tpu.memory_space<semaphore_mem>>
        %dma_start3A_204 = arith.constant 9984 : i32
        %dma_start3A_205 = arith.constant 0 : i32
        %dma_start3A_206 = tpu.memref_slice %arg5[%arg0, %dma_start3A_204, %dma_start3A_205] : memref<2x10000x128xf32, #tpu.memory_space<hbm>> -> memref<1x16x128xf32, #tpu.memory_space<hbm>>
        %dma_start3A_207 = tpu.memref_squeeze %dma_start3A_206 : memref<1x16x128xf32, #tpu.memory_space<hbm>> -> memref<16x128xf32, #tpu.memory_space<hbm>>
        %dma_start3A_208 = arith.constant 9984 : i32
        %dma_start3A_209 = arith.constant 0 : i32
        %dma_start3A_210 = tpu.memref_slice %arg9[%dma_start3A_208, %dma_start3A_209] : memref<10000x128xf32, #tpu.memory_space<vmem_shared>> -> memref<16x128xf32, #tpu.memory_space<vmem_shared>>
        tpu.enqueue_dma source(%dma_start3A_210 : memref<16x128xf32, #tpu.memory_space<vmem_shared>>) target(%dma_start3A_207 : memref<16x128xf32, #tpu.memory_space<hbm>>) target_semaphore(%run_scoped3A_203 : memref<!tpu.dma_semaphore, #tpu.memory_space<semaphore_mem>>)
        %dma_wait3A_211 = arith.constant 9984 : i32
        %dma_wait3A_212 = arith.constant 0 : i32
        %dma_wait3A_213 = tpu.memref_slice %arg5[%arg0, %dma_wait3A_211, %dma_wait3A_212] : memref<2x10000x128xf32, #tpu.memory_space<hbm>> -> memref<1x16x128xf32, #tpu.memory_space<hbm>>
        %dma_wait3A_214 = tpu.memref_squeeze %dma_wait3A_213 : memref<1x16x128xf32, #tpu.memory_space<hbm>> -> memref<16x128xf32, #tpu.memory_space<hbm>>
        %dma_wait3A_215 = arith.constant 9984 : i32
        %dma_wait3A_216 = arith.constant 0 : i32
        %dma_wait3A_217 = tpu.memref_slice %arg9[%dma_wait3A_215, %dma_wait3A_216] : memref<10000x128xf32, #tpu.memory_space<vmem_shared>> -> memref<16x128xf32, #tpu.memory_space<vmem_shared>>
        tpu.wait_dma2 semaphore(%run_scoped3A_203 : memref<!tpu.dma_semaphore, #tpu.memory_space<semaphore_mem>>) src(%dma_wait3A_217 : memref<16x128xf32, #tpu.memory_space<vmem_shared>>) dst(%dma_wait3A_214 : memref<16x128xf32, #tpu.memory_space<hbm>>)
        tpu.yield
      }) : () -> ()
    } else {
    }
    return
  }
}

module attributes {stable_mosaic.version = 14 : i64} {
  func.func @body(%arg0: i32, %arg1: memref<1000x128xf32, #tpu.memory_space<vmem>>, %arg2: memref<128x128xf32, #tpu.memory_space<vmem>>, %arg3: memref<1x128xf32, #tpu.memory_space<vmem>>, %arg4: memref<128x128xf32, #tpu.memory_space<vmem>>, %arg5: memref<1x128xf32, #tpu.memory_space<vmem>>, %arg6: memref<128x128xf32, #tpu.memory_space<vmem>>, %arg7: memref<1x128xf32, #tpu.memory_space<vmem>>, %arg8: memref<128x128xf32, #tpu.memory_space<vmem>>, %arg9: memref<1x128xf32, #tpu.memory_space<vmem>>, %arg10: memref<3x1000x128xf32, #tpu.memory_space<vmem>>, %arg11: memref<1000x128xf32, #tpu.memory_space<vmem>>) attributes {dimension_semantics = [#tpu.dimension_semantics<arbitrary>], iteration_bounds = array<i64: 10>, scalar_prefetch = 0 : i64, scratch_operands = 0 : i64, tpu.core_type = #tpu.core_type<tc>, window_params = [{transform_indices = @transform_0, window_bounds = array<i64: 1000, 128>}, {pipeline_mode = #tpu.pipeline_mode<synchronous>, transform_indices = @transform_1, window_bounds = array<i64: 128, 128>}, {pipeline_mode = #tpu.pipeline_mode<synchronous>, transform_indices = @transform_2, window_bounds = array<i64: 1, 128>}, {pipeline_mode = #tpu.pipeline_mode<synchronous>, transform_indices = @transform_3, window_bounds = array<i64: 128, 128>}, {pipeline_mode = #tpu.pipeline_mode<synchronous>, transform_indices = @transform_4, window_bounds = array<i64: 1, 128>}, {pipeline_mode = #tpu.pipeline_mode<synchronous>, transform_indices = @transform_5, window_bounds = array<i64: 128, 128>}, {pipeline_mode = #tpu.pipeline_mode<synchronous>, transform_indices = @transform_6, window_bounds = array<i64: 1, 128>}, {pipeline_mode = #tpu.pipeline_mode<synchronous>, transform_indices = @transform_7, window_bounds = array<i64: 128, 128>}, {pipeline_mode = #tpu.pipeline_mode<synchronous>, transform_indices = @transform_8, window_bounds = array<i64: 1, 128>}, {transform_indices = @transform_9, window_bounds = array<i64: 3, 1000, 128>}, {transform_indices = @transform_10, window_bounds = array<i64: 1000, 128>}]} {
    %get3A = arith.constant 0 : index
    %get3A_0 = arith.constant 0 : index
    %get3A_1 = vector.load %arg1[%get3A, %get3A_0] : memref<1000x128xf32, #tpu.memory_space<vmem>>, vector<1000x128xf32>
    %get3A_2 = arith.constant 0 : index
    %get3A_3 = arith.constant 0 : index
    %get3A_4 = vector.load %arg2[%get3A_2, %get3A_3] : memref<128x128xf32, #tpu.memory_space<vmem>>, vector<128x128xf32>
    %dot_general3A = arith.constant dense<0.000000e+00> : vector<1000x128xf32>
    %dot_general3A_5 = tpu.matmul %get3A_1, %get3A_4, %dot_general3A {dimension_numbers = #tpu.dot_dimension_numbers<[1], [0], [0], [1], [0, 0, 1, 1], [], []>, transpose_lhs_hint = false} : vector<1000x128xf32>, vector<128x128xf32>, vector<1000x128xf32> -> vector<1000x128xf32>
    %get3A_6 = arith.constant 0 : index
    %get3A_7 = arith.constant 0 : index
    %get3A_8 = vector.load %arg3[%get3A_6, %get3A_7] : memref<1x128xf32, #tpu.memory_space<vmem>>, vector<1x128xf32>
    %add3A = vector.broadcast %get3A_8 : vector<1x128xf32> to vector<1000x128xf32>
    %add3A_9 = arith.addf %dot_general3A_5, %add3A : vector<1000x128xf32>
    %swap3A = arith.constant 0 : index
    %swap3A_10 = arith.constant 0 : index
    %swap3A_11 = arith.constant 0 : index
    %swap3A_12 = vector.load %arg10[%swap3A, %swap3A_10, %swap3A_11] : memref<3x1000x128xf32, #tpu.memory_space<vmem>>, vector<1x1000x128xf32>
    %swap3A_13 = vector.shape_cast %swap3A_12 : vector<1x1000x128xf32> to vector<1000x128xf32>
    %swap3A_14 = vector.shape_cast %add3A_9 : vector<1000x128xf32> to vector<1x1000x128xf32>
    tpu.vector_store %arg10[%swap3A, %swap3A_10, %swap3A_11], %swap3A_14 {strides = array<i32>} : memref<3x1000x128xf32, #tpu.memory_space<vmem>>, vector<1x1000x128xf32>,
    %get3A_15 = arith.constant 0 : index
    %get3A_16 = arith.constant 0 : index
    %get3A_17 = vector.load %arg4[%get3A_15, %get3A_16] : memref<128x128xf32, #tpu.memory_space<vmem>>, vector<128x128xf32>
    %dot_general3A_18 = arith.constant dense<0.000000e+00> : vector<1000x128xf32>
    %dot_general3A_19 = tpu.matmul %get3A_1, %get3A_17, %dot_general3A_18 {dimension_numbers = #tpu.dot_dimension_numbers<[1], [0], [0], [1], [0, 0, 1, 1], [], []>, transpose_lhs_hint = false} : vector<1000x128xf32>, vector<128x128xf32>, vector<1000x128xf32> -> vector<1000x128xf32>
    %get3A_20 = arith.constant 0 : index
    %get3A_21 = arith.constant 0 : index
    %get3A_22 = vector.load %arg5[%get3A_20, %get3A_21] : memref<1x128xf32, #tpu.memory_space<vmem>>, vector<1x128xf32>
    %add3A_23 = vector.broadcast %get3A_22 : vector<1x128xf32> to vector<1000x128xf32>
    %add3A_24 = arith.addf %dot_general3A_19, %add3A_23 : vector<1000x128xf32>
    %swap3A_25 = arith.constant 1 : index
    %swap3A_26 = arith.constant 0 : index
    %swap3A_27 = arith.constant 0 : index
    %swap3A_28 = vector.load %arg10[%swap3A_25, %swap3A_26, %swap3A_27] : memref<3x1000x128xf32, #tpu.memory_space<vmem>>, vector<1x1000x128xf32>
    %swap3A_29 = vector.shape_cast %swap3A_28 : vector<1x1000x128xf32> to vector<1000x128xf32>
    %swap3A_30 = vector.shape_cast %add3A_24 : vector<1000x128xf32> to vector<1x1000x128xf32>
    tpu.vector_store %arg10[%swap3A_25, %swap3A_26, %swap3A_27], %swap3A_30 {strides = array<i32>} : memref<3x1000x128xf32, #tpu.memory_space<vmem>>, vector<1x1000x128xf32>,
    %get3A_31 = arith.constant 0 : index
    %get3A_32 = arith.constant 0 : index
    %get3A_33 = vector.load %arg6[%get3A_31, %get3A_32] : memref<128x128xf32, #tpu.memory_space<vmem>>, vector<128x128xf32>
    %dot_general3A_34 = arith.constant dense<0.000000e+00> : vector<1000x128xf32>
    %dot_general3A_35 = tpu.matmul %get3A_1, %get3A_33, %dot_general3A_34 {dimension_numbers = #tpu.dot_dimension_numbers<[1], [0], [0], [1], [0, 0, 1, 1], [], []>, transpose_lhs_hint = false} : vector<1000x128xf32>, vector<128x128xf32>, vector<1000x128xf32> -> vector<1000x128xf32>
    %get3A_36 = arith.constant 0 : index
    %get3A_37 = arith.constant 0 : index
    %get3A_38 = vector.load %arg7[%get3A_36, %get3A_37] : memref<1x128xf32, #tpu.memory_space<vmem>>, vector<1x128xf32>
    %add3A_39 = vector.broadcast %get3A_38 : vector<1x128xf32> to vector<1000x128xf32>
    %add3A_40 = arith.addf %dot_general3A_35, %add3A_39 : vector<1000x128xf32>
    %swap3A_41 = arith.constant 2 : index
    %swap3A_42 = arith.constant 0 : index
    %swap3A_43 = arith.constant 0 : index
    %swap3A_44 = vector.load %arg10[%swap3A_41, %swap3A_42, %swap3A_43] : memref<3x1000x128xf32, #tpu.memory_space<vmem>>, vector<1x1000x128xf32>
    %swap3A_45 = vector.shape_cast %swap3A_44 : vector<1x1000x128xf32> to vector<1000x128xf32>
    %swap3A_46 = vector.shape_cast %add3A_40 : vector<1000x128xf32> to vector<1x1000x128xf32>
    tpu.vector_store %arg10[%swap3A_41, %swap3A_42, %swap3A_43], %swap3A_46 {strides = array<i32>} : memref<3x1000x128xf32, #tpu.memory_space<vmem>>, vector<1x1000x128xf32>,
    %get3A_47 = arith.constant 0 : index
    %get3A_48 = arith.constant 0 : index
    %get3A_49 = vector.load %arg8[%get3A_47, %get3A_48] : memref<128x128xf32, #tpu.memory_space<vmem>>, vector<128x128xf32>
    %dot_general3A_50 = arith.constant dense<0.000000e+00> : vector<1000x128xf32>
    %dot_general3A_51 = tpu.matmul %get3A_1, %get3A_49, %dot_general3A_50 {dimension_numbers = #tpu.dot_dimension_numbers<[1], [0], [0], [1], [0, 0, 1, 1], [], []>, transpose_lhs_hint = false} : vector<1000x128xf32>, vector<128x128xf32>, vector<1000x128xf32> -> vector<1000x128xf32>
    %get3A_52 = arith.constant 0 : index
    %get3A_53 = arith.constant 0 : index
    %get3A_54 = vector.load %arg9[%get3A_52, %get3A_53] : memref<1x128xf32, #tpu.memory_space<vmem>>, vector<1x128xf32>
    %add3A_55 = vector.broadcast %get3A_54 : vector<1x128xf32> to vector<1000x128xf32>
    %add3A_56 = arith.addf %dot_general3A_51, %add3A_55 : vector<1000x128xf32>
    %swap3A_57 = arith.constant 0 : index
    %swap3A_58 = arith.constant 0 : index
    %swap3A_59 = vector.load %arg11[%swap3A_57, %swap3A_58] : memref<1000x128xf32, #tpu.memory_space<vmem>>, vector<1000x128xf32>
    tpu.vector_store %arg11[%swap3A_57, %swap3A_58], %add3A_56 {strides = array<i32>} : memref<1000x128xf32, #tpu.memory_space<vmem>>, vector<1000x128xf32>,
    return
  }
  func.func @transform_0(%arg0: i32) -> (i32, i32) {
    %c0_i32 = arith.constant 0 : i32
    %c0_i32_0 = arith.constant 0 : i32
    return %arg0, %c0_i32 : i32, i32
  }
  func.func @transform_1(%arg0: i32) -> (i32, i32) {
    %c0_i32 = arith.constant 0 : i32
    %c0_i32_0 = arith.constant 0 : i32
    %c0_i32_1 = arith.constant 0 : i32
    return %c0_i32, %c0_i32_0 : i32, i32
  }
  func.func @transform_2(%arg0: i32) -> (i32, i32) {
    %c0_i32 = arith.constant 0 : i32
    %c0_i32_0 = arith.constant 0 : i32
    %c0_i32_1 = arith.constant 0 : i32
    return %c0_i32, %c0_i32_0 : i32, i32
  }
  func.func @transform_3(%arg0: i32) -> (i32, i32) {
    %c0_i32 = arith.constant 0 : i32
    %c0_i32_0 = arith.constant 0 : i32
    %c0_i32_1 = arith.constant 0 : i32
    return %c0_i32, %c0_i32_0 : i32, i32
  }
  func.func @transform_4(%arg0: i32) -> (i32, i32) {
    %c0_i32 = arith.constant 0 : i32
    %c0_i32_0 = arith.constant 0 : i32
    %c0_i32_1 = arith.constant 0 : i32
    return %c0_i32, %c0_i32_0 : i32, i32
  }
  func.func @transform_5(%arg0: i32) -> (i32, i32) {
    %c0_i32 = arith.constant 0 : i32
    %c0_i32_0 = arith.constant 0 : i32
    %c0_i32_1 = arith.constant 0 : i32
    return %c0_i32, %c0_i32_0 : i32, i32
  }
  func.func @transform_6(%arg0: i32) -> (i32, i32) {
    %c0_i32 = arith.constant 0 : i32
    %c0_i32_0 = arith.constant 0 : i32
    %c0_i32_1 = arith.constant 0 : i32
    return %c0_i32, %c0_i32_0 : i32, i32
  }
  func.func @transform_7(%arg0: i32) -> (i32, i32) {
    %c0_i32 = arith.constant 0 : i32
    %c0_i32_0 = arith.constant 0 : i32
    %c0_i32_1 = arith.constant 0 : i32
    return %c0_i32, %c0_i32_0 : i32, i32
  }
  func.func @transform_8(%arg0: i32) -> (i32, i32) {
    %c0_i32 = arith.constant 0 : i32
    %c0_i32_0 = arith.constant 0 : i32
    %c0_i32_1 = arith.constant 0 : i32
    return %c0_i32, %c0_i32_0 : i32, i32
  }
  func.func @transform_9(%arg0: i32) -> (i32, i32, i32) {
    %c0_i32 = arith.constant 0 : i32
    %c0_i32_0 = arith.constant 0 : i32
    %c0_i32_1 = arith.constant 0 : i32
    return %c0_i32, %arg0, %c0_i32_0 : i32, i32, i32
  }
  func.func @transform_10(%arg0: i32) -> (i32, i32) {
    %c0_i32 = arith.constant 0 : i32
    %c0_i32_0 = arith.constant 0 : i32
    return %arg0, %c0_i32 : i32, i32
  }
}

module attributes {stable_mosaic.version = 14 : i64} {
  func.func @body(%arg0: i32, %arg1: memref<2x1000x128xf32, #tpu.memory_space<vmem>>, %arg2: memref<1000x128xf32, #tpu.memory_space<vmem>>, %arg3: memref<1x1x1000xi32, #tpu.memory_space<vmem>>, %arg4: memref<1x128xf32, #tpu.memory_space<vmem>>, %arg5: memref<1x128xf32, #tpu.memory_space<vmem>>, %arg6: memref<128x1xf32, #tpu.memory_space<vmem>>, %arg7: memref<1x1xf32, #tpu.memory_space<vmem>>, %arg8: memref<64x1xf32, #tpu.memory_space<vmem>>, %arg9: memref<1x128xf32, #tpu.memory_space<vmem>>, %arg10: memref<1x128xf32, #tpu.memory_space<vmem>>, %arg11: memref<64x128xf32, #tpu.memory_space<vmem>>, %arg12: memref<64x1xf32, #tpu.memory_space<vmem>>) attributes {dimension_semantics = [#tpu.dimension_semantics<arbitrary>], iteration_bounds = array<i64: 10>, scalar_prefetch = 0 : i64, scratch_operands = 4 : i64, tpu.core_type = #tpu.core_type<tc>, window_params = [{transform_indices = @transform_0, window_bounds = array<i64: 2, 1000, 128>}, {transform_indices = @transform_1, window_bounds = array<i64: 1000, 128>}, {transform_indices = @transform_2, window_bounds = array<i64: 1, 1, 1000>}, {pipeline_mode = #tpu.pipeline_mode<synchronous>, transform_indices = @transform_3, window_bounds = array<i64: 1, 128>}, {pipeline_mode = #tpu.pipeline_mode<synchronous>, transform_indices = @transform_4, window_bounds = array<i64: 1, 128>}, {pipeline_mode = #tpu.pipeline_mode<synchronous>, transform_indices = @transform_5, window_bounds = array<i64: 128, 1>}, {pipeline_mode = #tpu.pipeline_mode<synchronous>, transform_indices = @transform_6, window_bounds = array<i64: 1, 1>}, {pipeline_mode = #tpu.pipeline_mode<synchronous>, transform_indices = @transform_7, window_bounds = array<i64: 64, 1>}]} {
    %eq3A = arith.constant 0 : i32
    %eq3A_0 = arith.cmpi eq, %arg0, %eq3A : i32
    %convert_element_type3A = arith.extui %eq3A_0 : i1 to i32
    %cond3A = arith.constant 0 : i32
    %cond3A_1 = arith.cmpi ne, %convert_element_type3A, %cond3A : i32
    scf.if %cond3A_1 {
      %broadcast_in_dim3A_66 = arith.constant 0.000000e+00 : f32
      %broadcast_in_dim3A_67 = vector.broadcast %broadcast_in_dim3A_66 : f32 to vector<1x128xf32>
      %swap3A_68 = arith.constant 0 : index
      %swap3A_69 = arith.constant 0 : index
      %swap3A_70 = vector.load %arg9[%swap3A_68, %swap3A_69] : memref<1x128xf32, #tpu.memory_space<vmem>>, vector<1x128xf32>
      tpu.vector_store %arg9[%swap3A_68, %swap3A_69], %broadcast_in_dim3A_67 {strides = array<i32>} : memref<1x128xf32, #tpu.memory_space<vmem>>, vector<1x128xf32>,
      %broadcast_in_dim3A_71 = arith.constant 0.000000e+00 : f32
      %broadcast_in_dim3A_72 = vector.broadcast %broadcast_in_dim3A_71 : f32 to vector<1x128xf32>
      %swap3A_73 = arith.constant 0 : index
      %swap3A_74 = arith.constant 0 : index
      %swap3A_75 = vector.load %arg10[%swap3A_73, %swap3A_74] : memref<1x128xf32, #tpu.memory_space<vmem>>, vector<1x128xf32>
      tpu.vector_store %arg10[%swap3A_73, %swap3A_74], %broadcast_in_dim3A_72 {strides = array<i32>} : memref<1x128xf32, #tpu.memory_space<vmem>>, vector<1x128xf32>,
      %broadcast_in_dim3A_76 = arith.constant 0.000000e+00 : f32
      %broadcast_in_dim3A_77 = vector.broadcast %broadcast_in_dim3A_76 : f32 to vector<64x128xf32>
      %swap3A_78 = arith.constant 0 : index
      %swap3A_79 = arith.constant 0 : index
      %swap3A_80 = vector.load %arg11[%swap3A_78, %swap3A_79] : memref<64x128xf32, #tpu.memory_space<vmem>>, vector<64x128xf32>
      tpu.vector_store %arg11[%swap3A_78, %swap3A_79], %broadcast_in_dim3A_77 {strides = array<i32>} : memref<64x128xf32, #tpu.memory_space<vmem>>, vector<64x128xf32>,
      %broadcast_in_dim3A_81 = arith.constant 0.000000e+00 : f32
      %broadcast_in_dim3A_82 = vector.broadcast %broadcast_in_dim3A_81 : f32 to vector<64x1xf32>
      %swap3A_83 = arith.constant 0 : index
      %swap3A_84 = arith.constant 0 : index
      %swap3A_85 = vector.load %arg12[%swap3A_83, %swap3A_84] : memref<64x1xf32, #tpu.memory_space<vmem>>, vector<64x1xf32>
      tpu.vector_store %arg12[%swap3A_83, %swap3A_84], %broadcast_in_dim3A_82 {strides = array<i32>} : memref<64x1xf32, #tpu.memory_space<vmem>>, vector<64x1xf32>,
    } else {
    }
    %get3A = arith.constant 0 : index
    %get3A_2 = arith.constant 0 : index
    %get3A_3 = arith.constant 0 : index
    %get3A_4 = vector.load %arg1[%get3A, %get3A_2, %get3A_3] : memref<2x1000x128xf32, #tpu.memory_space<vmem>>, vector<1x1000x128xf32>
    %get3A_5 = vector.shape_cast %get3A_4 : vector<1x1000x128xf32> to vector<1000x128xf32>
    %get3A_6 = arith.constant 1 : index
    %get3A_7 = arith.constant 0 : index
    %get3A_8 = arith.constant 0 : index
    %get3A_9 = vector.load %arg1[%get3A_6, %get3A_7, %get3A_8] : memref<2x1000x128xf32, #tpu.memory_space<vmem>>, vector<1x1000x128xf32>
    %get3A_10 = vector.shape_cast %get3A_9 : vector<1x1000x128xf32> to vector<1000x128xf32>
    %add3A = arith.addf %get3A_5, %get3A_10 : vector<1000x128xf32>
    %get3A_11 = arith.constant 0 : index
    %get3A_12 = arith.constant 0 : index
    %get3A_13 = vector.load %arg2[%get3A_11, %get3A_12] : memref<1000x128xf32, #tpu.memory_space<vmem>>, vector<1000x128xf32>
    %add3A_14 = arith.addf %add3A, %get3A_13 : vector<1000x128xf32>
    %max3A = arith.constant 0.000000e+00 : f32
    %max3A_15 = vector.broadcast %max3A : f32 to vector<1000x128xf32>
    %max3A_16 = arith.maximumf %add3A_14, %max3A_15 : vector<1000x128xf32>
    %get3A_17 = arith.constant 0 : index
    %get3A_18 = arith.constant 0 : index
    %get3A_19 = vector.load %arg9[%get3A_17, %get3A_18] : memref<1x128xf32, #tpu.memory_space<vmem>>, vector<1x128xf32>
    %reduce_sum3A = arith.constant dense<0.000000e+00> : vector<128xf32>
    %reduce_sum3A_20 = vector.multi_reduction <add>, %max3A_16, %reduce_sum3A [0] : vector<1000x128xf32> to vector<128xf32>
    %broadcast_in_dim3A = vector.shape_cast %reduce_sum3A_20 : vector<128xf32> to vector<1x128xf32>
    %add3A_21 = arith.addf %get3A_19, %broadcast_in_dim3A : vector<1x128xf32>
    %swap3A = arith.constant 0 : index
    %swap3A_22 = arith.constant 0 : index
    %swap3A_23 = vector.load %arg9[%swap3A, %swap3A_22] : memref<1x128xf32, #tpu.memory_space<vmem>>, vector<1x128xf32>
    tpu.vector_store %arg9[%swap3A, %swap3A_22], %add3A_21 {strides = array<i32>} : memref<1x128xf32, #tpu.memory_space<vmem>>, vector<1x128xf32>,
    %get3A_24 = arith.constant 0 : index
    %get3A_25 = arith.constant 0 : index
    %get3A_26 = vector.load %arg10[%get3A_24, %get3A_25] : memref<1x128xf32, #tpu.memory_space<vmem>>, vector<1x128xf32>
    %mul3A = arith.mulf %max3A_16, %max3A_16 : vector<1000x128xf32>
    %reduce_sum3A_27 = arith.constant dense<0.000000e+00> : vector<128xf32>
    %reduce_sum3A_28 = vector.multi_reduction <add>, %mul3A, %reduce_sum3A_27 [0] : vector<1000x128xf32> to vector<128xf32>
    %broadcast_in_dim3A_29 = vector.shape_cast %reduce_sum3A_28 : vector<128xf32> to vector<1x128xf32>
    %add3A_30 = arith.addf %get3A_26, %broadcast_in_dim3A_29 : vector<1x128xf32>
    %swap3A_31 = arith.constant 0 : index
    %swap3A_32 = arith.constant 0 : index
    %swap3A_33 = vector.load %arg10[%swap3A_31, %swap3A_32] : memref<1x128xf32, #tpu.memory_space<vmem>>, vector<1x128xf32>
    tpu.vector_store %arg10[%swap3A_31, %swap3A_32], %add3A_30 {strides = array<i32>} : memref<1x128xf32, #tpu.memory_space<vmem>>, vector<1x128xf32>,
    %get3A_34 = arith.constant 0 : index
    %get3A_35 = arith.constant 0 : index
    %get3A_36 = arith.constant 0 : index
    %get3A_37 = vector.load %arg3[%get3A_34, %get3A_35, %get3A_36] : memref<1x1x1000xi32, #tpu.memory_space<vmem>>, vector<1x1x1000xi32>
    %get3A_38 = vector.shape_cast %get3A_37 : vector<1x1x1000xi32> to vector<1x1000xi32>
    %iota3A = tpu.iota {dimensions = array<i32: 0>} : vector<64x1000xi32>
    %eq3A_39 = vector.broadcast %get3A_38 : vector<1x1000xi32> to vector<64x1000xi32>
    %eq3A_40 = arith.cmpi eq, %iota3A, %eq3A_39 : vector<64x1000xi32>
    %convert_element_type3A_41 = arith.extui %eq3A_40 : vector<64x1000xi1> to vector<64x1000xi32>
    %convert_element_type3A_42 = arith.sitofp %convert_element_type3A_41 : vector<64x1000xi32> to vector<64x1000xf32>
    %get3A_43 = arith.constant 0 : index
    %get3A_44 = arith.constant 0 : index
    %get3A_45 = vector.load %arg11[%get3A_43, %get3A_44] : memref<64x128xf32, #tpu.memory_space<vmem>>, vector<64x128xf32>
    %dot_general3A = arith.constant dense<0.000000e+00> : vector<64x128xf32>
    %dot_general3A_46 = tpu.matmul %convert_element_type3A_42, %max3A_16, %dot_general3A {dimension_numbers = #tpu.dot_dimension_numbers<[1], [0], [0], [1], [0, 0, 1, 1], [], []>, transpose_lhs_hint = false} : vector<64x1000xf32>, vector<1000x128xf32>, vector<64x128xf32> -> vector<64x128xf32>
    %add3A_47 = arith.addf %get3A_45, %dot_general3A_46 : vector<64x128xf32>
    %swap3A_48 = arith.constant 0 : index
    %swap3A_49 = arith.constant 0 : index
    %swap3A_50 = vector.load %arg11[%swap3A_48, %swap3A_49] : memref<64x128xf32, #tpu.memory_space<vmem>>, vector<64x128xf32>
    tpu.vector_store %arg11[%swap3A_48, %swap3A_49], %add3A_47 {strides = array<i32>} : memref<64x128xf32, #tpu.memory_space<vmem>>, vector<64x128xf32>,
    %get3A_51 = arith.constant 0 : index
    %get3A_52 = arith.constant 0 : index
    %get3A_53 = vector.load %arg12[%get3A_51, %get3A_52] : memref<64x1xf32, #tpu.memory_space<vmem>>, vector<64x1xf32>
    %reduce_sum3A_54 = arith.constant dense<0.000000e+00> : vector<64xf32>
    %reduce_sum3A_55 = vector.multi_reduction <add>, %convert_element_type3A_42, %reduce_sum3A_54 [1] : vector<64x1000xf32> to vector<64xf32>
    %broadcast_in_dim3A_56 = vector.shape_cast %reduce_sum3A_55 : vector<64xf32> to vector<64x1xf32>
    %add3A_57 = arith.addf %get3A_53, %broadcast_in_dim3A_56 : vector<64x1xf32>
    %swap3A_58 = arith.constant 0 : index
    %swap3A_59 = arith.constant 0 : index
    %swap3A_60 = vector.load %arg12[%swap3A_58, %swap3A_59] : memref<64x1xf32, #tpu.memory_space<vmem>>, vector<64x1xf32>
    tpu.vector_store %arg12[%swap3A_58, %swap3A_59], %add3A_57 {strides = array<i32>} : memref<64x1xf32, #tpu.memory_space<vmem>>, vector<64x1xf32>,
    %eq3A_61 = arith.constant 9 : i32
    %eq3A_62 = arith.cmpi eq, %arg0, %eq3A_61 : i32
    %convert_element_type3A_63 = arith.extui %eq3A_62 : i1 to i32
    %cond3A_64 = arith.constant 0 : i32
    %cond3A_65 = arith.cmpi ne, %convert_element_type3A_63, %cond3A_64 : i32
    scf.if %cond3A_65 {
      %get3A_66 = arith.constant 0 : index
      %get3A_67 = arith.constant 0 : index
      %get3A_68 = vector.load %arg9[%get3A_66, %get3A_67] : memref<1x128xf32, #tpu.memory_space<vmem>>, vector<1x128xf32>
      %div3A = arith.constant 1.000000e+04 : f32
      %div3A_69 = vector.broadcast %div3A : f32 to vector<1x128xf32>
      %div3A_70 = arith.divf %get3A_68, %div3A_69 : vector<1x128xf32>
      %get3A_71 = arith.constant 0 : index
      %get3A_72 = arith.constant 0 : index
      %get3A_73 = vector.load %arg10[%get3A_71, %get3A_72] : memref<1x128xf32, #tpu.memory_space<vmem>>, vector<1x128xf32>
      %div3A_74 = arith.constant 1.000000e+04 : f32
      %div3A_75 = vector.broadcast %div3A_74 : f32 to vector<1x128xf32>
      %div3A_76 = arith.divf %get3A_73, %div3A_75 : vector<1x128xf32>
      %mul3A_77 = arith.mulf %div3A_70, %div3A_70 : vector<1x128xf32>
      %sub3A = arith.subf %div3A_76, %mul3A_77 : vector<1x128xf32>
      %add3A_78 = arith.constant 9.99999974E-6 : f32
      %add3A_79 = vector.broadcast %add3A_78 : f32 to vector<1x128xf32>
      %add3A_80 = arith.addf %sub3A, %add3A_79 : vector<1x128xf32>
      %rsqrt3A = math.rsqrt %add3A_80 : vector<1x128xf32>
      %get3A_81 = arith.constant 0 : index
      %get3A_82 = arith.constant 0 : index
      %get3A_83 = vector.load %arg11[%get3A_81, %get3A_82] : memref<64x128xf32, #tpu.memory_space<vmem>>, vector<64x128xf32>
      %get3A_84 = arith.constant 0 : index
      %get3A_85 = arith.constant 0 : index
      %get3A_86 = vector.load %arg12[%get3A_84, %get3A_85] : memref<64x1xf32, #tpu.memory_space<vmem>>, vector<64x1xf32>
      %mul3A_87 = vector.broadcast %get3A_86 : vector<64x1xf32> to vector<64x128xf32>
      %mul3A_88 = vector.broadcast %div3A_70 : vector<1x128xf32> to vector<64x128xf32>
      %mul3A_89 = arith.mulf %mul3A_87, %mul3A_88 : vector<64x128xf32>
      %sub3A_90 = arith.subf %get3A_83, %mul3A_89 : vector<64x128xf32>
      %get3A_91 = arith.constant 0 : index
      %get3A_92 = arith.constant 0 : index
      %get3A_93 = vector.load %arg4[%get3A_91, %get3A_92] : memref<1x128xf32, #tpu.memory_space<vmem>>, vector<1x128xf32>
      %mul3A_94 = arith.mulf %rsqrt3A, %get3A_93 : vector<1x128xf32>
      %mul3A_95 = vector.broadcast %mul3A_94 : vector<1x128xf32> to vector<64x128xf32>
      %mul3A_96 = arith.mulf %sub3A_90, %mul3A_95 : vector<64x128xf32>
      %get3A_97 = arith.constant 0 : index
      %get3A_98 = arith.constant 0 : index
      %get3A_99 = vector.load %arg12[%get3A_97, %get3A_98] : memref<64x1xf32, #tpu.memory_space<vmem>>, vector<64x1xf32>
      %get3A_100 = arith.constant 0 : index
      %get3A_101 = arith.constant 0 : index
      %get3A_102 = vector.load %arg5[%get3A_100, %get3A_101] : memref<1x128xf32, #tpu.memory_space<vmem>>, vector<1x128xf32>
      %mul3A_103 = vector.broadcast %get3A_99 : vector<64x1xf32> to vector<64x128xf32>
      %mul3A_104 = vector.broadcast %get3A_102 : vector<1x128xf32> to vector<64x128xf32>
      %mul3A_105 = arith.mulf %mul3A_103, %mul3A_104 : vector<64x128xf32>
      %add3A_106 = arith.addf %mul3A_96, %mul3A_105 : vector<64x128xf32>
      %get3A_107 = arith.constant 0 : index
      %get3A_108 = arith.constant 0 : index
      %get3A_109 = vector.load %arg6[%get3A_107, %get3A_108] : memref<128x1xf32, #tpu.memory_space<vmem>>, vector<128x1xf32>
      %dot_general3A_110 = arith.constant dense<0.000000e+00> : vector<64x1xf32>
      %dot_general3A_111 = tpu.matmul %add3A_106, %get3A_109, %dot_general3A_110 {dimension_numbers = #tpu.dot_dimension_numbers<[1], [0], [0], [1], [0, 0, 1, 1], [], []>, transpose_lhs_hint = false} : vector<64x128xf32>, vector<128x1xf32>, vector<64x1xf32> -> vector<64x1xf32>
      %get3A_112 = arith.constant 0 : index
      %get3A_113 = arith.constant 0 : index
      %get3A_114 = vector.load %arg7[%get3A_112, %get3A_113] : memref<1x1xf32, #tpu.memory_space<vmem>>, vector<1x1xf32>
      %add3A_115 = vector.broadcast %get3A_114 : vector<1x1xf32> to vector<64x1xf32>
      %add3A_116 = arith.addf %dot_general3A_111, %add3A_115 : vector<64x1xf32>
      %swap3A_117 = arith.constant 0 : index
      %swap3A_118 = arith.constant 0 : index
      %swap3A_119 = vector.load %arg8[%swap3A_117, %swap3A_118] : memref<64x1xf32, #tpu.memory_space<vmem>>, vector<64x1xf32>
      tpu.vector_store %arg8[%swap3A_117, %swap3A_118], %add3A_116 {strides = array<i32>} : memref<64x1xf32, #tpu.memory_space<vmem>>, vector<64x1xf32>,
    } else {
    }
    return
  }
  func.func @transform_0(%arg0: i32) -> (i32, i32, i32) {
    %c0_i32 = arith.constant 0 : i32
    %c0_i32_0 = arith.constant 0 : i32
    %c0_i32_1 = arith.constant 0 : i32
    return %c0_i32, %arg0, %c0_i32_0 : i32, i32, i32
  }
  func.func @transform_1(%arg0: i32) -> (i32, i32) {
    %c0_i32 = arith.constant 0 : i32
    %c0_i32_0 = arith.constant 0 : i32
    return %arg0, %c0_i32 : i32, i32
  }
  func.func @transform_2(%arg0: i32) -> (i32, i32, i32) {
    %c0_i32 = arith.constant 0 : i32
    %c0_i32_0 = arith.constant 0 : i32
    %c0_i32_1 = arith.constant 0 : i32
    return %arg0, %c0_i32, %c0_i32_0 : i32, i32, i32
  }
  func.func @transform_3(%arg0: i32) -> (i32, i32) {
    %c0_i32 = arith.constant 0 : i32
    %c0_i32_0 = arith.constant 0 : i32
    %c0_i32_1 = arith.constant 0 : i32
    return %c0_i32, %c0_i32_0 : i32, i32
  }
  func.func @transform_4(%arg0: i32) -> (i32, i32) {
    %c0_i32 = arith.constant 0 : i32
    %c0_i32_0 = arith.constant 0 : i32
    %c0_i32_1 = arith.constant 0 : i32
    return %c0_i32, %c0_i32_0 : i32, i32
  }
  func.func @transform_5(%arg0: i32) -> (i32, i32) {
    %c0_i32 = arith.constant 0 : i32
    %c0_i32_0 = arith.constant 0 : i32
    %c0_i32_1 = arith.constant 0 : i32
    return %c0_i32, %c0_i32_0 : i32, i32
  }
  func.func @transform_6(%arg0: i32) -> (i32, i32) {
    %c0_i32 = arith.constant 0 : i32
    %c0_i32_0 = arith.constant 0 : i32
    %c0_i32_1 = arith.constant 0 : i32
    return %c0_i32, %c0_i32_0 : i32, i32
  }
  func.func @transform_7(%arg0: i32) -> (i32, i32) {
    %c0_i32 = arith.constant 0 : i32
    %c0_i32_0 = arith.constant 0 : i32
    %c0_i32_1 = arith.constant 0 : i32
    return %c0_i32, %c0_i32_0 : i32, i32
  }
}

</mosaic_0001>

<sc_bundles>
// kernel: kernel.5.cloned.1.call-start
scs
__scs_entry_jumppad:
0x0: {  	(pc) =	sbr.rel $0x88, $3  }
0x1: {  	(tag) =	ssettag $0x0;
	lr =	simm.s32 $0x1  }
0x2: {  	[smem:$0x3F92] =	sst lr;
	_ =	strace $0xD0000000  }
0x3: {  	_ = 	snop  }
0x4: {  	_ = 	snop  }
0x5: {  	_ = 	snop  }
0x6: {  	_ = 	snop  }
0x7: {  	_ = 	snop  }
__scs_overlays_trampoline_lowered:
0x8: {  	[smem:$0x3FA1] =	sst s0  }
0x9: {  	[smem:$0x3FA2] =	sst s1  }
0xa: {  	[smem:$0x3FA3] =	sst s2  }
0xb: {  	[smem:$0x3FA4] =	sst s3  }
0xc: {  	[smem:$0x3FA5] =	sst s4  }
0xd: {  	[smem:$0x3FA6] =	sst s5  }
0xe: {  	[smem:$0x3FA7] =	sst s6  }
0xf: {  	[smem:$0x3FA8] =	sst s7  }
0x10: {  	[smem:$0x3FA9] =	sst s8  }
0x11: {  	[smem:$0x3FAA] =	sst s9;
	s0 =	simm.s32 @!p0 $0x0  }
0x12: {  	s1 =	sld [smem:$0x3F90];
	s0 =	simm.s32 @p0 $0x1  }
0x13: {  	[smem:$0x3FAB] =	sst s0;
	s0 =	simm.s32 @!p1 $0x0  }
0x14: {  	s2 =	sld [smem:$0x3F8F];
	s0 =	simm.s32 @p1 $0x1  }
0x15: {  	[smem:$0x3FAC] =	sst s0;
	s0 =	simm.s32 @!p2 $0x0  }
0x16: {  	s3 =	sld [smem:$0x3FDB];
	s0 =	simm.s32 @p2 $0x1  }
0x17: {  	s4 =	simm.s32 $0x1BF5;
	[smem:$0x3FAE] =	sst s0  }
0x18: {  	s0 =	sld [smem:$0x3F91];
	_ =	swait.ge [sflag:s4], $0x0  }
0x19: {  	s7 =	sld [smem:$0x3F92]  }
0x1a: {  	s8 =	sadd.s32 $0xFFFFE003, lr  }
0x1b: {  	s9 =	sadd.s32 $0xFFFFFEF7, lr;
	s5 =	simm.s32 $0xFFFFFFFF;
	p2 =	slt.u32 s8, $0xFFFFF086  }
0x1c: {  	p1 =	slt.u32 s9, $0xF7A;
	s5 =	simm.s32 @!p2 $0x0  }
0x1d: {  	s5 =	simm.s32 @p1 $0x1;
	p0 =	seq.s32 s7, s2  }
0x1e: {  	s7 =	smul.u32 @!p0 $0xF7A, s2;
	p2 =	seq.s32 @!p0 s5, $0x0  }
0x1f: {  	s9 =	smul.u32 $0xF7A, s1;
	s8 =	simm.s32 @!p0 $0x1BF5;
	p2 =	por !p2, p0  }
0x20: {  	[sflag:s8] =	ssyncset.s32 @!p0 $0xFFFFF086;
	s6 =	sadd.s32 @!p0 s3, s7;
	s7 =	simm.s32 @!p0 $0x108  }
0x21: {  	s3 =	sadd.s32 s3, s9;
	s6 =	sadd.s32 @!p0 $0x88, s6;
	s7 =	simm.s32 @p2 $0x1082  }
0x22: {  	[simem:s7], [sflag:s8] =	dma.local @!p0 [hbm:s6], $0xF7A  }
0x23: {  	s9 =	sor.u32 $0xD0000000, s2;
	s6 =	simm.s32 $0x108;
	_ =	swait.ge @!p0 [sflag:s8], $0x0  }
0x24: {  	s3 =	sadd.s32 $0x88, s3;
	s6 =	simm.s32 @!p1 $0x1082;
	[sflag:s4] =	ssyncset.s32 $0xFFFFF086  }
0x25: {  	[simem:s6], [sflag:s4] =	dma.local [hbm:s3], $0xF7A  }
0x26: {  	[smem:$0x3F92] =	sst s1;
	(tag) =	ssettag s2;
	_ =	strace s9  }
0x27: {  	s1 =	sld [smem:$0x3FA2]  }
0x28: {  	s2 =	sld [smem:$0x3FA3]  }
0x29: {  	s4 =	sld [smem:$0x3FA5]  }
0x2a: {  	p0 =	seq.s32 s5, $0x0;
	s5 =	sld [smem:$0x3FA6]  }
0x2b: {  	s6 =	sld [smem:$0x3FA7]  }
0x2c: {  	s7 =	sld [smem:$0x3FA8]  }
0x2d: {  	s3 =	simm.s32 $0x108;
	s8 =	sld [smem:$0x3FA9]  }
0x2e: {  	s3 =	simm.s32 @!p0 $0x1082;
	s9 =	sld [smem:$0x3FAA]  }
0x2f: {  	lr =	sadd.s32 s0, s3;
	s0 =	sld [smem:$0x3FA1]  }
0x30: {  	s3 =	sld [smem:$0x3FA4]  }
0x31: {  	[smem:$0x3FAD] =	sst s10  }
0x32: {  	s10 =	sld [smem:$0x3FAB];
	_ =	sdelay $0x3  }
0x33: {  	p0 =	seq.s32 s10, $0x1;
	s10 =	sld [smem:$0x3FAD];
	_ =	sdelay $0x3  }
0x34: {  	[smem:$0x3FAD] =	sst s10  }
0x35: {  	s10 =	sld [smem:$0x3FAC];
	_ =	sdelay $0x3  }
0x36: {  	p1 =	seq.s32 s10, $0x1;
	s10 =	sld [smem:$0x3FAD];
	_ =	sdelay $0x3  }
0x37: {  	[smem:$0x3FAD] =	sst s10  }
0x38: {  	s10 =	sld [smem:$0x3FAE]  }
0x39: {  	_ = 	snop;
	(pc) =	sbr.ind lr, $3  }
0x3a: {  	_ = 	snop  }
0x3b: {  	_ = 	snop  }
0x3c: {  	p2 =	seq.s32 s10, $0x1;
	s10 =	sld [smem:$0x3FAD]  }
0x3d: {  	_ =	shalt  }
0x3e: {  	_ =	shalt  }
0x3f: {  	_ =	shalt  }
0x40: {  	_ =	shalt  }
0x41: {  	_ =	shalt  }
0x42: {  	_ =	shalt  }
0x43: {  	_ =	shalt  }
0x44: {  	_ =	shalt  }
0x45: {  	_ =	shalt  }
0x46: {  	_ =	shalt  }
0x47: {  	_ =	shalt  }
0x48: {  	_ =	shalt  }
0x49: {  	_ =	shalt  }
0x4a: {  	_ =	shalt  }
0x4b: {  	_ =	shalt  }
0x4c: {  	_ =	shalt  }
0x4d: {  	_ =	shalt  }
0x4e: {  	_ =	shalt  }
0x4f: {  	_ =	shalt  }
0x50: {  	_ =	shalt  }
0x51: {  	_ =	shalt  }
0x52: {  	_ =	shalt  }
0x53: {  	_ =	shalt  }
0x54: {  	_ =	shalt  }
0x55: {  	_ =	shalt  }
0x56: {  	_ =	shalt  }
0x57: {  	_ =	shalt  }
0x58: {  	_ =	shalt  }
0x59: {  	_ =	shalt  }
0x5a: {  	_ =	shalt  }
0x5b: {  	_ =	shalt  }
0x5c: {  	_ =	shalt  }
0x5d: {  	_ =	shalt  }
0x5e: {  	_ =	shalt  }
0x5f: {  	_ =	shalt  }
0x60: {  	_ =	shalt  }
0x61: {  	_ =	shalt  }
0x62: {  	_ =	shalt  }
0x63: {  	_ =	shalt  }
0x64: {  	_ =	shalt  }
0x65: {  	_ =	shalt  }
0x66: {  	_ =	shalt  }
0x67: {  	_ =	shalt  }
0x68: {  	_ =	shalt  }
0x69: {  	_ =	shalt  }
0x6a: {  	_ =	shalt  }
0x6b: {  	_ =	shalt  }
0x6c: {  	_ =	shalt  }
0x6d: {  	_ =	shalt  }
0x6e: {  	_ =	shalt  }
0x6f: {  	_ =	shalt  }
0x70: {  	_ =	shalt  }
0x71: {  	_ =	shalt  }
0x72: {  	_ =	shalt  }
0x73: {  	_ =	shalt  }
0x74: {  	_ =	shalt  }
0x75: {  	_ =	shalt  }
0x76: {  	_ =	shalt  }
0x77: {  	_ =	shalt  }
0x78: {  	_ =	shalt  }
0x79: {  	_ =	shalt  }
0x7a: {  	_ =	shalt  }
0x7b: {  	_ =	shalt  }
0x7c: {  	_ =	shalt  }
0x7d: {  	_ =	shalt  }
0x7e: {  	_ =	shalt  }
0x7f: {  	_ =	shalt  }
0x80: {  	_ =	shalt  }
0x81: {  	_ =	shalt  }
0x82: {  	_ =	shalt  }
0x83: {  	_ =	shalt  }
0x84: {  	_ =	shalt  }
0x85: {  	_ =	shalt  }
0x86: {  	_ =	shalt  }
0x87: {  	_ =	shalt  }
.Lfunc_end0:
.L_simem_size_0:
called_computation_lowered:
.L_overlay_start_0:
0x88: {  	s2 =	sld [smem:$0x3FD9]  }
0x89: {  	s3 =	sld [smem:$0x3FFE];
	_ =	sdelay $0x1  }
0x8a: {  	s1 =	srdreg.scid  }
0x8b: {  	s0 =	sand.u32 $0x1, s1  }
0x8c: {  	s16 =	sshll.u32 s0, $0xA;
	s2 =	sadd.s32 s3, s2  }
0x8d: {  	s2 =	sadd.s32 s2, s16  }
0x8e: {  	[smem:$0x3FB9] =	sst s2  }
0x8f: {  	_ = 	snop  }
0x90: {  	(tm) =	ssettm $0x1  }
0x91: {  	s17 =	sld [smem:$0x3FFB];
	_ =	sdelay $0x3  }
0x92: {  	_ =	strace s17  }
0x93: {  	s2 =	sld [smem:$0x3FFC];
	_ =	sdelay $0x3  }
0x94: {  	_ =	strace s2  }
0x95: {  	s2 =	sld [smem:$0x3FFD];
	_ =	sdelay $0x3  }
0x96: {  	_ =	strace s2  }
0x97: {  	_ =	strace $0x8FFFFFFF  }
0x98: {  	s18 =	sld [smem:$0x3FDB];
	_ =	sdelay $0x1  }
0x99: {  	s19 =	simm.s32 $_scs_section_size  }
0x9a: {  	s4 =	simm.s32 $_size__tile_overlayer_lowered;
	s5 =	simm.s32 $_tile_overlayer_lowered  }
0x9b: {  	s22 =	simm.s32 $0x1BFF;
	s21 =	sshll.u32 s5, $0x1;
	s2 =	sadd.s32 s19, s18  }
0x9c: {  	s6 =	simm.s32 $0x0;
	s20 =	sshll.u32 s4, $0x1;
	s4 =	sadd.s32 s21, s2  }
0x9d: {  	[timem:s6], [sflag:s22] =	dma.local [hbm:s4], s20  }
0x9e: {  	_ =	swait.ge [sflag:s22], s20  }
0x9f: {  	s3 =	ssub.s32 $0x0, s20;
	[sflag:s22] =	ssyncset.done $0x0  }
0xa0: {  	[sflag:s22] =	ssyncadd.s32 s3;
	_ =	sdelay $0x1  }
0xa1: {  	s23 =	simm.s32 $0x1B8B  }
0xa2: {  	_ =	swait.ge [sflag:s23], $0x1  }
0xa3: {  	[sflag:s23] =	ssyncset.done $0x0  }
0xa4: {  	s25 =	simm.s32 $0x1B8E;
	s24 =	sld [smem:$0x3FFE];
	[sflag:s23] =	ssyncadd.s32 $0xFFFFFFFF  }
0xa5: {  	s26 =	simm.s32 $execute0_lowered;
	[smem:$0x3FD2] =	sst s25  }
0xa6: {  	s4 =	sshll.u32 s26, $0x1;
	_ =	strace $0x80000046;
	[dreg:$0x1] =	wrdreg $0xFFFFFFFF  }
0xa7: {  	s28 =	simm.s32 $_size_execute0_lowered;
	s2 =	sadd.s32 s2, s4;
	[dreg:$0x0] =	wrdreg $0x0  }
0xa8: {  	s4 =	sshll.u32 s28, $0x1;
	[dreg:$0x2] =	wrdreg s2  }
0xa9: {  	[dreg:$0x3] =	wrdreg s4  }
0xaa: {  	[dreg:$0x4] =	wrdreg $0xC0  }
0xab: {  	_ =	task [dreg:s6], $0x5FFFF  }
0xac: {  	[dreg:$0x1] =	wrdreg $0xFFFFFFFF  }
0xad: {  	[dreg:$0x0] =	wrdreg $0x60  }
0xae: {  	[dreg:$0x2] =	wrdreg s24  }
0xaf: {  	[dreg:$0x3] =	wrdreg $0x7C000  }
0xb0: {  	[dreg:$0x4] =	wrdreg $0x9  }
0xb1: {  	_ =	task.clear_ibuf [dreg:s6], $0x5FFFF;
	_ =	strace $0x90000046  }
0xb2: {  	s29 =	simm.s32 $0x9;
	_ =	strace $0x80000048  }
0xb3: {  	_ =	swait.ge [sflag:s29], $0x1  }
0xb4: {  	[sflag:s29] =	ssyncadd.s32 $0xFFFFFFFF  }
0xb5: {  	_ =	strace $0x90000048  }
0xb6: {  	_ =	sfence  }
0xb7: {  	s30 =	sld [smem:$0x0];
	_ =	sdelay $0x2  }
0xb8: {  	s31 =	sshll.u32 s1, $0xD;
	s1 =	sshrl.u32 s1, $0x2  }
0xb9: {  	s3 =	sand.u32 $0x4000, s31;
	s1 =	sadd.s32 s1, s30  }
0xba: {  	s0 =	sor.u32 s3, s0;
	s1 =	sshll.u32 s1, $0x11  }
0xbb: {  	s0 =	sor.u32 s1, s0  }
0xbc: {  	s0 =	sadd.s32 $0x8F2B, s0  }
0xbd: {  	[sflag:s0] =	ssyncadd.remote.s32 $0x1  }
0xbe: {  	_ =	sfence.sel $0xFFFF  }
0xbf: {  	[dreg:$0x0] =	wrdreg $0xFFFFFFFF;
	(pc) =	sbr.abs _section_cstart, $3  }
0xc0: {  	[dreg:$0x1] =	wrdreg $0xFFFFFFFF  }
0xc1: {  	_ =	task.clear_ibuf [dreg:s6], $0x2FFFF;
	_ =	strace $0x9FFFFFFF  }
0xc2: {  	(tm) =	ssettm $0x7FFFFFFF  }
0xc3: {  	_ =	shalt  }
tec
execute0_lowered:
.L_overlay_start_1:
0x0: {  	(tag) =	ssettag $0x1  }
0x1: {  	s0 =	rddreg [dreg:$0x0]  }
0x2: {  	s2 =	rddreg [dreg:$0x1];
	s3 =	simm.s32 $0x0  }
0x3: {  	s13 =	stileid.u32;
	s6 =	srdreg.scid;
	s16 =	simm.s32 $0x6  }
0x4: {  	s28 =	simm.s32 $0x1;
	s29 =	simm.s32 $0x28;
	s30 =	simm.s32 $0x2C00  }
0x5: {  	s31 =	simm.s32 $0x3;
	[smem:$0x7FF] =	sst s3;
	s1 =	smul.u32 $0x13800, s13  }
0x6: {  	s4 =	sadd.s32 $0x21A00, s0;
	s5 =	sadd.s32 $0x1A00, s0;
	s6 =	sand.u32 $0x1, s6  }
0x7: {  	s9 =	smul.u32 $0x4E000, s13;
	s10 =	sadd.s32 $0xBE000, s0;
	s17 =	sshll.u32 s13, $0x6  }
0x8: {  	s19 =	sshll.u32 s13, $0xF;
	p0 =	sne.s32 s13, $0xF;
	s13 =	simm.s32 $0x0  }
0x9: {  	_ =	strace $0x80000047;
	s8 =	ssub.s32 $0x2, s6;
	s14 =	sor.u32 $0x1C06, s17  }
0xa: {  	s18 =	sshll.u32 s6, $0x13;
	s6 =	smul.u32 $0x138800, s6;
	s7 =	sshrl.u32 s1, $0x3  }
0xb: {  	s11 =	sshrl.u32 s8, $0x1;
	s9 =	sshrl.u32 s9, $0x2;
	[dreg:$0x4] =	wrdreg s14  }
0xc: {  	s7 =	sadd.s32 s7, s0;
	s8 =	ssub.s32 s8, s11;
	s12 =	sadd.s32 s9, s2  }
0xd: {  	s11 =	sadd.s32 $0x138000, s2;
	s0 =	sadd.s32 $0xBDE00, s0;
	s9 =	sor.u32 s19, s18  }
0xe: {  	s1 =	sadd.s32 s1, s6;
	s6 =	sshrl.u32 s6, $0x3;
	s18 =	simm.s32 $0x200  }
0xf: {  	s19 =	simm.s32 $0x78;
	s7 =	sadd.s32 $0x96E00, s7;
	[dreg:$0x5] =	wrdreg s0  }
0x10: {  	s20 =	sshrl.u32 s9, $0x3;
	s22 =	sshrl.u32 s1, $0x3;
	s23 =	sadd.s32 s10, s6  }
0x11: {  	s26 =	smax.u32 s8, $0x1;
	s15 =	sshrl.u32 s12, $0x3;
	s11 =	sshrl.u32 @!p0 s11, $0x3  }
0x12: {  	s1 =	simm.s32 $0x380;
	s6 =	simm.s32 $0x2;
	[dreg:$0x3] =	wrdreg s7  }
0x13: {  	s8 =	simm.s32 $0x6800;
	s12 =	simm.s32 $0x4;
	[dreg:$0xa] =	wrdreg s26  }
0x14: {  	s21 =	sadd.s32 s5, s20;
	s0 =	sadd.s32 s10, s22;
	[dreg:$0xb] =	wrdreg s15  }
0x15: {  	s25 =	sadd.s32 $0x27000, s23;
	s20 =	simm.s32 $0x400;
	[dreg:$0xc] =	wrdreg s11  }
0x16: {  	s22 =	simm.s32 $0x280;
	s23 =	simm.s32 $0x5;
	[dreg:$0x6] =	wrdreg s21  }
0x17: {  	s26 =	simm.s32 $0x300;
	s24 =	sadd.s32 $0x10, s21;
	[dreg:$0x8] =	wrdreg s0  }
0x18: {  	[dreg:$0x9] =	wrdreg s25;
	s21 =	simm.s32 $0x80;
	s25 =	simm.s32 $0x100  }
0x19: {  	s0 =	simm.s32 $0x180;
	[dreg:$0x7] =	wrdreg s24;
	s24 =	simm.s32 $0x4000  }
.LBB2_1:
0x1a: {  	s7 =	rddreg [dreg:$0x3]  }
0x1b: {  	[spmem:s15], [sflag:s14] =	dma.local [hbm:s7], $0x2700  }
0x1c: {  	_ =	swait.ge [sflag:s16], $0x2700  }
0x1d: {  	[sflag:s16] =	ssyncset.done $0x0  }
0x1e: {  	s7 =	rddreg [dreg:$0x5];
	[sflag:s16] =	ssyncadd.s32 $0xFFFFD900  }
0x1f: {  	[spmem:s11], [sflag:s14] =	dma.local @!p0 [hbm:s7], $0x100  }
0x20: {  	s7 =	simm.s32 @!p0 $0x6  }
0x21: {  	_ =	swait.ge @!p0 [sflag:s7], $0x100  }
0x22: {  	[sflag:s7] =	ssyncset.done @!p0 $0x0  }
0x23: {  	[sflag:s7] =	ssyncadd.s32 @!p0 $0xFFFFFF00  }
0x24: {  	[bflag:$0x0] =	sbarrier.arrive $0xFFFF  }
0x25: {  	s15 =	rddreg [dreg:$0x6]  }
0x26: {  	[tilespmem:s3], [sflag:$0x6] =	stream.linear.gather [hbm4b:s15+s3], $0x80, $0x38;
	[tilespmem:$0x1B480] =	vst v63  }
0x27: {  	_ =	swait.ge [sflag:s16], $0x80  }
0x28: {  	[sflag:s16] =	ssyncset.done $0x0  }
0x29: {  	[sflag:s16] =	ssyncadd.s32 $0xFFFFFF80  }
0x2a: {  	[tilespmem:s18], [sflag:$0x6] =	stream.linear.gather [hbm4b:s15+s3], $0x28, $0x38;
	[tilespmem:$0x1B480] =	vst v63  }
0x2b: {  	_ =	swait.ge [sflag:s16], $0x28  }
0x2c: {  	[sflag:s16] =	ssyncset.done $0x0  }
0x2d: {  	[sflag:s16] =	ssyncadd.s32 $0xFFFFFFD8  }
0x2e: {  	[tilespmem:s20], [sflag:$0x1] =	stream.indirect.gather [hbm4b:s4+s19], $0x80, s3, s19, $0xb8;
	[tilespmem:$0x1B480] =	vst v63  }
0x2f: {  	s17 =	rddreg [dreg:$0x7]  }
0x30: {  	[tilespmem:s21], [sflag:$0x5] =	stream.linear.gather [hbm4b:s17+s3], $0x80, $0x38;
	[tilespmem:$0x1B480] =	vst v63  }
0x31: {  	s14 =	simm.s32 $0x0  }
0x32: {  	[tilespmem:s22], [sflag:$0x5] =	stream.linear.gather [hbm4b:s17+s3], $0x28, $0x38;
	[tilespmem:$0x1B480] =	vst v63  }
.LBB2_2:
0x33: {  	p1 =	seq.s32 s14, $0x0  }
0x34: {  	s7 =	simm.s32 @!p1 $0x4  }
0x35: {  	_ =	swait.ge @!p1 [sflag:s7], $0x1400  }
0x36: {  	[sflag:s7] =	ssyncset.done @!p1 $0x0  }
0x37: {  	[sflag:s7] =	ssyncadd.s32 @!p1 $0xFFFFEC00  }
0x38: {  	_ =	swait.ge [sflag:s23], $0x80  }
0x39: {  	s11 =	sshll.u32 s14, $0x9;
	[sflag:s23] =	ssyncset.done $0x0  }
0x3a: {  	s17 =	sand.u32 $0x7E00, s11;
	[sflag:s23] =	ssyncadd.s32 $0xFFFFFF80  }
0x3b: {  	s7 =	sor.u32 s17, s9;
	_ =	swait.ge [sflag:s23], $0x28  }
0x3c: {  	s7 =	sshrl.u32 s7, $0x3;
	[sflag:s23] =	ssyncset.done $0x0  }
0x3d: {  	s15 =	sadd.s32 s7, s5;
	[sflag:s23] =	ssyncadd.s32 $0xFFFFFFD8  }
0x3e: {  	[tilespmem:s24], [sflag:$0x2] =	stream.indirect.gather [hbm4b:s4+s19], $0x80, s21, s19, $0xb8;
	[tilespmem:$0x1B480] =	vst v63  }
0x3f: {  	s7 =	sadd.s32 $0x20, s15  }
0x40: {  	[tilespmem:s25], [sflag:$0x5] =	stream.linear.gather [hbm4b:s7+s3], $0x80, $0x38;
	[tilespmem:$0x1B480] =	vst v63  }
0x41: {  	_ = 	snop  }
0x42: {  	[tilespmem:s26], [sflag:$0x5] =	stream.linear.gather [hbm4b:s7+s3], $0x28, $0x38;
	[tilespmem:$0x1B480] =	vst v63  }
0x43: {  	_ =	swait.ge [sflag:s28], $0x3C00  }
0x44: {  	[sflag:s28] =	ssyncset.done $0x0  }
0x45: {  	s17 =	simm.s32 $0x1400;
	[sflag:s28] =	ssyncadd.s32 $0xFFFFC400  }
0x46: {  	v0 =	vld [tilespmem:s17+$0xFFFFF070]  }
0x47: {  	v1 =	vld [tilespmem:s17+$0x470]  }
0x48: {  	v2 =	vld [tilespmem:s17+$0xFFFFF000]  }
0x49: {  	v3 =	vld [tilespmem:s17+$0x400]  }
0x4a: {  	v4 =	vld [tilespmem:s17+$0xFFFFF010]  }
0x4b: {  	v5 =	vld [tilespmem:s17+$0x410]  }
0x4c: {  	v6 =	vld [tilespmem:s17+$0xFFFFF020]  }
0x4d: {  	v7 =	vld [tilespmem:s17+$0x420]  }
0x4e: {  	v8 =	vld [tilespmem:s17+$0x430];
	v0 =	vadd.f32 v1, v0  }
0x4f: {  	v9 =	vld [tilespmem:s17+$0x440]  }
0x50: {  	v1 =	vld [tilespmem:s17+$0xFFFFF030];
	v2 =	vadd.f32 v3, v2;
	v0 =	vsub.f32 $0.0e+00, v0  }
0x51: {  	v3 =	vld [tilespmem:s17+$0xFFFFF040]  }
0x52: {  	v4 =	vadd.f32 v5, v4;
	v5 =	vld [tilespmem:s17+$0xFFFFF050];
	v2 =	vsub.f32 $0.0e+00, v2;
	v0 =	vmul.f32 $1.442695020e+00, v0  }
0x53: {  	v6 =	vadd.f32 v7, v6;
	v7 =	vld [tilespmem:s17+$0x450]  }
0x54: {  	v2 =	vmul.f32 $1.442695020e+00, v2;
	(erf) = vpow2.f32 v0;
	v0 =	vsub.f32 $0.0e+00, v4  }
0x55: {  	v10 =	vld [tilespmem:s17+$0x460];
	v1 =	vadd.f32 v8, v1  }
0x56: {  	v6 =	vsub.f32 $0.0e+00, v6;
	v4 =	vld [tilespmem:s17+$0xFFFFF060];
	(erf) = vpow2.f32 v2;
	v0 =	vmul.f32 $1.442695020e+00, v0  }
0x57: {  	v11 =	vld [tilespmem:s17+$0x1830];
	v3 =	vadd.f32 v9, v3;
	v1 =	vsub.f32 $0.0e+00, v1  }
0x58: {  	s10 =	simm.s32 $0x1480;
	v15 =	vld [tilespmem:s17+$0x1840];
	v6 =	vmul.f32 $1.442695020e+00, v6;
	v5 =	vadd.f32 v7, v5;
	(erf) = vpow2.f32 v0  }
0x59: {  	v12 =	vld [tilespmem:s10+$0xFFFFF000];
	v3 =	vsub.f32 $0.0e+00, v3;
	v0 =	vmul.f32 $1.442695020e+00, v1  }
0x5a: {  	v13 =	vld [tilespmem:s10+$0xFFFFF010];
	v5 =	vsub.f32 $0.0e+00, v5;
	(erf) = vpow2.f32 v6  }
0x5b: {  	v14 =	vld [tilespmem:s10+$0x410];
	v3 =	vmul.f32 $1.442695020e+00, v3;
	v4 =	vadd.f32 v10, v4;
	(erf) = vpow2.f32 v0  }
0x5c: {  	v7 =	vld [tilespmem:s10+$0xFFFFF070]  }
0x5d: {  	v5 =	vmul.f32 $1.442695020e+00, v5;
	(erf) = vpow2.f32 v3;
	v3 =	vld [tilespmem:s10+$0x470];
	v4 =	vsub.f32 $0.0e+00, v4;
	v6 =	vpop (erf)  }
0x5e: {  	v17 =	vld [tilespmem:s10+$0x430];
	v6 =	vadd.f32 $1.000000000e+00, v6  }
0x5f: {  	v18 =	vld [tilespmem:s10+$0xFFFFF040];
	v4 =	vmul.f32 $1.442695020e+00, v4;
	v10 =	vpop (erf)  }
0x60: {  	v10 =	vadd.f32 $1.000000000e+00, v10;
	(erf) = vrcp.f32 v6;
	v6 =	vld [tilespmem:s10+$0x400]  }
0x61: {  	v19 =	vld [tilespmem:s10+$0xFFFFF050];
	(erf) = vpow2.f32 v5;
	v5 =	vpop (erf)  }
0x62: {  	v59 =	vld [tilespmem:s10+$0xFFFFF060];
	v3 =	vadd.f32 v3, v7;
	(erf) = vrcp.f32 v10;
	v5 =	vadd.f32 $1.000000000e+00, v5  }
0x63: {  	v60 =	vld [tilespmem:s10+$0x460];
	(erf) = vpow2.f32 v4;
	v4 =	vpop (erf)  }
0x64: {  	v3 =	vsub.f32 $0.0e+00, v3;
	v4 =	vadd.f32 $1.000000000e+00, v4;
	(erf) = vrcp.f32 v5;
	v5 =	vld [tilespmem:s10+$0xFFFFF020];
	v7 =	vpop (erf)  }
0x65: {  	v6 =	vadd.f32 v6, v12;
	v12 =	vld [tilespmem:s10+$0x420];
	v7 =	vadd.f32 $1.000000000e+00, v7  }
0x66: {  	v10 =	vld [tilespmem:s17+$0x1870];
	v3 =	vmul.f32 $1.442695020e+00, v3  }
0x67: {  	v2 =	vld [tilespmem:s17+$0x1800];
	v16 =	vpop (erf);
	(erf) = vrcp.f32 v4;
	v6 =	vsub.f32 $0.0e+00, v6  }
0x68: {  	v13 =	vadd.f32 v14, v13;
	v4 =	vld [tilespmem:s10+$0xFFFFF030];
	v16 =	vadd.f32 $1.000000000e+00, v16;
	(erf) = vrcp.f32 v7  }
0x69: {  	v14 =	vld [tilespmem:s10+$0x440];
	v7 =	vpop (erf);
	v6 =	vmul.f32 $1.442695020e+00, v6;
	(erf) = vpow2.f32 v3  }
0x6a: {  	v13 =	vsub.f32 $0.0e+00, v13;
	v3 =	vpop (erf);
	(erf) = vrcp.f32 v16;
	v5 =	vadd.f32 v12, v5;
	v12 =	vld [tilespmem:s10+$0x450]  }
0x6b: {  	v8 =	vld [tilespmem:s17+$0x1810];
	v58 =	vpop (erf);
	(erf) = vpow2.f32 v6;
	v6 =	vmul.f32 v7, v10;
	v3 =	vadd.f32 $1.000000000e+00, v3  }
0x6c: {  	v9 =	vld [tilespmem:s17+$0x1820];
	v10 =	vmul.f32 v58, v2;
	v2 =	vmul.f32 $1.442695020e+00, v13;
	v13 =	vsub.f32 $0.0e+00, v5  }
0x6d: {  	v1 =	vld [tilespmem:s17+$0x1850];
	v4 =	vadd.f32 v17, v4  }
0x6e: {  	v0 =	vld [tilespmem:s17+$0x1860];
	(erf) = vrcp.f32 v3;
	v3 =	vadd.f32 v14, v18;
	v13 =	vmul.f32 $1.442695020e+00, v13  }
0x6f: {  	v7 =	vpop (erf);
	v14 =	vsub.f32 $0.0e+00, v4;
	v4 =	vld [tilespmem:s10+$0x1810];
	v12 =	vadd.f32 v12, v19  }
0x70: {  	[tilespmem:s17+$0x1870] =	vst v6;
	v6 =	vld [tilespmem:s10+$0x1830];
	v5 =	vpop (erf);
	(erf) = vpow2.f32 v2  }
0x71: {  	v2 =	vld [tilespmem:s10+$0x1820];
	v8 =	vmul.f32 v5, v8;
	v61 =	vpop (erf);
	v3 =	vsub.f32 $0.0e+00, v3;
	v14 =	vmul.f32 $1.442695020e+00, v14  }
0x72: {  	v16 =	vadd.f32 v60, v59;
	v5 =	vld [tilespmem:s10+$0x1800];
	v18 =	vmul.f32 v61, v9;
	(erf) = vpow2.f32 v13;
	v13 =	vpop (erf)  }
0x73: {  	[tilespmem:s17+$0x1800] =	vst v10;
	v9 =	vadd.f32 $1.000000000e+00, v7;
	v7 =	vld [tilespmem:s10+$0x1840];
	v10 =	vmul.f32 $1.442695020e+00, v3;
	v3 =	vsub.f32 $0.0e+00, v12;
	v12 =	vpop (erf)  }
0x74: {  	s7 =	simm.s32 $0x1500;
	[tilespmem:s17+$0x1810] =	vst v8;
	v8 =	vld [tilespmem:s10+$0x1850];
	(erf) = vpow2.f32 v14;
	v63 =	vmul.f32 v13, v11;
	v62 =	vadd.f32 $1.000000000e+00, v12;
	v20 =	vpop (erf)  }
0x75: {  	[tilespmem:s17+$0x1820] =	vst v18;
	v13 =	vsub.f32 $0.0e+00, v16;
	v11 =	vld [tilespmem:s7+$0xFFFFF070];
	v12 =	vmul.f32 $1.442695020e+00, v3;
	(erf) = vpow2.f32 v10;
	v14 =	vpop (erf)  }
0x76: {  	s16 =	simm.s32 $0x5600;
	v3 =	vld [tilespmem:s10+$0x1860];
	[tilespmem:s17+$0x1830] =	vst v63;
	v10 =	vmul.f32 v20, v15;
	v14 =	vadd.f32 $1.000000000e+00, v14;
	(erf) = vrcp.f32 v62  }
.LBB2_3:
0x77: {  	p1 =	sne.s32 s16, $0x9E00;
	v15 =	vld [tilespmem:s7+$0x470];
	v13 =	vmul.f32 $1.442695020e+00, v13;
	(erf) = vpow2.f32 v12;
	v12 =	vpop (erf);
	v16 =	vmov v6  }
0x78: {  	v6 =	vld [tilespmem:s7+$0xFFFFF000];
	(erf) = vrcp.f32 v14;
	[tilespmem:s17+$0x1840] =	vst v10;
	v14 =	vmul.f32 v12, v1;
	v17 =	vmov v7  }
0x79: {  	v7 =	vld [tilespmem:s7+$0x400];
	v12 =	vpop (erf);
	(erf) = vpow2.f32 v13;
	v1 =	vmov v8  }
0x7a: {  	v8 =	vld [tilespmem:s7+$0xFFFFF010];
	v12 =	vadd.f32 $1.000000000e+00, v12;
	[tilespmem:s17+$0x1850] =	vst v14;
	(erf) = vrcp.f32 v9  }
0x7b: {  	v9 =	vld [tilespmem:s10+$0x1870];
	v10 =	vpop (erf)  }
0x7c: {  	v13 =	vld [tilespmem:s7+$0x410];
	v11 =	vadd.f32 v15, v11;
	v15 =	vadd.f32 $1.000000000e+00, v10;
	(erf) = vrcp.f32 v12  }
0x7d: {  	v12 =	vld [tilespmem:s7+$0xFFFFF020];
	v14 =	vpop (erf)  }
0x7e: {  	v6 =	vadd.f32 v7, v6;
	v7 =	vld [tilespmem:s7+$0x420];
	v11 =	vsub.f32 $0.0e+00, v11;
	(erf) = vrcp.f32 v15;
	v10 =	vpop (erf)  }
0x7f: {  	v14 =	vadd.f32 $1.000000000e+00, v14;
	v15 =	vld [tilespmem:s7+$0xFFFFF030];
	v10 =	vadd.f32 $1.000000000e+00, v10;
	v18 =	vpop (erf)  }
0x80: {  	v6 =	vsub.f32 $0.0e+00, v6;
	v19 =	vld [tilespmem:s7+$0x430];
	v11 =	vmul.f32 $1.442695020e+00, v11;
	v21 =	vmul.f32 v18, v9;
	v18 =	vpop (erf)  }
0x81: {  	v8 =	vadd.f32 v13, v8;
	v13 =	vld [tilespmem:s7+$0xFFFFF040];
	v18 =	vadd.f32 $1.000000000e+00, v18;
	v20 =	vpop (erf);
	(erf) = vrcp.f32 v14  }
0x82: {  	v6 =	vmul.f32 $1.442695020e+00, v6;
	v14 =	vld [tilespmem:s7+$0x440];
	(erf) = vpow2.f32 v11;
	[tilespmem:s10+$0x1870] =	vst v21;
	v9 =	vpop (erf)  }
0x83: {  	v8 =	vsub.f32 $0.0e+00, v8;
	v7 =	vadd.f32 v7, v12;
	v11 =	vld [tilespmem:s7+$0xFFFFF050];
	(erf) = vrcp.f32 v10;
	v10 =	vpop (erf)  }
0x84: {  	v5 =	vmul.f32 v20, v5;
	v9 =	vadd.f32 $1.000000000e+00, v9;
	v12 =	vld [tilespmem:s7+$0x450];
	(erf) = vpow2.f32 v6  }
0x85: {  	v6 =	vmul.f32 $1.442695020e+00, v8;
	v7 =	vsub.f32 $0.0e+00, v7;
	v8 =	vadd.f32 v19, v15;
	v15 =	vld [tilespmem:s7+$0xFFFFF060];
	v19 =	vpop (erf)  }
0x86: {  	v20 =	vld [tilespmem:s7+$0x460];
	[tilespmem:s10+$0x1800] =	vst v5;
	v19 =	vmul.f32 v19, v4;
	(erf) = vrcp.f32 v18  }
0x87: {  	v5 =	vld [tilespmem:s7+$0x1800];
	v7 =	vmul.f32 $1.442695020e+00, v7;
	v8 =	vsub.f32 $0.0e+00, v8;
	v13 =	vadd.f32 v14, v13;
	v14 =	vpop (erf)  }
0x88: {  	v4 =	vld [tilespmem:s7+$0x1810];
	(erf) = vpow2.f32 v6;
	[tilespmem:s10+$0x1810] =	vst v19;
	v14 =	vmul.f32 v14, v2  }
0x89: {  	v2 =	vld [tilespmem:s7+$0x1820];
	v19 =	vmul.f32 $1.442695020e+00, v8;
	v8 =	vsub.f32 $0.0e+00, v13;
	v11 =	vadd.f32 v12, v11  }
.Ltmp0:
0x8a: {  	v21 =	vmul.f32 v10, v0;
	v0 =	vmov v3;
	v6 =	vld [tilespmem:s7+$0x1830];
	(erf) = vpow2.f32 v7;
	[tilespmem:s10+$0x1820] =	vst v14;
	v12 =	vpop (erf);
	(pc) =	sbr.rel @p1 .LBB2_3-.Ltmp0, $4  }
0x8b: {  	v7 =	vld [tilespmem:s7+$0x1840];
	v14 =	vmul.f32 $1.442695020e+00, v8;
	v3 =	vsub.f32 $0.0e+00, v11;
	v11 =	vadd.f32 v20, v15;
	v13 =	vpop (erf)  }
0x8c: {  	v16 =	vmul.f32 v12, v16;
	v8 =	vld [tilespmem:s7+$0x1850];
	v15 =	vadd.f32 $1.000000000e+00, v13;
	(erf) = vpow2.f32 v19;
	v18 =	vpop (erf);
	[tilespmem:s17+$0x1860] =	vst v21;
	s17 =	smov.u32 s10;
	s10 =	smov.u32 s7  }
0x8d: {  	s7 =	sshra.s32 s16, $0x2;
	v12 =	vmul.f32 $1.442695020e+00, v3;
	v3 =	vld [tilespmem:s10+$0x1860];
	v13 =	vsub.f32 $0.0e+00, v11;
	v10 =	vpop (erf);
	(erf) = vpow2.f32 v14  }
0x8e: {  	s16 =	sadd.s32 $0x200, s16;
	v11 =	vld [tilespmem:s7+$0xFFFFF070];
	v14 =	vadd.f32 $1.000000000e+00, v10;
	(erf) = vrcp.f32 v15;
	[tilespmem:s17+$0x1830] =	vst v16;
	v10 =	vmul.f32 v18, v17  }
0x8f: {  	v15 =	vld [tilespmem:s7+$0x470];
	_ =	sdelay $0x1  }
0x90: {  	v16 =	vld [tilespmem:s7+$0xFFFFF000];
	v18 =	vpop (erf)  }
0x91: {  	v17 =	vld [tilespmem:s7+$0x400];
	v13 =	vmul.f32 $1.442695020e+00, v13;
	(erf) = vpow2.f32 v12;
	v12 =	vpop (erf)  }
0x92: {  	v19 =	vld [tilespmem:s7+$0xFFFFF010];
	(erf) = vrcp.f32 v14;
	v14 =	vpop (erf)  }
0x93: {  	v20 =	vld [tilespmem:s7+$0x410];
	(erf) = vpow2.f32 v13;
	v11 =	vadd.f32 v15, v11;
	v13 =	vadd.f32 $1.000000000e+00, v14  }
0x94: {  	v35 =	vld [tilespmem:s7+$0x420];
	v12 =	vadd.f32 $1.000000000e+00, v12  }
0x95: {  	v36 =	vld [tilespmem:s7+$0x430];
	(erf) = vrcp.f32 v9;
	v11 =	vsub.f32 $0.0e+00, v11  }
0x96: {  	v14 =	vld [tilespmem:s7+$0xFFFFF020];
	v9 =	vpop (erf);
	(erf) = vrcp.f32 v12  }
0x97: {  	v15 =	vadd.f32 v17, v16;
	v12 =	vld [tilespmem:s7+$0xFFFFF030];
	(erf) = vrcp.f32 v13;
	v13 =	vpop (erf);
	v11 =	vmul.f32 $1.442695020e+00, v11  }
0x98: {  	v9 =	vadd.f32 $1.000000000e+00, v9;
	v13 =	vadd.f32 $1.000000000e+00, v13  }
0x99: {  	v15 =	vsub.f32 $0.0e+00, v15  }
0x9a: {  	v21 =	vld [tilespmem:s7+$0xFFFFF040];
	(erf) = vrcp.f32 v9  }
0x9b: {  	v37 =	vld [tilespmem:s7+$0xFFFFF050];
	v9 =	vmul.f32 $1.442695020e+00, v15;
	v14 =	vadd.f32 v35, v14;
	(erf) = vpow2.f32 v11;
	v11 =	vpop (erf)  }
0x9c: {  	v19 =	vadd.f32 v20, v19;
	v15 =	vld [tilespmem:s7+$0x440];
	v12 =	vadd.f32 v36, v12;
	(erf) = vrcp.f32 v13;
	v13 =	vpop (erf)  }
0x9d: {  	v38 =	vld [tilespmem:s7+$0x450];
	v14 =	vsub.f32 $0.0e+00, v14;
	(erf) = vpow2.f32 v9;
	v9 =	vadd.f32 $1.000000000e+00, v13  }
0x9e: {  	v22 =	vld [tilespmem:s7+$0xFFFFF060];
	v19 =	vsub.f32 $0.0e+00, v19;
	v13 =	vpop (erf)  }
0x9f: {  	v39 =	vld [tilespmem:s7+$0x460];
	v12 =	vsub.f32 $0.0e+00, v12;
	v14 =	vmul.f32 $1.442695020e+00, v14;
	v23 =	vpop (erf)  }
0xa0: {  	v19 =	vmul.f32 $1.442695020e+00, v19;
	v40 =	vpop (erf)  }
0xa1: {  	v15 =	vadd.f32 v15, v21;
	v12 =	vmul.f32 $1.442695020e+00, v12;
	(erf) = vrcp.f32 v9;
	v9 =	vpop (erf)  }
0xa2: {  	(erf) = vpow2.f32 v19;
	v41 =	vpop (erf)  }
0xa3: {  	v16 =	vadd.f32 v38, v37;
	v15 =	vsub.f32 $0.0e+00, v15;
	(erf) = vpow2.f32 v14;
	v14 =	vpop (erf)  }
0xa4: {  	v17 =	vadd.f32 v39, v22;
	v42 =	vpop (erf)  }
0xa5: {  	v16 =	vsub.f32 $0.0e+00, v16;
	v15 =	vmul.f32 $1.442695020e+00, v15;
	(erf) = vpow2.f32 v12;
	v12 =	vpop (erf)  }
0xa6: {  	v17 =	vsub.f32 $0.0e+00, v17;
	v20 =	vadd.f32 $1.000000000e+00, v42;
	v43 =	vpop (erf)  }
0xa7: {  	v16 =	vmul.f32 $1.442695020e+00, v16;
	(erf) = vpow2.f32 v15;
	v15 =	vadd.f32 $1.000000000e+00, v43  }
0xa8: {  	(erf) = vrcp.f32 v20  }
0xa9: {  	v17 =	vmul.f32 $1.442695020e+00, v17;
	(erf) = vpow2.f32 v16  }
0xaa: {  	v44 =	vld [tilespmem:s10+$0x1870];
	(erf) = vrcp.f32 v15  }
0xab: {  	(erf) = vpow2.f32 v17;
	v15 =	vpop (erf)  }
0xac: {  	v46 =	vadd.f32 $1.000000000e+00, v23;
	v45 =	vpop (erf)  }
0xad: {  	v47 =	vpop (erf);
	v17 =	vadd.f32 $1.000000000e+00, v45  }
0xae: {  	v1 =	vmul.f32 v18, v1;
	(erf) = vrcp.f32 v46;
	v49 =	vadd.f32 $1.000000000e+00, v47  }
0xaf: {  	[tilespmem:s17+$0x1840] =	vst v10;
	v10 =	vmul.f32 v11, v44;
	v48 =	vpop (erf);
	(erf) = vrcp.f32 v17  }
0xb0: {  	[tilespmem:s17+$0x1850] =	vst v1;
	v1 =	vmul.f32 v13, v5;
	v50 =	vpop (erf);
	v5 =	vadd.f32 $1.000000000e+00, v48;
	(erf) = vrcp.f32 v49  }
0xb1: {  	[tilespmem:s10+$0x1870] =	vst v10;
	v0 =	vmul.f32 v40, v0;
	v11 =	vpop (erf)  }
0xb2: {  	[tilespmem:s10+$0x1800] =	vst v1;
	v1 =	vmul.f32 v41, v2;
	v2 =	vld [tilespmem:s7+$0x1870];
	v13 =	vpop (erf)  }
0xb3: {  	v4 =	vmul.f32 v9, v4;
	v9 =	vld [tilespmem:s7+$0x1800];
	[tilespmem:s17+$0x1860] =	vst v0;
	v10 =	vadd.f32 $1.000000000e+00, v50;
	v51 =	vpop (erf)  }
0xb4: {  	v52 =	vld [tilespmem:s7+$0x1810];
	[tilespmem:s10+$0x1820] =	vst v1;
	v1 =	vmul.f32 v14, v6;
	(erf) = vrcp.f32 v5;
	v13 =	vadd.f32 $1.000000000e+00, v13;
	v5 =	vpop (erf)  }
0xb5: {  	[tilespmem:s10+$0x1810] =	vst v4;
	v0 =	vmul.f32 v12, v7;
	(erf) = vrcp.f32 v10;
	v4 =	vadd.f32 $1.000000000e+00, v5;
	v5 =	vld [tilespmem:s7+$0x1820]  }
0xb6: {  	[tilespmem:s10+$0x1830] =	vst v1;
	v1 =	vmul.f32 v15, v8;
	(erf) = vrcp.f32 v13  }
0xb7: {  	[tilespmem:s10+$0x1840] =	vst v0;
	v0 =	vmul.f32 v11, v2;
	v2 =	vpop (erf);
	(erf) = vrcp.f32 v4  }
0xb8: {  	[tilespmem:s10+$0x1850] =	vst v1;
	v1 =	vmul.f32 v51, v9;
	v9 =	vpop (erf)  }
0xb9: {  	v6 =	vld [tilespmem:s7+$0x1830];
	[tilespmem:s7+$0x1870] =	vst v0;
	v0 =	vmul.f32 v9, v52;
	v9 =	vpop (erf)  }
0xba: {  	[tilespmem:s7+$0x1800] =	vst v1;
	v4 =	vld [tilespmem:s7+$0x1840];
	v1 =	vmul.f32 v9, v5  }
0xbb: {  	v7 =	vld [tilespmem:s7+$0x1850];
	v2 =	vmul.f32 v2, v3  }
0xbc: {  	v8 =	vld [tilespmem:s7+$0x1860]  }
0xbd: {  	[tilespmem:s7+$0x1810] =	vst v0;
	v0 =	vpop (erf)  }
0xbe: {  	[tilespmem:s7+$0x1820] =	vst v1;
	v0 =	vmul.f32 v0, v6;
	v1 =	vpop (erf)  }
0xbf: {  	[tilespmem:s10+$0x1860] =	vst v2;
	v1 =	vmul.f32 v1, v4;
	v2 =	vpop (erf)  }
0xc0: {  	[tilespmem:s7+$0x1830] =	vst v0;
	v0 =	vmul.f32 v2, v7;
	v2 =	vpop (erf)  }
0xc1: {  	[tilespmem:s7+$0x1840] =	vst v1;
	v1 =	vmul.f32 v2, v8  }
0xc2: {  	[tilespmem:s7+$0x1850] =	vst v0  }
0xc3: {  	[tilespmem:s7+$0x1860] =	vst v1  }
0xc4: {  	[spmem:s2] =	stream.indirect.scatter.add.f32 [tilespmem:s30], [sflag:$0x3], $0x80, s18, s29, $0xb8;
	[tilespmem:$0x1B480] =	vst v63  }
0xc5: {  	_ =	swait.ge [sflag:s31], $0x1400  }
0xc6: {  	[sflag:s31] =	ssyncset.done $0x0  }
0xc7: {  	[sflag:s31] =	ssyncadd.s32 $0xFFFFEC00  }
0xc8: {  	_ =	swait.ge [sflag:s23], $0x80  }
0xc9: {  	[sflag:s23] =	ssyncset.done $0x0  }
0xca: {  	[sflag:s23] =	ssyncadd.s32 $0xFFFFFF80  }
0xcb: {  	_ =	swait.ge [sflag:s23], $0x28  }
0xcc: {  	[sflag:s23] =	ssyncset.done $0x0  }
0xcd: {  	[sflag:s23] =	ssyncadd.s32 $0xFFFFFFD8  }
0xce: {  	[tilespmem:s20], [sflag:$0x1] =	stream.indirect.gather [hbm4b:s4+s19], $0x80, s25, s19, $0xb8;
	[tilespmem:$0x1B480] =	vst v63  }
0xcf: {  	s16 =	sadd.s32 $0x30, s15;
	s17 =	simm.s32 $0x0  }
0xd0: {  	[tilespmem:s0], [sflag:$0x5] =	stream.linear.gather [hbm4b:s16+s17], $0x80, $0x38;
	[tilespmem:$0x1B480] =	vst v63  }
0xd1: {  	_ = 	snop  }
0xd2: {  	[tilespmem:s1], [sflag:$0x5] =	stream.linear.gather [hbm4b:s16+s17], $0x28, $0x38;
	[tilespmem:$0x1B480] =	vst v63  }
0xd3: {  	_ =	swait.ge [sflag:s6], $0x3C00  }
0xd4: {  	[sflag:s6] =	ssyncset.done $0x0  }
0xd5: {  	s15 =	simm.s32 $0x0;
	[sflag:s6] =	ssyncadd.s32 $0xFFFFC400  }
0xd6: {  	v0 =	vld [tilespmem:s15+$0x4070]  }
0xd7: {  	v1 =	vld [tilespmem:s15+$0x5470]  }
0xd8: {  	v2 =	vld [tilespmem:s15+$0x4000]  }
0xd9: {  	v3 =	vld [tilespmem:s15+$0x5400]  }
0xda: {  	v4 =	vld [tilespmem:s15+$0x4010]  }
0xdb: {  	v5 =	vld [tilespmem:s15+$0x5410]  }
0xdc: {  	v6 =	vld [tilespmem:s15+$0x4020]  }
0xdd: {  	v7 =	vld [tilespmem:s15+$0x5420]  }
0xde: {  	v8 =	vld [tilespmem:s15+$0x5430];
	v0 =	vadd.f32 v1, v0  }
0xdf: {  	v9 =	vld [tilespmem:s15+$0x5440]  }
0xe0: {  	v1 =	vld [tilespmem:s15+$0x4030];
	v2 =	vadd.f32 v3, v2;
	v0 =	vsub.f32 $0.0e+00, v0  }
0xe1: {  	v3 =	vld [tilespmem:s15+$0x4040]  }
0xe2: {  	v4 =	vadd.f32 v5, v4;
	v5 =	vld [tilespmem:s15+$0x4050];
	v2 =	vsub.f32 $0.0e+00, v2;
	v0 =	vmul.f32 $1.442695020e+00, v0  }
0xe3: {  	v6 =	vadd.f32 v7, v6;
	v7 =	vld [tilespmem:s15+$0x5450]  }
0xe4: {  	v2 =	vmul.f32 $1.442695020e+00, v2;
	(erf) = vpow2.f32 v0;
	v0 =	vsub.f32 $0.0e+00, v4  }
0xe5: {  	v10 =	vld [tilespmem:s15+$0x5460];
	v1 =	vadd.f32 v8, v1  }
0xe6: {  	v6 =	vsub.f32 $0.0e+00, v6;
	v4 =	vld [tilespmem:s15+$0x4060];
	(erf) = vpow2.f32 v2;
	v0 =	vmul.f32 $1.442695020e+00, v0  }
0xe7: {  	v11 =	vld [tilespmem:s15+$0x6830];
	v3 =	vadd.f32 v9, v3;
	v1 =	vsub.f32 $0.0e+00, v1  }
0xe8: {  	s10 =	simm.s32 $0x80;
	v15 =	vld [tilespmem:s15+$0x6840];
	v6 =	vmul.f32 $1.442695020e+00, v6;
	v5 =	vadd.f32 v7, v5;
	(erf) = vpow2.f32 v0  }
0xe9: {  	v12 =	vld [tilespmem:s10+$0x4000];
	v3 =	vsub.f32 $0.0e+00, v3;
	v0 =	vmul.f32 $1.442695020e+00, v1  }
0xea: {  	v13 =	vld [tilespmem:s10+$0x4010];
	v5 =	vsub.f32 $0.0e+00, v5;
	(erf) = vpow2.f32 v6  }
0xeb: {  	v14 =	vld [tilespmem:s10+$0x5410];
	v3 =	vmul.f32 $1.442695020e+00, v3;
	v4 =	vadd.f32 v10, v4;
	(erf) = vpow2.f32 v0  }
0xec: {  	v7 =	vld [tilespmem:s10+$0x4070]  }
0xed: {  	v5 =	vmul.f32 $1.442695020e+00, v5;
	(erf) = vpow2.f32 v3;
	v3 =	vld [tilespmem:s10+$0x5470];
	v4 =	vsub.f32 $0.0e+00, v4;
	v6 =	vpop (erf)  }
0xee: {  	v54 =	vld [tilespmem:s10+$0x5430];
	v6 =	vadd.f32 $1.000000000e+00, v6  }
0xef: {  	v55 =	vld [tilespmem:s10+$0x4040];
	v4 =	vmul.f32 $1.442695020e+00, v4;
	v10 =	vpop (erf)  }
0xf0: {  	v10 =	vadd.f32 $1.000000000e+00, v10;
	(erf) = vrcp.f32 v6;
	v6 =	vld [tilespmem:s10+$0x5400]  }
0xf1: {  	v56 =	vld [tilespmem:s10+$0x4050];
	(erf) = vpow2.f32 v5;
	v5 =	vpop (erf)  }
0xf2: {  	v58 =	vld [tilespmem:s10+$0x4060];
	v3 =	vadd.f32 v3, v7;
	(erf) = vrcp.f32 v10;
	v5 =	vadd.f32 $1.000000000e+00, v5  }
0xf3: {  	v59 =	vld [tilespmem:s10+$0x5460];
	(erf) = vpow2.f32 v4;
	v4 =	vpop (erf)  }
0xf4: {  	v3 =	vsub.f32 $0.0e+00, v3;
	v4 =	vadd.f32 $1.000000000e+00, v4;
	(erf) = vrcp.f32 v5;
	v5 =	vld [tilespmem:s10+$0x4020];
	v7 =	vpop (erf)  }
0xf5: {  	v6 =	vadd.f32 v6, v12;
	v12 =	vld [tilespmem:s10+$0x5420];
	v7 =	vadd.f32 $1.000000000e+00, v7  }
0xf6: {  	v10 =	vld [tilespmem:s15+$0x6870];
	v3 =	vmul.f32 $1.442695020e+00, v3  }
0xf7: {  	v2 =	vld [tilespmem:s15+$0x6800];
	v53 =	vpop (erf);
	(erf) = vrcp.f32 v4;
	v6 =	vsub.f32 $0.0e+00, v6  }
0xf8: {  	v13 =	vadd.f32 v14, v13;
	v4 =	vld [tilespmem:s10+$0x4030];
	v16 =	vadd.f32 $1.000000000e+00, v53;
	(erf) = vrcp.f32 v7  }
0xf9: {  	v14 =	vld [tilespmem:s10+$0x5440];
	v7 =	vpop (erf);
	v6 =	vmul.f32 $1.442695020e+00, v6;
	(erf) = vpow2.f32 v3  }
0xfa: {  	v13 =	vsub.f32 $0.0e+00, v13;
	v3 =	vpop (erf);
	(erf) = vrcp.f32 v16;
	v5 =	vadd.f32 v12, v5;
	v12 =	vld [tilespmem:s10+$0x5450]  }
0xfb: {  	v8 =	vld [tilespmem:s15+$0x6810];
	v57 =	vpop (erf);
	(erf) = vpow2.f32 v6;
	v6 =	vmul.f32 v7, v10;
	v3 =	vadd.f32 $1.000000000e+00, v3  }
0xfc: {  	v9 =	vld [tilespmem:s15+$0x6820];
	v10 =	vmul.f32 v57, v2;
	v2 =	vmul.f32 $1.442695020e+00, v13;
	v13 =	vsub.f32 $0.0e+00, v5  }
0xfd: {  	v1 =	vld [tilespmem:s15+$0x6850];
	v4 =	vadd.f32 v54, v4  }
0xfe: {  	v0 =	vld [tilespmem:s15+$0x6860];
	(erf) = vrcp.f32 v3;
	v3 =	vadd.f32 v14, v55;
	v13 =	vmul.f32 $1.442695020e+00, v13  }
0xff: {  	v7 =	vpop (erf);
	v14 =	vsub.f32 $0.0e+00, v4;
	v4 =	vld [tilespmem:s10+$0x6810];
	v12 =	vadd.f32 v12, v56  }
0x100: {  	[tilespmem:s15+$0x6870] =	vst v6;
	v6 =	vld [tilespmem:s10+$0x6830];
	v5 =	vpop (erf);
	(erf) = vpow2.f32 v2  }
0x101: {  	v2 =	vld [tilespmem:s10+$0x6820];
	v8 =	vmul.f32 v5, v8;
	v60 =	vpop (erf);
	v3 =	vsub.f32 $0.0e+00, v3;
	v14 =	vmul.f32 $1.442695020e+00, v14  }
0x102: {  	v16 =	vadd.f32 v59, v58;
	v5 =	vld [tilespmem:s10+$0x6800];
	v18 =	vmul.f32 v60, v9;
	(erf) = vpow2.f32 v13;
	v13 =	vpop (erf)  }
0x103: {  	[tilespmem:s15+$0x6800] =	vst v10;
	v9 =	vadd.f32 $1.000000000e+00, v7;
	v7 =	vld [tilespmem:s10+$0x6840];
	v10 =	vmul.f32 $1.442695020e+00, v3;
	v3 =	vsub.f32 $0.0e+00, v12;
	v12 =	vpop (erf)  }
0x104: {  	s7 =	simm.s32 $0x100;
	[tilespmem:s15+$0x6810] =	vst v8;
	v8 =	vld [tilespmem:s10+$0x6850];
	(erf) = vpow2.f32 v14;
	v62 =	vmul.f32 v13, v11;
	v61 =	vadd.f32 $1.000000000e+00, v12;
	v63 =	vpop (erf)  }
0x105: {  	[tilespmem:s15+$0x6820] =	vst v18;
	v13 =	vsub.f32 $0.0e+00, v16;
	v11 =	vld [tilespmem:s7+$0x4070];
	v12 =	vmul.f32 $1.442695020e+00, v3;
	(erf) = vpow2.f32 v10;
	v14 =	vpop (erf)  }
0x106: {  	s16 =	simm.s32 $0x600;
	v3 =	vld [tilespmem:s10+$0x6860];
	[tilespmem:s15+$0x6830] =	vst v62;
	v10 =	vmul.f32 v63, v15;
	v14 =	vadd.f32 $1.000000000e+00, v14;
	(erf) = vrcp.f32 v61  }
.LBB2_5:
0x107: {  	p1 =	sne.s32 s16, $0x4E00;
	v15 =	vld [tilespmem:s7+$0x5470];
	v13 =	vmul.f32 $1.442695020e+00, v13;
	(erf) = vpow2.f32 v12;
	v12 =	vpop (erf);
	v16 =	vmov v6  }
0x108: {  	v6 =	vld [tilespmem:s7+$0x4000];
	(erf) = vrcp.f32 v14;
	[tilespmem:s15+$0x6840] =	vst v10;
	v14 =	vmul.f32 v12, v1;
	v17 =	vmov v7  }
0x109: {  	v7 =	vld [tilespmem:s7+$0x5400];
	v12 =	vpop (erf);
	(erf) = vpow2.f32 v13;
	v1 =	vmov v8  }
0x10a: {  	v8 =	vld [tilespmem:s7+$0x4010];
	v12 =	vadd.f32 $1.000000000e+00, v12;
	[tilespmem:s15+$0x6850] =	vst v14;
	(erf) = vrcp.f32 v9  }
0x10b: {  	v9 =	vld [tilespmem:s10+$0x6870];
	v10 =	vpop (erf)  }
0x10c: {  	v13 =	vld [tilespmem:s7+$0x5410];
	v11 =	vadd.f32 v15, v11;
	v15 =	vadd.f32 $1.000000000e+00, v10;
	(erf) = vrcp.f32 v12  }
0x10d: {  	v12 =	vld [tilespmem:s7+$0x4020];
	v14 =	vpop (erf)  }
0x10e: {  	v6 =	vadd.f32 v7, v6;
	v7 =	vld [tilespmem:s7+$0x5420];
	v11 =	vsub.f32 $0.0e+00, v11;
	(erf) = vrcp.f32 v15;
	v10 =	vpop (erf)  }
0x10f: {  	v14 =	vadd.f32 $1.000000000e+00, v14;
	v15 =	vld [tilespmem:s7+$0x4030];
	v10 =	vadd.f32 $1.000000000e+00, v10;
	v18 =	vpop (erf)  }
0x110: {  	v6 =	vsub.f32 $0.0e+00, v6;
	v19 =	vld [tilespmem:s7+$0x5430];
	v11 =	vmul.f32 $1.442695020e+00, v11;
	v21 =	vmul.f32 v18, v9;
	v18 =	vpop (erf)  }
0x111: {  	v8 =	vadd.f32 v13, v8;
	v13 =	vld [tilespmem:s7+$0x4040];
	v18 =	vadd.f32 $1.000000000e+00, v18;
	v20 =	vpop (erf);
	(erf) = vrcp.f32 v14  }
0x112: {  	v6 =	vmul.f32 $1.442695020e+00, v6;
	v14 =	vld [tilespmem:s7+$0x5440];
	(erf) = vpow2.f32 v11;
	[tilespmem:s10+$0x6870] =	vst v21;
	v9 =	vpop (erf)  }
0x113: {  	v8 =	vsub.f32 $0.0e+00, v8;
	v7 =	vadd.f32 v7, v12;
	v11 =	vld [tilespmem:s7+$0x4050];
	(erf) = vrcp.f32 v10;
	v10 =	vpop (erf)  }
0x114: {  	v5 =	vmul.f32 v20, v5;
	v9 =	vadd.f32 $1.000000000e+00, v9;
	v12 =	vld [tilespmem:s7+$0x5450];
	(erf) = vpow2.f32 v6  }
0x115: {  	v6 =	vmul.f32 $1.442695020e+00, v8;
	v7 =	vsub.f32 $0.0e+00, v7;
	v8 =	vadd.f32 v19, v15;
	v15 =	vld [tilespmem:s7+$0x4060];
	v19 =	vpop (erf)  }
0x116: {  	v20 =	vld [tilespmem:s7+$0x5460];
	[tilespmem:s10+$0x6800] =	vst v5;
	v19 =	vmul.f32 v19, v4;
	(erf) = vrcp.f32 v18  }
0x117: {  	v5 =	vld [tilespmem:s7+$0x6800];
	v7 =	vmul.f32 $1.442695020e+00, v7;
	v8 =	vsub.f32 $0.0e+00, v8;
	v13 =	vadd.f32 v14, v13;
	v14 =	vpop (erf)  }
0x118: {  	v4 =	vld [tilespmem:s7+$0x6810];
	(erf) = vpow2.f32 v6;
	[tilespmem:s10+$0x6810] =	vst v19;
	v14 =	vmul.f32 v14, v2  }
0x119: {  	v2 =	vld [tilespmem:s7+$0x6820];
	v19 =	vmul.f32 $1.442695020e+00, v8;
	v8 =	vsub.f32 $0.0e+00, v13;
	v11 =	vadd.f32 v12, v11  }
.Ltmp1:
0x11a: {  	v21 =	vmul.f32 v10, v0;
	v0 =	vmov v3;
	v6 =	vld [tilespmem:s7+$0x6830];
	(erf) = vpow2.f32 v7;
	[tilespmem:s10+$0x6820] =	vst v14;
	v12 =	vpop (erf);
	(pc) =	sbr.rel @p1 .LBB2_5-.Ltmp1, $4  }
0x11b: {  	v7 =	vld [tilespmem:s7+$0x6840];
	v14 =	vmul.f32 $1.442695020e+00, v8;
	v3 =	vsub.f32 $0.0e+00, v11;
	v11 =	vadd.f32 v20, v15;
	v13 =	vpop (erf)  }
0x11c: {  	v16 =	vmul.f32 v12, v16;
	v8 =	vld [tilespmem:s7+$0x6850];
	v15 =	vadd.f32 $1.000000000e+00, v13;
	(erf) = vpow2.f32 v19;
	v18 =	vpop (erf);
	[tilespmem:s15+$0x6860] =	vst v21;
	s15 =	smov.u32 s10;
	s10 =	smov.u32 s7  }
0x11d: {  	s7 =	sshra.s32 s16, $0x2;
	v12 =	vmul.f32 $1.442695020e+00, v3;
	v3 =	vld [tilespmem:s10+$0x6860];
	v13 =	vsub.f32 $0.0e+00, v11;
	v10 =	vpop (erf);
	(erf) = vpow2.f32 v14  }
0x11e: {  	s16 =	sadd.s32 $0x200, s16;
	v11 =	vld [tilespmem:s7+$0x4070];
	v14 =	vadd.f32 $1.000000000e+00, v10;
	(erf) = vrcp.f32 v15;
	[tilespmem:s15+$0x6830] =	vst v16;
	v10 =	vmul.f32 v18, v17  }
0x11f: {  	v15 =	vld [tilespmem:s7+$0x5470];
	_ =	sdelay $0x1  }
0x120: {  	v16 =	vld [tilespmem:s7+$0x4000];
	v18 =	vpop (erf)  }
0x121: {  	v17 =	vld [tilespmem:s7+$0x5400];
	v13 =	vmul.f32 $1.442695020e+00, v13;
	(erf) = vpow2.f32 v12;
	v12 =	vpop (erf)  }
0x122: {  	v19 =	vld [tilespmem:s7+$0x4010];
	(erf) = vrcp.f32 v14;
	v14 =	vpop (erf)  }
0x123: {  	v20 =	vld [tilespmem:s7+$0x5410];
	(erf) = vpow2.f32 v13;
	v11 =	vadd.f32 v15, v11;
	v13 =	vadd.f32 $1.000000000e+00, v14  }
0x124: {  	v35 =	vld [tilespmem:s7+$0x5420];
	v12 =	vadd.f32 $1.000000000e+00, v12  }
0x125: {  	v36 =	vld [tilespmem:s7+$0x5430];
	(erf) = vrcp.f32 v9;
	v11 =	vsub.f32 $0.0e+00, v11  }
0x126: {  	v14 =	vld [tilespmem:s7+$0x4020];
	v9 =	vpop (erf);
	(erf) = vrcp.f32 v12  }
0x127: {  	v15 =	vadd.f32 v17, v16;
	v12 =	vld [tilespmem:s7+$0x4030];
	(erf) = vrcp.f32 v13;
	v13 =	vpop (erf);
	v11 =	vmul.f32 $1.442695020e+00, v11  }
0x128: {  	v9 =	vadd.f32 $1.000000000e+00, v9;
	v13 =	vadd.f32 $1.000000000e+00, v13  }
0x129: {  	v15 =	vsub.f32 $0.0e+00, v15  }
0x12a: {  	v21 =	vld [tilespmem:s7+$0x4040];
	(erf) = vrcp.f32 v9  }
0x12b: {  	v37 =	vld [tilespmem:s7+$0x4050];
	v9 =	vmul.f32 $1.442695020e+00, v15;
	v14 =	vadd.f32 v35, v14;
	(erf) = vpow2.f32 v11;
	v11 =	vpop (erf)  }
0x12c: {  	v19 =	vadd.f32 v20, v19;
	v15 =	vld [tilespmem:s7+$0x5440];
	v12 =	vadd.f32 v36, v12;
	(erf) = vrcp.f32 v13;
	v13 =	vpop (erf)  }
0x12d: {  	v38 =	vld [tilespmem:s7+$0x5450];
	v14 =	vsub.f32 $0.0e+00, v14;
	(erf) = vpow2.f32 v9;
	v9 =	vadd.f32 $1.000000000e+00, v13  }
0x12e: {  	v22 =	vld [tilespmem:s7+$0x4060];
	v19 =	vsub.f32 $0.0e+00, v19;
	v13 =	vpop (erf)  }
0x12f: {  	v39 =	vld [tilespmem:s7+$0x5460];
	v12 =	vsub.f32 $0.0e+00, v12;
	v14 =	vmul.f32 $1.442695020e+00, v14;
	v23 =	vpop (erf)  }
0x130: {  	v19 =	vmul.f32 $1.442695020e+00, v19;
	v40 =	vpop (erf)  }
0x131: {  	v15 =	vadd.f32 v15, v21;
	v12 =	vmul.f32 $1.442695020e+00, v12;
	(erf) = vrcp.f32 v9;
	v9 =	vpop (erf)  }
0x132: {  	(erf) = vpow2.f32 v19;
	v41 =	vpop (erf)  }
0x133: {  	v16 =	vadd.f32 v38, v37;
	v15 =	vsub.f32 $0.0e+00, v15;
	(erf) = vpow2.f32 v14;
	v14 =	vpop (erf)  }
0x134: {  	v17 =	vadd.f32 v39, v22;
	v42 =	vpop (erf)  }
0x135: {  	v16 =	vsub.f32 $0.0e+00, v16;
	v15 =	vmul.f32 $1.442695020e+00, v15;
	(erf) = vpow2.f32 v12;
	v12 =	vpop (erf)  }
0x136: {  	v17 =	vsub.f32 $0.0e+00, v17;
	v20 =	vadd.f32 $1.000000000e+00, v42;
	v43 =	vpop (erf)  }
0x137: {  	v16 =	vmul.f32 $1.442695020e+00, v16;
	(erf) = vpow2.f32 v15;
	v15 =	vadd.f32 $1.000000000e+00, v43  }
0x138: {  	(erf) = vrcp.f32 v20  }
0x139: {  	v17 =	vmul.f32 $1.442695020e+00, v17;
	(erf) = vpow2.f32 v16  }
0x13a: {  	v44 =	vld [tilespmem:s10+$0x6870];
	(erf) = vrcp.f32 v15  }
0x13b: {  	(erf) = vpow2.f32 v17;
	v15 =	vpop (erf)  }
0x13c: {  	v46 =	vadd.f32 $1.000000000e+00, v23;
	v45 =	vpop (erf)  }
0x13d: {  	v47 =	vpop (erf);
	v17 =	vadd.f32 $1.000000000e+00, v45  }
0x13e: {  	v1 =	vmul.f32 v18, v1;
	(erf) = vrcp.f32 v46;
	v49 =	vadd.f32 $1.000000000e+00, v47  }
0x13f: {  	[tilespmem:s15+$0x6840] =	vst v10;
	v10 =	vmul.f32 v11, v44;
	v48 =	vpop (erf);
	(erf) = vrcp.f32 v17  }
0x140: {  	[tilespmem:s15+$0x6850] =	vst v1;
	v1 =	vmul.f32 v13, v5;
	v50 =	vpop (erf);
	v5 =	vadd.f32 $1.000000000e+00, v48;
	(erf) = vrcp.f32 v49  }
0x141: {  	[tilespmem:s10+$0x6870] =	vst v10;
	v0 =	vmul.f32 v40, v0;
	v11 =	vpop (erf)  }
0x142: {  	[tilespmem:s10+$0x6800] =	vst v1;
	v1 =	vmul.f32 v41, v2;
	v2 =	vld [tilespmem:s7+$0x6870];
	v13 =	vpop (erf)  }
0x143: {  	v4 =	vmul.f32 v9, v4;
	v9 =	vld [tilespmem:s7+$0x6800];
	[tilespmem:s15+$0x6860] =	vst v0;
	v10 =	vadd.f32 $1.000000000e+00, v50;
	v51 =	vpop (erf)  }
0x144: {  	v52 =	vld [tilespmem:s7+$0x6810];
	[tilespmem:s10+$0x6820] =	vst v1;
	v1 =	vmul.f32 v14, v6;
	(erf) = vrcp.f32 v5;
	v13 =	vadd.f32 $1.000000000e+00, v13;
	v5 =	vpop (erf)  }
0x145: {  	[tilespmem:s10+$0x6810] =	vst v4;
	v0 =	vmul.f32 v12, v7;
	(erf) = vrcp.f32 v10;
	v4 =	vadd.f32 $1.000000000e+00, v5;
	v5 =	vld [tilespmem:s7+$0x6820]  }
0x146: {  	[tilespmem:s10+$0x6830] =	vst v1;
	v1 =	vmul.f32 v15, v8;
	(erf) = vrcp.f32 v13  }
0x147: {  	[tilespmem:s10+$0x6840] =	vst v0;
	v0 =	vmul.f32 v11, v2;
	v2 =	vpop (erf);
	(erf) = vrcp.f32 v4  }
0x148: {  	[tilespmem:s10+$0x6850] =	vst v1;
	v1 =	vmul.f32 v51, v9;
	v9 =	vpop (erf)  }
0x149: {  	v6 =	vld [tilespmem:s7+$0x6830];
	[tilespmem:s7+$0x6870] =	vst v0;
	v0 =	vmul.f32 v9, v52;
	v9 =	vpop (erf)  }
0x14a: {  	[tilespmem:s7+$0x6800] =	vst v1;
	v4 =	vld [tilespmem:s7+$0x6840];
	v1 =	vmul.f32 v9, v5  }
0x14b: {  	v7 =	vld [tilespmem:s7+$0x6850];
	v2 =	vmul.f32 v2, v3  }
0x14c: {  	v8 =	vld [tilespmem:s7+$0x6860]  }
0x14d: {  	[tilespmem:s7+$0x6810] =	vst v0;
	v0 =	vpop (erf)  }
0x14e: {  	[tilespmem:s7+$0x6820] =	vst v1;
	v0 =	vmul.f32 v0, v6;
	v1 =	vpop (erf)  }
0x14f: {  	[tilespmem:s10+$0x6860] =	vst v2;
	v1 =	vmul.f32 v1, v4;
	v2 =	vpop (erf)  }
0x150: {  	[tilespmem:s7+$0x6830] =	vst v0;
	v0 =	vmul.f32 v2, v7;
	v2 =	vpop (erf)  }
0x151: {  	[tilespmem:s7+$0x6840] =	vst v1;
	v1 =	vmul.f32 v2, v8  }
0x152: {  	[tilespmem:s7+$0x6850] =	vst v0  }
0x153: {  	[tilespmem:s7+$0x6860] =	vst v1  }
0x154: {  	[spmem:s2] =	stream.indirect.scatter.add.f32 [tilespmem:s8], [sflag:$0x4], $0x80, s22, s29, $0xb8;
	[tilespmem:$0x1B480] =	vst v63  }
0x155: {  	_ =	swait.ge [sflag:s12], $0x1400  }
0x156: {  	[sflag:s12] =	ssyncset.done $0x0  }
0x157: {  	[sflag:s12] =	ssyncadd.s32 $0xFFFFEC00  }
0x158: {  	_ =	swait.ge [sflag:s23], $0x80  }
0x159: {  	s16 =	sadd.s32 $0x200, s11;
	[sflag:s23] =	ssyncset.done $0x0  }
0x15a: {  	s17 =	sand.u32 $0xFC00, s16;
	[sflag:s23] =	ssyncadd.s32 $0xFFFFFF80  }
0x15b: {  	s10 =	sadd.s32 s9, s17;
	s7 =	sand.u32 $0x200, s16;
	_ =	swait.ge [sflag:s23], $0x28  }
0x15c: {  	s7 =	sor.u32 s7, s10;
	[sflag:s23] =	ssyncset.done $0x0  }
0x15d: {  	s7 =	sshrl.u32 s7, $0x3;
	[sflag:s23] =	ssyncadd.s32 $0xFFFFFFD8  }
0x15e: {  	[tilespmem:s24], [sflag:$0x2] =	stream.indirect.gather [hbm4b:s4+s19], $0x80, s0, s19, $0xb8;
	[tilespmem:$0x1B480] =	vst v63  }
0x15f: {  	s7 =	sadd.s32 s5, s7  }
0x160: {  	[tilespmem:s3], [sflag:$0x5] =	stream.linear.gather [hbm4b:s7+s3], $0x80, $0x38;
	[tilespmem:$0x1B480] =	vst v63  }
0x161: {  	_ = 	snop  }
0x162: {  	[tilespmem:s18], [sflag:$0x5] =	stream.linear.gather [hbm4b:s7+s3], $0x28, $0x38;
	[tilespmem:$0x1B480] =	vst v63  }
0x163: {  	_ =	swait.ge [sflag:s28], $0x3C00  }
0x164: {  	[sflag:s28] =	ssyncset.done $0x0  }
0x165: {  	s15 =	simm.s32 $0x1400;
	[sflag:s28] =	ssyncadd.s32 $0xFFFFC400  }
0x166: {  	v0 =	vld [tilespmem:s15+$0xFFFFF070]  }
0x167: {  	v1 =	vld [tilespmem:s15+$0x470]  }
0x168: {  	v2 =	vld [tilespmem:s15+$0xFFFFF000]  }
0x169: {  	v3 =	vld [tilespmem:s15+$0x400]  }
0x16a: {  	v4 =	vld [tilespmem:s15+$0xFFFFF010]  }
0x16b: {  	v5 =	vld [tilespmem:s15+$0x410]  }
0x16c: {  	v6 =	vld [tilespmem:s15+$0xFFFFF020]  }
0x16d: {  	v7 =	vld [tilespmem:s15+$0x420]  }
0x16e: {  	v8 =	vld [tilespmem:s15+$0x430];
	v0 =	vadd.f32 v1, v0  }
0x16f: {  	v9 =	vld [tilespmem:s15+$0x440]  }
0x170: {  	v1 =	vld [tilespmem:s15+$0xFFFFF030];
	v2 =	vadd.f32 v3, v2;
	v0 =	vsub.f32 $0.0e+00, v0  }
0x171: {  	v3 =	vld [tilespmem:s15+$0xFFFFF040]  }
0x172: {  	v4 =	vadd.f32 v5, v4;
	v5 =	vld [tilespmem:s15+$0xFFFFF050];
	v2 =	vsub.f32 $0.0e+00, v2;
	v0 =	vmul.f32 $1.442695020e+00, v0  }
0x173: {  	v6 =	vadd.f32 v7, v6;
	v7 =	vld [tilespmem:s15+$0x450]  }
0x174: {  	v2 =	vmul.f32 $1.442695020e+00, v2;
	(erf) = vpow2.f32 v0;
	v0 =	vsub.f32 $0.0e+00, v4  }
0x175: {  	v10 =	vld [tilespmem:s15+$0x460];
	v1 =	vadd.f32 v8, v1  }
0x176: {  	v6 =	vsub.f32 $0.0e+00, v6;
	v4 =	vld [tilespmem:s15+$0xFFFFF060];
	(erf) = vpow2.f32 v2;
	v0 =	vmul.f32 $1.442695020e+00, v0  }
0x177: {  	v11 =	vld [tilespmem:s15+$0x1830];
	v3 =	vadd.f32 v9, v3;
	v1 =	vsub.f32 $0.0e+00, v1  }
0x178: {  	s10 =	simm.s32 $0x1480;
	v15 =	vld [tilespmem:s15+$0x1840];
	v6 =	vmul.f32 $1.442695020e+00, v6;
	v5 =	vadd.f32 v7, v5;
	(erf) = vpow2.f32 v0  }
0x179: {  	v12 =	vld [tilespmem:s10+$0xFFFFF000];
	v3 =	vsub.f32 $0.0e+00, v3;
	v0 =	vmul.f32 $1.442695020e+00, v1  }
0x17a: {  	v13 =	vld [tilespmem:s10+$0xFFFFF010];
	v5 =	vsub.f32 $0.0e+00, v5;
	(erf) = vpow2.f32 v6  }
0x17b: {  	v14 =	vld [tilespmem:s10+$0x410];
	v3 =	vmul.f32 $1.442695020e+00, v3;
	v4 =	vadd.f32 v10, v4;
	(erf) = vpow2.f32 v0  }
0x17c: {  	v7 =	vld [tilespmem:s10+$0xFFFFF070]  }
0x17d: {  	v5 =	vmul.f32 $1.442695020e+00, v5;
	(erf) = vpow2.f32 v3;
	v3 =	vld [tilespmem:s10+$0x470];
	v4 =	vsub.f32 $0.0e+00, v4;
	v6 =	vpop (erf)  }
0x17e: {  	v54 =	vld [tilespmem:s10+$0x430];
	v6 =	vadd.f32 $1.000000000e+00, v6  }
0x17f: {  	v55 =	vld [tilespmem:s10+$0xFFFFF040];
	v4 =	vmul.f32 $1.442695020e+00, v4;
	v10 =	vpop (erf)  }
0x180: {  	v10 =	vadd.f32 $1.000000000e+00, v10;
	(erf) = vrcp.f32 v6;
	v6 =	vld [tilespmem:s10+$0x400]  }
0x181: {  	v56 =	vld [tilespmem:s10+$0xFFFFF050];
	(erf) = vpow2.f32 v5;
	v5 =	vpop (erf)  }
0x182: {  	v58 =	vld [tilespmem:s10+$0xFFFFF060];
	v3 =	vadd.f32 v3, v7;
	(erf) = vrcp.f32 v10;
	v5 =	vadd.f32 $1.000000000e+00, v5  }
0x183: {  	v59 =	vld [tilespmem:s10+$0x460];
	(erf) = vpow2.f32 v4;
	v4 =	vpop (erf)  }
0x184: {  	v3 =	vsub.f32 $0.0e+00, v3;
	v4 =	vadd.f32 $1.000000000e+00, v4;
	(erf) = vrcp.f32 v5;
	v5 =	vld [tilespmem:s10+$0xFFFFF020];
	v7 =	vpop (erf)  }
0x185: {  	v6 =	vadd.f32 v6, v12;
	v12 =	vld [tilespmem:s10+$0x420];
	v7 =	vadd.f32 $1.000000000e+00, v7  }
0x186: {  	v10 =	vld [tilespmem:s15+$0x1870];
	v3 =	vmul.f32 $1.442695020e+00, v3  }
0x187: {  	v2 =	vld [tilespmem:s15+$0x1800];
	v53 =	vpop (erf);
	(erf) = vrcp.f32 v4;
	v6 =	vsub.f32 $0.0e+00, v6  }
0x188: {  	v13 =	vadd.f32 v14, v13;
	v4 =	vld [tilespmem:s10+$0xFFFFF030];
	v16 =	vadd.f32 $1.000000000e+00, v53;
	(erf) = vrcp.f32 v7  }
0x189: {  	v14 =	vld [tilespmem:s10+$0x440];
	v7 =	vpop (erf);
	v6 =	vmul.f32 $1.442695020e+00, v6;
	(erf) = vpow2.f32 v3  }
0x18a: {  	v13 =	vsub.f32 $0.0e+00, v13;
	v3 =	vpop (erf);
	(erf) = vrcp.f32 v16;
	v5 =	vadd.f32 v12, v5;
	v12 =	vld [tilespmem:s10+$0x450]  }
0x18b: {  	v8 =	vld [tilespmem:s15+$0x1810];
	v57 =	vpop (erf);
	(erf) = vpow2.f32 v6;
	v6 =	vmul.f32 v7, v10;
	v3 =	vadd.f32 $1.000000000e+00, v3  }
0x18c: {  	v9 =	vld [tilespmem:s15+$0x1820];
	v10 =	vmul.f32 v57, v2;
	v2 =	vmul.f32 $1.442695020e+00, v13;
	v13 =	vsub.f32 $0.0e+00, v5  }
0x18d: {  	v1 =	vld [tilespmem:s15+$0x1850];
	v4 =	vadd.f32 v54, v4  }
0x18e: {  	v0 =	vld [tilespmem:s15+$0x1860];
	(erf) = vrcp.f32 v3;
	v3 =	vadd.f32 v14, v55;
	v13 =	vmul.f32 $1.442695020e+00, v13  }
0x18f: {  	v7 =	vpop (erf);
	v14 =	vsub.f32 $0.0e+00, v4;
	v4 =	vld [tilespmem:s10+$0x1810];
	v12 =	vadd.f32 v12, v56  }
0x190: {  	[tilespmem:s15+$0x1870] =	vst v6;
	v6 =	vld [tilespmem:s10+$0x1830];
	v5 =	vpop (erf);
	(erf) = vpow2.f32 v2  }
0x191: {  	v2 =	vld [tilespmem:s10+$0x1820];
	v8 =	vmul.f32 v5, v8;
	v60 =	vpop (erf);
	v3 =	vsub.f32 $0.0e+00, v3;
	v14 =	vmul.f32 $1.442695020e+00, v14  }
0x192: {  	v16 =	vadd.f32 v59, v58;
	v5 =	vld [tilespmem:s10+$0x1800];
	v18 =	vmul.f32 v60, v9;
	(erf) = vpow2.f32 v13;
	v13 =	vpop (erf)  }
0x193: {  	[tilespmem:s15+$0x1800] =	vst v10;
	v9 =	vadd.f32 $1.000000000e+00, v7;
	v7 =	vld [tilespmem:s10+$0x1840];
	v10 =	vmul.f32 $1.442695020e+00, v3;
	v3 =	vsub.f32 $0.0e+00, v12;
	v12 =	vpop (erf)  }
0x194: {  	s7 =	simm.s32 $0x1500;
	[tilespmem:s15+$0x1810] =	vst v8;
	v8 =	vld [tilespmem:s10+$0x1850];
	(erf) = vpow2.f32 v14;
	v62 =	vmul.f32 v13, v11;
	v61 =	vadd.f32 $1.000000000e+00, v12;
	v63 =	vpop (erf)  }
0x195: {  	[tilespmem:s15+$0x1820] =	vst v18;
	v13 =	vsub.f32 $0.0e+00, v16;
	v11 =	vld [tilespmem:s7+$0xFFFFF070];
	v12 =	vmul.f32 $1.442695020e+00, v3;
	(erf) = vpow2.f32 v10;
	v14 =	vpop (erf)  }
0x196: {  	s16 =	simm.s32 $0x5600;
	v3 =	vld [tilespmem:s10+$0x1860];
	[tilespmem:s15+$0x1830] =	vst v62;
	v10 =	vmul.f32 v63, v15;
	v14 =	vadd.f32 $1.000000000e+00, v14;
	(erf) = vrcp.f32 v61  }
.LBB2_7:
0x197: {  	p1 =	sne.s32 s16, $0x9E00;
	v15 =	vld [tilespmem:s7+$0x470];
	v13 =	vmul.f32 $1.442695020e+00, v13;
	(erf) = vpow2.f32 v12;
	v12 =	vpop (erf);
	v16 =	vmov v6  }
0x198: {  	v6 =	vld [tilespmem:s7+$0xFFFFF000];
	(erf) = vrcp.f32 v14;
	[tilespmem:s15+$0x1840] =	vst v10;
	v14 =	vmul.f32 v12, v1;
	v17 =	vmov v7  }
0x199: {  	v7 =	vld [tilespmem:s7+$0x400];
	v12 =	vpop (erf);
	(erf) = vpow2.f32 v13;
	v1 =	vmov v8  }
0x19a: {  	v8 =	vld [tilespmem:s7+$0xFFFFF010];
	v12 =	vadd.f32 $1.000000000e+00, v12;
	[tilespmem:s15+$0x1850] =	vst v14;
	(erf) = vrcp.f32 v9  }
0x19b: {  	v9 =	vld [tilespmem:s10+$0x1870];
	v10 =	vpop (erf)  }
0x19c: {  	v13 =	vld [tilespmem:s7+$0x410];
	v11 =	vadd.f32 v15, v11;
	v15 =	vadd.f32 $1.000000000e+00, v10;
	(erf) = vrcp.f32 v12  }
0x19d: {  	v12 =	vld [tilespmem:s7+$0xFFFFF020];
	v14 =	vpop (erf)  }
0x19e: {  	v6 =	vadd.f32 v7, v6;
	v7 =	vld [tilespmem:s7+$0x420];
	v11 =	vsub.f32 $0.0e+00, v11;
	(erf) = vrcp.f32 v15;
	v10 =	vpop (erf)  }
0x19f: {  	v14 =	vadd.f32 $1.000000000e+00, v14;
	v15 =	vld [tilespmem:s7+$0xFFFFF030];
	v10 =	vadd.f32 $1.000000000e+00, v10;
	v18 =	vpop (erf)  }
0x1a0: {  	v6 =	vsub.f32 $0.0e+00, v6;
	v19 =	vld [tilespmem:s7+$0x430];
	v11 =	vmul.f32 $1.442695020e+00, v11;
	v21 =	vmul.f32 v18, v9;
	v18 =	vpop (erf)  }
0x1a1: {  	v8 =	vadd.f32 v13, v8;
	v13 =	vld [tilespmem:s7+$0xFFFFF040];
	v18 =	vadd.f32 $1.000000000e+00, v18;
	v20 =	vpop (erf);
	(erf) = vrcp.f32 v14  }
0x1a2: {  	v6 =	vmul.f32 $1.442695020e+00, v6;
	v14 =	vld [tilespmem:s7+$0x440];
	(erf) = vpow2.f32 v11;
	[tilespmem:s10+$0x1870] =	vst v21;
	v9 =	vpop (erf)  }
0x1a3: {  	v8 =	vsub.f32 $0.0e+00, v8;
	v7 =	vadd.f32 v7, v12;
	v11 =	vld [tilespmem:s7+$0xFFFFF050];
	(erf) = vrcp.f32 v10;
	v10 =	vpop (erf)  }
0x1a4: {  	v5 =	vmul.f32 v20, v5;
	v9 =	vadd.f32 $1.000000000e+00, v9;
	v12 =	vld [tilespmem:s7+$0x450];
	(erf) = vpow2.f32 v6  }
0x1a5: {  	v6 =	vmul.f32 $1.442695020e+00, v8;
	v7 =	vsub.f32 $0.0e+00, v7;
	v8 =	vadd.f32 v19, v15;
	v15 =	vld [tilespmem:s7+$0xFFFFF060];
	v19 =	vpop (erf)  }
0x1a6: {  	v20 =	vld [tilespmem:s7+$0x460];
	[tilespmem:s10+$0x1800] =	vst v5;
	v19 =	vmul.f32 v19, v4;
	(erf) = vrcp.f32 v18  }
0x1a7: {  	v5 =	vld [tilespmem:s7+$0x1800];
	v7 =	vmul.f32 $1.442695020e+00, v7;
	v8 =	vsub.f32 $0.0e+00, v8;
	v13 =	vadd.f32 v14, v13;
	v14 =	vpop (erf)  }
0x1a8: {  	v4 =	vld [tilespmem:s7+$0x1810];
	(erf) = vpow2.f32 v6;
	[tilespmem:s10+$0x1810] =	vst v19;
	v14 =	vmul.f32 v14, v2  }
0x1a9: {  	v2 =	vld [tilespmem:s7+$0x1820];
	v19 =	vmul.f32 $1.442695020e+00, v8;
	v8 =	vsub.f32 $0.0e+00, v13;
	v11 =	vadd.f32 v12, v11  }
.Ltmp2:
0x1aa: {  	v21 =	vmul.f32 v10, v0;
	v0 =	vmov v3;
	v6 =	vld [tilespmem:s7+$0x1830];
	(erf) = vpow2.f32 v7;
	[tilespmem:s10+$0x1820] =	vst v14;
	v12 =	vpop (erf);
	(pc) =	sbr.rel @p1 .LBB2_7-.Ltmp2, $4  }
0x1ab: {  	v7 =	vld [tilespmem:s7+$0x1840];
	v14 =	vmul.f32 $1.442695020e+00, v8;
	v3 =	vsub.f32 $0.0e+00, v11;
	v11 =	vadd.f32 v20, v15;
	v13 =	vpop (erf)  }
0x1ac: {  	v16 =	vmul.f32 v12, v16;
	v8 =	vld [tilespmem:s7+$0x1850];
	v15 =	vadd.f32 $1.000000000e+00, v13;
	(erf) = vpow2.f32 v19;
	v18 =	vpop (erf);
	[tilespmem:s15+$0x1860] =	vst v21;
	s15 =	smov.u32 s10;
	s10 =	smov.u32 s7  }
0x1ad: {  	s7 =	sshra.s32 s16, $0x2;
	v12 =	vmul.f32 $1.442695020e+00, v3;
	v3 =	vld [tilespmem:s10+$0x1860];
	v13 =	vsub.f32 $0.0e+00, v11;
	v10 =	vpop (erf);
	(erf) = vpow2.f32 v14  }
0x1ae: {  	s16 =	sadd.s32 $0x200, s16;
	v11 =	vld [tilespmem:s7+$0xFFFFF070];
	v14 =	vadd.f32 $1.000000000e+00, v10;
	(erf) = vrcp.f32 v15;
	[tilespmem:s15+$0x1830] =	vst v16;
	v10 =	vmul.f32 v18, v17  }
0x1af: {  	v15 =	vld [tilespmem:s7+$0x470];
	_ =	sdelay $0x1  }
0x1b0: {  	v16 =	vld [tilespmem:s7+$0xFFFFF000];
	v18 =	vpop (erf)  }
0x1b1: {  	v17 =	vld [tilespmem:s7+$0x400];
	v13 =	vmul.f32 $1.442695020e+00, v13;
	(erf) = vpow2.f32 v12;
	v12 =	vpop (erf)  }
0x1b2: {  	v19 =	vld [tilespmem:s7+$0xFFFFF010];
	(erf) = vrcp.f32 v14;
	v14 =	vpop (erf)  }
0x1b3: {  	v20 =	vld [tilespmem:s7+$0x410];
	(erf) = vpow2.f32 v13;
	v11 =	vadd.f32 v15, v11;
	v13 =	vadd.f32 $1.000000000e+00, v14  }
0x1b4: {  	v35 =	vld [tilespmem:s7+$0x420];
	v12 =	vadd.f32 $1.000000000e+00, v12  }
0x1b5: {  	v36 =	vld [tilespmem:s7+$0x430];
	(erf) = vrcp.f32 v9;
	v11 =	vsub.f32 $0.0e+00, v11  }
0x1b6: {  	v14 =	vld [tilespmem:s7+$0xFFFFF020];
	v9 =	vpop (erf);
	(erf) = vrcp.f32 v12  }
0x1b7: {  	v15 =	vadd.f32 v17, v16;
	v12 =	vld [tilespmem:s7+$0xFFFFF030];
	(erf) = vrcp.f32 v13;
	v13 =	vpop (erf);
	v11 =	vmul.f32 $1.442695020e+00, v11  }
0x1b8: {  	v9 =	vadd.f32 $1.000000000e+00, v9;
	v13 =	vadd.f32 $1.000000000e+00, v13  }
0x1b9: {  	v15 =	vsub.f32 $0.0e+00, v15  }
0x1ba: {  	v21 =	vld [tilespmem:s7+$0xFFFFF040];
	(erf) = vrcp.f32 v9  }
0x1bb: {  	v37 =	vld [tilespmem:s7+$0xFFFFF050];
	v9 =	vmul.f32 $1.442695020e+00, v15;
	v14 =	vadd.f32 v35, v14;
	(erf) = vpow2.f32 v11;
	v11 =	vpop (erf)  }
0x1bc: {  	v19 =	vadd.f32 v20, v19;
	v15 =	vld [tilespmem:s7+$0x440];
	v12 =	vadd.f32 v36, v12;
	(erf) = vrcp.f32 v13;
	v13 =	vpop (erf)  }
0x1bd: {  	v38 =	vld [tilespmem:s7+$0x450];
	v14 =	vsub.f32 $0.0e+00, v14;
	(erf) = vpow2.f32 v9;
	v9 =	vadd.f32 $1.000000000e+00, v13  }
0x1be: {  	v22 =	vld [tilespmem:s7+$0xFFFFF060];
	v19 =	vsub.f32 $0.0e+00, v19;
	v13 =	vpop (erf)  }
0x1bf: {  	v39 =	vld [tilespmem:s7+$0x460];
	v12 =	vsub.f32 $0.0e+00, v12;
	v14 =	vmul.f32 $1.442695020e+00, v14;
	v23 =	vpop (erf)  }
0x1c0: {  	v19 =	vmul.f32 $1.442695020e+00, v19;
	v40 =	vpop (erf)  }
0x1c1: {  	v15 =	vadd.f32 v15, v21;
	v12 =	vmul.f32 $1.442695020e+00, v12;
	(erf) = vrcp.f32 v9;
	v9 =	vpop (erf)  }
0x1c2: {  	(erf) = vpow2.f32 v19;
	v41 =	vpop (erf)  }
0x1c3: {  	v16 =	vadd.f32 v38, v37;
	v15 =	vsub.f32 $0.0e+00, v15;
	(erf) = vpow2.f32 v14;
	v14 =	vpop (erf)  }
0x1c4: {  	v17 =	vadd.f32 v39, v22;
	v42 =	vpop (erf)  }
0x1c5: {  	v16 =	vsub.f32 $0.0e+00, v16;
	v15 =	vmul.f32 $1.442695020e+00, v15;
	(erf) = vpow2.f32 v12;
	v12 =	vpop (erf)  }
0x1c6: {  	v17 =	vsub.f32 $0.0e+00, v17;
	v20 =	vadd.f32 $1.000000000e+00, v42;
	v43 =	vpop (erf)  }
0x1c7: {  	v16 =	vmul.f32 $1.442695020e+00, v16;
	(erf) = vpow2.f32 v15;
	v15 =	vadd.f32 $1.000000000e+00, v43  }
0x1c8: {  	(erf) = vrcp.f32 v20  }
0x1c9: {  	v17 =	vmul.f32 $1.442695020e+00, v17;
	(erf) = vpow2.f32 v16  }
0x1ca: {  	v44 =	vld [tilespmem:s10+$0x1870];
	(erf) = vrcp.f32 v15  }
0x1cb: {  	(erf) = vpow2.f32 v17;
	v15 =	vpop (erf)  }
0x1cc: {  	v46 =	vadd.f32 $1.000000000e+00, v23;
	v45 =	vpop (erf)  }
0x1cd: {  	v47 =	vpop (erf);
	v17 =	vadd.f32 $1.000000000e+00, v45  }
0x1ce: {  	v1 =	vmul.f32 v18, v1;
	(erf) = vrcp.f32 v46;
	v49 =	vadd.f32 $1.000000000e+00, v47  }
0x1cf: {  	[tilespmem:s15+$0x1840] =	vst v10;
	v10 =	vmul.f32 v11, v44;
	v48 =	vpop (erf);
	(erf) = vrcp.f32 v17  }
0x1d0: {  	[tilespmem:s15+$0x1850] =	vst v1;
	v1 =	vmul.f32 v13, v5;
	v50 =	vpop (erf);
	v5 =	vadd.f32 $1.000000000e+00, v48;
	(erf) = vrcp.f32 v49  }
0x1d1: {  	[tilespmem:s10+$0x1870] =	vst v10;
	v0 =	vmul.f32 v40, v0;
	v11 =	vpop (erf)  }
0x1d2: {  	[tilespmem:s10+$0x1800] =	vst v1;
	v1 =	vmul.f32 v41, v2;
	v2 =	vld [tilespmem:s7+$0x1870];
	v13 =	vpop (erf)  }
0x1d3: {  	v4 =	vmul.f32 v9, v4;
	v9 =	vld [tilespmem:s7+$0x1800];
	[tilespmem:s15+$0x1860] =	vst v0;
	v10 =	vadd.f32 $1.000000000e+00, v50;
	v51 =	vpop (erf)  }
0x1d4: {  	v52 =	vld [tilespmem:s7+$0x1810];
	[tilespmem:s10+$0x1820] =	vst v1;
	v1 =	vmul.f32 v14, v6;
	(erf) = vrcp.f32 v5;
	v13 =	vadd.f32 $1.000000000e+00, v13;
	v5 =	vpop (erf)  }
0x1d5: {  	[tilespmem:s10+$0x1810] =	vst v4;
	v0 =	vmul.f32 v12, v7;
	(erf) = vrcp.f32 v10;
	v4 =	vadd.f32 $1.000000000e+00, v5;
	v5 =	vld [tilespmem:s7+$0x1820]  }
0x1d6: {  	[tilespmem:s10+$0x1830] =	vst v1;
	v1 =	vmul.f32 v15, v8;
	(erf) = vrcp.f32 v13  }
0x1d7: {  	[tilespmem:s10+$0x1840] =	vst v0;
	v0 =	vmul.f32 v11, v2;
	v2 =	vpop (erf);
	(erf) = vrcp.f32 v4  }
0x1d8: {  	[tilespmem:s10+$0x1850] =	vst v1;
	v1 =	vmul.f32 v51, v9;
	v9 =	vpop (erf)  }
0x1d9: {  	v6 =	vld [tilespmem:s7+$0x1830];
	[tilespmem:s7+$0x1870] =	vst v0;
	v0 =	vmul.f32 v9, v52;
	v9 =	vpop (erf)  }
0x1da: {  	[tilespmem:s7+$0x1800] =	vst v1;
	v4 =	vld [tilespmem:s7+$0x1840];
	v1 =	vmul.f32 v9, v5  }
0x1db: {  	v7 =	vld [tilespmem:s7+$0x1850];
	v2 =	vmul.f32 v2, v3  }
0x1dc: {  	v8 =	vld [tilespmem:s7+$0x1860]  }
0x1dd: {  	[tilespmem:s7+$0x1810] =	vst v0;
	v0 =	vpop (erf)  }
0x1de: {  	[tilespmem:s7+$0x1820] =	vst v1;
	v0 =	vmul.f32 v0, v6;
	v1 =	vpop (erf)  }
0x1df: {  	[tilespmem:s10+$0x1860] =	vst v2;
	v1 =	vmul.f32 v1, v4;
	v2 =	vpop (erf)  }
0x1e0: {  	[tilespmem:s7+$0x1830] =	vst v0;
	v0 =	vmul.f32 v2, v7;
	v2 =	vpop (erf)  }
0x1e1: {  	[tilespmem:s7+$0x1840] =	vst v1;
	v1 =	vmul.f32 v2, v8  }
0x1e2: {  	[tilespmem:s7+$0x1850] =	vst v0  }
0x1e3: {  	[tilespmem:s7+$0x1860] =	vst v1  }
0x1e4: {  	[spmem:s2] =	stream.indirect.scatter.add.f32 [tilespmem:s30], [sflag:$0x3], $0x80, s26, s29, $0xb8;
	[tilespmem:$0x1B480] =	vst v63  }
0x1e5: {  	_ =	swait.ge [sflag:s31], $0x1400  }
0x1e6: {  	[sflag:s31] =	ssyncset.done $0x0  }
0x1e7: {  	[sflag:s31] =	ssyncadd.s32 $0xFFFFEC00  }
0x1e8: {  	_ =	swait.ge [sflag:s23], $0x80  }
0x1e9: {  	s17 =	sadd.s32 $0x280, s11;
	[sflag:s23] =	ssyncset.done $0x0  }
0x1ea: {  	s11 =	sand.u32 $0xFC00, s17;
	[sflag:s23] =	ssyncadd.s32 $0xFFFFFF80  }
0x1eb: {  	s11 =	sadd.s32 s9, s11;
	s10 =	sand.u32 $0x280, s17;
	_ =	swait.ge [sflag:s23], $0x28  }
0x1ec: {  	s10 =	sor.u32 s10, s11;
	[sflag:s23] =	ssyncset.done $0x0  }
0x1ed: {  	s16 =	simm.s32 $0x0;
	s10 =	sshrl.u32 s10, $0x3;
	[sflag:s23] =	ssyncadd.s32 $0xFFFFFFD8  }
0x1ee: {  	[tilespmem:s20], [sflag:$0x1] =	stream.indirect.gather [hbm4b:s4+s19], $0x80, s16, s19, $0xb8;
	[tilespmem:$0x1B480] =	vst v63  }
0x1ef: {  	s10 =	sadd.s32 s5, s10  }
0x1f0: {  	[tilespmem:s21], [sflag:$0x5] =	stream.linear.gather [hbm4b:s10+s16], $0x80, $0x38;
	[tilespmem:$0x1B480] =	vst v63  }
0x1f1: {  	_ = 	snop  }
0x1f2: {  	[tilespmem:s22], [sflag:$0x5] =	stream.linear.gather [hbm4b:s10+s16], $0x28, $0x38;
	[tilespmem:$0x1B480] =	vst v63  }
0x1f3: {  	_ =	swait.ge [sflag:s6], $0x3C00  }
0x1f4: {  	[sflag:s6] =	ssyncset.done $0x0  }
0x1f5: {  	s11 =	simm.s32 $0x0;
	[sflag:s6] =	ssyncadd.s32 $0xFFFFC400  }
0x1f6: {  	v0 =	vld [tilespmem:s11+$0x4070]  }
0x1f7: {  	v1 =	vld [tilespmem:s11+$0x5470]  }
0x1f8: {  	v2 =	vld [tilespmem:s11+$0x4000]  }
0x1f9: {  	v3 =	vld [tilespmem:s11+$0x5400]  }
0x1fa: {  	v4 =	vld [tilespmem:s11+$0x4010]  }
0x1fb: {  	v5 =	vld [tilespmem:s11+$0x5410]  }
0x1fc: {  	v6 =	vld [tilespmem:s11+$0x4020]  }
0x1fd: {  	v7 =	vld [tilespmem:s11+$0x5420]  }
0x1fe: {  	v8 =	vld [tilespmem:s11+$0x5430];
	v0 =	vadd.f32 v1, v0  }
0x1ff: {  	v9 =	vld [tilespmem:s11+$0x5440]  }
0x200: {  	v1 =	vld [tilespmem:s11+$0x4030];
	v2 =	vadd.f32 v3, v2;
	v0 =	vsub.f32 $0.0e+00, v0  }
0x201: {  	v3 =	vld [tilespmem:s11+$0x4040]  }
0x202: {  	v4 =	vadd.f32 v5, v4;
	v5 =	vld [tilespmem:s11+$0x4050];
	v2 =	vsub.f32 $0.0e+00, v2;
	v0 =	vmul.f32 $1.442695020e+00, v0  }
0x203: {  	v6 =	vadd.f32 v7, v6;
	v7 =	vld [tilespmem:s11+$0x5450]  }
0x204: {  	v2 =	vmul.f32 $1.442695020e+00, v2;
	(erf) = vpow2.f32 v0;
	v0 =	vsub.f32 $0.0e+00, v4  }
0x205: {  	v10 =	vld [tilespmem:s11+$0x5460];
	v1 =	vadd.f32 v8, v1  }
0x206: {  	v6 =	vsub.f32 $0.0e+00, v6;
	v4 =	vld [tilespmem:s11+$0x4060];
	(erf) = vpow2.f32 v2;
	v0 =	vmul.f32 $1.442695020e+00, v0  }
0x207: {  	v11 =	vld [tilespmem:s11+$0x6830];
	v3 =	vadd.f32 v9, v3;
	v1 =	vsub.f32 $0.0e+00, v1  }
0x208: {  	s10 =	simm.s32 $0x80;
	v15 =	vld [tilespmem:s11+$0x6840];
	v6 =	vmul.f32 $1.442695020e+00, v6;
	v5 =	vadd.f32 v7, v5;
	(erf) = vpow2.f32 v0  }
0x209: {  	v12 =	vld [tilespmem:s10+$0x4000];
	v3 =	vsub.f32 $0.0e+00, v3;
	v0 =	vmul.f32 $1.442695020e+00, v1  }
0x20a: {  	v13 =	vld [tilespmem:s10+$0x4010];
	v5 =	vsub.f32 $0.0e+00, v5;
	(erf) = vpow2.f32 v6  }
0x20b: {  	v14 =	vld [tilespmem:s10+$0x5410];
	v3 =	vmul.f32 $1.442695020e+00, v3;
	v4 =	vadd.f32 v10, v4;
	(erf) = vpow2.f32 v0  }
0x20c: {  	v7 =	vld [tilespmem:s10+$0x4070]  }
0x20d: {  	v5 =	vmul.f32 $1.442695020e+00, v5;
	(erf) = vpow2.f32 v3;
	v3 =	vld [tilespmem:s10+$0x5470];
	v4 =	vsub.f32 $0.0e+00, v4;
	v6 =	vpop (erf)  }
0x20e: {  	v54 =	vld [tilespmem:s10+$0x5430];
	v6 =	vadd.f32 $1.000000000e+00, v6  }
0x20f: {  	v55 =	vld [tilespmem:s10+$0x4040];
	v4 =	vmul.f32 $1.442695020e+00, v4;
	v10 =	vpop (erf)  }
0x210: {  	v10 =	vadd.f32 $1.000000000e+00, v10;
	(erf) = vrcp.f32 v6;
	v6 =	vld [tilespmem:s10+$0x5400]  }
0x211: {  	v56 =	vld [tilespmem:s10+$0x4050];
	(erf) = vpow2.f32 v5;
	v5 =	vpop (erf)  }
0x212: {  	v58 =	vld [tilespmem:s10+$0x4060];
	v3 =	vadd.f32 v3, v7;
	(erf) = vrcp.f32 v10;
	v5 =	vadd.f32 $1.000000000e+00, v5  }
0x213: {  	v59 =	vld [tilespmem:s10+$0x5460];
	(erf) = vpow2.f32 v4;
	v4 =	vpop (erf)  }
0x214: {  	v3 =	vsub.f32 $0.0e+00, v3;
	v4 =	vadd.f32 $1.000000000e+00, v4;
	(erf) = vrcp.f32 v5;
	v5 =	vld [tilespmem:s10+$0x4020];
	v7 =	vpop (erf)  }
0x215: {  	v6 =	vadd.f32 v6, v12;
	v12 =	vld [tilespmem:s10+$0x5420];
	v7 =	vadd.f32 $1.000000000e+00, v7  }
0x216: {  	v10 =	vld [tilespmem:s11+$0x6870];
	v3 =	vmul.f32 $1.442695020e+00, v3  }
0x217: {  	v2 =	vld [tilespmem:s11+$0x6800];
	v53 =	vpop (erf);
	(erf) = vrcp.f32 v4;
	v6 =	vsub.f32 $0.0e+00, v6  }
0x218: {  	v13 =	vadd.f32 v14, v13;
	v4 =	vld [tilespmem:s10+$0x4030];
	v16 =	vadd.f32 $1.000000000e+00, v53;
	(erf) = vrcp.f32 v7  }
0x219: {  	v14 =	vld [tilespmem:s10+$0x5440];
	v7 =	vpop (erf);
	v6 =	vmul.f32 $1.442695020e+00, v6;
	(erf) = vpow2.f32 v3  }
0x21a: {  	v13 =	vsub.f32 $0.0e+00, v13;
	v3 =	vpop (erf);
	(erf) = vrcp.f32 v16;
	v5 =	vadd.f32 v12, v5;
	v12 =	vld [tilespmem:s10+$0x5450]  }
0x21b: {  	v8 =	vld [tilespmem:s11+$0x6810];
	v57 =	vpop (erf);
	(erf) = vpow2.f32 v6;
	v6 =	vmul.f32 v7, v10;
	v3 =	vadd.f32 $1.000000000e+00, v3  }
0x21c: {  	v9 =	vld [tilespmem:s11+$0x6820];
	v10 =	vmul.f32 v57, v2;
	v2 =	vmul.f32 $1.442695020e+00, v13;
	v13 =	vsub.f32 $0.0e+00, v5  }
0x21d: {  	v1 =	vld [tilespmem:s11+$0x6850];
	v4 =	vadd.f32 v54, v4  }
0x21e: {  	v0 =	vld [tilespmem:s11+$0x6860];
	(erf) = vrcp.f32 v3;
	v3 =	vadd.f32 v14, v55;
	v13 =	vmul.f32 $1.442695020e+00, v13  }
0x21f: {  	v7 =	vpop (erf);
	v14 =	vsub.f32 $0.0e+00, v4;
	v4 =	vld [tilespmem:s10+$0x6810];
	v12 =	vadd.f32 v12, v56  }
0x220: {  	[tilespmem:s11+$0x6870] =	vst v6;
	v6 =	vld [tilespmem:s10+$0x6830];
	v5 =	vpop (erf);
	(erf) = vpow2.f32 v2  }
0x221: {  	v2 =	vld [tilespmem:s10+$0x6820];
	v8 =	vmul.f32 v5, v8;
	v60 =	vpop (erf);
	v3 =	vsub.f32 $0.0e+00, v3;
	v14 =	vmul.f32 $1.442695020e+00, v14  }
0x222: {  	v16 =	vadd.f32 v59, v58;
	v5 =	vld [tilespmem:s10+$0x6800];
	v18 =	vmul.f32 v60, v9;
	(erf) = vpow2.f32 v13;
	v13 =	vpop (erf)  }
0x223: {  	[tilespmem:s11+$0x6800] =	vst v10;
	v9 =	vadd.f32 $1.000000000e+00, v7;
	v7 =	vld [tilespmem:s10+$0x6840];
	v10 =	vmul.f32 $1.442695020e+00, v3;
	v3 =	vsub.f32 $0.0e+00, v12;
	v12 =	vpop (erf)  }
0x224: {  	s7 =	simm.s32 $0x100;
	[tilespmem:s11+$0x6810] =	vst v8;
	v8 =	vld [tilespmem:s10+$0x6850];
	(erf) = vpow2.f32 v14;
	v62 =	vmul.f32 v13, v11;
	v61 =	vadd.f32 $1.000000000e+00, v12;
	v63 =	vpop (erf)  }
0x225: {  	[tilespmem:s11+$0x6820] =	vst v18;
	v13 =	vsub.f32 $0.0e+00, v16;
	v11 =	vld [tilespmem:s7+$0x4070];
	v12 =	vmul.f32 $1.442695020e+00, v3;
	(erf) = vpow2.f32 v10;
	v14 =	vpop (erf)  }
0x226: {  	s15 =	simm.s32 $0x600;
	v3 =	vld [tilespmem:s10+$0x6860];
	[tilespmem:s11+$0x6830] =	vst v62;
	v10 =	vmul.f32 v63, v15;
	v14 =	vadd.f32 $1.000000000e+00, v14;
	(erf) = vrcp.f32 v61  }
.LBB2_9:
0x227: {  	p1 =	sne.s32 s15, $0x4E00;
	v15 =	vld [tilespmem:s7+$0x5470];
	v13 =	vmul.f32 $1.442695020e+00, v13;
	(erf) = vpow2.f32 v12;
	v12 =	vpop (erf);
	v16 =	vmov v6  }
0x228: {  	v6 =	vld [tilespmem:s7+$0x4000];
	(erf) = vrcp.f32 v14;
	[tilespmem:s11+$0x6840] =	vst v10;
	v14 =	vmul.f32 v12, v1;
	v17 =	vmov v7  }
0x229: {  	v7 =	vld [tilespmem:s7+$0x5400];
	v12 =	vpop (erf);
	(erf) = vpow2.f32 v13;
	v1 =	vmov v8  }
0x22a: {  	v8 =	vld [tilespmem:s7+$0x4010];
	v12 =	vadd.f32 $1.000000000e+00, v12;
	[tilespmem:s11+$0x6850] =	vst v14;
	(erf) = vrcp.f32 v9  }
0x22b: {  	v9 =	vld [tilespmem:s10+$0x6870];
	v10 =	vpop (erf)  }
0x22c: {  	v13 =	vld [tilespmem:s7+$0x5410];
	v11 =	vadd.f32 v15, v11;
	v15 =	vadd.f32 $1.000000000e+00, v10;
	(erf) = vrcp.f32 v12  }
0x22d: {  	v12 =	vld [tilespmem:s7+$0x4020];
	v14 =	vpop (erf)  }
0x22e: {  	v6 =	vadd.f32 v7, v6;
	v7 =	vld [tilespmem:s7+$0x5420];
	v11 =	vsub.f32 $0.0e+00, v11;
	(erf) = vrcp.f32 v15;
	v10 =	vpop (erf)  }
0x22f: {  	v14 =	vadd.f32 $1.000000000e+00, v14;
	v15 =	vld [tilespmem:s7+$0x4030];
	v10 =	vadd.f32 $1.000000000e+00, v10;
	v18 =	vpop (erf)  }
0x230: {  	v6 =	vsub.f32 $0.0e+00, v6;
	v19 =	vld [tilespmem:s7+$0x5430];
	v11 =	vmul.f32 $1.442695020e+00, v11;
	v21 =	vmul.f32 v18, v9;
	v18 =	vpop (erf)  }
0x231: {  	v8 =	vadd.f32 v13, v8;
	v13 =	vld [tilespmem:s7+$0x4040];
	v18 =	vadd.f32 $1.000000000e+00, v18;
	v20 =	vpop (erf);
	(erf) = vrcp.f32 v14  }
0x232: {  	v6 =	vmul.f32 $1.442695020e+00, v6;
	v14 =	vld [tilespmem:s7+$0x5440];
	(erf) = vpow2.f32 v11;
	[tilespmem:s10+$0x6870] =	vst v21;
	v9 =	vpop (erf)  }
0x233: {  	v8 =	vsub.f32 $0.0e+00, v8;
	v7 =	vadd.f32 v7, v12;
	v11 =	vld [tilespmem:s7+$0x4050];
	(erf) = vrcp.f32 v10;
	v10 =	vpop (erf)  }
0x234: {  	v5 =	vmul.f32 v20, v5;
	v9 =	vadd.f32 $1.000000000e+00, v9;
	v12 =	vld [tilespmem:s7+$0x5450];
	(erf) = vpow2.f32 v6  }
0x235: {  	v6 =	vmul.f32 $1.442695020e+00, v8;
	v7 =	vsub.f32 $0.0e+00, v7;
	v8 =	vadd.f32 v19, v15;
	v15 =	vld [tilespmem:s7+$0x4060];
	v19 =	vpop (erf)  }
0x236: {  	v20 =	vld [tilespmem:s7+$0x5460];
	[tilespmem:s10+$0x6800] =	vst v5;
	v19 =	vmul.f32 v19, v4;
	(erf) = vrcp.f32 v18  }
0x237: {  	v5 =	vld [tilespmem:s7+$0x6800];
	v7 =	vmul.f32 $1.442695020e+00, v7;
	v8 =	vsub.f32 $0.0e+00, v8;
	v13 =	vadd.f32 v14, v13;
	v14 =	vpop (erf)  }
0x238: {  	v4 =	vld [tilespmem:s7+$0x6810];
	(erf) = vpow2.f32 v6;
	[tilespmem:s10+$0x6810] =	vst v19;
	v14 =	vmul.f32 v14, v2  }
0x239: {  	v2 =	vld [tilespmem:s7+$0x6820];
	v19 =	vmul.f32 $1.442695020e+00, v8;
	v8 =	vsub.f32 $0.0e+00, v13;
	v11 =	vadd.f32 v12, v11  }
.Ltmp3:
0x23a: {  	v21 =	vmul.f32 v10, v0;
	v0 =	vmov v3;
	v6 =	vld [tilespmem:s7+$0x6830];
	(erf) = vpow2.f32 v7;
	[tilespmem:s10+$0x6820] =	vst v14;
	v12 =	vpop (erf);
	(pc) =	sbr.rel @p1 .LBB2_9-.Ltmp3, $4  }
0x23b: {  	v7 =	vld [tilespmem:s7+$0x6840];
	v14 =	vmul.f32 $1.442695020e+00, v8;
	v3 =	vsub.f32 $0.0e+00, v11;
	v11 =	vadd.f32 v20, v15;
	v13 =	vpop (erf)  }
0x23c: {  	v16 =	vmul.f32 v12, v16;
	v8 =	vld [tilespmem:s7+$0x6850];
	v15 =	vadd.f32 $1.000000000e+00, v13;
	(erf) = vpow2.f32 v19;
	v18 =	vpop (erf);
	[tilespmem:s11+$0x6860] =	vst v21;
	s11 =	smov.u32 s10;
	s10 =	smov.u32 s7  }
0x23d: {  	s7 =	sshra.s32 s15, $0x2;
	v12 =	vmul.f32 $1.442695020e+00, v3;
	v3 =	vld [tilespmem:s10+$0x6860];
	v13 =	vsub.f32 $0.0e+00, v11;
	v10 =	vpop (erf);
	(erf) = vpow2.f32 v14  }
0x23e: {  	s15 =	sadd.s32 $0x200, s15;
	v11 =	vld [tilespmem:s7+$0x4070];
	v14 =	vadd.f32 $1.000000000e+00, v10;
	(erf) = vrcp.f32 v15;
	[tilespmem:s11+$0x6830] =	vst v16;
	v10 =	vmul.f32 v18, v17  }
0x23f: {  	v15 =	vld [tilespmem:s7+$0x5470]  }
0x240: {  	v16 =	vld [tilespmem:s7+$0x4000]  }
0x241: {  	v17 =	vld [tilespmem:s7+$0x5400]  }
0x242: {  	v18 =	vpop (erf);
	v19 =	vld [tilespmem:s7+$0x4010]  }
0x243: {  	v13 =	vmul.f32 $1.442695020e+00, v13;
	(erf) = vpow2.f32 v12;
	v20 =	vld [tilespmem:s7+$0x5410];
	v35 =	vpop (erf)  }
0x244: {  	v38 =	vld [tilespmem:s7+$0x4020];
	(erf) = vrcp.f32 v14;
	v36 =	vpop (erf);
	v11 =	vadd.f32 v15, v11  }
0x245: {  	v41 =	vld [tilespmem:s7+$0x5420];
	v12 =	vadd.f32 $1.000000000e+00, v35;
	(erf) = vpow2.f32 v13;
	v37 =	vadd.f32 $1.000000000e+00, v36  }
0x246: {  	v42 =	vld [tilespmem:s7+$0x4030];
	(erf) = vrcp.f32 v9;
	v40 =	vadd.f32 v17, v16;
	v39 =	vpop (erf);
	v11 =	vsub.f32 $0.0e+00, v11  }
0x247: {  	v44 =	vld [tilespmem:s7+$0x5430];
	(erf) = vrcp.f32 v12;
	v9 =	vadd.f32 $1.000000000e+00, v39  }
0x248: {  	v21 =	vld [tilespmem:s7+$0x4040];
	(erf) = vrcp.f32 v37;
	v43 =	vpop (erf);
	v15 =	vsub.f32 $0.0e+00, v40;
	v11 =	vmul.f32 $1.442695020e+00, v11  }
0x249: {  	v46 =	vld [tilespmem:s7+$0x5440];
	v13 =	vadd.f32 $1.000000000e+00, v43;
	(erf) = vrcp.f32 v9  }
0x24a: {  	v48 =	vld [tilespmem:s7+$0x4050];
	v45 =	vmul.f32 $1.442695020e+00, v15;
	(erf) = vpow2.f32 v11  }
0x24b: {  	v50 =	vld [tilespmem:s7+$0x5450];
	v47 =	vpop (erf);
	(erf) = vrcp.f32 v13  }
0x24c: {  	v22 =	vld [tilespmem:s7+$0x4060];
	v19 =	vadd.f32 v20, v19;
	v14 =	vadd.f32 v41, v38;
	v49 =	vpop (erf);
	(erf) = vpow2.f32 v45  }
0x24d: {  	v53 =	vld [tilespmem:s7+$0x5460];
	v12 =	vadd.f32 v44, v42;
	v52 =	vpop (erf)  }
0x24e: {  	v19 =	vsub.f32 $0.0e+00, v19;
	v14 =	vsub.f32 $0.0e+00, v14;
	v23 =	vpop (erf)  }
0x24f: {  	v15 =	vadd.f32 v46, v21;
	v51 =	vadd.f32 $1.000000000e+00, v49;
	v54 =	vpop (erf)  }
0x250: {  	v16 =	vadd.f32 v50, v48;
	v12 =	vsub.f32 $0.0e+00, v12;
	v19 =	vmul.f32 $1.442695020e+00, v19;
	v55 =	vpop (erf)  }
0x251: {  	v14 =	vmul.f32 $1.442695020e+00, v14;
	v15 =	vsub.f32 $0.0e+00, v15;
	(erf) = vrcp.f32 v51;
	v56 =	vpop (erf)  }
0x252: {  	v17 =	vadd.f32 v53, v22;
	v12 =	vmul.f32 $1.442695020e+00, v12;
	(erf) = vpow2.f32 v19;
	v57 =	vpop (erf)  }
0x253: {  	v16 =	vsub.f32 $0.0e+00, v16;
	v15 =	vmul.f32 $1.442695020e+00, v15;
	(erf) = vpow2.f32 v14;
	v58 =	vpop (erf)  }
0x254: {  	(erf) = vpow2.f32 v12;
	v20 =	vadd.f32 $1.000000000e+00, v58;
	v59 =	vpop (erf)  }
0x255: {  	v17 =	vsub.f32 $0.0e+00, v17;
	v16 =	vmul.f32 $1.442695020e+00, v16;
	v60 =	vpop (erf);
	(erf) = vpow2.f32 v15  }
0x256: {  	v61 =	vadd.f32 $1.000000000e+00, v60;
	(erf) = vrcp.f32 v20  }
0x257: {  	v17 =	vmul.f32 $1.442695020e+00, v17;
	(erf) = vpow2.f32 v16  }
0x258: {  	(erf) = vrcp.f32 v61  }
0x259: {  	(erf) = vpow2.f32 v17  }
0x25a: {  	v63 =	vld [tilespmem:s10+$0x6870];
	v62 =	vpop (erf)  }
0x25b: {  	v24 =	vpop (erf)  }
0x25c: {  	v26 =	vpop (erf)  }
0x25d: {  	v25 =	vadd.f32 $1.000000000e+00, v23;
	v27 =	vpop (erf)  }
0x25e: {  	v1 =	vmul.f32 v18, v1;
	v17 =	vadd.f32 $1.000000000e+00, v24;
	v29 =	vpop (erf)  }
0x25f: {  	[tilespmem:s11+$0x6840] =	vst v10;
	v30 =	vmul.f32 v47, v63;
	v28 =	vadd.f32 $1.000000000e+00, v26;
	(erf) = vrcp.f32 v25;
	v31 =	vpop (erf)  }
0x260: {  	[tilespmem:s11+$0x6850] =	vst v1;
	v32 =	vmul.f32 v52, v5;
	v33 =	vadd.f32 $1.000000000e+00, v27;
	(erf) = vrcp.f32 v17;
	v34 =	vpop (erf)  }
0x261: {  	[tilespmem:s10+$0x6870] =	vst v30;
	v0 =	vmul.f32 v54, v0;
	(erf) = vrcp.f32 v28;
	v36 =	vadd.f32 $1.000000000e+00, v29;
	v37 =	vpop (erf)  }
0x262: {  	v39 =	vld [tilespmem:s7+$0x6870];
	[tilespmem:s10+$0x6800] =	vst v32;
	v4 =	vmul.f32 v55, v4;
	(erf) = vrcp.f32 v33;
	v13 =	vadd.f32 $1.000000000e+00, v34;
	v40 =	vpop (erf)  }
0x263: {  	v35 =	vld [tilespmem:s7+$0x6800];
	v38 =	vmul.f32 v56, v2;
	[tilespmem:s11+$0x6860] =	vst v0;
	(erf) = vrcp.f32 v36;
	v42 =	vadd.f32 $1.000000000e+00, v40  }
0x264: {  	[tilespmem:s10+$0x6810] =	vst v4;
	v44 =	vmul.f32 v57, v6;
	(erf) = vrcp.f32 v13  }
0x265: {  	v41 =	vld [tilespmem:s7+$0x6810];
	[tilespmem:s10+$0x6820] =	vst v38;
	v46 =	vmul.f32 v59, v7;
	(erf) = vrcp.f32 v42  }
0x266: {  	v43 =	vld [tilespmem:s7+$0x6820];
	[tilespmem:s10+$0x6830] =	vst v44;
	v48 =	vmul.f32 v62, v8  }
0x267: {  	v45 =	vld [tilespmem:s7+$0x6830];
	[tilespmem:s10+$0x6840] =	vst v46;
	v50 =	vmul.f32 v31, v39  }
0x268: {  	v47 =	vld [tilespmem:s7+$0x6840];
	[tilespmem:s10+$0x6850] =	vst v48;
	v53 =	vmul.f32 v37, v35;
	v51 =	vpop (erf)  }
0x269: {  	v49 =	vld [tilespmem:s7+$0x6850];
	[tilespmem:s7+$0x6870] =	vst v50;
	v2 =	vmul.f32 v51, v3;
	v54 =	vpop (erf)  }
0x26a: {  	v52 =	vld [tilespmem:s7+$0x6860];
	[tilespmem:s7+$0x6800] =	vst v53;
	v55 =	vmul.f32 v54, v41;
	v56 =	vpop (erf)  }
0x26b: {  	[tilespmem:s10+$0x6860] =	vst v2;
	v57 =	vmul.f32 v56, v43;
	v58 =	vpop (erf)  }
0x26c: {  	s14 =	sadd.s32 $0x1, s14;
	[tilespmem:s7+$0x6810] =	vst v55;
	v0 =	vmul.f32 v58, v45;
	v59 =	vpop (erf)  }
0x26d: {  	p1 =	sne.s32 s14, $0x3E;
	[tilespmem:s7+$0x6820] =	vst v57;
	v1 =	vmul.f32 v59, v47;
	v60 =	vpop (erf)  }
.Ltmp4:
0x26e: {  	[tilespmem:s7+$0x6830] =	vst v0;
	v61 =	vmul.f32 v60, v49;
	v62 =	vpop (erf);
	(pc) =	sbr.rel @p1 .LBB2_2-.Ltmp4, $4  }
0x26f: {  	[tilespmem:s7+$0x6840] =	vst v1;
	v63 =	vmul.f32 v62, v52  }
0x270: {  	[tilespmem:s7+$0x6850] =	vst v61  }
0x271: {  	[tilespmem:s7+$0x6860] =	vst v63  }
0x272: {  	[spmem:s2] =	stream.indirect.scatter.add.f32 [tilespmem:s8], [sflag:$0x4], $0x80, s1, s29, $0xb8;
	[tilespmem:$0x1B480] =	vst v63  }
0x273: {  	_ =	swait.ge [sflag:s12], $0x1400  }
0x274: {  	[sflag:s12] =	ssyncset.done $0x0  }
0x275: {  	[sflag:s12] =	ssyncadd.s32 $0xFFFFEC00  }
0x276: {  	_ =	swait.ge [sflag:s23], $0x80  }
0x277: {  	[sflag:s23] =	ssyncset.done $0x0  }
0x278: {  	[sflag:s23] =	ssyncadd.s32 $0xFFFFFF80  }
0x279: {  	_ =	swait.ge [sflag:s23], $0x28  }
0x27a: {  	[sflag:s23] =	ssyncset.done $0x0  }
0x27b: {  	[sflag:s23] =	ssyncadd.s32 $0xFFFFFFD8  }
0x27c: {  	[tilespmem:s24], [sflag:$0x2] =	stream.indirect.gather [hbm4b:s4+s19], $0x80, s21, s19, $0xb8;
	[tilespmem:$0x1B480] =	vst v63  }
0x27d: {  	_ =	swait.ge [sflag:s28], $0x3C00  }
0x27e: {  	[sflag:s28] =	ssyncset.done $0x0  }
0x27f: {  	s11 =	simm.s32 $0x1400;
	[sflag:s28] =	ssyncadd.s32 $0xFFFFC400  }
0x280: {  	v0 =	vld [tilespmem:s11+$0xFFFFF070]  }
0x281: {  	v1 =	vld [tilespmem:s11+$0x470]  }
0x282: {  	v2 =	vld [tilespmem:s11+$0xFFFFF000]  }
0x283: {  	v3 =	vld [tilespmem:s11+$0x400]  }
0x284: {  	v4 =	vld [tilespmem:s11+$0xFFFFF010]  }
0x285: {  	v5 =	vld [tilespmem:s11+$0x410]  }
0x286: {  	v6 =	vld [tilespmem:s11+$0xFFFFF020]  }
0x287: {  	v7 =	vld [tilespmem:s11+$0x420]  }
0x288: {  	v8 =	vld [tilespmem:s11+$0x430];
	v0 =	vadd.f32 v1, v0  }
0x289: {  	v9 =	vld [tilespmem:s11+$0x440]  }
0x28a: {  	v1 =	vld [tilespmem:s11+$0xFFFFF030];
	v2 =	vadd.f32 v3, v2;
	v0 =	vsub.f32 $0.0e+00, v0  }
0x28b: {  	v3 =	vld [tilespmem:s11+$0xFFFFF040]  }
0x28c: {  	v4 =	vadd.f32 v5, v4;
	v5 =	vld [tilespmem:s11+$0xFFFFF050];
	v2 =	vsub.f32 $0.0e+00, v2;
	v0 =	vmul.f32 $1.442695020e+00, v0  }
0x28d: {  	v6 =	vadd.f32 v7, v6;
	v7 =	vld [tilespmem:s11+$0x450]  }
0x28e: {  	v2 =	vmul.f32 $1.442695020e+00, v2;
	(erf) = vpow2.f32 v0;
	v0 =	vsub.f32 $0.0e+00, v4  }
0x28f: {  	v10 =	vld [tilespmem:s11+$0x460];
	v1 =	vadd.f32 v8, v1  }
0x290: {  	v6 =	vsub.f32 $0.0e+00, v6;
	v4 =	vld [tilespmem:s11+$0xFFFFF060];
	(erf) = vpow2.f32 v2;
	v0 =	vmul.f32 $1.442695020e+00, v0  }
0x291: {  	v11 =	vld [tilespmem:s11+$0x1830];
	v3 =	vadd.f32 v9, v3;
	v1 =	vsub.f32 $0.0e+00, v1  }
0x292: {  	s10 =	simm.s32 $0x1480;
	v15 =	vld [tilespmem:s11+$0x1840];
	v6 =	vmul.f32 $1.442695020e+00, v6;
	v5 =	vadd.f32 v7, v5;
	(erf) = vpow2.f32 v0  }
0x293: {  	v12 =	vld [tilespmem:s10+$0xFFFFF000];
	v3 =	vsub.f32 $0.0e+00, v3;
	v0 =	vmul.f32 $1.442695020e+00, v1  }
0x294: {  	v13 =	vld [tilespmem:s10+$0xFFFFF010];
	v5 =	vsub.f32 $0.0e+00, v5;
	(erf) = vpow2.f32 v6  }
0x295: {  	v14 =	vld [tilespmem:s10+$0x410];
	v3 =	vmul.f32 $1.442695020e+00, v3;
	v4 =	vadd.f32 v10, v4;
	(erf) = vpow2.f32 v0  }
0x296: {  	v7 =	vld [tilespmem:s10+$0xFFFFF070]  }
0x297: {  	v5 =	vmul.f32 $1.442695020e+00, v5;
	(erf) = vpow2.f32 v3;
	v3 =	vld [tilespmem:s10+$0x470];
	v4 =	vsub.f32 $0.0e+00, v4;
	v6 =	vpop (erf)  }
0x298: {  	v17 =	vld [tilespmem:s10+$0x430];
	v6 =	vadd.f32 $1.000000000e+00, v6  }
0x299: {  	v18 =	vld [tilespmem:s10+$0xFFFFF040];
	v4 =	vmul.f32 $1.442695020e+00, v4;
	v10 =	vpop (erf)  }
0x29a: {  	v10 =	vadd.f32 $1.000000000e+00, v10;
	(erf) = vrcp.f32 v6;
	v6 =	vld [tilespmem:s10+$0x400]  }
0x29b: {  	v19 =	vld [tilespmem:s10+$0xFFFFF050];
	(erf) = vpow2.f32 v5;
	v5 =	vpop (erf)  }
0x29c: {  	v59 =	vld [tilespmem:s10+$0xFFFFF060];
	v3 =	vadd.f32 v3, v7;
	(erf) = vrcp.f32 v10;
	v5 =	vadd.f32 $1.000000000e+00, v5  }
0x29d: {  	v60 =	vld [tilespmem:s10+$0x460];
	(erf) = vpow2.f32 v4;
	v4 =	vpop (erf)  }
0x29e: {  	v3 =	vsub.f32 $0.0e+00, v3;
	v4 =	vadd.f32 $1.000000000e+00, v4;
	(erf) = vrcp.f32 v5;
	v5 =	vld [tilespmem:s10+$0xFFFFF020];
	v7 =	vpop (erf)  }
0x29f: {  	v6 =	vadd.f32 v6, v12;
	v12 =	vld [tilespmem:s10+$0x420];
	v7 =	vadd.f32 $1.000000000e+00, v7  }
0x2a0: {  	v10 =	vld [tilespmem:s11+$0x1870];
	v3 =	vmul.f32 $1.442695020e+00, v3  }
0x2a1: {  	v2 =	vld [tilespmem:s11+$0x1800];
	v16 =	vpop (erf);
	(erf) = vrcp.f32 v4;
	v6 =	vsub.f32 $0.0e+00, v6  }
0x2a2: {  	v13 =	vadd.f32 v14, v13;
	v4 =	vld [tilespmem:s10+$0xFFFFF030];
	v16 =	vadd.f32 $1.000000000e+00, v16;
	(erf) = vrcp.f32 v7  }
0x2a3: {  	v14 =	vld [tilespmem:s10+$0x440];
	v7 =	vpop (erf);
	v6 =	vmul.f32 $1.442695020e+00, v6;
	(erf) = vpow2.f32 v3  }
0x2a4: {  	v13 =	vsub.f32 $0.0e+00, v13;
	v3 =	vpop (erf);
	(erf) = vrcp.f32 v16;
	v5 =	vadd.f32 v12, v5;
	v12 =	vld [tilespmem:s10+$0x450]  }
0x2a5: {  	v8 =	vld [tilespmem:s11+$0x1810];
	v58 =	vpop (erf);
	(erf) = vpow2.f32 v6;
	v6 =	vmul.f32 v7, v10;
	v3 =	vadd.f32 $1.000000000e+00, v3  }
0x2a6: {  	v9 =	vld [tilespmem:s11+$0x1820];
	v10 =	vmul.f32 v58, v2;
	v2 =	vmul.f32 $1.442695020e+00, v13;
	v13 =	vsub.f32 $0.0e+00, v5  }
0x2a7: {  	v1 =	vld [tilespmem:s11+$0x1850];
	v4 =	vadd.f32 v17, v4  }
0x2a8: {  	v0 =	vld [tilespmem:s11+$0x1860];
	(erf) = vrcp.f32 v3;
	v3 =	vadd.f32 v14, v18;
	v13 =	vmul.f32 $1.442695020e+00, v13  }
0x2a9: {  	v7 =	vpop (erf);
	v14 =	vsub.f32 $0.0e+00, v4;
	v4 =	vld [tilespmem:s10+$0x1810];
	v12 =	vadd.f32 v12, v19  }
0x2aa: {  	[tilespmem:s11+$0x1870] =	vst v6;
	v6 =	vld [tilespmem:s10+$0x1830];
	v5 =	vpop (erf);
	(erf) = vpow2.f32 v2  }
0x2ab: {  	v2 =	vld [tilespmem:s10+$0x1820];
	v8 =	vmul.f32 v5, v8;
	v61 =	vpop (erf);
	v3 =	vsub.f32 $0.0e+00, v3;
	v14 =	vmul.f32 $1.442695020e+00, v14  }
0x2ac: {  	v16 =	vadd.f32 v60, v59;
	v5 =	vld [tilespmem:s10+$0x1800];
	v18 =	vmul.f32 v61, v9;
	(erf) = vpow2.f32 v13;
	v13 =	vpop (erf)  }
0x2ad: {  	[tilespmem:s11+$0x1800] =	vst v10;
	v9 =	vadd.f32 $1.000000000e+00, v7;
	v7 =	vld [tilespmem:s10+$0x1840];
	v10 =	vmul.f32 $1.442695020e+00, v3;
	v3 =	vsub.f32 $0.0e+00, v12;
	v12 =	vpop (erf)  }
0x2ae: {  	s7 =	simm.s32 $0x1500;
	[tilespmem:s11+$0x1810] =	vst v8;
	v8 =	vld [tilespmem:s10+$0x1850];
	(erf) = vpow2.f32 v14;
	v63 =	vmul.f32 v13, v11;
	v62 =	vadd.f32 $1.000000000e+00, v12;
	v20 =	vpop (erf)  }
0x2af: {  	[tilespmem:s11+$0x1820] =	vst v18;
	v13 =	vsub.f32 $0.0e+00, v16;
	v11 =	vld [tilespmem:s7+$0xFFFFF070];
	v12 =	vmul.f32 $1.442695020e+00, v3;
	(erf) = vpow2.f32 v10;
	v14 =	vpop (erf)  }
0x2b0: {  	s14 =	simm.s32 $0x5600;
	v3 =	vld [tilespmem:s10+$0x1860];
	[tilespmem:s11+$0x1830] =	vst v63;
	v10 =	vmul.f32 v20, v15;
	v14 =	vadd.f32 $1.000000000e+00, v14;
	(erf) = vrcp.f32 v62  }
.LBB2_12:
0x2b1: {  	p1 =	sne.s32 s14, $0x9E00;
	v15 =	vld [tilespmem:s7+$0x470];
	v13 =	vmul.f32 $1.442695020e+00, v13;
	(erf) = vpow2.f32 v12;
	v12 =	vpop (erf);
	v16 =	vmov v6  }
0x2b2: {  	v6 =	vld [tilespmem:s7+$0xFFFFF000];
	(erf) = vrcp.f32 v14;
	[tilespmem:s11+$0x1840] =	vst v10;
	v14 =	vmul.f32 v12, v1;
	v17 =	vmov v7  }
0x2b3: {  	v7 =	vld [tilespmem:s7+$0x400];
	v12 =	vpop (erf);
	(erf) = vpow2.f32 v13;
	v1 =	vmov v8  }
0x2b4: {  	v8 =	vld [tilespmem:s7+$0xFFFFF010];
	v12 =	vadd.f32 $1.000000000e+00, v12;
	[tilespmem:s11+$0x1850] =	vst v14;
	(erf) = vrcp.f32 v9  }
0x2b5: {  	v9 =	vld [tilespmem:s10+$0x1870];
	v10 =	vpop (erf)  }
0x2b6: {  	v13 =	vld [tilespmem:s7+$0x410];
	v11 =	vadd.f32 v15, v11;
	v15 =	vadd.f32 $1.000000000e+00, v10;
	(erf) = vrcp.f32 v12  }
0x2b7: {  	v12 =	vld [tilespmem:s7+$0xFFFFF020];
	v14 =	vpop (erf)  }
0x2b8: {  	v6 =	vadd.f32 v7, v6;
	v7 =	vld [tilespmem:s7+$0x420];
	v11 =	vsub.f32 $0.0e+00, v11;
	(erf) = vrcp.f32 v15;
	v10 =	vpop (erf)  }
0x2b9: {  	v14 =	vadd.f32 $1.000000000e+00, v14;
	v15 =	vld [tilespmem:s7+$0xFFFFF030];
	v10 =	vadd.f32 $1.000000000e+00, v10;
	v18 =	vpop (erf)  }
0x2ba: {  	v6 =	vsub.f32 $0.0e+00, v6;
	v19 =	vld [tilespmem:s7+$0x430];
	v11 =	vmul.f32 $1.442695020e+00, v11;
	v21 =	vmul.f32 v18, v9;
	v18 =	vpop (erf)  }
0x2bb: {  	v8 =	vadd.f32 v13, v8;
	v13 =	vld [tilespmem:s7+$0xFFFFF040];
	v18 =	vadd.f32 $1.000000000e+00, v18;
	v20 =	vpop (erf);
	(erf) = vrcp.f32 v14  }
0x2bc: {  	v6 =	vmul.f32 $1.442695020e+00, v6;
	v14 =	vld [tilespmem:s7+$0x440];
	(erf) = vpow2.f32 v11;
	[tilespmem:s10+$0x1870] =	vst v21;
	v9 =	vpop (erf)  }
0x2bd: {  	v8 =	vsub.f32 $0.0e+00, v8;
	v7 =	vadd.f32 v7, v12;
	v11 =	vld [tilespmem:s7+$0xFFFFF050];
	(erf) = vrcp.f32 v10;
	v10 =	vpop (erf)  }
0x2be: {  	v5 =	vmul.f32 v20, v5;
	v9 =	vadd.f32 $1.000000000e+00, v9;
	v12 =	vld [tilespmem:s7+$0x450];
	(erf) = vpow2.f32 v6  }
0x2bf: {  	v6 =	vmul.f32 $1.442695020e+00, v8;
	v7 =	vsub.f32 $0.0e+00, v7;
	v8 =	vadd.f32 v19, v15;
	v15 =	vld [tilespmem:s7+$0xFFFFF060];
	v19 =	vpop (erf)  }
0x2c0: {  	v20 =	vld [tilespmem:s7+$0x460];
	[tilespmem:s10+$0x1800] =	vst v5;
	v19 =	vmul.f32 v19, v4;
	(erf) = vrcp.f32 v18  }
0x2c1: {  	v5 =	vld [tilespmem:s7+$0x1800];
	v7 =	vmul.f32 $1.442695020e+00, v7;
	v8 =	vsub.f32 $0.0e+00, v8;
	v13 =	vadd.f32 v14, v13;
	v14 =	vpop (erf)  }
0x2c2: {  	v4 =	vld [tilespmem:s7+$0x1810];
	(erf) = vpow2.f32 v6;
	[tilespmem:s10+$0x1810] =	vst v19;
	v14 =	vmul.f32 v14, v2  }
0x2c3: {  	v2 =	vld [tilespmem:s7+$0x1820];
	v19 =	vmul.f32 $1.442695020e+00, v8;
	v8 =	vsub.f32 $0.0e+00, v13;
	v11 =	vadd.f32 v12, v11  }
.Ltmp5:
0x2c4: {  	v21 =	vmul.f32 v10, v0;
	v0 =	vmov v3;
	v6 =	vld [tilespmem:s7+$0x1830];
	(erf) = vpow2.f32 v7;
	[tilespmem:s10+$0x1820] =	vst v14;
	v12 =	vpop (erf);
	(pc) =	sbr.rel @p1 .LBB2_12-.Ltmp5, $4  }
0x2c5: {  	v7 =	vld [tilespmem:s7+$0x1840];
	v14 =	vmul.f32 $1.442695020e+00, v8;
	v3 =	vsub.f32 $0.0e+00, v11;
	v11 =	vadd.f32 v20, v15;
	v13 =	vpop (erf)  }
0x2c6: {  	v16 =	vmul.f32 v12, v16;
	v8 =	vld [tilespmem:s7+$0x1850];
	v15 =	vadd.f32 $1.000000000e+00, v13;
	(erf) = vpow2.f32 v19;
	v18 =	vpop (erf);
	[tilespmem:s11+$0x1860] =	vst v21;
	s11 =	smov.u32 s10;
	s10 =	smov.u32 s7  }
0x2c7: {  	s7 =	sshra.s32 s14, $0x2;
	v12 =	vmul.f32 $1.442695020e+00, v3;
	v3 =	vld [tilespmem:s10+$0x1860];
	v13 =	vsub.f32 $0.0e+00, v11;
	v10 =	vpop (erf);
	(erf) = vpow2.f32 v14  }
0x2c8: {  	s14 =	sadd.s32 $0x200, s14;
	v11 =	vld [tilespmem:s7+$0xFFFFF070];
	v14 =	vadd.f32 $1.000000000e+00, v10;
	(erf) = vrcp.f32 v15;
	[tilespmem:s11+$0x1830] =	vst v16;
	v10 =	vmul.f32 v18, v17  }
0x2c9: {  	v15 =	vld [tilespmem:s7+$0x470];
	_ =	sdelay $0x1  }
0x2ca: {  	v16 =	vld [tilespmem:s7+$0xFFFFF000];
	v18 =	vpop (erf)  }
0x2cb: {  	v17 =	vld [tilespmem:s7+$0x400];
	v13 =	vmul.f32 $1.442695020e+00, v13;
	(erf) = vpow2.f32 v12;
	v12 =	vpop (erf)  }
0x2cc: {  	v19 =	vld [tilespmem:s7+$0xFFFFF010];
	(erf) = vrcp.f32 v14;
	v14 =	vpop (erf)  }
0x2cd: {  	v20 =	vld [tilespmem:s7+$0x410];
	(erf) = vpow2.f32 v13;
	v11 =	vadd.f32 v15, v11;
	v13 =	vadd.f32 $1.000000000e+00, v14  }
0x2ce: {  	v35 =	vld [tilespmem:s7+$0x420];
	v12 =	vadd.f32 $1.000000000e+00, v12  }
0x2cf: {  	v36 =	vld [tilespmem:s7+$0x430];
	(erf) = vrcp.f32 v9;
	v11 =	vsub.f32 $0.0e+00, v11  }
0x2d0: {  	v14 =	vld [tilespmem:s7+$0xFFFFF020];
	v9 =	vpop (erf);
	(erf) = vrcp.f32 v12  }
0x2d1: {  	v15 =	vadd.f32 v17, v16;
	v12 =	vld [tilespmem:s7+$0xFFFFF030];
	(erf) = vrcp.f32 v13;
	v13 =	vpop (erf);
	v11 =	vmul.f32 $1.442695020e+00, v11  }
0x2d2: {  	v9 =	vadd.f32 $1.000000000e+00, v9;
	v13 =	vadd.f32 $1.000000000e+00, v13  }
0x2d3: {  	v15 =	vsub.f32 $0.0e+00, v15  }
0x2d4: {  	v21 =	vld [tilespmem:s7+$0xFFFFF040];
	(erf) = vrcp.f32 v9  }
0x2d5: {  	v37 =	vld [tilespmem:s7+$0xFFFFF050];
	v9 =	vmul.f32 $1.442695020e+00, v15;
	v14 =	vadd.f32 v35, v14;
	(erf) = vpow2.f32 v11;
	v11 =	vpop (erf)  }
0x2d6: {  	v19 =	vadd.f32 v20, v19;
	v15 =	vld [tilespmem:s7+$0x440];
	v12 =	vadd.f32 v36, v12;
	(erf) = vrcp.f32 v13;
	v13 =	vpop (erf)  }
0x2d7: {  	v38 =	vld [tilespmem:s7+$0x450];
	v14 =	vsub.f32 $0.0e+00, v14;
	(erf) = vpow2.f32 v9;
	v9 =	vadd.f32 $1.000000000e+00, v13  }
0x2d8: {  	v22 =	vld [tilespmem:s7+$0xFFFFF060];
	v19 =	vsub.f32 $0.0e+00, v19;
	v13 =	vpop (erf)  }
0x2d9: {  	v39 =	vld [tilespmem:s7+$0x460];
	v12 =	vsub.f32 $0.0e+00, v12;
	v14 =	vmul.f32 $1.442695020e+00, v14;
	v23 =	vpop (erf)  }
0x2da: {  	v19 =	vmul.f32 $1.442695020e+00, v19;
	v40 =	vpop (erf)  }
0x2db: {  	v15 =	vadd.f32 v15, v21;
	v12 =	vmul.f32 $1.442695020e+00, v12;
	(erf) = vrcp.f32 v9;
	v9 =	vpop (erf)  }
0x2dc: {  	(erf) = vpow2.f32 v19;
	v41 =	vpop (erf)  }
0x2dd: {  	v16 =	vadd.f32 v38, v37;
	v15 =	vsub.f32 $0.0e+00, v15;
	(erf) = vpow2.f32 v14;
	v14 =	vpop (erf)  }
0x2de: {  	v17 =	vadd.f32 v39, v22;
	v42 =	vpop (erf)  }
0x2df: {  	v16 =	vsub.f32 $0.0e+00, v16;
	v15 =	vmul.f32 $1.442695020e+00, v15;
	(erf) = vpow2.f32 v12;
	v12 =	vpop (erf)  }
0x2e0: {  	v17 =	vsub.f32 $0.0e+00, v17;
	v20 =	vadd.f32 $1.000000000e+00, v42;
	v43 =	vpop (erf)  }
0x2e1: {  	v16 =	vmul.f32 $1.442695020e+00, v16;
	(erf) = vpow2.f32 v15;
	v15 =	vadd.f32 $1.000000000e+00, v43  }
0x2e2: {  	(erf) = vrcp.f32 v20  }
0x2e3: {  	v17 =	vmul.f32 $1.442695020e+00, v17;
	(erf) = vpow2.f32 v16  }
0x2e4: {  	v44 =	vld [tilespmem:s10+$0x1870];
	(erf) = vrcp.f32 v15  }
0x2e5: {  	(erf) = vpow2.f32 v17;
	v15 =	vpop (erf)  }
0x2e6: {  	v46 =	vadd.f32 $1.000000000e+00, v23;
	v45 =	vpop (erf)  }
0x2e7: {  	v47 =	vpop (erf);
	v17 =	vadd.f32 $1.000000000e+00, v45  }
0x2e8: {  	v1 =	vmul.f32 v18, v1;
	(erf) = vrcp.f32 v46;
	v49 =	vadd.f32 $1.000000000e+00, v47  }
0x2e9: {  	[tilespmem:s11+$0x1840] =	vst v10;
	v10 =	vmul.f32 v11, v44;
	v48 =	vpop (erf);
	(erf) = vrcp.f32 v17  }
0x2ea: {  	[tilespmem:s11+$0x1850] =	vst v1;
	v1 =	vmul.f32 v13, v5;
	v50 =	vpop (erf);
	v5 =	vadd.f32 $1.000000000e+00, v48;
	(erf) = vrcp.f32 v49  }
0x2eb: {  	[tilespmem:s10+$0x1870] =	vst v10;
	v0 =	vmul.f32 v40, v0;
	v11 =	vpop (erf)  }
0x2ec: {  	[tilespmem:s10+$0x1800] =	vst v1;
	v1 =	vmul.f32 v41, v2;
	v2 =	vld [tilespmem:s7+$0x1870];
	v13 =	vpop (erf)  }
0x2ed: {  	v4 =	vmul.f32 v9, v4;
	v9 =	vld [tilespmem:s7+$0x1800];
	[tilespmem:s11+$0x1860] =	vst v0;
	v10 =	vadd.f32 $1.000000000e+00, v50;
	v51 =	vpop (erf)  }
0x2ee: {  	v52 =	vld [tilespmem:s7+$0x1810];
	[tilespmem:s10+$0x1820] =	vst v1;
	v1 =	vmul.f32 v14, v6;
	(erf) = vrcp.f32 v5;
	v13 =	vadd.f32 $1.000000000e+00, v13;
	v5 =	vpop (erf)  }
0x2ef: {  	[tilespmem:s10+$0x1810] =	vst v4;
	v0 =	vmul.f32 v12, v7;
	(erf) = vrcp.f32 v10;
	v4 =	vadd.f32 $1.000000000e+00, v5;
	v5 =	vld [tilespmem:s7+$0x1820]  }
0x2f0: {  	[tilespmem:s10+$0x1830] =	vst v1;
	v1 =	vmul.f32 v15, v8;
	(erf) = vrcp.f32 v13  }
0x2f1: {  	[tilespmem:s10+$0x1840] =	vst v0;
	v0 =	vmul.f32 v11, v2;
	v2 =	vpop (erf);
	(erf) = vrcp.f32 v4  }
0x2f2: {  	[tilespmem:s10+$0x1850] =	vst v1;
	v1 =	vmul.f32 v51, v9;
	v9 =	vpop (erf)  }
0x2f3: {  	v6 =	vld [tilespmem:s7+$0x1830];
	[tilespmem:s7+$0x1870] =	vst v0;
	v0 =	vmul.f32 v9, v52;
	v9 =	vpop (erf)  }
0x2f4: {  	[tilespmem:s7+$0x1800] =	vst v1;
	v4 =	vld [tilespmem:s7+$0x1840];
	v1 =	vmul.f32 v9, v5  }
0x2f5: {  	v7 =	vld [tilespmem:s7+$0x1850];
	v2 =	vmul.f32 v2, v3  }
0x2f6: {  	v8 =	vld [tilespmem:s7+$0x1860]  }
0x2f7: {  	[tilespmem:s7+$0x1810] =	vst v0;
	v0 =	vpop (erf)  }
0x2f8: {  	[tilespmem:s7+$0x1820] =	vst v1;
	v0 =	vmul.f32 v0, v6;
	v1 =	vpop (erf)  }
0x2f9: {  	[tilespmem:s10+$0x1860] =	vst v2;
	v1 =	vmul.f32 v1, v4;
	v2 =	vpop (erf)  }
0x2fa: {  	[tilespmem:s7+$0x1830] =	vst v0;
	v0 =	vmul.f32 v2, v7;
	v2 =	vpop (erf)  }
0x2fb: {  	[tilespmem:s7+$0x1840] =	vst v1;
	v1 =	vmul.f32 v2, v8  }
0x2fc: {  	[tilespmem:s7+$0x1850] =	vst v0  }
0x2fd: {  	[tilespmem:s7+$0x1860] =	vst v1  }
0x2fe: {  	[spmem:s2] =	stream.indirect.scatter.add.f32 [tilespmem:s30], [sflag:$0x3], $0x80, s18, s29, $0xb8;
	[tilespmem:$0x1B480] =	vst v63  }
0x2ff: {  	_ =	swait.ge [sflag:s6], $0x3C00  }
0x300: {  	[sflag:s6] =	ssyncset.done $0x0  }
0x301: {  	s11 =	simm.s32 $0x0;
	[sflag:s6] =	ssyncadd.s32 $0xFFFFC400  }
0x302: {  	v0 =	vld [tilespmem:s11+$0x4070]  }
0x303: {  	v1 =	vld [tilespmem:s11+$0x5470]  }
0x304: {  	v2 =	vld [tilespmem:s11+$0x4000]  }
0x305: {  	v3 =	vld [tilespmem:s11+$0x5400]  }
0x306: {  	v4 =	vld [tilespmem:s11+$0x4010]  }
0x307: {  	v5 =	vld [tilespmem:s11+$0x5410]  }
0x308: {  	v6 =	vld [tilespmem:s11+$0x4020]  }
0x309: {  	v7 =	vld [tilespmem:s11+$0x5420]  }
0x30a: {  	v8 =	vld [tilespmem:s11+$0x5430];
	v0 =	vadd.f32 v1, v0  }
0x30b: {  	v9 =	vld [tilespmem:s11+$0x5440]  }
0x30c: {  	v1 =	vld [tilespmem:s11+$0x4030];
	v2 =	vadd.f32 v3, v2;
	v0 =	vsub.f32 $0.0e+00, v0  }
0x30d: {  	v3 =	vld [tilespmem:s11+$0x4040]  }
0x30e: {  	v4 =	vadd.f32 v5, v4;
	v5 =	vld [tilespmem:s11+$0x4050];
	v2 =	vsub.f32 $0.0e+00, v2;
	v0 =	vmul.f32 $1.442695020e+00, v0  }
0x30f: {  	v6 =	vadd.f32 v7, v6;
	v7 =	vld [tilespmem:s11+$0x5450]  }
0x310: {  	v2 =	vmul.f32 $1.442695020e+00, v2;
	(erf) = vpow2.f32 v0;
	v0 =	vsub.f32 $0.0e+00, v4  }
0x311: {  	v10 =	vld [tilespmem:s11+$0x5460];
	v1 =	vadd.f32 v8, v1  }
0x312: {  	v6 =	vsub.f32 $0.0e+00, v6;
	v4 =	vld [tilespmem:s11+$0x4060];
	(erf) = vpow2.f32 v2;
	v0 =	vmul.f32 $1.442695020e+00, v0  }
0x313: {  	v11 =	vld [tilespmem:s11+$0x6830];
	v3 =	vadd.f32 v9, v3;
	v1 =	vsub.f32 $0.0e+00, v1  }
0x314: {  	s10 =	simm.s32 $0x80;
	v15 =	vld [tilespmem:s11+$0x6840];
	v6 =	vmul.f32 $1.442695020e+00, v6;
	v5 =	vadd.f32 v7, v5;
	(erf) = vpow2.f32 v0  }
0x315: {  	v12 =	vld [tilespmem:s10+$0x4000];
	v3 =	vsub.f32 $0.0e+00, v3;
	v0 =	vmul.f32 $1.442695020e+00, v1  }
0x316: {  	v13 =	vld [tilespmem:s10+$0x4010];
	v5 =	vsub.f32 $0.0e+00, v5;
	(erf) = vpow2.f32 v6  }
0x317: {  	v14 =	vld [tilespmem:s10+$0x5410];
	v3 =	vmul.f32 $1.442695020e+00, v3;
	v4 =	vadd.f32 v10, v4;
	(erf) = vpow2.f32 v0  }
0x318: {  	v7 =	vld [tilespmem:s10+$0x4070]  }
0x319: {  	v5 =	vmul.f32 $1.442695020e+00, v5;
	(erf) = vpow2.f32 v3;
	v3 =	vld [tilespmem:s10+$0x5470];
	v4 =	vsub.f32 $0.0e+00, v4;
	v6 =	vpop (erf)  }
0x31a: {  	v54 =	vld [tilespmem:s10+$0x5430];
	v6 =	vadd.f32 $1.000000000e+00, v6  }
0x31b: {  	v55 =	vld [tilespmem:s10+$0x4040];
	v4 =	vmul.f32 $1.442695020e+00, v4;
	v10 =	vpop (erf)  }
0x31c: {  	v10 =	vadd.f32 $1.000000000e+00, v10;
	(erf) = vrcp.f32 v6;
	v6 =	vld [tilespmem:s10+$0x5400]  }
0x31d: {  	v56 =	vld [tilespmem:s10+$0x4050];
	(erf) = vpow2.f32 v5;
	v5 =	vpop (erf)  }
0x31e: {  	v58 =	vld [tilespmem:s10+$0x4060];
	v3 =	vadd.f32 v3, v7;
	(erf) = vrcp.f32 v10;
	v5 =	vadd.f32 $1.000000000e+00, v5  }
0x31f: {  	v59 =	vld [tilespmem:s10+$0x5460];
	(erf) = vpow2.f32 v4;
	v4 =	vpop (erf)  }
0x320: {  	v3 =	vsub.f32 $0.0e+00, v3;
	v4 =	vadd.f32 $1.000000000e+00, v4;
	(erf) = vrcp.f32 v5;
	v5 =	vld [tilespmem:s10+$0x4020];
	v7 =	vpop (erf)  }
0x321: {  	v6 =	vadd.f32 v6, v12;
	v12 =	vld [tilespmem:s10+$0x5420];
	v7 =	vadd.f32 $1.000000000e+00, v7  }
0x322: {  	v10 =	vld [tilespmem:s11+$0x6870];
	v3 =	vmul.f32 $1.442695020e+00, v3  }
0x323: {  	v2 =	vld [tilespmem:s11+$0x6800];
	v53 =	vpop (erf);
	(erf) = vrcp.f32 v4;
	v6 =	vsub.f32 $0.0e+00, v6  }
0x324: {  	v13 =	vadd.f32 v14, v13;
	v4 =	vld [tilespmem:s10+$0x4030];
	v16 =	vadd.f32 $1.000000000e+00, v53;
	(erf) = vrcp.f32 v7  }
0x325: {  	v14 =	vld [tilespmem:s10+$0x5440];
	v7 =	vpop (erf);
	v6 =	vmul.f32 $1.442695020e+00, v6;
	(erf) = vpow2.f32 v3  }
0x326: {  	v13 =	vsub.f32 $0.0e+00, v13;
	v3 =	vpop (erf);
	(erf) = vrcp.f32 v16;
	v5 =	vadd.f32 v12, v5;
	v12 =	vld [tilespmem:s10+$0x5450]  }
0x327: {  	v8 =	vld [tilespmem:s11+$0x6810];
	v57 =	vpop (erf);
	(erf) = vpow2.f32 v6;
	v6 =	vmul.f32 v7, v10;
	v3 =	vadd.f32 $1.000000000e+00, v3  }
0x328: {  	v9 =	vld [tilespmem:s11+$0x6820];
	v10 =	vmul.f32 v57, v2;
	v2 =	vmul.f32 $1.442695020e+00, v13;
	v13 =	vsub.f32 $0.0e+00, v5  }
0x329: {  	v1 =	vld [tilespmem:s11+$0x6850];
	v4 =	vadd.f32 v54, v4  }
0x32a: {  	v0 =	vld [tilespmem:s11+$0x6860];
	(erf) = vrcp.f32 v3;
	v3 =	vadd.f32 v14, v55;
	v13 =	vmul.f32 $1.442695020e+00, v13  }
0x32b: {  	v7 =	vpop (erf);
	v14 =	vsub.f32 $0.0e+00, v4;
	v4 =	vld [tilespmem:s10+$0x6810];
	v12 =	vadd.f32 v12, v56  }
0x32c: {  	v16 =	vadd.f32 v59, v58;
	[tilespmem:s11+$0x6870] =	vst v6;
	v6 =	vld [tilespmem:s10+$0x6830];
	v5 =	vpop (erf);
	(erf) = vpow2.f32 v2  }
0x32d: {  	v2 =	vld [tilespmem:s10+$0x6820];
	v8 =	vmul.f32 v5, v8;
	v60 =	vpop (erf);
	v3 =	vsub.f32 $0.0e+00, v3;
	v14 =	vmul.f32 $1.442695020e+00, v14  }
0x32e: {  	[tilespmem:s11+$0x6800] =	vst v10;
	v5 =	vld [tilespmem:s10+$0x6800];
	v18 =	vmul.f32 v60, v9;
	v9 =	vadd.f32 $1.000000000e+00, v7;
	(erf) = vpow2.f32 v13;
	v13 =	vpop (erf)  }
0x32f: {  	v7 =	vld [tilespmem:s10+$0x6840];
	v10 =	vmul.f32 $1.442695020e+00, v3;
	v3 =	vsub.f32 $0.0e+00, v12;
	[tilespmem:s11+$0x6810] =	vst v8;
	v12 =	vpop (erf);
	v62 =	vmul.f32 v13, v11  }
0x330: {  	s7 =	simm.s32 $0x100;
	v8 =	vld [tilespmem:s10+$0x6850];
	(erf) = vpow2.f32 v14;
	[tilespmem:s11+$0x6820] =	vst v18;
	v61 =	vadd.f32 $1.000000000e+00, v12;
	v63 =	vpop (erf)  }
0x331: {  	v13 =	vsub.f32 $0.0e+00, v16;
	v11 =	vld [tilespmem:s7+$0x4070];
	v12 =	vmul.f32 $1.442695020e+00, v3;
	(erf) = vpow2.f32 v10;
	v14 =	vpop (erf);
	[tilespmem:s11+$0x6830] =	vst v62  }
0x332: {  	s14 =	simm.s32 $0x600;
	s16 =	simm.s32 $0x6;
	v3 =	vld [tilespmem:s10+$0x6860];
	v10 =	vmul.f32 v63, v15;
	v14 =	vadd.f32 $1.000000000e+00, v14;
	(erf) = vrcp.f32 v61;
	s15 =	rddreg [dreg:$0xb]  }
.LBB2_14:
0x333: {  	p1 =	sne.s32 s14, $0x4E00;
	v15 =	vld [tilespmem:s7+$0x5470];
	v13 =	vmul.f32 $1.442695020e+00, v13;
	(erf) = vpow2.f32 v12;
	v12 =	vpop (erf);
	v16 =	vmov v6  }
0x334: {  	v6 =	vld [tilespmem:s7+$0x4000];
	(erf) = vrcp.f32 v14;
	[tilespmem:s11+$0x6840] =	vst v10;
	v14 =	vmul.f32 v12, v1;
	v17 =	vmov v7  }
0x335: {  	v7 =	vld [tilespmem:s7+$0x5400];
	v12 =	vpop (erf);
	(erf) = vpow2.f32 v13;
	v1 =	vmov v8  }
0x336: {  	v8 =	vld [tilespmem:s7+$0x4010];
	v12 =	vadd.f32 $1.000000000e+00, v12;
	[tilespmem:s11+$0x6850] =	vst v14;
	(erf) = vrcp.f32 v9  }
0x337: {  	v9 =	vld [tilespmem:s10+$0x6870];
	v10 =	vpop (erf)  }
0x338: {  	v13 =	vld [tilespmem:s7+$0x5410];
	v11 =	vadd.f32 v15, v11;
	v15 =	vadd.f32 $1.000000000e+00, v10;
	(erf) = vrcp.f32 v12  }
0x339: {  	v12 =	vld [tilespmem:s7+$0x4020];
	v14 =	vpop (erf)  }
0x33a: {  	v6 =	vadd.f32 v7, v6;
	v7 =	vld [tilespmem:s7+$0x5420];
	v11 =	vsub.f32 $0.0e+00, v11;
	(erf) = vrcp.f32 v15;
	v10 =	vpop (erf)  }
0x33b: {  	v14 =	vadd.f32 $1.000000000e+00, v14;
	v15 =	vld [tilespmem:s7+$0x4030];
	v10 =	vadd.f32 $1.000000000e+00, v10;
	v18 =	vpop (erf)  }
0x33c: {  	v6 =	vsub.f32 $0.0e+00, v6;
	v19 =	vld [tilespmem:s7+$0x5430];
	v11 =	vmul.f32 $1.442695020e+00, v11;
	v21 =	vmul.f32 v18, v9;
	v18 =	vpop (erf)  }
0x33d: {  	v8 =	vadd.f32 v13, v8;
	v13 =	vld [tilespmem:s7+$0x4040];
	v18 =	vadd.f32 $1.000000000e+00, v18;
	v20 =	vpop (erf);
	(erf) = vrcp.f32 v14  }
0x33e: {  	v6 =	vmul.f32 $1.442695020e+00, v6;
	v14 =	vld [tilespmem:s7+$0x5440];
	(erf) = vpow2.f32 v11;
	[tilespmem:s10+$0x6870] =	vst v21;
	v9 =	vpop (erf)  }
0x33f: {  	v8 =	vsub.f32 $0.0e+00, v8;
	v7 =	vadd.f32 v7, v12;
	v11 =	vld [tilespmem:s7+$0x4050];
	(erf) = vrcp.f32 v10;
	v10 =	vpop (erf)  }
0x340: {  	v5 =	vmul.f32 v20, v5;
	v9 =	vadd.f32 $1.000000000e+00, v9;
	v12 =	vld [tilespmem:s7+$0x5450];
	(erf) = vpow2.f32 v6  }
0x341: {  	v6 =	vmul.f32 $1.442695020e+00, v8;
	v7 =	vsub.f32 $0.0e+00, v7;
	v8 =	vadd.f32 v19, v15;
	v15 =	vld [tilespmem:s7+$0x4060];
	v19 =	vpop (erf)  }
0x342: {  	v20 =	vld [tilespmem:s7+$0x5460];
	[tilespmem:s10+$0x6800] =	vst v5;
	v19 =	vmul.f32 v19, v4;
	(erf) = vrcp.f32 v18  }
0x343: {  	v5 =	vld [tilespmem:s7+$0x6800];
	v7 =	vmul.f32 $1.442695020e+00, v7;
	v8 =	vsub.f32 $0.0e+00, v8;
	v13 =	vadd.f32 v14, v13;
	v14 =	vpop (erf)  }
0x344: {  	v4 =	vld [tilespmem:s7+$0x6810];
	(erf) = vpow2.f32 v6;
	[tilespmem:s10+$0x6810] =	vst v19;
	v14 =	vmul.f32 v14, v2  }
0x345: {  	v2 =	vld [tilespmem:s7+$0x6820];
	v19 =	vmul.f32 $1.442695020e+00, v8;
	v8 =	vsub.f32 $0.0e+00, v13;
	v11 =	vadd.f32 v12, v11  }
.Ltmp6:
0x346: {  	v21 =	vmul.f32 v10, v0;
	v0 =	vmov v3;
	v6 =	vld [tilespmem:s7+$0x6830];
	(erf) = vpow2.f32 v7;
	[tilespmem:s10+$0x6820] =	vst v14;
	v12 =	vpop (erf);
	(pc) =	sbr.rel @p1 .LBB2_14-.Ltmp6, $4  }
0x347: {  	v7 =	vld [tilespmem:s7+$0x6840];
	v14 =	vmul.f32 $1.442695020e+00, v8;
	v3 =	vsub.f32 $0.0e+00, v11;
	v11 =	vadd.f32 v20, v15;
	v13 =	vpop (erf)  }
0x348: {  	v16 =	vmul.f32 v12, v16;
	v8 =	vld [tilespmem:s7+$0x6850];
	v15 =	vadd.f32 $1.000000000e+00, v13;
	(erf) = vpow2.f32 v19;
	v18 =	vpop (erf);
	[tilespmem:s11+$0x6860] =	vst v21;
	s11 =	smov.u32 s10;
	s10 =	smov.u32 s7  }
0x349: {  	s7 =	sshra.s32 s14, $0x2;
	v12 =	vmul.f32 $1.442695020e+00, v3;
	v3 =	vld [tilespmem:s10+$0x6860];
	v13 =	vsub.f32 $0.0e+00, v11;
	v10 =	vpop (erf);
	(erf) = vpow2.f32 v14  }
0x34a: {  	s14 =	sadd.s32 $0x200, s14;
	v11 =	vld [tilespmem:s7+$0x4070];
	v14 =	vadd.f32 $1.000000000e+00, v10;
	(erf) = vrcp.f32 v15;
	[tilespmem:s11+$0x6830] =	vst v16;
	v10 =	vmul.f32 v18, v17  }
0x34b: {  	v15 =	vld [tilespmem:s7+$0x5470]  }
0x34c: {  	v16 =	vld [tilespmem:s7+$0x4000]  }
0x34d: {  	v17 =	vld [tilespmem:s7+$0x5400]  }
0x34e: {  	v18 =	vpop (erf);
	v19 =	vld [tilespmem:s7+$0x4010]  }
0x34f: {  	v13 =	vmul.f32 $1.442695020e+00, v13;
	(erf) = vpow2.f32 v12;
	v20 =	vld [tilespmem:s7+$0x5410];
	v35 =	vpop (erf)  }
0x350: {  	v38 =	vld [tilespmem:s7+$0x4020];
	(erf) = vrcp.f32 v14;
	v36 =	vpop (erf);
	v11 =	vadd.f32 v15, v11  }
0x351: {  	v41 =	vld [tilespmem:s7+$0x5420];
	v12 =	vadd.f32 $1.000000000e+00, v35;
	(erf) = vpow2.f32 v13;
	v37 =	vadd.f32 $1.000000000e+00, v36  }
0x352: {  	v42 =	vld [tilespmem:s7+$0x4030];
	(erf) = vrcp.f32 v9;
	v40 =	vadd.f32 v17, v16;
	v39 =	vpop (erf);
	v11 =	vsub.f32 $0.0e+00, v11  }
0x353: {  	v44 =	vld [tilespmem:s7+$0x5430];
	(erf) = vrcp.f32 v12;
	v9 =	vadd.f32 $1.000000000e+00, v39  }
0x354: {  	v21 =	vld [tilespmem:s7+$0x4040];
	(erf) = vrcp.f32 v37;
	v43 =	vpop (erf);
	v15 =	vsub.f32 $0.0e+00, v40;
	v11 =	vmul.f32 $1.442695020e+00, v11  }
0x355: {  	v46 =	vld [tilespmem:s7+$0x5440];
	v13 =	vadd.f32 $1.000000000e+00, v43;
	(erf) = vrcp.f32 v9  }
0x356: {  	v48 =	vld [tilespmem:s7+$0x4050];
	v45 =	vmul.f32 $1.442695020e+00, v15;
	(erf) = vpow2.f32 v11  }
0x357: {  	v50 =	vld [tilespmem:s7+$0x5450];
	v47 =	vpop (erf);
	(erf) = vrcp.f32 v13  }
0x358: {  	v22 =	vld [tilespmem:s7+$0x4060];
	v19 =	vadd.f32 v20, v19;
	v14 =	vadd.f32 v41, v38;
	v49 =	vpop (erf);
	(erf) = vpow2.f32 v45  }
0x359: {  	v53 =	vld [tilespmem:s7+$0x5460];
	v12 =	vadd.f32 v44, v42;
	v52 =	vpop (erf)  }
0x35a: {  	v19 =	vsub.f32 $0.0e+00, v19;
	v14 =	vsub.f32 $0.0e+00, v14;
	v23 =	vpop (erf)  }
0x35b: {  	v15 =	vadd.f32 v46, v21;
	v51 =	vadd.f32 $1.000000000e+00, v49;
	v54 =	vpop (erf)  }
0x35c: {  	v16 =	vadd.f32 v50, v48;
	v12 =	vsub.f32 $0.0e+00, v12;
	v19 =	vmul.f32 $1.442695020e+00, v19;
	v55 =	vpop (erf)  }
0x35d: {  	v14 =	vmul.f32 $1.442695020e+00, v14;
	v15 =	vsub.f32 $0.0e+00, v15;
	(erf) = vrcp.f32 v51;
	v56 =	vpop (erf)  }
0x35e: {  	v17 =	vadd.f32 v53, v22;
	v12 =	vmul.f32 $1.442695020e+00, v12;
	(erf) = vpow2.f32 v19;
	v57 =	vpop (erf)  }
0x35f: {  	v16 =	vsub.f32 $0.0e+00, v16;
	v15 =	vmul.f32 $1.442695020e+00, v15;
	(erf) = vpow2.f32 v14;
	v58 =	vpop (erf)  }
0x360: {  	(erf) = vpow2.f32 v12;
	v20 =	vadd.f32 $1.000000000e+00, v58;
	v59 =	vpop (erf)  }
0x361: {  	v17 =	vsub.f32 $0.0e+00, v17;
	v16 =	vmul.f32 $1.442695020e+00, v16;
	v60 =	vpop (erf);
	(erf) = vpow2.f32 v15  }
0x362: {  	v61 =	vadd.f32 $1.000000000e+00, v60;
	(erf) = vrcp.f32 v20  }
0x363: {  	v17 =	vmul.f32 $1.442695020e+00, v17;
	(erf) = vpow2.f32 v16  }
0x364: {  	(erf) = vrcp.f32 v61  }
0x365: {  	(erf) = vpow2.f32 v17  }
0x366: {  	v63 =	vld [tilespmem:s10+$0x6870];
	v62 =	vpop (erf)  }
0x367: {  	v24 =	vpop (erf)  }
0x368: {  	v26 =	vpop (erf)  }
0x369: {  	v25 =	vadd.f32 $1.000000000e+00, v23;
	v27 =	vpop (erf)  }
0x36a: {  	v1 =	vmul.f32 v18, v1;
	v17 =	vadd.f32 $1.000000000e+00, v24;
	v29 =	vpop (erf)  }
0x36b: {  	[tilespmem:s11+$0x6840] =	vst v10;
	v30 =	vmul.f32 v47, v63;
	v28 =	vadd.f32 $1.000000000e+00, v26;
	(erf) = vrcp.f32 v25;
	v31 =	vpop (erf)  }
0x36c: {  	[tilespmem:s11+$0x6850] =	vst v1;
	v32 =	vmul.f32 v52, v5;
	v33 =	vadd.f32 $1.000000000e+00, v27;
	(erf) = vrcp.f32 v17;
	v34 =	vpop (erf)  }
0x36d: {  	[tilespmem:s10+$0x6870] =	vst v30;
	v0 =	vmul.f32 v54, v0;
	(erf) = vrcp.f32 v28;
	v36 =	vadd.f32 $1.000000000e+00, v29;
	v37 =	vpop (erf)  }
0x36e: {  	v39 =	vld [tilespmem:s7+$0x6870];
	[tilespmem:s10+$0x6800] =	vst v32;
	v4 =	vmul.f32 v55, v4;
	(erf) = vrcp.f32 v33;
	v13 =	vadd.f32 $1.000000000e+00, v34;
	v40 =	vpop (erf)  }
0x36f: {  	v35 =	vld [tilespmem:s7+$0x6800];
	v38 =	vmul.f32 v56, v2;
	[tilespmem:s11+$0x6860] =	vst v0;
	(erf) = vrcp.f32 v36;
	v42 =	vadd.f32 $1.000000000e+00, v40  }
0x370: {  	[tilespmem:s10+$0x6810] =	vst v4;
	v44 =	vmul.f32 v57, v6;
	(erf) = vrcp.f32 v13  }
0x371: {  	v41 =	vld [tilespmem:s7+$0x6810];
	[tilespmem:s10+$0x6820] =	vst v38;
	v46 =	vmul.f32 v59, v7;
	(erf) = vrcp.f32 v42  }
0x372: {  	v43 =	vld [tilespmem:s7+$0x6820];
	[tilespmem:s10+$0x6830] =	vst v44;
	v48 =	vmul.f32 v62, v8  }
0x373: {  	v45 =	vld [tilespmem:s7+$0x6830];
	[tilespmem:s10+$0x6840] =	vst v46;
	v50 =	vmul.f32 v31, v39  }
0x374: {  	v47 =	vld [tilespmem:s7+$0x6840];
	[tilespmem:s10+$0x6850] =	vst v48;
	v53 =	vmul.f32 v37, v35;
	v51 =	vpop (erf)  }
0x375: {  	v49 =	vld [tilespmem:s7+$0x6850];
	[tilespmem:s7+$0x6870] =	vst v50;
	v2 =	vmul.f32 v51, v3;
	v54 =	vpop (erf)  }
0x376: {  	v52 =	vld [tilespmem:s7+$0x6860];
	[tilespmem:s7+$0x6800] =	vst v53;
	v55 =	vmul.f32 v54, v41;
	v56 =	vpop (erf)  }
0x377: {  	[tilespmem:s10+$0x6860] =	vst v2;
	v57 =	vmul.f32 v56, v43;
	v58 =	vpop (erf)  }
0x378: {  	[tilespmem:s7+$0x6810] =	vst v55;
	v0 =	vmul.f32 v58, v45;
	v59 =	vpop (erf)  }
0x379: {  	[tilespmem:s7+$0x6820] =	vst v57;
	v1 =	vmul.f32 v59, v47;
	v60 =	vpop (erf)  }
0x37a: {  	[tilespmem:s7+$0x6830] =	vst v0;
	v61 =	vmul.f32 v60, v49;
	v62 =	vpop (erf)  }
0x37b: {  	[tilespmem:s7+$0x6840] =	vst v1;
	v63 =	vmul.f32 v62, v52  }
0x37c: {  	[tilespmem:s7+$0x6850] =	vst v61  }
0x37d: {  	[tilespmem:s7+$0x6860] =	vst v63  }
0x37e: {  	[spmem:s2] =	stream.indirect.scatter.add.f32 [tilespmem:s8], [sflag:$0x4], $0x80, s22, s29, $0xb8;
	[tilespmem:$0x1B480] =	vst v63  }
0x37f: {  	_ =	swait.ge [sflag:s31], $0x1400  }
0x380: {  	[sflag:s31] =	ssyncset.done $0x0  }
0x381: {  	[sflag:s31] =	ssyncadd.s32 $0xFFFFEC00  }
0x382: {  	_ =	swait.ge [sflag:s12], $0x1400  }
0x383: {  	[sflag:s12] =	ssyncset.done $0x0  }
0x384: {  	[sflag:s12] =	ssyncadd.s32 $0xFFFFEC00  }
0x385: {  	[bflag:$0x0] =	sbarrier.arrive $0xFFFF  }
0x386: {  	s14 =	rddreg [dreg:$0x4]  }
0x387: {  	s11 =	rddreg [dreg:$0x8]  }
0x388: {  	[hbm:s11], [sflag:s14] =	dma.local [spmem:s15], $0x2700  }
0x389: {  	_ =	swait.ge [sflag:s16], $0x2700  }
0x38a: {  	[sflag:s16] =	ssyncset.done $0x0;
	s7 =	rddreg [dreg:$0x9]  }
0x38b: {  	s11 =	rddreg [dreg:$0xc];
	[sflag:s16] =	ssyncadd.s32 $0xFFFFD900  }
0x38c: {  	[hbm:s7], [sflag:s14] =	dma.local @!p0 [spmem:s11], $0x100  }
0x38d: {  	s7 =	simm.s32 @!p0 $0x6  }
0x38e: {  	_ =	swait.ge @!p0 [sflag:s7], $0x100  }
0x38f: {  	s13 =	sadd.s32 $0x1, s13;
	s17 =	rddreg [dreg:$0xa]  }
0x390: {  	p1 =	sne.s32 s13, s17  }
.Ltmp7:
0x391: {  	_ = 	snop;
	(pc) =	sbr.rel @p1 .LBB2_1-.Ltmp7, $3  }
0x392: {  	_ =	sdelay $0x1  }
0x393: {  	[sflag:s7] =	ssyncset.done @!p0 $0x0  }
0x394: {  	[sflag:s7] =	ssyncadd.s32 @!p0 $0xFFFFFF00  }
0x395: {  	_ =	sfence.sel $0x180000  }
0x396: {  	[bflag:$0x0] =	sbarrier.arrive $0xFFFF  }
0x397: {  	_ =	strace $0x90000047  }
0x398: {  	s0 =	stileid.u32;
	[bflag:$0x2] =	sbarrier.arrive $0xFFFF  }
0x399: {  	p0 =	sne.s32 s0, $0x0;
	s0 =	rddreg [dreg:$0x2]  }
0x39a: {  	s0 =	sadd.s32 @!p0 $0x100000, s0  }
0x39b: {  	[sflag:s0] =	ssyncadd.tile.s32 @!p0 $0x1;
	_ =	shalt  }
.Lfunc_end2:
_tile_overlayer_lowered:
.L_overlay_start_2:
0x39c: {  	(tag) =	ssettag $0x2  }
0x39d: {  	s0 =	rddreg [dreg:$0x0];
	s2 =	stileid.u32  }
0x39e: {  	s1 =	rddreg [dreg:$0x1];
	p0 =	sne.s32 s2, $0x0  }
0x39f: {  	s3 =	rddreg [dreg:$0x2];
	[bflag:$0x3] =	sbarrier.arrive $0xFFFF;
	s2 =	simm.s32 @!p0 $0x1C06  }
0x3a0: {  	[timem:s3], [sflag:s2] =	dma.local @!p0 [hbm:s0], s1  }
0x3a1: {  	s0 =	simm.s32 @!p0 $0x6  }
0x3a2: {  	_ =	swait.ge @!p0 [sflag:s0], s1  }
0x3a3: {  	s1 =	ssub.s32 @!p0 $0x0, s1;
	[sflag:s0] =	ssyncset.done @!p0 $0x0  }
0x3a4: {  	[sflag:s0] =	ssyncadd.s32 @!p0 s1  }
0x3a5: {  	[bflag:$0x3] =	sbarrier.arrive $0xFFFF  }
0x3a6: {  	_ =	shalt  }

</sc_bundles>
